<compile_context>
chip_gen: v7x
topology: tpu7x:2x2x1
jax: 0.10.2.dev20260603
libtpu: 0.0.44.dev20260713+nightly
codegen_flags: <defaults>
</compile_context>

<pallas_src>
import functools

import jax
import jax.numpy as jnp
from jax import lax
from jax.experimental import pallas as pl
from jax.experimental.pallas import tpu as pltpu
from jax.experimental.pallas import tpu_sc as plsc

N_NODES = 10000
D = 128
NC = 2
NS = 16
NW = NC * NS
CHUNK = 120
NBUF = 3
NIDX = 6
NCH0 = 138
NCH1 = 30
ROWS_PER_TILE = 632
NR = NS * ROWS_PER_TILE
DUMMY_ROW = N_NODES


def _sc_agg_body(with_deg, feat, src, dst, zrows, *refs):
    if with_deg:
        (agg_out, deg_out, idx_s, idx_d, ones_v, zdeg_v, agg_sp,
         deg_sp) = refs[:8]
        rest = refs[8:]
    else:
        (agg_out, idx_s, idx_d, agg_sp) = refs[:4]
        rest = refs[4:]
    rows = rest[:NBUF]
    gsems = rest[NBUF:2 * NBUF]
    isems = rest[2 * NBUF:2 * NBUF + NIDX]

    cid = lax.axis_index("c")
    sid = lax.axis_index("s")
    n_chunks = jnp.where(cid == 0, NCH0, NCH1)
    row0 = jnp.where(cid == 0, sid * NCH0, NS * NCH0 + sid * NCH1)

    def fetch_idx(slot, k, sem):
        base = (row0 + k) * CHUNK
        pltpu.async_copy(src.at[pl.ds(base, CHUNK)], idx_s.at[slot], sem)
        pltpu.async_copy(dst.at[pl.ds(base, CHUNK)], idx_d.at[slot], sem)

    def wait_idx(slot, sem):
        pltpu.make_async_copy(src.at[pl.ds(0, CHUNK)], idx_s.at[slot],
                              sem).wait()
        pltpu.make_async_copy(dst.at[pl.ds(0, CHUNK)], idx_d.at[slot],
                              sem).wait()

    for r in range(NIDX):
        @pl.when(r < n_chunks)
        def _prime_fetch(r=r):
            fetch_idx(r, r, isems[r])

    base_r = sid * ROWS_PER_TILE
    pltpu.sync_copy(zrows, agg_sp.at[pl.ds(base_r, ROWS_PER_TILE)])
    if with_deg:
        for j in range(8):
            ones_v[pl.ds(j * 16, 16)] = jnp.ones((16,), jnp.float32)
        for j in range(640 // 16):
            zdeg_v[pl.ds(j * 16, 16)] = jnp.zeros((16,), jnp.float32)
        pltpu.sync_copy(zdeg_v.at[pl.ds(0, ROWS_PER_TILE)],
                        deg_sp.at[pl.ds(base_r, ROWS_PER_TILE)])
    plsc.subcore_barrier()

    for b in range(NBUF):
        @pl.when(b < n_chunks)
        def _prime_gather(b=b):
            wait_idx(b, isems[b])
            pltpu.async_copy(feat.at[idx_s.at[b]], rows[b], gsems[b])

    def round_(g, carry):
        for b in range(NIDX):
            k = g + b

            @pl.when(k < n_chunks)
            def _consume(b=b, k=k, rb=b % NBUF):
                pltpu.make_async_copy(feat.at[idx_s.at[b]], rows[rb],
                                      gsems[rb]).wait()
                pltpu.sync_copy(rows[rb], agg_sp.at[idx_d.at[b]], add=True)
                if with_deg:
                    pltpu.sync_copy(ones_v.at[pl.ds(0, CHUNK)],
                                    deg_sp.at[idx_d.at[b]], add=True)

            @pl.when(k + NIDX < n_chunks)
            def _refetch(b=b, k=k):
                fetch_idx(b, k + NIDX, isems[b])

            @pl.when(k + NBUF < n_chunks)
            def _issue_next(b=b, k=k, rb=b % NBUF):
                nslot = (b + NBUF) % NIDX
                wait_idx(nslot, isems[nslot])
                pltpu.async_copy(feat.at[idx_s.at[nslot]], rows[rb],
                                 gsems[rb])
        return carry

    max_nch = max(NCH0, NCH1)
    lax.fori_loop(0, max_nch // NIDX, lambda i, c: round_(i * NIDX, c), 0)
    plsc.subcore_barrier()

    pltpu.sync_copy(agg_sp.at[pl.ds(base_r, ROWS_PER_TILE)],
                    agg_out.at[cid, pl.ds(base_r, ROWS_PER_TILE)])
    if with_deg:
        pltpu.sync_copy(deg_sp.at[pl.ds(base_r, ROWS_PER_TILE)],
                        zdeg_v.at[pl.ds(0, ROWS_PER_TILE)])
        pltpu.sync_copy(zdeg_v.at[pl.ds(0, ROWS_PER_TILE)],
                        deg_out.at[pl.ds(cid * NR + base_r, ROWS_PER_TILE)])


def _make_sc_agg(with_deg):
    mesh = plsc.VectorSubcoreMesh(core_axis_name="c", subcore_axis_name="s")
    out_type = [jax.ShapeDtypeStruct((NC, NR, D), jnp.float32)]
    scratch = [
        pltpu.VMEM((NIDX, CHUNK), jnp.int32),
        pltpu.VMEM((NIDX, CHUNK), jnp.int32),
    ]
    if with_deg:
        out_type.append(jax.ShapeDtypeStruct((NC * NR,), jnp.float32))
        scratch.append(pltpu.VMEM((128,), jnp.float32))
        scratch.append(pltpu.VMEM((640,), jnp.float32))
        scratch.append(pltpu.VMEM_SHARED((NR, D), jnp.float32))
        scratch.append(pltpu.VMEM_SHARED((NR,), jnp.float32))
    else:
        scratch.append(pltpu.VMEM_SHARED((NR, D), jnp.float32))
    scratch += [pltpu.VMEM((CHUNK, D), jnp.float32) for _ in range(NBUF)]
    scratch += [pltpu.SemaphoreType.DMA for _ in range(NBUF + NIDX)]
    return pl.kernel(
        functools.partial(_sc_agg_body, with_deg),
        out_type=out_type if with_deg else out_type[0],
        mesh=mesh,
        scratch_types=scratch,
    )


def _tc_layer1(a_ref, d_ref, x_ref, wl_ref, wr_ref, bl_ref, o_ref):
    agg = a_ref[0] + a_ref[1]
    deg = jnp.maximum(d_ref[0] + d_ref[1], 1.0)
    mean = agg * (1.0 / deg)
    h = (jnp.dot(mean, wl_ref[...], preferred_element_type=jnp.float32)
         + bl_ref[...]
         + jnp.dot(x_ref[...], wr_ref[...], preferred_element_type=jnp.float32))
    o_ref[...] = jnp.maximum(h, 0.0)


def _tc_layer2(a_ref, d_ref, x_ref, wl_ref, wr_ref, bl_ref, wo_ref, bo_ref,
               o_ref):
    agg = a_ref[0] + a_ref[1]
    deg = jnp.maximum(d_ref[0] + d_ref[1], 1.0)
    mean = agg * (1.0 / deg)
    h = (jnp.dot(mean, wl_ref[...], preferred_element_type=jnp.float32)
         + bl_ref[...]
         + jnp.dot(x_ref[...], wr_ref[...], preferred_element_type=jnp.float32))
    h = jnp.maximum(h, 0.0)
    o_ref[...] = (jnp.dot(h, wo_ref[...], preferred_element_type=jnp.float32)
                  + bo_ref[...])


_BLK = 1000
_GRID = N_NODES // _BLK


def _tc_specs():
    a_spec = pl.BlockSpec((NC, _BLK, D), lambda i: (0, i, 0))
    d_spec = pl.BlockSpec((NC, _BLK, 1), lambda i: (0, i, 0))
    x_spec = pl.BlockSpec((_BLK, D), lambda i: (i, 0))
    w_spec = pl.BlockSpec((D, D), lambda i: (0, 0))
    b_spec = pl.BlockSpec((1, D), lambda i: (0, 0))
    o_spec = pl.BlockSpec((_BLK, D), lambda i: (i, 0))
    return a_spec, d_spec, x_spec, w_spec, b_spec, o_spec


def _tc_call_layer1(agg, deg, x, Wl, Wr, bl):
    a_spec, d_spec, x_spec, w_spec, b_spec, o_spec = _tc_specs()
    return pl.pallas_call(
        _tc_layer1,
        grid=(_GRID,),
        in_specs=[a_spec, d_spec, x_spec, w_spec, w_spec, b_spec],
        out_specs=o_spec,
        out_shape=jax.ShapeDtypeStruct((N_NODES, D), jnp.float32),
    )(agg, deg, x, Wl, Wr, bl)


def _tc_call_layer2(agg, deg, h, Wl, Wr, bl, Wlin, blin):
    a_spec, d_spec, x_spec, w_spec, b_spec, o_spec = _tc_specs()
    return pl.pallas_call(
        _tc_layer2,
        grid=(_GRID,),
        in_specs=[a_spec, d_spec, x_spec, w_spec, w_spec, b_spec, w_spec,
                  b_spec],
        out_specs=o_spec,
        out_shape=jax.ShapeDtypeStruct((N_NODES, D), jnp.float32),
    )(agg, deg, h, Wl, Wr, bl, Wlin, blin)


def kernel(x, edge_index, Wl1, bl1, Wr1, Wl2, bl2, Wr2, Wlin, blin):
    E = edge_index.shape[1]
    epad = NS * (NCH0 + NCH1) * CHUNK
    assert epad >= E

    src = edge_index[0].astype(jnp.int32)
    dst = edge_index[1].astype(jnp.int32)
    pad = epad - E
    if pad:
        src = jnp.concatenate([src, jnp.zeros((pad,), jnp.int32)])
        dst = jnp.concatenate([dst, jnp.full((pad,), DUMMY_ROW, jnp.int32)])

    zrows = jnp.zeros((ROWS_PER_TILE, D), jnp.float32)

    agg1, deg1 = _make_sc_agg(True)(x, src, dst, zrows)
    deg3 = deg1.reshape(NC, NR, 1)
    h = _tc_call_layer1(agg1, deg3, x, Wl1, Wr1, bl1.reshape(1, D))

    agg2 = _make_sc_agg(False)(h, src, dst, zrows)
    out = _tc_call_layer2(agg2, deg3, h, Wl2, Wr2, bl2.reshape(1, D),
                          Wlin, blin.reshape(1, D))
    return out

# --- scband reference (transcript-rebuilt; emitter-appended) ---
"""Pipeline reference for scband-graph-sage-17300128268562 (READ-ONLY COPY).

The authoritative reference and input builder live on the scoring server;
editing this copy changes nothing except your own understanding.
"""

import jax, jax.numpy as jnp
import numpy as np

N_NODES = 10000
N_EDGES = 320000
D_IN = 128
HIDDEN = 128
OUT = 128

def setup_inputs(seed: int = 0) -> dict:
    key = jax.random.key(seed)
    ks = jax.random.split(key, 12)
    x = jax.random.normal(ks[0], (N_NODES, D_IN), dtype=jnp.float32)
    edge_index = jax.random.randint(ks[1], (2, N_EDGES), 0, N_NODES, dtype=jnp.int64)
    s1 = 1.0 / np.sqrt(D_IN)
    s2 = 1.0 / np.sqrt(HIDDEN)
    Wl1 = jax.random.uniform(ks[2], (D_IN, HIDDEN), jnp.float32, -s1, s1)
    bl1 = jax.random.uniform(ks[3], (HIDDEN,), jnp.float32, -s1, s1)
    Wr1 = jax.random.uniform(ks[4], (D_IN, HIDDEN), jnp.float32, -s1, s1)
    Wl2 = jax.random.uniform(ks[5], (HIDDEN, HIDDEN), jnp.float32, -s2, s2)
    bl2 = jax.random.uniform(ks[6], (HIDDEN,), jnp.float32, -s2, s2)
    Wr2 = jax.random.uniform(ks[7], (HIDDEN, HIDDEN), jnp.float32, -s2, s2)
    Wlin = jax.random.uniform(ks[8], (HIDDEN, OUT), jnp.float32, -s2, s2)
    blin = jax.random.uniform(ks[9], (OUT,), jnp.float32, -s2, s2)
    return {"x": x, "edge_index": edge_index, "Wl1": Wl1, "bl1": bl1, "Wr1": Wr1,
            "Wl2": Wl2, "bl2": bl2, "Wr2": Wr2, "Wlin": Wlin, "blin": blin}

def _sage_conv(x, edge_index, Wl, bl, Wr):
    # PyG SAGEConv, mean aggregation:
    # out = lin_l(mean_{j in N(i)} x_j) + lin_r(x_i)
    src = edge_index[0]
    dst = edge_index[1]
    msgs = jnp.take(x, src, axis=0)
    agg = jax.ops.segment_sum(msgs, dst, num_segments=x.shape[0])
    deg = jax.ops.segment_sum(jnp.ones((edge_index.shape[1],), dtype=x.dtype), dst, num_segments=x.shape[0])
    deg = jnp.maximum(deg, 1.0)
    mean = agg / deg[:, None]
    return mean @ Wl + bl + x @ Wr

def reference(x, edge_index, Wl1, bl1, Wr1, Wl2, bl2, Wr2, Wlin, blin):
    h = _sage_conv(x, edge_index, Wl1, bl1, Wr1)
    h = jax.nn.relu(h)
    # dropout is identity in eval mode
    h = _sage_conv(h, edge_index, Wl2, bl2, Wr2)
    h = jax.nn.relu(h)
    return h @ Wlin + blin

if __name__ == "__main__":
    import jax
    _d = setup_inputs()
    print(jax.jit(kernel)(*tuple(_d.values())))

</pallas_src>

<mosaic_0001>
#map = affine_map<(d0, d1) -> (0, 0)>
#map1 = affine_map<(d0, d1) -> (0)>
#map2 = affine_map<(d0, d1) -> (0, 0, 0)>
module attributes {stable_mosaic.version = 14 : i64} {
  func.func @_sc_agg_body(%arg0: i32, %arg1: i32, %arg2: memref<10000x128xf32, #tpu.memory_space<hbm>>, %arg3: memref<322560xi32, #tpu.memory_space<hbm>>, %arg4: memref<322560xi32, #tpu.memory_space<hbm>>, %arg5: memref<632x128xf32, #tpu.memory_space<hbm>>, %arg6: memref<2x10112x128xf32, #tpu.memory_space<hbm>>, %arg7: memref<20224xf32, #tpu.memory_space<hbm>>, %arg8: memref<6x120xi32, #tpu.memory_space<vmem>>, %arg9: memref<6x120xi32, #tpu.memory_space<vmem>>, %arg10: memref<128xf32, #tpu.memory_space<vmem>>, %arg11: memref<640xf32, #tpu.memory_space<vmem>>, %arg12: memref<10112x128xf32, #tpu.memory_space<vmem_shared>>, %arg13: memref<10112xf32, #tpu.memory_space<vmem_shared>>, %arg14: memref<120x128xf32, #tpu.memory_space<vmem>>, %arg15: memref<120x128xf32, #tpu.memory_space<vmem>>, %arg16: memref<120x128xf32, #tpu.memory_space<vmem>>, %arg17: memref<!tpu.dma_semaphore, #tpu.memory_space<semaphore_mem>>, %arg18: memref<!tpu.dma_semaphore, #tpu.memory_space<semaphore_mem>>, %arg19: memref<!tpu.dma_semaphore, #tpu.memory_space<semaphore_mem>>, %arg20: memref<!tpu.dma_semaphore, #tpu.memory_space<semaphore_mem>>, %arg21: memref<!tpu.dma_semaphore, #tpu.memory_space<semaphore_mem>>, %arg22: memref<!tpu.dma_semaphore, #tpu.memory_space<semaphore_mem>>, %arg23: memref<!tpu.dma_semaphore, #tpu.memory_space<semaphore_mem>>, %arg24: memref<!tpu.dma_semaphore, #tpu.memory_space<semaphore_mem>>, %arg25: memref<!tpu.dma_semaphore, #tpu.memory_space<semaphore_mem>>) attributes {dimension_semantics = [#tpu.dimension_semantics<core_parallel>, #tpu.dimension_semantics<subcore_parallel>], iteration_bounds = array<i64: 2, 16>, scalar_prefetch = 0 : i64, scratch_operands = 18 : i64, tpu.core_type = #tpu.core_type<sc_vector_subcore>, window_params = [{transform_indices = #map}, {transform_indices = #map1}, {transform_indices = #map1}, {transform_indices = #map}, {transform_indices = #map2}, {transform_indices = #map1}]} {
    %eq3A = arith.constant 0 : i32
    %eq3A_0 = arith.cmpi eq, %arg0, %eq3A : i32
    %jit3A = arith.constant 138 : i32
    %jit3A_1 = arith.constant 30 : i32
    %select_n3A = arith.select %eq3A_0, %jit3A, %jit3A_1 : i32
    %eq3A_2 = arith.constant 0 : i32
    %eq3A_3 = arith.cmpi eq, %arg0, %eq3A_2 : i32
    %mul3A = arith.constant 138 : i32
    %mul3A_4 = arith.muli %arg1, %mul3A : i32
    %mul3A_5 = arith.constant 30 : i32
    %mul3A_6 = arith.muli %arg1, %mul3A_5 : i32
    %add3A = arith.constant 2208 : i32
    %add3A_7 = arith.addi %add3A, %mul3A_6 : i32
    %select_n3A_8 = arith.select %eq3A_3, %mul3A_4, %add3A_7 : i32
    %gt3A = arith.constant 0 : i32
    %gt3A_9 = arith.cmpi sgt, %select_n3A, %gt3A : i32
    %convert_element_type3A = arith.extui %gt3A_9 : i1 to i32
    %cond3A = arith.constant 0 : i32
    %cond3A_10 = arith.cmpi ne, %convert_element_type3A, %cond3A : i32
    scf.if %cond3A_10 {
      %add3A_348 = arith.constant 0 : i32
      %add3A_349 = arith.addi %select_n3A_8, %add3A_348 : i32
      %mul3A_350 = arith.constant 120 : i32
      %mul3A_351 = arith.muli %add3A_349, %mul3A_350 : i32
      %dma_start3A = arith.constant 0 : i32
      %dma_start3A_352 = arith.constant 0 : i32
      %dma_start3A_353 = tpu.memref_slice %arg8[%dma_start3A, %dma_start3A_352] : memref<6x120xi32, #tpu.memory_space<vmem>> -> memref<1x120xi32, #tpu.memory_space<vmem>>
      %dma_start3A_354 = tpu.memref_squeeze %dma_start3A_353 : memref<1x120xi32, #tpu.memory_space<vmem>> -> memref<120xi32, #tpu.memory_space<vmem>>
      %dma_start3A_355 = tpu.memref_slice %arg3[%mul3A_351] : memref<322560xi32, #tpu.memory_space<hbm>> -> memref<120xi32, #tpu.memory_space<hbm>>
      %dma_start3A_356 = arith.constant 0 : i32
      %dma_start3A_357 = tpu.memref_slice %arg8[%dma_start3A, %dma_start3A_356] : memref<6x120xi32, #tpu.memory_space<vmem>> -> memref<1x120xi32, #tpu.memory_space<vmem>>
      %dma_start3A_358 = tpu.memref_squeeze %dma_start3A_357 : memref<1x120xi32, #tpu.memory_space<vmem>> -> memref<120xi32, #tpu.memory_space<vmem>>
      %dma_start3A_359 = tpu.memref_slice %arg3[%mul3A_351] : memref<322560xi32, #tpu.memory_space<hbm>> -> memref<120xi32, #tpu.memory_space<hbm>>
      tpu.enqueue_dma source(%dma_start3A_359 : memref<120xi32, #tpu.memory_space<hbm>>) target(%dma_start3A_358 : memref<120xi32, #tpu.memory_space<vmem>>) target_semaphore(%arg20 : memref<!tpu.dma_semaphore, #tpu.memory_space<semaphore_mem>>)
      %dma_start3A_360 = arith.constant 0 : i32
      %dma_start3A_361 = arith.constant 0 : i32
      %dma_start3A_362 = tpu.memref_slice %arg9[%dma_start3A_360, %dma_start3A_361] : memref<6x120xi32, #tpu.memory_space<vmem>> -> memref<1x120xi32, #tpu.memory_space<vmem>>
      %dma_start3A_363 = tpu.memref_squeeze %dma_start3A_362 : memref<1x120xi32, #tpu.memory_space<vmem>> -> memref<120xi32, #tpu.memory_space<vmem>>
      %dma_start3A_364 = tpu.memref_slice %arg4[%mul3A_351] : memref<322560xi32, #tpu.memory_space<hbm>> -> memref<120xi32, #tpu.memory_space<hbm>>
      %dma_start3A_365 = arith.constant 0 : i32
      %dma_start3A_366 = tpu.memref_slice %arg9[%dma_start3A_360, %dma_start3A_365] : memref<6x120xi32, #tpu.memory_space<vmem>> -> memref<1x120xi32, #tpu.memory_space<vmem>>
      %dma_start3A_367 = tpu.memref_squeeze %dma_start3A_366 : memref<1x120xi32, #tpu.memory_space<vmem>> -> memref<120xi32, #tpu.memory_space<vmem>>
      %dma_start3A_368 = tpu.memref_slice %arg4[%mul3A_351] : memref<322560xi32, #tpu.memory_space<hbm>> -> memref<120xi32, #tpu.memory_space<hbm>>
      tpu.enqueue_dma source(%dma_start3A_368 : memref<120xi32, #tpu.memory_space<hbm>>) target(%dma_start3A_367 : memref<120xi32, #tpu.memory_space<vmem>>) target_semaphore(%arg20 : memref<!tpu.dma_semaphore, #tpu.memory_space<semaphore_mem>>)
    } else {
    }
    %gt3A_11 = arith.constant 1 : i32
    %gt3A_12 = arith.cmpi sgt, %select_n3A, %gt3A_11 : i32
    %convert_element_type3A_13 = arith.extui %gt3A_12 : i1 to i32
    %cond3A_14 = arith.constant 0 : i32
    %cond3A_15 = arith.cmpi ne, %convert_element_type3A_13, %cond3A_14 : i32
    scf.if %cond3A_15 {
      %add3A_348 = arith.constant 1 : i32
      %add3A_349 = arith.addi %select_n3A_8, %add3A_348 : i32
      %mul3A_350 = arith.constant 120 : i32
      %mul3A_351 = arith.muli %add3A_349, %mul3A_350 : i32
      %dma_start3A = arith.constant 1 : i32
      %dma_start3A_352 = arith.constant 0 : i32
      %dma_start3A_353 = tpu.memref_slice %arg8[%dma_start3A, %dma_start3A_352] : memref<6x120xi32, #tpu.memory_space<vmem>> -> memref<1x120xi32, #tpu.memory_space<vmem>>
      %dma_start3A_354 = tpu.memref_squeeze %dma_start3A_353 : memref<1x120xi32, #tpu.memory_space<vmem>> -> memref<120xi32, #tpu.memory_space<vmem>>
      %dma_start3A_355 = tpu.memref_slice %arg3[%mul3A_351] : memref<322560xi32, #tpu.memory_space<hbm>> -> memref<120xi32, #tpu.memory_space<hbm>>
      %dma_start3A_356 = arith.constant 0 : i32
      %dma_start3A_357 = tpu.memref_slice %arg8[%dma_start3A, %dma_start3A_356] : memref<6x120xi32, #tpu.memory_space<vmem>> -> memref<1x120xi32, #tpu.memory_space<vmem>>
      %dma_start3A_358 = tpu.memref_squeeze %dma_start3A_357 : memref<1x120xi32, #tpu.memory_space<vmem>> -> memref<120xi32, #tpu.memory_space<vmem>>
      %dma_start3A_359 = tpu.memref_slice %arg3[%mul3A_351] : memref<322560xi32, #tpu.memory_space<hbm>> -> memref<120xi32, #tpu.memory_space<hbm>>
      tpu.enqueue_dma source(%dma_start3A_359 : memref<120xi32, #tpu.memory_space<hbm>>) target(%dma_start3A_358 : memref<120xi32, #tpu.memory_space<vmem>>) target_semaphore(%arg21 : memref<!tpu.dma_semaphore, #tpu.memory_space<semaphore_mem>>)
      %dma_start3A_360 = arith.constant 1 : i32
      %dma_start3A_361 = arith.constant 0 : i32
      %dma_start3A_362 = tpu.memref_slice %arg9[%dma_start3A_360, %dma_start3A_361] : memref<6x120xi32, #tpu.memory_space<vmem>> -> memref<1x120xi32, #tpu.memory_space<vmem>>
      %dma_start3A_363 = tpu.memref_squeeze %dma_start3A_362 : memref<1x120xi32, #tpu.memory_space<vmem>> -> memref<120xi32, #tpu.memory_space<vmem>>
      %dma_start3A_364 = tpu.memref_slice %arg4[%mul3A_351] : memref<322560xi32, #tpu.memory_space<hbm>> -> memref<120xi32, #tpu.memory_space<hbm>>
      %dma_start3A_365 = arith.constant 0 : i32
      %dma_start3A_366 = tpu.memref_slice %arg9[%dma_start3A_360, %dma_start3A_365] : memref<6x120xi32, #tpu.memory_space<vmem>> -> memref<1x120xi32, #tpu.memory_space<vmem>>
      %dma_start3A_367 = tpu.memref_squeeze %dma_start3A_366 : memref<1x120xi32, #tpu.memory_space<vmem>> -> memref<120xi32, #tpu.memory_space<vmem>>
      %dma_start3A_368 = tpu.memref_slice %arg4[%mul3A_351] : memref<322560xi32, #tpu.memory_space<hbm>> -> memref<120xi32, #tpu.memory_space<hbm>>
      tpu.enqueue_dma source(%dma_start3A_368 : memref<120xi32, #tpu.memory_space<hbm>>) target(%dma_start3A_367 : memref<120xi32, #tpu.memory_space<vmem>>) target_semaphore(%arg21 : memref<!tpu.dma_semaphore, #tpu.memory_space<semaphore_mem>>)
    } else {
    }
    %gt3A_16 = arith.constant 2 : i32
    %gt3A_17 = arith.cmpi sgt, %select_n3A, %gt3A_16 : i32
    %convert_element_type3A_18 = arith.extui %gt3A_17 : i1 to i32
    %cond3A_19 = arith.constant 0 : i32
    %cond3A_20 = arith.cmpi ne, %convert_element_type3A_18, %cond3A_19 : i32
    scf.if %cond3A_20 {
      %add3A_348 = arith.constant 2 : i32
      %add3A_349 = arith.addi %select_n3A_8, %add3A_348 : i32
      %mul3A_350 = arith.constant 120 : i32
      %mul3A_351 = arith.muli %add3A_349, %mul3A_350 : i32
      %dma_start3A = arith.constant 2 : i32
      %dma_start3A_352 = arith.constant 0 : i32
      %dma_start3A_353 = tpu.memref_slice %arg8[%dma_start3A, %dma_start3A_352] : memref<6x120xi32, #tpu.memory_space<vmem>> -> memref<1x120xi32, #tpu.memory_space<vmem>>
      %dma_start3A_354 = tpu.memref_squeeze %dma_start3A_353 : memref<1x120xi32, #tpu.memory_space<vmem>> -> memref<120xi32, #tpu.memory_space<vmem>>
      %dma_start3A_355 = tpu.memref_slice %arg3[%mul3A_351] : memref<322560xi32, #tpu.memory_space<hbm>> -> memref<120xi32, #tpu.memory_space<hbm>>
      %dma_start3A_356 = arith.constant 0 : i32
      %dma_start3A_357 = tpu.memref_slice %arg8[%dma_start3A, %dma_start3A_356] : memref<6x120xi32, #tpu.memory_space<vmem>> -> memref<1x120xi32, #tpu.memory_space<vmem>>
      %dma_start3A_358 = tpu.memref_squeeze %dma_start3A_357 : memref<1x120xi32, #tpu.memory_space<vmem>> -> memref<120xi32, #tpu.memory_space<vmem>>
      %dma_start3A_359 = tpu.memref_slice %arg3[%mul3A_351] : memref<322560xi32, #tpu.memory_space<hbm>> -> memref<120xi32, #tpu.memory_space<hbm>>
      tpu.enqueue_dma source(%dma_start3A_359 : memref<120xi32, #tpu.memory_space<hbm>>) target(%dma_start3A_358 : memref<120xi32, #tpu.memory_space<vmem>>) target_semaphore(%arg22 : memref<!tpu.dma_semaphore, #tpu.memory_space<semaphore_mem>>)
      %dma_start3A_360 = arith.constant 2 : i32
      %dma_start3A_361 = arith.constant 0 : i32
      %dma_start3A_362 = tpu.memref_slice %arg9[%dma_start3A_360, %dma_start3A_361] : memref<6x120xi32, #tpu.memory_space<vmem>> -> memref<1x120xi32, #tpu.memory_space<vmem>>
      %dma_start3A_363 = tpu.memref_squeeze %dma_start3A_362 : memref<1x120xi32, #tpu.memory_space<vmem>> -> memref<120xi32, #tpu.memory_space<vmem>>
      %dma_start3A_364 = tpu.memref_slice %arg4[%mul3A_351] : memref<322560xi32, #tpu.memory_space<hbm>> -> memref<120xi32, #tpu.memory_space<hbm>>
      %dma_start3A_365 = arith.constant 0 : i32
      %dma_start3A_366 = tpu.memref_slice %arg9[%dma_start3A_360, %dma_start3A_365] : memref<6x120xi32, #tpu.memory_space<vmem>> -> memref<1x120xi32, #tpu.memory_space<vmem>>
      %dma_start3A_367 = tpu.memref_squeeze %dma_start3A_366 : memref<1x120xi32, #tpu.memory_space<vmem>> -> memref<120xi32, #tpu.memory_space<vmem>>
      %dma_start3A_368 = tpu.memref_slice %arg4[%mul3A_351] : memref<322560xi32, #tpu.memory_space<hbm>> -> memref<120xi32, #tpu.memory_space<hbm>>
      tpu.enqueue_dma source(%dma_start3A_368 : memref<120xi32, #tpu.memory_space<hbm>>) target(%dma_start3A_367 : memref<120xi32, #tpu.memory_space<vmem>>) target_semaphore(%arg22 : memref<!tpu.dma_semaphore, #tpu.memory_space<semaphore_mem>>)
    } else {
    }
    %gt3A_21 = arith.constant 3 : i32
    %gt3A_22 = arith.cmpi sgt, %select_n3A, %gt3A_21 : i32
    %convert_element_type3A_23 = arith.extui %gt3A_22 : i1 to i32
    %cond3A_24 = arith.constant 0 : i32
    %cond3A_25 = arith.cmpi ne, %convert_element_type3A_23, %cond3A_24 : i32
    scf.if %cond3A_25 {
      %add3A_348 = arith.constant 3 : i32
      %add3A_349 = arith.addi %select_n3A_8, %add3A_348 : i32
      %mul3A_350 = arith.constant 120 : i32
      %mul3A_351 = arith.muli %add3A_349, %mul3A_350 : i32
      %dma_start3A = arith.constant 3 : i32
      %dma_start3A_352 = arith.constant 0 : i32
      %dma_start3A_353 = tpu.memref_slice %arg8[%dma_start3A, %dma_start3A_352] : memref<6x120xi32, #tpu.memory_space<vmem>> -> memref<1x120xi32, #tpu.memory_space<vmem>>
      %dma_start3A_354 = tpu.memref_squeeze %dma_start3A_353 : memref<1x120xi32, #tpu.memory_space<vmem>> -> memref<120xi32, #tpu.memory_space<vmem>>
      %dma_start3A_355 = tpu.memref_slice %arg3[%mul3A_351] : memref<322560xi32, #tpu.memory_space<hbm>> -> memref<120xi32, #tpu.memory_space<hbm>>
      %dma_start3A_356 = arith.constant 0 : i32
      %dma_start3A_357 = tpu.memref_slice %arg8[%dma_start3A, %dma_start3A_356] : memref<6x120xi32, #tpu.memory_space<vmem>> -> memref<1x120xi32, #tpu.memory_space<vmem>>
      %dma_start3A_358 = tpu.memref_squeeze %dma_start3A_357 : memref<1x120xi32, #tpu.memory_space<vmem>> -> memref<120xi32, #tpu.memory_space<vmem>>
      %dma_start3A_359 = tpu.memref_slice %arg3[%mul3A_351] : memref<322560xi32, #tpu.memory_space<hbm>> -> memref<120xi32, #tpu.memory_space<hbm>>
      tpu.enqueue_dma source(%dma_start3A_359 : memref<120xi32, #tpu.memory_space<hbm>>) target(%dma_start3A_358 : memref<120xi32, #tpu.memory_space<vmem>>) target_semaphore(%arg23 : memref<!tpu.dma_semaphore, #tpu.memory_space<semaphore_mem>>)
      %dma_start3A_360 = arith.constant 3 : i32
      %dma_start3A_361 = arith.constant 0 : i32
      %dma_start3A_362 = tpu.memref_slice %arg9[%dma_start3A_360, %dma_start3A_361] : memref<6x120xi32, #tpu.memory_space<vmem>> -> memref<1x120xi32, #tpu.memory_space<vmem>>
      %dma_start3A_363 = tpu.memref_squeeze %dma_start3A_362 : memref<1x120xi32, #tpu.memory_space<vmem>> -> memref<120xi32, #tpu.memory_space<vmem>>
      %dma_start3A_364 = tpu.memref_slice %arg4[%mul3A_351] : memref<322560xi32, #tpu.memory_space<hbm>> -> memref<120xi32, #tpu.memory_space<hbm>>
      %dma_start3A_365 = arith.constant 0 : i32
      %dma_start3A_366 = tpu.memref_slice %arg9[%dma_start3A_360, %dma_start3A_365] : memref<6x120xi32, #tpu.memory_space<vmem>> -> memref<1x120xi32, #tpu.memory_space<vmem>>
      %dma_start3A_367 = tpu.memref_squeeze %dma_start3A_366 : memref<1x120xi32, #tpu.memory_space<vmem>> -> memref<120xi32, #tpu.memory_space<vmem>>
      %dma_start3A_368 = tpu.memref_slice %arg4[%mul3A_351] : memref<322560xi32, #tpu.memory_space<hbm>> -> memref<120xi32, #tpu.memory_space<hbm>>
      tpu.enqueue_dma source(%dma_start3A_368 : memref<120xi32, #tpu.memory_space<hbm>>) target(%dma_start3A_367 : memref<120xi32, #tpu.memory_space<vmem>>) target_semaphore(%arg23 : memref<!tpu.dma_semaphore, #tpu.memory_space<semaphore_mem>>)
    } else {
    }
    %gt3A_26 = arith.constant 4 : i32
    %gt3A_27 = arith.cmpi sgt, %select_n3A, %gt3A_26 : i32
    %convert_element_type3A_28 = arith.extui %gt3A_27 : i1 to i32
    %cond3A_29 = arith.constant 0 : i32
    %cond3A_30 = arith.cmpi ne, %convert_element_type3A_28, %cond3A_29 : i32
    scf.if %cond3A_30 {
      %add3A_348 = arith.constant 4 : i32
      %add3A_349 = arith.addi %select_n3A_8, %add3A_348 : i32
      %mul3A_350 = arith.constant 120 : i32
      %mul3A_351 = arith.muli %add3A_349, %mul3A_350 : i32
      %dma_start3A = arith.constant 4 : i32
      %dma_start3A_352 = arith.constant 0 : i32
      %dma_start3A_353 = tpu.memref_slice %arg8[%dma_start3A, %dma_start3A_352] : memref<6x120xi32, #tpu.memory_space<vmem>> -> memref<1x120xi32, #tpu.memory_space<vmem>>
      %dma_start3A_354 = tpu.memref_squeeze %dma_start3A_353 : memref<1x120xi32, #tpu.memory_space<vmem>> -> memref<120xi32, #tpu.memory_space<vmem>>
      %dma_start3A_355 = tpu.memref_slice %arg3[%mul3A_351] : memref<322560xi32, #tpu.memory_space<hbm>> -> memref<120xi32, #tpu.memory_space<hbm>>
      %dma_start3A_356 = arith.constant 0 : i32
      %dma_start3A_357 = tpu.memref_slice %arg8[%dma_start3A, %dma_start3A_356] : memref<6x120xi32, #tpu.memory_space<vmem>> -> memref<1x120xi32, #tpu.memory_space<vmem>>
      %dma_start3A_358 = tpu.memref_squeeze %dma_start3A_357 : memref<1x120xi32, #tpu.memory_space<vmem>> -> memref<120xi32, #tpu.memory_space<vmem>>
      %dma_start3A_359 = tpu.memref_slice %arg3[%mul3A_351] : memref<322560xi32, #tpu.memory_space<hbm>> -> memref<120xi32, #tpu.memory_space<hbm>>
      tpu.enqueue_dma source(%dma_start3A_359 : memref<120xi32, #tpu.memory_space<hbm>>) target(%dma_start3A_358 : memref<120xi32, #tpu.memory_space<vmem>>) target_semaphore(%arg24 : memref<!tpu.dma_semaphore, #tpu.memory_space<semaphore_mem>>)
      %dma_start3A_360 = arith.constant 4 : i32
      %dma_start3A_361 = arith.constant 0 : i32
      %dma_start3A_362 = tpu.memref_slice %arg9[%dma_start3A_360, %dma_start3A_361] : memref<6x120xi32, #tpu.memory_space<vmem>> -> memref<1x120xi32, #tpu.memory_space<vmem>>
      %dma_start3A_363 = tpu.memref_squeeze %dma_start3A_362 : memref<1x120xi32, #tpu.memory_space<vmem>> -> memref<120xi32, #tpu.memory_space<vmem>>
      %dma_start3A_364 = tpu.memref_slice %arg4[%mul3A_351] : memref<322560xi32, #tpu.memory_space<hbm>> -> memref<120xi32, #tpu.memory_space<hbm>>
      %dma_start3A_365 = arith.constant 0 : i32
      %dma_start3A_366 = tpu.memref_slice %arg9[%dma_start3A_360, %dma_start3A_365] : memref<6x120xi32, #tpu.memory_space<vmem>> -> memref<1x120xi32, #tpu.memory_space<vmem>>
      %dma_start3A_367 = tpu.memref_squeeze %dma_start3A_366 : memref<1x120xi32, #tpu.memory_space<vmem>> -> memref<120xi32, #tpu.memory_space<vmem>>
      %dma_start3A_368 = tpu.memref_slice %arg4[%mul3A_351] : memref<322560xi32, #tpu.memory_space<hbm>> -> memref<120xi32, #tpu.memory_space<hbm>>
      tpu.enqueue_dma source(%dma_start3A_368 : memref<120xi32, #tpu.memory_space<hbm>>) target(%dma_start3A_367 : memref<120xi32, #tpu.memory_space<vmem>>) target_semaphore(%arg24 : memref<!tpu.dma_semaphore, #tpu.memory_space<semaphore_mem>>)
    } else {
    }
    %gt3A_31 = arith.constant 5 : i32
    %gt3A_32 = arith.cmpi sgt, %select_n3A, %gt3A_31 : i32
    %convert_element_type3A_33 = arith.extui %gt3A_32 : i1 to i32
    %cond3A_34 = arith.constant 0 : i32
    %cond3A_35 = arith.cmpi ne, %convert_element_type3A_33, %cond3A_34 : i32
    scf.if %cond3A_35 {
      %add3A_348 = arith.constant 5 : i32
      %add3A_349 = arith.addi %select_n3A_8, %add3A_348 : i32
      %mul3A_350 = arith.constant 120 : i32
      %mul3A_351 = arith.muli %add3A_349, %mul3A_350 : i32
      %dma_start3A = arith.constant 5 : i32
      %dma_start3A_352 = arith.constant 0 : i32
      %dma_start3A_353 = tpu.memref_slice %arg8[%dma_start3A, %dma_start3A_352] : memref<6x120xi32, #tpu.memory_space<vmem>> -> memref<1x120xi32, #tpu.memory_space<vmem>>
      %dma_start3A_354 = tpu.memref_squeeze %dma_start3A_353 : memref<1x120xi32, #tpu.memory_space<vmem>> -> memref<120xi32, #tpu.memory_space<vmem>>
      %dma_start3A_355 = tpu.memref_slice %arg3[%mul3A_351] : memref<322560xi32, #tpu.memory_space<hbm>> -> memref<120xi32, #tpu.memory_space<hbm>>
      %dma_start3A_356 = arith.constant 0 : i32
      %dma_start3A_357 = tpu.memref_slice %arg8[%dma_start3A, %dma_start3A_356] : memref<6x120xi32, #tpu.memory_space<vmem>> -> memref<1x120xi32, #tpu.memory_space<vmem>>
      %dma_start3A_358 = tpu.memref_squeeze %dma_start3A_357 : memref<1x120xi32, #tpu.memory_space<vmem>> -> memref<120xi32, #tpu.memory_space<vmem>>
      %dma_start3A_359 = tpu.memref_slice %arg3[%mul3A_351] : memref<322560xi32, #tpu.memory_space<hbm>> -> memref<120xi32, #tpu.memory_space<hbm>>
      tpu.enqueue_dma source(%dma_start3A_359 : memref<120xi32, #tpu.memory_space<hbm>>) target(%dma_start3A_358 : memref<120xi32, #tpu.memory_space<vmem>>) target_semaphore(%arg25 : memref<!tpu.dma_semaphore, #tpu.memory_space<semaphore_mem>>)
      %dma_start3A_360 = arith.constant 5 : i32
      %dma_start3A_361 = arith.constant 0 : i32
      %dma_start3A_362 = tpu.memref_slice %arg9[%dma_start3A_360, %dma_start3A_361] : memref<6x120xi32, #tpu.memory_space<vmem>> -> memref<1x120xi32, #tpu.memory_space<vmem>>
      %dma_start3A_363 = tpu.memref_squeeze %dma_start3A_362 : memref<1x120xi32, #tpu.memory_space<vmem>> -> memref<120xi32, #tpu.memory_space<vmem>>
      %dma_start3A_364 = tpu.memref_slice %arg4[%mul3A_351] : memref<322560xi32, #tpu.memory_space<hbm>> -> memref<120xi32, #tpu.memory_space<hbm>>
      %dma_start3A_365 = arith.constant 0 : i32
      %dma_start3A_366 = tpu.memref_slice %arg9[%dma_start3A_360, %dma_start3A_365] : memref<6x120xi32, #tpu.memory_space<vmem>> -> memref<1x120xi32, #tpu.memory_space<vmem>>
      %dma_start3A_367 = tpu.memref_squeeze %dma_start3A_366 : memref<1x120xi32, #tpu.memory_space<vmem>> -> memref<120xi32, #tpu.memory_space<vmem>>
      %dma_start3A_368 = tpu.memref_slice %arg4[%mul3A_351] : memref<322560xi32, #tpu.memory_space<hbm>> -> memref<120xi32, #tpu.memory_space<hbm>>
      tpu.enqueue_dma source(%dma_start3A_368 : memref<120xi32, #tpu.memory_space<hbm>>) target(%dma_start3A_367 : memref<120xi32, #tpu.memory_space<vmem>>) target_semaphore(%arg25 : memref<!tpu.dma_semaphore, #tpu.memory_space<semaphore_mem>>)
    } else {
    }
    %mul3A_36 = arith.constant 632 : i32
    %mul3A_37 = arith.muli %arg1, %mul3A_36 : i32
    "tpu.region"() ({
      %run_scoped3A = tpu.sem_alloc : memref<!tpu.dma_semaphore, #tpu.memory_space<semaphore_mem>>
      %dma_start3A = arith.constant 0 : i32
      %dma_start3A_348 = tpu.memref_slice %arg12[%mul3A_37, %dma_start3A] : memref<10112x128xf32, #tpu.memory_space<vmem_shared>> -> memref<632x128xf32, #tpu.memory_space<vmem_shared>>
      tpu.enqueue_dma source(%arg5 : memref<632x128xf32, #tpu.memory_space<hbm>>) target(%dma_start3A_348 : memref<632x128xf32, #tpu.memory_space<vmem_shared>>) target_semaphore(%run_scoped3A : memref<!tpu.dma_semaphore, #tpu.memory_space<semaphore_mem>>)
      %dma_wait3A = arith.constant 0 : i32
      %dma_wait3A_349 = tpu.memref_slice %arg12[%mul3A_37, %dma_wait3A] : memref<10112x128xf32, #tpu.memory_space<vmem_shared>> -> memref<632x128xf32, #tpu.memory_space<vmem_shared>>
      tpu.wait_dma2 semaphore(%run_scoped3A : memref<!tpu.dma_semaphore, #tpu.memory_space<semaphore_mem>>) src(%arg5 : memref<632x128xf32, #tpu.memory_space<hbm>>) dst(%dma_wait3A_349 : memref<632x128xf32, #tpu.memory_space<vmem_shared>>)
      tpu.yield
    }) : () -> ()
    %broadcast_in_dim3A = arith.constant 1.000000e+00 : f32
    %broadcast_in_dim3A_38 = vector.broadcast %broadcast_in_dim3A : f32 to vector<16xf32>
    %swap3A = arith.constant 0 : index
    %swap3A_39 = tpu.vector_load %arg10[%swap3A] {strides = array<i32>} : memref<128xf32, #tpu.memory_space<vmem>>, vector<16xf32>,
    %swap3A_40 = vector.shape_cast %swap3A_39 : vector<16xf32> to vector<16xf32>
    %swap3A_41 = vector.shape_cast %broadcast_in_dim3A_38 : vector<16xf32> to vector<16xf32>
    tpu.vector_store %arg10[%swap3A], %swap3A_41 {strides = array<i32>} : memref<128xf32, #tpu.memory_space<vmem>>, vector<16xf32>,
    %broadcast_in_dim3A_42 = arith.constant 1.000000e+00 : f32
    %broadcast_in_dim3A_43 = vector.broadcast %broadcast_in_dim3A_42 : f32 to vector<16xf32>
    %swap3A_44 = arith.constant 16 : index
    %swap3A_45 = tpu.vector_load %arg10[%swap3A_44] {strides = array<i32>} : memref<128xf32, #tpu.memory_space<vmem>>, vector<16xf32>,
    %swap3A_46 = vector.shape_cast %swap3A_45 : vector<16xf32> to vector<16xf32>
    %swap3A_47 = vector.shape_cast %broadcast_in_dim3A_43 : vector<16xf32> to vector<16xf32>
    tpu.vector_store %arg10[%swap3A_44], %swap3A_47 {strides = array<i32>} : memref<128xf32, #tpu.memory_space<vmem>>, vector<16xf32>,
    %broadcast_in_dim3A_48 = arith.constant 1.000000e+00 : f32
    %broadcast_in_dim3A_49 = vector.broadcast %broadcast_in_dim3A_48 : f32 to vector<16xf32>
    %swap3A_50 = arith.constant 32 : index
    %swap3A_51 = tpu.vector_load %arg10[%swap3A_50] {strides = array<i32>} : memref<128xf32, #tpu.memory_space<vmem>>, vector<16xf32>,
    %swap3A_52 = vector.shape_cast %swap3A_51 : vector<16xf32> to vector<16xf32>
    %swap3A_53 = vector.shape_cast %broadcast_in_dim3A_49 : vector<16xf32> to vector<16xf32>
    tpu.vector_store %arg10[%swap3A_50], %swap3A_53 {strides = array<i32>} : memref<128xf32, #tpu.memory_space<vmem>>, vector<16xf32>,
    %broadcast_in_dim3A_54 = arith.constant 1.000000e+00 : f32
    %broadcast_in_dim3A_55 = vector.broadcast %broadcast_in_dim3A_54 : f32 to vector<16xf32>
    %swap3A_56 = arith.constant 48 : index
    %swap3A_57 = tpu.vector_load %arg10[%swap3A_56] {strides = array<i32>} : memref<128xf32, #tpu.memory_space<vmem>>, vector<16xf32>,
    %swap3A_58 = vector.shape_cast %swap3A_57 : vector<16xf32> to vector<16xf32>
    %swap3A_59 = vector.shape_cast %broadcast_in_dim3A_55 : vector<16xf32> to vector<16xf32>
    tpu.vector_store %arg10[%swap3A_56], %swap3A_59 {strides = array<i32>} : memref<128xf32, #tpu.memory_space<vmem>>, vector<16xf32>,
    %broadcast_in_dim3A_60 = arith.constant 1.000000e+00 : f32
    %broadcast_in_dim3A_61 = vector.broadcast %broadcast_in_dim3A_60 : f32 to vector<16xf32>
    %swap3A_62 = arith.constant 64 : index
    %swap3A_63 = tpu.vector_load %arg10[%swap3A_62] {strides = array<i32>} : memref<128xf32, #tpu.memory_space<vmem>>, vector<16xf32>,
    %swap3A_64 = vector.shape_cast %swap3A_63 : vector<16xf32> to vector<16xf32>
    %swap3A_65 = vector.shape_cast %broadcast_in_dim3A_61 : vector<16xf32> to vector<16xf32>
    tpu.vector_store %arg10[%swap3A_62], %swap3A_65 {strides = array<i32>} : memref<128xf32, #tpu.memory_space<vmem>>, vector<16xf32>,
    %broadcast_in_dim3A_66 = arith.constant 1.000000e+00 : f32
    %broadcast_in_dim3A_67 = vector.broadcast %broadcast_in_dim3A_66 : f32 to vector<16xf32>
    %swap3A_68 = arith.constant 80 : index
    %swap3A_69 = tpu.vector_load %arg10[%swap3A_68] {strides = array<i32>} : memref<128xf32, #tpu.memory_space<vmem>>, vector<16xf32>,
    %swap3A_70 = vector.shape_cast %swap3A_69 : vector<16xf32> to vector<16xf32>
    %swap3A_71 = vector.shape_cast %broadcast_in_dim3A_67 : vector<16xf32> to vector<16xf32>
    tpu.vector_store %arg10[%swap3A_68], %swap3A_71 {strides = array<i32>} : memref<128xf32, #tpu.memory_space<vmem>>, vector<16xf32>,
    %broadcast_in_dim3A_72 = arith.constant 1.000000e+00 : f32
    %broadcast_in_dim3A_73 = vector.broadcast %broadcast_in_dim3A_72 : f32 to vector<16xf32>
    %swap3A_74 = arith.constant 96 : index
    %swap3A_75 = tpu.vector_load %arg10[%swap3A_74] {strides = array<i32>} : memref<128xf32, #tpu.memory_space<vmem>>, vector<16xf32>,
    %swap3A_76 = vector.shape_cast %swap3A_75 : vector<16xf32> to vector<16xf32>
    %swap3A_77 = vector.shape_cast %broadcast_in_dim3A_73 : vector<16xf32> to vector<16xf32>
    tpu.vector_store %arg10[%swap3A_74], %swap3A_77 {strides = array<i32>} : memref<128xf32, #tpu.memory_space<vmem>>, vector<16xf32>,
    %broadcast_in_dim3A_78 = arith.constant 1.000000e+00 : f32
    %broadcast_in_dim3A_79 = vector.broadcast %broadcast_in_dim3A_78 : f32 to vector<16xf32>
    %swap3A_80 = arith.constant 112 : index
    %swap3A_81 = tpu.vector_load %arg10[%swap3A_80] {strides = array<i32>} : memref<128xf32, #tpu.memory_space<vmem>>, vector<16xf32>,
    %swap3A_82 = vector.shape_cast %swap3A_81 : vector<16xf32> to vector<16xf32>
    %swap3A_83 = vector.shape_cast %broadcast_in_dim3A_79 : vector<16xf32> to vector<16xf32>
    tpu.vector_store %arg10[%swap3A_80], %swap3A_83 {strides = array<i32>} : memref<128xf32, #tpu.memory_space<vmem>>, vector<16xf32>,
    %broadcast_in_dim3A_84 = arith.constant 0.000000e+00 : f32
    %broadcast_in_dim3A_85 = vector.broadcast %broadcast_in_dim3A_84 : f32 to vector<16xf32>
    %swap3A_86 = arith.constant 0 : index
    %swap3A_87 = tpu.vector_load %arg11[%swap3A_86] {strides = array<i32>} : memref<640xf32, #tpu.memory_space<vmem>>, vector<16xf32>,
    %swap3A_88 = vector.shape_cast %swap3A_87 : vector<16xf32> to vector<16xf32>
    %swap3A_89 = vector.shape_cast %broadcast_in_dim3A_85 : vector<16xf32> to vector<16xf32>
    tpu.vector_store %arg11[%swap3A_86], %swap3A_89 {strides = array<i32>} : memref<640xf32, #tpu.memory_space<vmem>>, vector<16xf32>,
    %broadcast_in_dim3A_90 = arith.constant 0.000000e+00 : f32
    %broadcast_in_dim3A_91 = vector.broadcast %broadcast_in_dim3A_90 : f32 to vector<16xf32>
    %swap3A_92 = arith.constant 16 : index
    %swap3A_93 = tpu.vector_load %arg11[%swap3A_92] {strides = array<i32>} : memref<640xf32, #tpu.memory_space<vmem>>, vector<16xf32>,
    %swap3A_94 = vector.shape_cast %swap3A_93 : vector<16xf32> to vector<16xf32>
    %swap3A_95 = vector.shape_cast %broadcast_in_dim3A_91 : vector<16xf32> to vector<16xf32>
    tpu.vector_store %arg11[%swap3A_92], %swap3A_95 {strides = array<i32>} : memref<640xf32, #tpu.memory_space<vmem>>, vector<16xf32>,
    %broadcast_in_dim3A_96 = arith.constant 0.000000e+00 : f32
    %broadcast_in_dim3A_97 = vector.broadcast %broadcast_in_dim3A_96 : f32 to vector<16xf32>
    %swap3A_98 = arith.constant 32 : index
    %swap3A_99 = tpu.vector_load %arg11[%swap3A_98] {strides = array<i32>} : memref<640xf32, #tpu.memory_space<vmem>>, vector<16xf32>,
    %swap3A_100 = vector.shape_cast %swap3A_99 : vector<16xf32> to vector<16xf32>
    %swap3A_101 = vector.shape_cast %broadcast_in_dim3A_97 : vector<16xf32> to vector<16xf32>
    tpu.vector_store %arg11[%swap3A_98], %swap3A_101 {strides = array<i32>} : memref<640xf32, #tpu.memory_space<vmem>>, vector<16xf32>,
    %broadcast_in_dim3A_102 = arith.constant 0.000000e+00 : f32
    %broadcast_in_dim3A_103 = vector.broadcast %broadcast_in_dim3A_102 : f32 to vector<16xf32>
    %swap3A_104 = arith.constant 48 : index
    %swap3A_105 = tpu.vector_load %arg11[%swap3A_104] {strides = array<i32>} : memref<640xf32, #tpu.memory_space<vmem>>, vector<16xf32>,
    %swap3A_106 = vector.shape_cast %swap3A_105 : vector<16xf32> to vector<16xf32>
    %swap3A_107 = vector.shape_cast %broadcast_in_dim3A_103 : vector<16xf32> to vector<16xf32>
    tpu.vector_store %arg11[%swap3A_104], %swap3A_107 {strides = array<i32>} : memref<640xf32, #tpu.memory_space<vmem>>, vector<16xf32>,
    %broadcast_in_dim3A_108 = arith.constant 0.000000e+00 : f32
    %broadcast_in_dim3A_109 = vector.broadcast %broadcast_in_dim3A_108 : f32 to vector<16xf32>
    %swap3A_110 = arith.constant 64 : index
    %swap3A_111 = tpu.vector_load %arg11[%swap3A_110] {strides = array<i32>} : memref<640xf32, #tpu.memory_space<vmem>>, vector<16xf32>,
    %swap3A_112 = vector.shape_cast %swap3A_111 : vector<16xf32> to vector<16xf32>
    %swap3A_113 = vector.shape_cast %broadcast_in_dim3A_109 : vector<16xf32> to vector<16xf32>
    tpu.vector_store %arg11[%swap3A_110], %swap3A_113 {strides = array<i32>} : memref<640xf32, #tpu.memory_space<vmem>>, vector<16xf32>,
    %broadcast_in_dim3A_114 = arith.constant 0.000000e+00 : f32
    %broadcast_in_dim3A_115 = vector.broadcast %broadcast_in_dim3A_114 : f32 to vector<16xf32>
    %swap3A_116 = arith.constant 80 : index
    %swap3A_117 = tpu.vector_load %arg11[%swap3A_116] {strides = array<i32>} : memref<640xf32, #tpu.memory_space<vmem>>, vector<16xf32>,
    %swap3A_118 = vector.shape_cast %swap3A_117 : vector<16xf32> to vector<16xf32>
    %swap3A_119 = vector.shape_cast %broadcast_in_dim3A_115 : vector<16xf32> to vector<16xf32>
    tpu.vector_store %arg11[%swap3A_116], %swap3A_119 {strides = array<i32>} : memref<640xf32, #tpu.memory_space<vmem>>, vector<16xf32>,
    %broadcast_in_dim3A_120 = arith.constant 0.000000e+00 : f32
    %broadcast_in_dim3A_121 = vector.broadcast %broadcast_in_dim3A_120 : f32 to vector<16xf32>
    %swap3A_122 = arith.constant 96 : index
    %swap3A_123 = tpu.vector_load %arg11[%swap3A_122] {strides = array<i32>} : memref<640xf32, #tpu.memory_space<vmem>>, vector<16xf32>,
    %swap3A_124 = vector.shape_cast %swap3A_123 : vector<16xf32> to vector<16xf32>
    %swap3A_125 = vector.shape_cast %broadcast_in_dim3A_121 : vector<16xf32> to vector<16xf32>
    tpu.vector_store %arg11[%swap3A_122], %swap3A_125 {strides = array<i32>} : memref<640xf32, #tpu.memory_space<vmem>>, vector<16xf32>,
    %broadcast_in_dim3A_126 = arith.constant 0.000000e+00 : f32
    %broadcast_in_dim3A_127 = vector.broadcast %broadcast_in_dim3A_126 : f32 to vector<16xf32>
    %swap3A_128 = arith.constant 112 : index
    %swap3A_129 = tpu.vector_load %arg11[%swap3A_128] {strides = array<i32>} : memref<640xf32, #tpu.memory_space<vmem>>, vector<16xf32>,
    %swap3A_130 = vector.shape_cast %swap3A_129 : vector<16xf32> to vector<16xf32>
    %swap3A_131 = vector.shape_cast %broadcast_in_dim3A_127 : vector<16xf32> to vector<16xf32>
    tpu.vector_store %arg11[%swap3A_128], %swap3A_131 {strides = array<i32>} : memref<640xf32, #tpu.memory_space<vmem>>, vector<16xf32>,
    %broadcast_in_dim3A_132 = arith.constant 0.000000e+00 : f32
    %broadcast_in_dim3A_133 = vector.broadcast %broadcast_in_dim3A_132 : f32 to vector<16xf32>
    %swap3A_134 = arith.constant 128 : index
    %swap3A_135 = tpu.vector_load %arg11[%swap3A_134] {strides = array<i32>} : memref<640xf32, #tpu.memory_space<vmem>>, vector<16xf32>,
    %swap3A_136 = vector.shape_cast %swap3A_135 : vector<16xf32> to vector<16xf32>
    %swap3A_137 = vector.shape_cast %broadcast_in_dim3A_133 : vector<16xf32> to vector<16xf32>
    tpu.vector_store %arg11[%swap3A_134], %swap3A_137 {strides = array<i32>} : memref<640xf32, #tpu.memory_space<vmem>>, vector<16xf32>,
    %broadcast_in_dim3A_138 = arith.constant 0.000000e+00 : f32
    %broadcast_in_dim3A_139 = vector.broadcast %broadcast_in_dim3A_138 : f32 to vector<16xf32>
    %swap3A_140 = arith.constant 144 : index
    %swap3A_141 = tpu.vector_load %arg11[%swap3A_140] {strides = array<i32>} : memref<640xf32, #tpu.memory_space<vmem>>, vector<16xf32>,
    %swap3A_142 = vector.shape_cast %swap3A_141 : vector<16xf32> to vector<16xf32>
    %swap3A_143 = vector.shape_cast %broadcast_in_dim3A_139 : vector<16xf32> to vector<16xf32>
    tpu.vector_store %arg11[%swap3A_140], %swap3A_143 {strides = array<i32>} : memref<640xf32, #tpu.memory_space<vmem>>, vector<16xf32>,
    %broadcast_in_dim3A_144 = arith.constant 0.000000e+00 : f32
    %broadcast_in_dim3A_145 = vector.broadcast %broadcast_in_dim3A_144 : f32 to vector<16xf32>
    %swap3A_146 = arith.constant 160 : index
    %swap3A_147 = tpu.vector_load %arg11[%swap3A_146] {strides = array<i32>} : memref<640xf32, #tpu.memory_space<vmem>>, vector<16xf32>,
    %swap3A_148 = vector.shape_cast %swap3A_147 : vector<16xf32> to vector<16xf32>
    %swap3A_149 = vector.shape_cast %broadcast_in_dim3A_145 : vector<16xf32> to vector<16xf32>
    tpu.vector_store %arg11[%swap3A_146], %swap3A_149 {strides = array<i32>} : memref<640xf32, #tpu.memory_space<vmem>>, vector<16xf32>,
    %broadcast_in_dim3A_150 = arith.constant 0.000000e+00 : f32
    %broadcast_in_dim3A_151 = vector.broadcast %broadcast_in_dim3A_150 : f32 to vector<16xf32>
    %swap3A_152 = arith.constant 176 : index
    %swap3A_153 = tpu.vector_load %arg11[%swap3A_152] {strides = array<i32>} : memref<640xf32, #tpu.memory_space<vmem>>, vector<16xf32>,
    %swap3A_154 = vector.shape_cast %swap3A_153 : vector<16xf32> to vector<16xf32>
    %swap3A_155 = vector.shape_cast %broadcast_in_dim3A_151 : vector<16xf32> to vector<16xf32>
    tpu.vector_store %arg11[%swap3A_152], %swap3A_155 {strides = array<i32>} : memref<640xf32, #tpu.memory_space<vmem>>, vector<16xf32>,
    %broadcast_in_dim3A_156 = arith.constant 0.000000e+00 : f32
    %broadcast_in_dim3A_157 = vector.broadcast %broadcast_in_dim3A_156 : f32 to vector<16xf32>
    %swap3A_158 = arith.constant 192 : index
    %swap3A_159 = tpu.vector_load %arg11[%swap3A_158] {strides = array<i32>} : memref<640xf32, #tpu.memory_space<vmem>>, vector<16xf32>,
    %swap3A_160 = vector.shape_cast %swap3A_159 : vector<16xf32> to vector<16xf32>
    %swap3A_161 = vector.shape_cast %broadcast_in_dim3A_157 : vector<16xf32> to vector<16xf32>
    tpu.vector_store %arg11[%swap3A_158], %swap3A_161 {strides = array<i32>} : memref<640xf32, #tpu.memory_space<vmem>>, vector<16xf32>,
    %broadcast_in_dim3A_162 = arith.constant 0.000000e+00 : f32
    %broadcast_in_dim3A_163 = vector.broadcast %broadcast_in_dim3A_162 : f32 to vector<16xf32>
    %swap3A_164 = arith.constant 208 : index
    %swap3A_165 = tpu.vector_load %arg11[%swap3A_164] {strides = array<i32>} : memref<640xf32, #tpu.memory_space<vmem>>, vector<16xf32>,
    %swap3A_166 = vector.shape_cast %swap3A_165 : vector<16xf32> to vector<16xf32>
    %swap3A_167 = vector.shape_cast %broadcast_in_dim3A_163 : vector<16xf32> to vector<16xf32>
    tpu.vector_store %arg11[%swap3A_164], %swap3A_167 {strides = array<i32>} : memref<640xf32, #tpu.memory_space<vmem>>, vector<16xf32>,
    %broadcast_in_dim3A_168 = arith.constant 0.000000e+00 : f32
    %broadcast_in_dim3A_169 = vector.broadcast %broadcast_in_dim3A_168 : f32 to vector<16xf32>
    %swap3A_170 = arith.constant 224 : index
    %swap3A_171 = tpu.vector_load %arg11[%swap3A_170] {strides = array<i32>} : memref<640xf32, #tpu.memory_space<vmem>>, vector<16xf32>,
    %swap3A_172 = vector.shape_cast %swap3A_171 : vector<16xf32> to vector<16xf32>
    %swap3A_173 = vector.shape_cast %broadcast_in_dim3A_169 : vector<16xf32> to vector<16xf32>
    tpu.vector_store %arg11[%swap3A_170], %swap3A_173 {strides = array<i32>} : memref<640xf32, #tpu.memory_space<vmem>>, vector<16xf32>,
    %broadcast_in_dim3A_174 = arith.constant 0.000000e+00 : f32
    %broadcast_in_dim3A_175 = vector.broadcast %broadcast_in_dim3A_174 : f32 to vector<16xf32>
    %swap3A_176 = arith.constant 240 : index
    %swap3A_177 = tpu.vector_load %arg11[%swap3A_176] {strides = array<i32>} : memref<640xf32, #tpu.memory_space<vmem>>, vector<16xf32>,
    %swap3A_178 = vector.shape_cast %swap3A_177 : vector<16xf32> to vector<16xf32>
    %swap3A_179 = vector.shape_cast %broadcast_in_dim3A_175 : vector<16xf32> to vector<16xf32>
    tpu.vector_store %arg11[%swap3A_176], %swap3A_179 {strides = array<i32>} : memref<640xf32, #tpu.memory_space<vmem>>, vector<16xf32>,
    %broadcast_in_dim3A_180 = arith.constant 0.000000e+00 : f32
    %broadcast_in_dim3A_181 = vector.broadcast %broadcast_in_dim3A_180 : f32 to vector<16xf32>
    %swap3A_182 = arith.constant 256 : index
    %swap3A_183 = tpu.vector_load %arg11[%swap3A_182] {strides = array<i32>} : memref<640xf32, #tpu.memory_space<vmem>>, vector<16xf32>,
    %swap3A_184 = vector.shape_cast %swap3A_183 : vector<16xf32> to vector<16xf32>
    %swap3A_185 = vector.shape_cast %broadcast_in_dim3A_181 : vector<16xf32> to vector<16xf32>
    tpu.vector_store %arg11[%swap3A_182], %swap3A_185 {strides = array<i32>} : memref<640xf32, #tpu.memory_space<vmem>>, vector<16xf32>,
    %broadcast_in_dim3A_186 = arith.constant 0.000000e+00 : f32
    %broadcast_in_dim3A_187 = vector.broadcast %broadcast_in_dim3A_186 : f32 to vector<16xf32>
    %swap3A_188 = arith.constant 272 : index
    %swap3A_189 = tpu.vector_load %arg11[%swap3A_188] {strides = array<i32>} : memref<640xf32, #tpu.memory_space<vmem>>, vector<16xf32>,
    %swap3A_190 = vector.shape_cast %swap3A_189 : vector<16xf32> to vector<16xf32>
    %swap3A_191 = vector.shape_cast %broadcast_in_dim3A_187 : vector<16xf32> to vector<16xf32>
    tpu.vector_store %arg11[%swap3A_188], %swap3A_191 {strides = array<i32>} : memref<640xf32, #tpu.memory_space<vmem>>, vector<16xf32>,
    %broadcast_in_dim3A_192 = arith.constant 0.000000e+00 : f32
    %broadcast_in_dim3A_193 = vector.broadcast %broadcast_in_dim3A_192 : f32 to vector<16xf32>
    %swap3A_194 = arith.constant 288 : index
    %swap3A_195 = tpu.vector_load %arg11[%swap3A_194] {strides = array<i32>} : memref<640xf32, #tpu.memory_space<vmem>>, vector<16xf32>,
    %swap3A_196 = vector.shape_cast %swap3A_195 : vector<16xf32> to vector<16xf32>
    %swap3A_197 = vector.shape_cast %broadcast_in_dim3A_193 : vector<16xf32> to vector<16xf32>
    tpu.vector_store %arg11[%swap3A_194], %swap3A_197 {strides = array<i32>} : memref<640xf32, #tpu.memory_space<vmem>>, vector<16xf32>,
    %broadcast_in_dim3A_198 = arith.constant 0.000000e+00 : f32
    %broadcast_in_dim3A_199 = vector.broadcast %broadcast_in_dim3A_198 : f32 to vector<16xf32>
    %swap3A_200 = arith.constant 304 : index
    %swap3A_201 = tpu.vector_load %arg11[%swap3A_200] {strides = array<i32>} : memref<640xf32, #tpu.memory_space<vmem>>, vector<16xf32>,
    %swap3A_202 = vector.shape_cast %swap3A_201 : vector<16xf32> to vector<16xf32>
    %swap3A_203 = vector.shape_cast %broadcast_in_dim3A_199 : vector<16xf32> to vector<16xf32>
    tpu.vector_store %arg11[%swap3A_200], %swap3A_203 {strides = array<i32>} : memref<640xf32, #tpu.memory_space<vmem>>, vector<16xf32>,
    %broadcast_in_dim3A_204 = arith.constant 0.000000e+00 : f32
    %broadcast_in_dim3A_205 = vector.broadcast %broadcast_in_dim3A_204 : f32 to vector<16xf32>
    %swap3A_206 = arith.constant 320 : index
    %swap3A_207 = tpu.vector_load %arg11[%swap3A_206] {strides = array<i32>} : memref<640xf32, #tpu.memory_space<vmem>>, vector<16xf32>,
    %swap3A_208 = vector.shape_cast %swap3A_207 : vector<16xf32> to vector<16xf32>
    %swap3A_209 = vector.shape_cast %broadcast_in_dim3A_205 : vector<16xf32> to vector<16xf32>
    tpu.vector_store %arg11[%swap3A_206], %swap3A_209 {strides = array<i32>} : memref<640xf32, #tpu.memory_space<vmem>>, vector<16xf32>,
    %broadcast_in_dim3A_210 = arith.constant 0.000000e+00 : f32
    %broadcast_in_dim3A_211 = vector.broadcast %broadcast_in_dim3A_210 : f32 to vector<16xf32>
    %swap3A_212 = arith.constant 336 : index
    %swap3A_213 = tpu.vector_load %arg11[%swap3A_212] {strides = array<i32>} : memref<640xf32, #tpu.memory_space<vmem>>, vector<16xf32>,
    %swap3A_214 = vector.shape_cast %swap3A_213 : vector<16xf32> to vector<16xf32>
    %swap3A_215 = vector.shape_cast %broadcast_in_dim3A_211 : vector<16xf32> to vector<16xf32>
    tpu.vector_store %arg11[%swap3A_212], %swap3A_215 {strides = array<i32>} : memref<640xf32, #tpu.memory_space<vmem>>, vector<16xf32>,
    %broadcast_in_dim3A_216 = arith.constant 0.000000e+00 : f32
    %broadcast_in_dim3A_217 = vector.broadcast %broadcast_in_dim3A_216 : f32 to vector<16xf32>
    %swap3A_218 = arith.constant 352 : index
    %swap3A_219 = tpu.vector_load %arg11[%swap3A_218] {strides = array<i32>} : memref<640xf32, #tpu.memory_space<vmem>>, vector<16xf32>,
    %swap3A_220 = vector.shape_cast %swap3A_219 : vector<16xf32> to vector<16xf32>
    %swap3A_221 = vector.shape_cast %broadcast_in_dim3A_217 : vector<16xf32> to vector<16xf32>
    tpu.vector_store %arg11[%swap3A_218], %swap3A_221 {strides = array<i32>} : memref<640xf32, #tpu.memory_space<vmem>>, vector<16xf32>,
    %broadcast_in_dim3A_222 = arith.constant 0.000000e+00 : f32
    %broadcast_in_dim3A_223 = vector.broadcast %broadcast_in_dim3A_222 : f32 to vector<16xf32>
    %swap3A_224 = arith.constant 368 : index
    %swap3A_225 = tpu.vector_load %arg11[%swap3A_224] {strides = array<i32>} : memref<640xf32, #tpu.memory_space<vmem>>, vector<16xf32>,
    %swap3A_226 = vector.shape_cast %swap3A_225 : vector<16xf32> to vector<16xf32>
    %swap3A_227 = vector.shape_cast %broadcast_in_dim3A_223 : vector<16xf32> to vector<16xf32>
    tpu.vector_store %arg11[%swap3A_224], %swap3A_227 {strides = array<i32>} : memref<640xf32, #tpu.memory_space<vmem>>, vector<16xf32>,
    %broadcast_in_dim3A_228 = arith.constant 0.000000e+00 : f32
    %broadcast_in_dim3A_229 = vector.broadcast %broadcast_in_dim3A_228 : f32 to vector<16xf32>
    %swap3A_230 = arith.constant 384 : index
    %swap3A_231 = tpu.vector_load %arg11[%swap3A_230] {strides = array<i32>} : memref<640xf32, #tpu.memory_space<vmem>>, vector<16xf32>,
    %swap3A_232 = vector.shape_cast %swap3A_231 : vector<16xf32> to vector<16xf32>
    %swap3A_233 = vector.shape_cast %broadcast_in_dim3A_229 : vector<16xf32> to vector<16xf32>
    tpu.vector_store %arg11[%swap3A_230], %swap3A_233 {strides = array<i32>} : memref<640xf32, #tpu.memory_space<vmem>>, vector<16xf32>,
    %broadcast_in_dim3A_234 = arith.constant 0.000000e+00 : f32
    %broadcast_in_dim3A_235 = vector.broadcast %broadcast_in_dim3A_234 : f32 to vector<16xf32>
    %swap3A_236 = arith.constant 400 : index
    %swap3A_237 = tpu.vector_load %arg11[%swap3A_236] {strides = array<i32>} : memref<640xf32, #tpu.memory_space<vmem>>, vector<16xf32>,
    %swap3A_238 = vector.shape_cast %swap3A_237 : vector<16xf32> to vector<16xf32>
    %swap3A_239 = vector.shape_cast %broadcast_in_dim3A_235 : vector<16xf32> to vector<16xf32>
    tpu.vector_store %arg11[%swap3A_236], %swap3A_239 {strides = array<i32>} : memref<640xf32, #tpu.memory_space<vmem>>, vector<16xf32>,
    %broadcast_in_dim3A_240 = arith.constant 0.000000e+00 : f32
    %broadcast_in_dim3A_241 = vector.broadcast %broadcast_in_dim3A_240 : f32 to vector<16xf32>
    %swap3A_242 = arith.constant 416 : index
    %swap3A_243 = tpu.vector_load %arg11[%swap3A_242] {strides = array<i32>} : memref<640xf32, #tpu.memory_space<vmem>>, vector<16xf32>,
    %swap3A_244 = vector.shape_cast %swap3A_243 : vector<16xf32> to vector<16xf32>
    %swap3A_245 = vector.shape_cast %broadcast_in_dim3A_241 : vector<16xf32> to vector<16xf32>
    tpu.vector_store %arg11[%swap3A_242], %swap3A_245 {strides = array<i32>} : memref<640xf32, #tpu.memory_space<vmem>>, vector<16xf32>,
    %broadcast_in_dim3A_246 = arith.constant 0.000000e+00 : f32
    %broadcast_in_dim3A_247 = vector.broadcast %broadcast_in_dim3A_246 : f32 to vector<16xf32>
    %swap3A_248 = arith.constant 432 : index
    %swap3A_249 = tpu.vector_load %arg11[%swap3A_248] {strides = array<i32>} : memref<640xf32, #tpu.memory_space<vmem>>, vector<16xf32>,
    %swap3A_250 = vector.shape_cast %swap3A_249 : vector<16xf32> to vector<16xf32>
    %swap3A_251 = vector.shape_cast %broadcast_in_dim3A_247 : vector<16xf32> to vector<16xf32>
    tpu.vector_store %arg11[%swap3A_248], %swap3A_251 {strides = array<i32>} : memref<640xf32, #tpu.memory_space<vmem>>, vector<16xf32>,
    %broadcast_in_dim3A_252 = arith.constant 0.000000e+00 : f32
    %broadcast_in_dim3A_253 = vector.broadcast %broadcast_in_dim3A_252 : f32 to vector<16xf32>
    %swap3A_254 = arith.constant 448 : index
    %swap3A_255 = tpu.vector_load %arg11[%swap3A_254] {strides = array<i32>} : memref<640xf32, #tpu.memory_space<vmem>>, vector<16xf32>,
    %swap3A_256 = vector.shape_cast %swap3A_255 : vector<16xf32> to vector<16xf32>
    %swap3A_257 = vector.shape_cast %broadcast_in_dim3A_253 : vector<16xf32> to vector<16xf32>
    tpu.vector_store %arg11[%swap3A_254], %swap3A_257 {strides = array<i32>} : memref<640xf32, #tpu.memory_space<vmem>>, vector<16xf32>,
    %broadcast_in_dim3A_258 = arith.constant 0.000000e+00 : f32
    %broadcast_in_dim3A_259 = vector.broadcast %broadcast_in_dim3A_258 : f32 to vector<16xf32>
    %swap3A_260 = arith.constant 464 : index
    %swap3A_261 = tpu.vector_load %arg11[%swap3A_260] {strides = array<i32>} : memref<640xf32, #tpu.memory_space<vmem>>, vector<16xf32>,
    %swap3A_262 = vector.shape_cast %swap3A_261 : vector<16xf32> to vector<16xf32>
    %swap3A_263 = vector.shape_cast %broadcast_in_dim3A_259 : vector<16xf32> to vector<16xf32>
    tpu.vector_store %arg11[%swap3A_260], %swap3A_263 {strides = array<i32>} : memref<640xf32, #tpu.memory_space<vmem>>, vector<16xf32>,
    %broadcast_in_dim3A_264 = arith.constant 0.000000e+00 : f32
    %broadcast_in_dim3A_265 = vector.broadcast %broadcast_in_dim3A_264 : f32 to vector<16xf32>
    %swap3A_266 = arith.constant 480 : index
    %swap3A_267 = tpu.vector_load %arg11[%swap3A_266] {strides = array<i32>} : memref<640xf32, #tpu.memory_space<vmem>>, vector<16xf32>,
    %swap3A_268 = vector.shape_cast %swap3A_267 : vector<16xf32> to vector<16xf32>
    %swap3A_269 = vector.shape_cast %broadcast_in_dim3A_265 : vector<16xf32> to vector<16xf32>
    tpu.vector_store %arg11[%swap3A_266], %swap3A_269 {strides = array<i32>} : memref<640xf32, #tpu.memory_space<vmem>>, vector<16xf32>,
    %broadcast_in_dim3A_270 = arith.constant 0.000000e+00 : f32
    %broadcast_in_dim3A_271 = vector.broadcast %broadcast_in_dim3A_270 : f32 to vector<16xf32>
    %swap3A_272 = arith.constant 496 : index
    %swap3A_273 = tpu.vector_load %arg11[%swap3A_272] {strides = array<i32>} : memref<640xf32, #tpu.memory_space<vmem>>, vector<16xf32>,
    %swap3A_274 = vector.shape_cast %swap3A_273 : vector<16xf32> to vector<16xf32>
    %swap3A_275 = vector.shape_cast %broadcast_in_dim3A_271 : vector<16xf32> to vector<16xf32>
    tpu.vector_store %arg11[%swap3A_272], %swap3A_275 {strides = array<i32>} : memref<640xf32, #tpu.memory_space<vmem>>, vector<16xf32>,
    %broadcast_in_dim3A_276 = arith.constant 0.000000e+00 : f32
    %broadcast_in_dim3A_277 = vector.broadcast %broadcast_in_dim3A_276 : f32 to vector<16xf32>
    %swap3A_278 = arith.constant 512 : index
    %swap3A_279 = tpu.vector_load %arg11[%swap3A_278] {strides = array<i32>} : memref<640xf32, #tpu.memory_space<vmem>>, vector<16xf32>,
    %swap3A_280 = vector.shape_cast %swap3A_279 : vector<16xf32> to vector<16xf32>
    %swap3A_281 = vector.shape_cast %broadcast_in_dim3A_277 : vector<16xf32> to vector<16xf32>
    tpu.vector_store %arg11[%swap3A_278], %swap3A_281 {strides = array<i32>} : memref<640xf32, #tpu.memory_space<vmem>>, vector<16xf32>,
    %broadcast_in_dim3A_282 = arith.constant 0.000000e+00 : f32
    %broadcast_in_dim3A_283 = vector.broadcast %broadcast_in_dim3A_282 : f32 to vector<16xf32>
    %swap3A_284 = arith.constant 528 : index
    %swap3A_285 = tpu.vector_load %arg11[%swap3A_284] {strides = array<i32>} : memref<640xf32, #tpu.memory_space<vmem>>, vector<16xf32>,
    %swap3A_286 = vector.shape_cast %swap3A_285 : vector<16xf32> to vector<16xf32>
    %swap3A_287 = vector.shape_cast %broadcast_in_dim3A_283 : vector<16xf32> to vector<16xf32>
    tpu.vector_store %arg11[%swap3A_284], %swap3A_287 {strides = array<i32>} : memref<640xf32, #tpu.memory_space<vmem>>, vector<16xf32>,
    %broadcast_in_dim3A_288 = arith.constant 0.000000e+00 : f32
    %broadcast_in_dim3A_289 = vector.broadcast %broadcast_in_dim3A_288 : f32 to vector<16xf32>
    %swap3A_290 = arith.constant 544 : index
    %swap3A_291 = tpu.vector_load %arg11[%swap3A_290] {strides = array<i32>} : memref<640xf32, #tpu.memory_space<vmem>>, vector<16xf32>,
    %swap3A_292 = vector.shape_cast %swap3A_291 : vector<16xf32> to vector<16xf32>
    %swap3A_293 = vector.shape_cast %broadcast_in_dim3A_289 : vector<16xf32> to vector<16xf32>
    tpu.vector_store %arg11[%swap3A_290], %swap3A_293 {strides = array<i32>} : memref<640xf32, #tpu.memory_space<vmem>>, vector<16xf32>,
    %broadcast_in_dim3A_294 = arith.constant 0.000000e+00 : f32
    %broadcast_in_dim3A_295 = vector.broadcast %broadcast_in_dim3A_294 : f32 to vector<16xf32>
    %swap3A_296 = arith.constant 560 : index
    %swap3A_297 = tpu.vector_load %arg11[%swap3A_296] {strides = array<i32>} : memref<640xf32, #tpu.memory_space<vmem>>, vector<16xf32>,
    %swap3A_298 = vector.shape_cast %swap3A_297 : vector<16xf32> to vector<16xf32>
    %swap3A_299 = vector.shape_cast %broadcast_in_dim3A_295 : vector<16xf32> to vector<16xf32>
    tpu.vector_store %arg11[%swap3A_296], %swap3A_299 {strides = array<i32>} : memref<640xf32, #tpu.memory_space<vmem>>, vector<16xf32>,
    %broadcast_in_dim3A_300 = arith.constant 0.000000e+00 : f32
    %broadcast_in_dim3A_301 = vector.broadcast %broadcast_in_dim3A_300 : f32 to vector<16xf32>
    %swap3A_302 = arith.constant 576 : index
    %swap3A_303 = tpu.vector_load %arg11[%swap3A_302] {strides = array<i32>} : memref<640xf32, #tpu.memory_space<vmem>>, vector<16xf32>,
    %swap3A_304 = vector.shape_cast %swap3A_303 : vector<16xf32> to vector<16xf32>
    %swap3A_305 = vector.shape_cast %broadcast_in_dim3A_301 : vector<16xf32> to vector<16xf32>
    tpu.vector_store %arg11[%swap3A_302], %swap3A_305 {strides = array<i32>} : memref<640xf32, #tpu.memory_space<vmem>>, vector<16xf32>,
    %broadcast_in_dim3A_306 = arith.constant 0.000000e+00 : f32
    %broadcast_in_dim3A_307 = vector.broadcast %broadcast_in_dim3A_306 : f32 to vector<16xf32>
    %swap3A_308 = arith.constant 592 : index
    %swap3A_309 = tpu.vector_load %arg11[%swap3A_308] {strides = array<i32>} : memref<640xf32, #tpu.memory_space<vmem>>, vector<16xf32>,
    %swap3A_310 = vector.shape_cast %swap3A_309 : vector<16xf32> to vector<16xf32>
    %swap3A_311 = vector.shape_cast %broadcast_in_dim3A_307 : vector<16xf32> to vector<16xf32>
    tpu.vector_store %arg11[%swap3A_308], %swap3A_311 {strides = array<i32>} : memref<640xf32, #tpu.memory_space<vmem>>, vector<16xf32>,
    %broadcast_in_dim3A_312 = arith.constant 0.000000e+00 : f32
    %broadcast_in_dim3A_313 = vector.broadcast %broadcast_in_dim3A_312 : f32 to vector<16xf32>
    %swap3A_314 = arith.constant 608 : index
    %swap3A_315 = tpu.vector_load %arg11[%swap3A_314] {strides = array<i32>} : memref<640xf32, #tpu.memory_space<vmem>>, vector<16xf32>,
    %swap3A_316 = vector.shape_cast %swap3A_315 : vector<16xf32> to vector<16xf32>
    %swap3A_317 = vector.shape_cast %broadcast_in_dim3A_313 : vector<16xf32> to vector<16xf32>
    tpu.vector_store %arg11[%swap3A_314], %swap3A_317 {strides = array<i32>} : memref<640xf32, #tpu.memory_space<vmem>>, vector<16xf32>,
    %broadcast_in_dim3A_318 = arith.constant 0.000000e+00 : f32
    %broadcast_in_dim3A_319 = vector.broadcast %broadcast_in_dim3A_318 : f32 to vector<16xf32>
    %swap3A_320 = arith.constant 624 : index
    %swap3A_321 = tpu.vector_load %arg11[%swap3A_320] {strides = array<i32>} : memref<640xf32, #tpu.memory_space<vmem>>, vector<16xf32>,
    %swap3A_322 = vector.shape_cast %swap3A_321 : vector<16xf32> to vector<16xf32>
    %swap3A_323 = vector.shape_cast %broadcast_in_dim3A_319 : vector<16xf32> to vector<16xf32>
    tpu.vector_store %arg11[%swap3A_320], %swap3A_323 {strides = array<i32>} : memref<640xf32, #tpu.memory_space<vmem>>, vector<16xf32>,
    "tpu.region"() ({
      %run_scoped3A = tpu.sem_alloc : memref<!tpu.dma_semaphore, #tpu.memory_space<semaphore_mem>>
      %dma_start3A = arith.constant 0 : i32
      %dma_start3A_348 = tpu.memref_slice %arg11[%dma_start3A] : memref<640xf32, #tpu.memory_space<vmem>> -> memref<632xf32, #tpu.memory_space<vmem>>
      %dma_start3A_349 = tpu.memref_slice %arg13[%mul3A_37] : memref<10112xf32, #tpu.memory_space<vmem_shared>> -> memref<632xf32, #tpu.memory_space<vmem_shared>>
      %dma_start3A_350 = tpu.memref_slice %arg13[%mul3A_37] : memref<10112xf32, #tpu.memory_space<vmem_shared>> -> memref<632xf32, #tpu.memory_space<vmem_shared>>
      %dma_start3A_351 = arith.constant 0 : i32
      %dma_start3A_352 = tpu.memref_slice %arg11[%dma_start3A_351] : memref<640xf32, #tpu.memory_space<vmem>> -> memref<632xf32, #tpu.memory_space<vmem>>
      tpu.enqueue_dma source(%dma_start3A_352 : memref<632xf32, #tpu.memory_space<vmem>>) target(%dma_start3A_350 : memref<632xf32, #tpu.memory_space<vmem_shared>>) target_semaphore(%run_scoped3A : memref<!tpu.dma_semaphore, #tpu.memory_space<semaphore_mem>>)
      %dma_wait3A = arith.constant 0 : i32
      %dma_wait3A_353 = tpu.memref_slice %arg11[%dma_wait3A] : memref<640xf32, #tpu.memory_space<vmem>> -> memref<632xf32, #tpu.memory_space<vmem>>
      %dma_wait3A_354 = tpu.memref_slice %arg13[%mul3A_37] : memref<10112xf32, #tpu.memory_space<vmem_shared>> -> memref<632xf32, #tpu.memory_space<vmem_shared>>
      %dma_wait3A_355 = tpu.memref_slice %arg13[%mul3A_37] : memref<10112xf32, #tpu.memory_space<vmem_shared>> -> memref<632xf32, #tpu.memory_space<vmem_shared>>
      %dma_wait3A_356 = arith.constant 0 : i32
      %dma_wait3A_357 = tpu.memref_slice %arg11[%dma_wait3A_356] : memref<640xf32, #tpu.memory_space<vmem>> -> memref<632xf32, #tpu.memory_space<vmem>>
      tpu.wait_dma2 semaphore(%run_scoped3A : memref<!tpu.dma_semaphore, #tpu.memory_space<semaphore_mem>>) src(%dma_wait3A_357 : memref<632xf32, #tpu.memory_space<vmem>>) dst(%dma_wait3A_355 : memref<632xf32, #tpu.memory_space<vmem_shared>>)
      tpu.yield
    }) : () -> ()
    %barrier3A = arith.constant 0 : index
    tpu.barrier barrier_id(%barrier3A)
    %gt3A_324 = arith.constant 0 : i32
    %gt3A_325 = arith.cmpi sgt, %select_n3A, %gt3A_324 : i32
    %convert_element_type3A_326 = arith.extui %gt3A_325 : i1 to i32
    %cond3A_327 = arith.constant 0 : i32
    %cond3A_328 = arith.cmpi ne, %convert_element_type3A_326, %cond3A_327 : i32
    scf.if %cond3A_328 {
      %dma_wait3A = arith.constant 0 : i32
      %dma_wait3A_348 = arith.constant 0 : i32
      %dma_wait3A_349 = tpu.memref_slice %arg8[%dma_wait3A, %dma_wait3A_348] : memref<6x120xi32, #tpu.memory_space<vmem>> -> memref<1x120xi32, #tpu.memory_space<vmem>>
      %dma_wait3A_350 = tpu.memref_squeeze %dma_wait3A_349 : memref<1x120xi32, #tpu.memory_space<vmem>> -> memref<120xi32, #tpu.memory_space<vmem>>
      %dma_wait3A_351 = arith.constant 0 : i32
      %dma_wait3A_352 = tpu.memref_slice %arg3[%dma_wait3A_351] : memref<322560xi32, #tpu.memory_space<hbm>> -> memref<120xi32, #tpu.memory_space<hbm>>
      %dma_wait3A_353 = arith.constant 0 : i32
      %dma_wait3A_354 = tpu.memref_slice %arg8[%dma_wait3A, %dma_wait3A_353] : memref<6x120xi32, #tpu.memory_space<vmem>> -> memref<1x120xi32, #tpu.memory_space<vmem>>
      %dma_wait3A_355 = tpu.memref_squeeze %dma_wait3A_354 : memref<1x120xi32, #tpu.memory_space<vmem>> -> memref<120xi32, #tpu.memory_space<vmem>>
      %dma_wait3A_356 = arith.constant 0 : i32
      %dma_wait3A_357 = tpu.memref_slice %arg3[%dma_wait3A_356] : memref<322560xi32, #tpu.memory_space<hbm>> -> memref<120xi32, #tpu.memory_space<hbm>>
      tpu.wait_dma2 semaphore(%arg20 : memref<!tpu.dma_semaphore, #tpu.memory_space<semaphore_mem>>) src(%dma_wait3A_357 : memref<120xi32, #tpu.memory_space<hbm>>) dst(%dma_wait3A_355 : memref<120xi32, #tpu.memory_space<vmem>>)
      %dma_wait3A_358 = arith.constant 0 : i32
      %dma_wait3A_359 = arith.constant 0 : i32
      %dma_wait3A_360 = tpu.memref_slice %arg9[%dma_wait3A_358, %dma_wait3A_359] : memref<6x120xi32, #tpu.memory_space<vmem>> -> memref<1x120xi32, #tpu.memory_space<vmem>>
      %dma_wait3A_361 = tpu.memref_squeeze %dma_wait3A_360 : memref<1x120xi32, #tpu.memory_space<vmem>> -> memref<120xi32, #tpu.memory_space<vmem>>
      %dma_wait3A_362 = arith.constant 0 : i32
      %dma_wait3A_363 = tpu.memref_slice %arg4[%dma_wait3A_362] : memref<322560xi32, #tpu.memory_space<hbm>> -> memref<120xi32, #tpu.memory_space<hbm>>
      %dma_wait3A_364 = arith.constant 0 : i32
      %dma_wait3A_365 = tpu.memref_slice %arg9[%dma_wait3A_358, %dma_wait3A_364] : memref<6x120xi32, #tpu.memory_space<vmem>> -> memref<1x120xi32, #tpu.memory_space<vmem>>
      %dma_wait3A_366 = tpu.memref_squeeze %dma_wait3A_365 : memref<1x120xi32, #tpu.memory_space<vmem>> -> memref<120xi32, #tpu.memory_space<vmem>>
      %dma_wait3A_367 = arith.constant 0 : i32
      %dma_wait3A_368 = tpu.memref_slice %arg4[%dma_wait3A_367] : memref<322560xi32, #tpu.memory_space<hbm>> -> memref<120xi32, #tpu.memory_space<hbm>>
      tpu.wait_dma2 semaphore(%arg20 : memref<!tpu.dma_semaphore, #tpu.memory_space<semaphore_mem>>) src(%dma_wait3A_368 : memref<120xi32, #tpu.memory_space<hbm>>) dst(%dma_wait3A_366 : memref<120xi32, #tpu.memory_space<vmem>>)
      %dma_start3A = arith.constant 0 : i32
      %dma_start3A_369 = arith.constant 0 : i32
      %dma_start3A_370 = tpu.memref_slice %arg8[%dma_start3A, %dma_start3A_369] : memref<6x120xi32, #tpu.memory_space<vmem>> -> memref<1x120xi32, #tpu.memory_space<vmem>>
      %dma_start3A_371 = tpu.memref_squeeze %dma_start3A_370 : memref<1x120xi32, #tpu.memory_space<vmem>> -> memref<120xi32, #tpu.memory_space<vmem>>
      %dma_start3A_372 = arith.constant 0 : i32
      %dma_start3A_373 = arith.constant 0 : i32
      %dma_start3A_374 = tpu.memref_slice %arg2[%dma_start3A_372, %dma_start3A_373] : memref<10000x128xf32, #tpu.memory_space<hbm>> -> memref<10000x128xf32, #tpu.memory_space<hbm>>
      tpu.enqueue_indirect_dma source(%dma_start3A_374 : memref<10000x128xf32, #tpu.memory_space<hbm>>) target(%arg14 : memref<120x128xf32, #tpu.memory_space<vmem>>) offsets(%dma_start3A_371 : memref<120xi32, #tpu.memory_space<vmem>>) semaphore(%arg17 : memref<!tpu.dma_semaphore, #tpu.memory_space<semaphore_mem>>)
    } else {
    }
    %gt3A_329 = arith.constant 1 : i32
    %gt3A_330 = arith.cmpi sgt, %select_n3A, %gt3A_329 : i32
    %convert_element_type3A_331 = arith.extui %gt3A_330 : i1 to i32
    %cond3A_332 = arith.constant 0 : i32
    %cond3A_333 = arith.cmpi ne, %convert_element_type3A_331, %cond3A_332 : i32
    scf.if %cond3A_333 {
      %dma_wait3A = arith.constant 1 : i32
      %dma_wait3A_348 = arith.constant 0 : i32
      %dma_wait3A_349 = tpu.memref_slice %arg8[%dma_wait3A, %dma_wait3A_348] : memref<6x120xi32, #tpu.memory_space<vmem>> -> memref<1x120xi32, #tpu.memory_space<vmem>>
      %dma_wait3A_350 = tpu.memref_squeeze %dma_wait3A_349 : memref<1x120xi32, #tpu.memory_space<vmem>> -> memref<120xi32, #tpu.memory_space<vmem>>
      %dma_wait3A_351 = arith.constant 0 : i32
      %dma_wait3A_352 = tpu.memref_slice %arg3[%dma_wait3A_351] : memref<322560xi32, #tpu.memory_space<hbm>> -> memref<120xi32, #tpu.memory_space<hbm>>
      %dma_wait3A_353 = arith.constant 0 : i32
      %dma_wait3A_354 = tpu.memref_slice %arg8[%dma_wait3A, %dma_wait3A_353] : memref<6x120xi32, #tpu.memory_space<vmem>> -> memref<1x120xi32, #tpu.memory_space<vmem>>
      %dma_wait3A_355 = tpu.memref_squeeze %dma_wait3A_354 : memref<1x120xi32, #tpu.memory_space<vmem>> -> memref<120xi32, #tpu.memory_space<vmem>>
      %dma_wait3A_356 = arith.constant 0 : i32
      %dma_wait3A_357 = tpu.memref_slice %arg3[%dma_wait3A_356] : memref<322560xi32, #tpu.memory_space<hbm>> -> memref<120xi32, #tpu.memory_space<hbm>>
      tpu.wait_dma2 semaphore(%arg21 : memref<!tpu.dma_semaphore, #tpu.memory_space<semaphore_mem>>) src(%dma_wait3A_357 : memref<120xi32, #tpu.memory_space<hbm>>) dst(%dma_wait3A_355 : memref<120xi32, #tpu.memory_space<vmem>>)
      %dma_wait3A_358 = arith.constant 1 : i32
      %dma_wait3A_359 = arith.constant 0 : i32
      %dma_wait3A_360 = tpu.memref_slice %arg9[%dma_wait3A_358, %dma_wait3A_359] : memref<6x120xi32, #tpu.memory_space<vmem>> -> memref<1x120xi32, #tpu.memory_space<vmem>>
      %dma_wait3A_361 = tpu.memref_squeeze %dma_wait3A_360 : memref<1x120xi32, #tpu.memory_space<vmem>> -> memref<120xi32, #tpu.memory_space<vmem>>
      %dma_wait3A_362 = arith.constant 0 : i32
      %dma_wait3A_363 = tpu.memref_slice %arg4[%dma_wait3A_362] : memref<322560xi32, #tpu.memory_space<hbm>> -> memref<120xi32, #tpu.memory_space<hbm>>
      %dma_wait3A_364 = arith.constant 0 : i32
      %dma_wait3A_365 = tpu.memref_slice %arg9[%dma_wait3A_358, %dma_wait3A_364] : memref<6x120xi32, #tpu.memory_space<vmem>> -> memref<1x120xi32, #tpu.memory_space<vmem>>
      %dma_wait3A_366 = tpu.memref_squeeze %dma_wait3A_365 : memref<1x120xi32, #tpu.memory_space<vmem>> -> memref<120xi32, #tpu.memory_space<vmem>>
      %dma_wait3A_367 = arith.constant 0 : i32
      %dma_wait3A_368 = tpu.memref_slice %arg4[%dma_wait3A_367] : memref<322560xi32, #tpu.memory_space<hbm>> -> memref<120xi32, #tpu.memory_space<hbm>>
      tpu.wait_dma2 semaphore(%arg21 : memref<!tpu.dma_semaphore, #tpu.memory_space<semaphore_mem>>) src(%dma_wait3A_368 : memref<120xi32, #tpu.memory_space<hbm>>) dst(%dma_wait3A_366 : memref<120xi32, #tpu.memory_space<vmem>>)
      %dma_start3A = arith.constant 1 : i32
      %dma_start3A_369 = arith.constant 0 : i32
      %dma_start3A_370 = tpu.memref_slice %arg8[%dma_start3A, %dma_start3A_369] : memref<6x120xi32, #tpu.memory_space<vmem>> -> memref<1x120xi32, #tpu.memory_space<vmem>>
      %dma_start3A_371 = tpu.memref_squeeze %dma_start3A_370 : memref<1x120xi32, #tpu.memory_space<vmem>> -> memref<120xi32, #tpu.memory_space<vmem>>
      %dma_start3A_372 = arith.constant 0 : i32
      %dma_start3A_373 = arith.constant 0 : i32
      %dma_start3A_374 = tpu.memref_slice %arg2[%dma_start3A_372, %dma_start3A_373] : memref<10000x128xf32, #tpu.memory_space<hbm>> -> memref<10000x128xf32, #tpu.memory_space<hbm>>
      tpu.enqueue_indirect_dma source(%dma_start3A_374 : memref<10000x128xf32, #tpu.memory_space<hbm>>) target(%arg15 : memref<120x128xf32, #tpu.memory_space<vmem>>) offsets(%dma_start3A_371 : memref<120xi32, #tpu.memory_space<vmem>>) semaphore(%arg18 : memref<!tpu.dma_semaphore, #tpu.memory_space<semaphore_mem>>)
    } else {
    }
    %gt3A_334 = arith.constant 2 : i32
    %gt3A_335 = arith.cmpi sgt, %select_n3A, %gt3A_334 : i32
    %convert_element_type3A_336 = arith.extui %gt3A_335 : i1 to i32
    %cond3A_337 = arith.constant 0 : i32
    %cond3A_338 = arith.cmpi ne, %convert_element_type3A_336, %cond3A_337 : i32
    scf.if %cond3A_338 {
      %dma_wait3A = arith.constant 2 : i32
      %dma_wait3A_348 = arith.constant 0 : i32
      %dma_wait3A_349 = tpu.memref_slice %arg8[%dma_wait3A, %dma_wait3A_348] : memref<6x120xi32, #tpu.memory_space<vmem>> -> memref<1x120xi32, #tpu.memory_space<vmem>>
      %dma_wait3A_350 = tpu.memref_squeeze %dma_wait3A_349 : memref<1x120xi32, #tpu.memory_space<vmem>> -> memref<120xi32, #tpu.memory_space<vmem>>
      %dma_wait3A_351 = arith.constant 0 : i32
      %dma_wait3A_352 = tpu.memref_slice %arg3[%dma_wait3A_351] : memref<322560xi32, #tpu.memory_space<hbm>> -> memref<120xi32, #tpu.memory_space<hbm>>
      %dma_wait3A_353 = arith.constant 0 : i32
      %dma_wait3A_354 = tpu.memref_slice %arg8[%dma_wait3A, %dma_wait3A_353] : memref<6x120xi32, #tpu.memory_space<vmem>> -> memref<1x120xi32, #tpu.memory_space<vmem>>
      %dma_wait3A_355 = tpu.memref_squeeze %dma_wait3A_354 : memref<1x120xi32, #tpu.memory_space<vmem>> -> memref<120xi32, #tpu.memory_space<vmem>>
      %dma_wait3A_356 = arith.constant 0 : i32
      %dma_wait3A_357 = tpu.memref_slice %arg3[%dma_wait3A_356] : memref<322560xi32, #tpu.memory_space<hbm>> -> memref<120xi32, #tpu.memory_space<hbm>>
      tpu.wait_dma2 semaphore(%arg22 : memref<!tpu.dma_semaphore, #tpu.memory_space<semaphore_mem>>) src(%dma_wait3A_357 : memref<120xi32, #tpu.memory_space<hbm>>) dst(%dma_wait3A_355 : memref<120xi32, #tpu.memory_space<vmem>>)
      %dma_wait3A_358 = arith.constant 2 : i32
      %dma_wait3A_359 = arith.constant 0 : i32
      %dma_wait3A_360 = tpu.memref_slice %arg9[%dma_wait3A_358, %dma_wait3A_359] : memref<6x120xi32, #tpu.memory_space<vmem>> -> memref<1x120xi32, #tpu.memory_space<vmem>>
      %dma_wait3A_361 = tpu.memref_squeeze %dma_wait3A_360 : memref<1x120xi32, #tpu.memory_space<vmem>> -> memref<120xi32, #tpu.memory_space<vmem>>
      %dma_wait3A_362 = arith.constant 0 : i32
      %dma_wait3A_363 = tpu.memref_slice %arg4[%dma_wait3A_362] : memref<322560xi32, #tpu.memory_space<hbm>> -> memref<120xi32, #tpu.memory_space<hbm>>
      %dma_wait3A_364 = arith.constant 0 : i32
      %dma_wait3A_365 = tpu.memref_slice %arg9[%dma_wait3A_358, %dma_wait3A_364] : memref<6x120xi32, #tpu.memory_space<vmem>> -> memref<1x120xi32, #tpu.memory_space<vmem>>
      %dma_wait3A_366 = tpu.memref_squeeze %dma_wait3A_365 : memref<1x120xi32, #tpu.memory_space<vmem>> -> memref<120xi32, #tpu.memory_space<vmem>>
      %dma_wait3A_367 = arith.constant 0 : i32
      %dma_wait3A_368 = tpu.memref_slice %arg4[%dma_wait3A_367] : memref<322560xi32, #tpu.memory_space<hbm>> -> memref<120xi32, #tpu.memory_space<hbm>>
      tpu.wait_dma2 semaphore(%arg22 : memref<!tpu.dma_semaphore, #tpu.memory_space<semaphore_mem>>) src(%dma_wait3A_368 : memref<120xi32, #tpu.memory_space<hbm>>) dst(%dma_wait3A_366 : memref<120xi32, #tpu.memory_space<vmem>>)
      %dma_start3A = arith.constant 2 : i32
      %dma_start3A_369 = arith.constant 0 : i32
      %dma_start3A_370 = tpu.memref_slice %arg8[%dma_start3A, %dma_start3A_369] : memref<6x120xi32, #tpu.memory_space<vmem>> -> memref<1x120xi32, #tpu.memory_space<vmem>>
      %dma_start3A_371 = tpu.memref_squeeze %dma_start3A_370 : memref<1x120xi32, #tpu.memory_space<vmem>> -> memref<120xi32, #tpu.memory_space<vmem>>
      %dma_start3A_372 = arith.constant 0 : i32
      %dma_start3A_373 = arith.constant 0 : i32
      %dma_start3A_374 = tpu.memref_slice %arg2[%dma_start3A_372, %dma_start3A_373] : memref<10000x128xf32, #tpu.memory_space<hbm>> -> memref<10000x128xf32, #tpu.memory_space<hbm>>
      tpu.enqueue_indirect_dma source(%dma_start3A_374 : memref<10000x128xf32, #tpu.memory_space<hbm>>) target(%arg16 : memref<120x128xf32, #tpu.memory_space<vmem>>) offsets(%dma_start3A_371 : memref<120xi32, #tpu.memory_space<vmem>>) semaphore(%arg19 : memref<!tpu.dma_semaphore, #tpu.memory_space<semaphore_mem>>)
    } else {
    }
    %scan3A = arith.constant 0 : i32
    %scan3A_339 = arith.constant 0 : i32
    %scan3A_340 = arith.constant 23 : i32
    %scan3A_341 = arith.addi %scan3A_339, %scan3A_340 : i32
    %scan3A_342 = arith.constant 1 : i32
    scf.for %scan3A_348 = %scan3A_339 to %scan3A_341 step %scan3A_342  : i32 {
      %mul3A_349 = arith.constant 6 : i32
      %mul3A_350 = arith.muli %scan3A_348, %mul3A_349 : i32
      %add3A_351 = arith.constant 0 : i32
      %add3A_352 = arith.addi %mul3A_350, %add3A_351 : i32
      %lt3A = arith.cmpi slt, %add3A_352, %select_n3A : i32
      %convert_element_type3A_353 = arith.extui %lt3A : i1 to i32
      %cond3A_354 = arith.constant 0 : i32
      %cond3A_355 = arith.cmpi ne, %convert_element_type3A_353, %cond3A_354 : i32
      scf.if %cond3A_355 {
        %dma_wait3A = arith.constant 0 : i32
        %dma_wait3A_458 = arith.constant 0 : i32
        %dma_wait3A_459 = tpu.memref_slice %arg8[%dma_wait3A, %dma_wait3A_458] : memref<6x120xi32, #tpu.memory_space<vmem>> -> memref<1x120xi32, #tpu.memory_space<vmem>>
        %dma_wait3A_460 = tpu.memref_squeeze %dma_wait3A_459 : memref<1x120xi32, #tpu.memory_space<vmem>> -> memref<120xi32, #tpu.memory_space<vmem>>
        %dma_wait3A_461 = arith.constant 0 : i32
        %dma_wait3A_462 = arith.constant 0 : i32
        %dma_wait3A_463 = tpu.memref_slice %arg2[%dma_wait3A_461, %dma_wait3A_462] : memref<10000x128xf32, #tpu.memory_space<hbm>> -> memref<10000x128xf32, #tpu.memory_space<hbm>>
        tpu.wait_indirect_dma semaphore(%arg17 : memref<!tpu.dma_semaphore, #tpu.memory_space<semaphore_mem>>) src(%dma_wait3A_463 : memref<10000x128xf32, #tpu.memory_space<hbm>>) dst(%arg14 : memref<120x128xf32, #tpu.memory_space<vmem>>)
        %run_scoped3A = arith.constant 0 : i32
        "tpu.region"() ({
          %run_scoped3A_465 = tpu.sem_alloc : memref<!tpu.dma_semaphore, #tpu.memory_space<semaphore_mem>>
          %dma_start3A = arith.constant 0 : i32
          %dma_start3A_466 = tpu.memref_slice %arg9[%run_scoped3A, %dma_start3A] : memref<6x120xi32, #tpu.memory_space<vmem>> -> memref<1x120xi32, #tpu.memory_space<vmem>>
          %dma_start3A_467 = tpu.memref_squeeze %dma_start3A_466 : memref<1x120xi32, #tpu.memory_space<vmem>> -> memref<120xi32, #tpu.memory_space<vmem>>
          %dma_start3A_468 = arith.constant 0 : i32
          %dma_start3A_469 = arith.constant 0 : i32
          %dma_start3A_470 = tpu.memref_slice %arg12[%dma_start3A_468, %dma_start3A_469] : memref<10112x128xf32, #tpu.memory_space<vmem_shared>> -> memref<10112x128xf32, #tpu.memory_space<vmem_shared>>
          tpu.enqueue_indirect_dma source(%arg14 : memref<120x128xf32, #tpu.memory_space<vmem>>) target(%dma_start3A_470 : memref<10112x128xf32, #tpu.memory_space<vmem_shared>>) offsets(%dma_start3A_467 : memref<120xi32, #tpu.memory_space<vmem>>) semaphore(%run_scoped3A_465 : memref<!tpu.dma_semaphore, #tpu.memory_space<semaphore_mem>>) {add = true}
          %dma_wait3A_471 = arith.constant 0 : i32
          %dma_wait3A_472 = tpu.memref_slice %arg9[%run_scoped3A, %dma_wait3A_471] : memref<6x120xi32, #tpu.memory_space<vmem>> -> memref<1x120xi32, #tpu.memory_space<vmem>>
          %dma_wait3A_473 = tpu.memref_squeeze %dma_wait3A_472 : memref<1x120xi32, #tpu.memory_space<vmem>> -> memref<120xi32, #tpu.memory_space<vmem>>
          %dma_wait3A_474 = arith.constant 0 : i32
          %dma_wait3A_475 = arith.constant 0 : i32
          %dma_wait3A_476 = tpu.memref_slice %arg12[%dma_wait3A_474, %dma_wait3A_475] : memref<10112x128xf32, #tpu.memory_space<vmem_shared>> -> memref<10112x128xf32, #tpu.memory_space<vmem_shared>>
          tpu.wait_indirect_dma semaphore(%run_scoped3A_465 : memref<!tpu.dma_semaphore, #tpu.memory_space<semaphore_mem>>) src(%arg14 : memref<120x128xf32, #tpu.memory_space<vmem>>) dst(%dma_wait3A_476 : memref<10112x128xf32, #tpu.memory_space<vmem_shared>>)
          tpu.yield
        }) : () -> ()
        %run_scoped3A_464 = arith.constant 0 : i32
        "tpu.region"() ({
          %run_scoped3A_465 = tpu.sem_alloc : memref<!tpu.dma_semaphore, #tpu.memory_space<semaphore_mem>>
          %dma_start3A = arith.constant 0 : i32
          %dma_start3A_466 = tpu.memref_slice %arg10[%dma_start3A] : memref<128xf32, #tpu.memory_space<vmem>> -> memref<120xf32, #tpu.memory_space<vmem>>
          %dma_start3A_467 = arith.constant 0 : i32
          %dma_start3A_468 = tpu.memref_slice %arg9[%run_scoped3A_464, %dma_start3A_467] : memref<6x120xi32, #tpu.memory_space<vmem>> -> memref<1x120xi32, #tpu.memory_space<vmem>>
          %dma_start3A_469 = tpu.memref_squeeze %dma_start3A_468 : memref<1x120xi32, #tpu.memory_space<vmem>> -> memref<120xi32, #tpu.memory_space<vmem>>
          %dma_start3A_470 = arith.constant 0 : i32
          %dma_start3A_471 = tpu.memref_slice %arg13[%dma_start3A_470] : memref<10112xf32, #tpu.memory_space<vmem_shared>> -> memref<10112xf32, #tpu.memory_space<vmem_shared>>
          tpu.enqueue_indirect_dma source(%dma_start3A_466 : memref<120xf32, #tpu.memory_space<vmem>>) target(%dma_start3A_471 : memref<10112xf32, #tpu.memory_space<vmem_shared>>) offsets(%dma_start3A_469 : memref<120xi32, #tpu.memory_space<vmem>>) semaphore(%run_scoped3A_465 : memref<!tpu.dma_semaphore, #tpu.memory_space<semaphore_mem>>) {add = true}
          %dma_wait3A_472 = arith.constant 0 : i32
          %dma_wait3A_473 = tpu.memref_slice %arg10[%dma_wait3A_472] : memref<128xf32, #tpu.memory_space<vmem>> -> memref<120xf32, #tpu.memory_space<vmem>>
          %dma_wait3A_474 = arith.constant 0 : i32
          %dma_wait3A_475 = tpu.memref_slice %arg9[%run_scoped3A_464, %dma_wait3A_474] : memref<6x120xi32, #tpu.memory_space<vmem>> -> memref<1x120xi32, #tpu.memory_space<vmem>>
          %dma_wait3A_476 = tpu.memref_squeeze %dma_wait3A_475 : memref<1x120xi32, #tpu.memory_space<vmem>> -> memref<120xi32, #tpu.memory_space<vmem>>
          %dma_wait3A_477 = arith.constant 0 : i32
          %dma_wait3A_478 = tpu.memref_slice %arg13[%dma_wait3A_477] : memref<10112xf32, #tpu.memory_space<vmem_shared>> -> memref<10112xf32, #tpu.memory_space<vmem_shared>>
          tpu.wait_indirect_dma semaphore(%run_scoped3A_465 : memref<!tpu.dma_semaphore, #tpu.memory_space<semaphore_mem>>) src(%dma_wait3A_473 : memref<120xf32, #tpu.memory_space<vmem>>) dst(%dma_wait3A_478 : memref<10112xf32, #tpu.memory_space<vmem_shared>>)
          tpu.yield
        }) : () -> ()
      } else {
      }
      %add3A_356 = arith.constant 6 : i32
      %add3A_357 = arith.addi %add3A_352, %add3A_356 : i32
      %lt3A_358 = arith.cmpi slt, %add3A_357, %select_n3A : i32
      %convert_element_type3A_359 = arith.extui %lt3A_358 : i1 to i32
      %cond3A_360 = arith.constant 0 : i32
      %cond3A_361 = arith.cmpi ne, %convert_element_type3A_359, %cond3A_360 : i32
      scf.if %cond3A_361 {
        %add3A_458 = arith.constant 6 : i32
        %add3A_459 = arith.addi %add3A_352, %add3A_458 : i32
        %add3A_460 = arith.addi %select_n3A_8, %add3A_459 : i32
        %mul3A_461 = arith.constant 120 : i32
        %mul3A_462 = arith.muli %add3A_460, %mul3A_461 : i32
        %dma_start3A = arith.constant 0 : i32
        %dma_start3A_463 = arith.constant 0 : i32
        %dma_start3A_464 = tpu.memref_slice %arg8[%dma_start3A, %dma_start3A_463] : memref<6x120xi32, #tpu.memory_space<vmem>> -> memref<1x120xi32, #tpu.memory_space<vmem>>
        %dma_start3A_465 = tpu.memref_squeeze %dma_start3A_464 : memref<1x120xi32, #tpu.memory_space<vmem>> -> memref<120xi32, #tpu.memory_space<vmem>>
        %dma_start3A_466 = tpu.memref_slice %arg3[%mul3A_462] : memref<322560xi32, #tpu.memory_space<hbm>> -> memref<120xi32, #tpu.memory_space<hbm>>
        %dma_start3A_467 = arith.constant 0 : i32
        %dma_start3A_468 = tpu.memref_slice %arg8[%dma_start3A, %dma_start3A_467] : memref<6x120xi32, #tpu.memory_space<vmem>> -> memref<1x120xi32, #tpu.memory_space<vmem>>
        %dma_start3A_469 = tpu.memref_squeeze %dma_start3A_468 : memref<1x120xi32, #tpu.memory_space<vmem>> -> memref<120xi32, #tpu.memory_space<vmem>>
        %dma_start3A_470 = tpu.memref_slice %arg3[%mul3A_462] : memref<322560xi32, #tpu.memory_space<hbm>> -> memref<120xi32, #tpu.memory_space<hbm>>
        tpu.enqueue_dma source(%dma_start3A_470 : memref<120xi32, #tpu.memory_space<hbm>>) target(%dma_start3A_469 : memref<120xi32, #tpu.memory_space<vmem>>) target_semaphore(%arg20 : memref<!tpu.dma_semaphore, #tpu.memory_space<semaphore_mem>>)
        %dma_start3A_471 = arith.constant 0 : i32
        %dma_start3A_472 = arith.constant 0 : i32
        %dma_start3A_473 = tpu.memref_slice %arg9[%dma_start3A_471, %dma_start3A_472] : memref<6x120xi32, #tpu.memory_space<vmem>> -> memref<1x120xi32, #tpu.memory_space<vmem>>
        %dma_start3A_474 = tpu.memref_squeeze %dma_start3A_473 : memref<1x120xi32, #tpu.memory_space<vmem>> -> memref<120xi32, #tpu.memory_space<vmem>>
        %dma_start3A_475 = tpu.memref_slice %arg4[%mul3A_462] : memref<322560xi32, #tpu.memory_space<hbm>> -> memref<120xi32, #tpu.memory_space<hbm>>
        %dma_start3A_476 = arith.constant 0 : i32
        %dma_start3A_477 = tpu.memref_slice %arg9[%dma_start3A_471, %dma_start3A_476] : memref<6x120xi32, #tpu.memory_space<vmem>> -> memref<1x120xi32, #tpu.memory_space<vmem>>
        %dma_start3A_478 = tpu.memref_squeeze %dma_start3A_477 : memref<1x120xi32, #tpu.memory_space<vmem>> -> memref<120xi32, #tpu.memory_space<vmem>>
        %dma_start3A_479 = tpu.memref_slice %arg4[%mul3A_462] : memref<322560xi32, #tpu.memory_space<hbm>> -> memref<120xi32, #tpu.memory_space<hbm>>
        tpu.enqueue_dma source(%dma_start3A_479 : memref<120xi32, #tpu.memory_space<hbm>>) target(%dma_start3A_478 : memref<120xi32, #tpu.memory_space<vmem>>) target_semaphore(%arg20 : memref<!tpu.dma_semaphore, #tpu.memory_space<semaphore_mem>>)
      } else {
      }
      %add3A_362 = arith.constant 3 : i32
      %add3A_363 = arith.addi %add3A_352, %add3A_362 : i32
      %lt3A_364 = arith.cmpi slt, %add3A_363, %select_n3A : i32
      %convert_element_type3A_365 = arith.extui %lt3A_364 : i1 to i32
      %cond3A_366 = arith.constant 0 : i32
      %cond3A_367 = arith.cmpi ne, %convert_element_type3A_365, %cond3A_366 : i32
      scf.if %cond3A_367 {
        %dma_wait3A = arith.constant 3 : i32
        %dma_wait3A_458 = arith.constant 0 : i32
        %dma_wait3A_459 = tpu.memref_slice %arg8[%dma_wait3A, %dma_wait3A_458] : memref<6x120xi32, #tpu.memory_space<vmem>> -> memref<1x120xi32, #tpu.memory_space<vmem>>
        %dma_wait3A_460 = tpu.memref_squeeze %dma_wait3A_459 : memref<1x120xi32, #tpu.memory_space<vmem>> -> memref<120xi32, #tpu.memory_space<vmem>>
        %dma_wait3A_461 = arith.constant 0 : i32
        %dma_wait3A_462 = tpu.memref_slice %arg3[%dma_wait3A_461] : memref<322560xi32, #tpu.memory_space<hbm>> -> memref<120xi32, #tpu.memory_space<hbm>>
        %dma_wait3A_463 = arith.constant 0 : i32
        %dma_wait3A_464 = tpu.memref_slice %arg8[%dma_wait3A, %dma_wait3A_463] : memref<6x120xi32, #tpu.memory_space<vmem>> -> memref<1x120xi32, #tpu.memory_space<vmem>>
        %dma_wait3A_465 = tpu.memref_squeeze %dma_wait3A_464 : memref<1x120xi32, #tpu.memory_space<vmem>> -> memref<120xi32, #tpu.memory_space<vmem>>
        %dma_wait3A_466 = arith.constant 0 : i32
        %dma_wait3A_467 = tpu.memref_slice %arg3[%dma_wait3A_466] : memref<322560xi32, #tpu.memory_space<hbm>> -> memref<120xi32, #tpu.memory_space<hbm>>
        tpu.wait_dma2 semaphore(%arg23 : memref<!tpu.dma_semaphore, #tpu.memory_space<semaphore_mem>>) src(%dma_wait3A_467 : memref<120xi32, #tpu.memory_space<hbm>>) dst(%dma_wait3A_465 : memref<120xi32, #tpu.memory_space<vmem>>)
        %dma_wait3A_468 = arith.constant 3 : i32
        %dma_wait3A_469 = arith.constant 0 : i32
        %dma_wait3A_470 = tpu.memref_slice %arg9[%dma_wait3A_468, %dma_wait3A_469] : memref<6x120xi32, #tpu.memory_space<vmem>> -> memref<1x120xi32, #tpu.memory_space<vmem>>
        %dma_wait3A_471 = tpu.memref_squeeze %dma_wait3A_470 : memref<1x120xi32, #tpu.memory_space<vmem>> -> memref<120xi32, #tpu.memory_space<vmem>>
        %dma_wait3A_472 = arith.constant 0 : i32
        %dma_wait3A_473 = tpu.memref_slice %arg4[%dma_wait3A_472] : memref<322560xi32, #tpu.memory_space<hbm>> -> memref<120xi32, #tpu.memory_space<hbm>>
        %dma_wait3A_474 = arith.constant 0 : i32
        %dma_wait3A_475 = tpu.memref_slice %arg9[%dma_wait3A_468, %dma_wait3A_474] : memref<6x120xi32, #tpu.memory_space<vmem>> -> memref<1x120xi32, #tpu.memory_space<vmem>>
        %dma_wait3A_476 = tpu.memref_squeeze %dma_wait3A_475 : memref<1x120xi32, #tpu.memory_space<vmem>> -> memref<120xi32, #tpu.memory_space<vmem>>
        %dma_wait3A_477 = arith.constant 0 : i32
        %dma_wait3A_478 = tpu.memref_slice %arg4[%dma_wait3A_477] : memref<322560xi32, #tpu.memory_space<hbm>> -> memref<120xi32, #tpu.memory_space<hbm>>
        tpu.wait_dma2 semaphore(%arg23 : memref<!tpu.dma_semaphore, #tpu.memory_space<semaphore_mem>>) src(%dma_wait3A_478 : memref<120xi32, #tpu.memory_space<hbm>>) dst(%dma_wait3A_476 : memref<120xi32, #tpu.memory_space<vmem>>)
        %dma_start3A = arith.constant 3 : i32
        %dma_start3A_479 = arith.constant 0 : i32
        %dma_start3A_480 = tpu.memref_slice %arg8[%dma_start3A, %dma_start3A_479] : memref<6x120xi32, #tpu.memory_space<vmem>> -> memref<1x120xi32, #tpu.memory_space<vmem>>
        %dma_start3A_481 = tpu.memref_squeeze %dma_start3A_480 : memref<1x120xi32, #tpu.memory_space<vmem>> -> memref<120xi32, #tpu.memory_space<vmem>>
        %dma_start3A_482 = arith.constant 0 : i32
        %dma_start3A_483 = arith.constant 0 : i32
        %dma_start3A_484 = tpu.memref_slice %arg2[%dma_start3A_482, %dma_start3A_483] : memref<10000x128xf32, #tpu.memory_space<hbm>> -> memref<10000x128xf32, #tpu.memory_space<hbm>>
        tpu.enqueue_indirect_dma source(%dma_start3A_484 : memref<10000x128xf32, #tpu.memory_space<hbm>>) target(%arg14 : memref<120x128xf32, #tpu.memory_space<vmem>>) offsets(%dma_start3A_481 : memref<120xi32, #tpu.memory_space<vmem>>) semaphore(%arg17 : memref<!tpu.dma_semaphore, #tpu.memory_space<semaphore_mem>>)
      } else {
      }
      %add3A_368 = arith.constant 1 : i32
      %add3A_369 = arith.addi %mul3A_350, %add3A_368 : i32
      %lt3A_370 = arith.cmpi slt, %add3A_369, %select_n3A : i32
      %convert_element_type3A_371 = arith.extui %lt3A_370 : i1 to i32
      %cond3A_372 = arith.constant 0 : i32
      %cond3A_373 = arith.cmpi ne, %convert_element_type3A_371, %cond3A_372 : i32
      scf.if %cond3A_373 {
        %dma_wait3A = arith.constant 1 : i32
        %dma_wait3A_458 = arith.constant 0 : i32
        %dma_wait3A_459 = tpu.memref_slice %arg8[%dma_wait3A, %dma_wait3A_458] : memref<6x120xi32, #tpu.memory_space<vmem>> -> memref<1x120xi32, #tpu.memory_space<vmem>>
        %dma_wait3A_460 = tpu.memref_squeeze %dma_wait3A_459 : memref<1x120xi32, #tpu.memory_space<vmem>> -> memref<120xi32, #tpu.memory_space<vmem>>
        %dma_wait3A_461 = arith.constant 0 : i32
        %dma_wait3A_462 = arith.constant 0 : i32
        %dma_wait3A_463 = tpu.memref_slice %arg2[%dma_wait3A_461, %dma_wait3A_462] : memref<10000x128xf32, #tpu.memory_space<hbm>> -> memref<10000x128xf32, #tpu.memory_space<hbm>>
        tpu.wait_indirect_dma semaphore(%arg18 : memref<!tpu.dma_semaphore, #tpu.memory_space<semaphore_mem>>) src(%dma_wait3A_463 : memref<10000x128xf32, #tpu.memory_space<hbm>>) dst(%arg15 : memref<120x128xf32, #tpu.memory_space<vmem>>)
        %run_scoped3A = arith.constant 1 : i32
        "tpu.region"() ({
          %run_scoped3A_465 = tpu.sem_alloc : memref<!tpu.dma_semaphore, #tpu.memory_space<semaphore_mem>>
          %dma_start3A = arith.constant 0 : i32
          %dma_start3A_466 = tpu.memref_slice %arg9[%run_scoped3A, %dma_start3A] : memref<6x120xi32, #tpu.memory_space<vmem>> -> memref<1x120xi32, #tpu.memory_space<vmem>>
          %dma_start3A_467 = tpu.memref_squeeze %dma_start3A_466 : memref<1x120xi32, #tpu.memory_space<vmem>> -> memref<120xi32, #tpu.memory_space<vmem>>
          %dma_start3A_468 = arith.constant 0 : i32
          %dma_start3A_469 = arith.constant 0 : i32
          %dma_start3A_470 = tpu.memref_slice %arg12[%dma_start3A_468, %dma_start3A_469] : memref<10112x128xf32, #tpu.memory_space<vmem_shared>> -> memref<10112x128xf32, #tpu.memory_space<vmem_shared>>
          tpu.enqueue_indirect_dma source(%arg15 : memref<120x128xf32, #tpu.memory_space<vmem>>) target(%dma_start3A_470 : memref<10112x128xf32, #tpu.memory_space<vmem_shared>>) offsets(%dma_start3A_467 : memref<120xi32, #tpu.memory_space<vmem>>) semaphore(%run_scoped3A_465 : memref<!tpu.dma_semaphore, #tpu.memory_space<semaphore_mem>>) {add = true}
          %dma_wait3A_471 = arith.constant 0 : i32
          %dma_wait3A_472 = tpu.memref_slice %arg9[%run_scoped3A, %dma_wait3A_471] : memref<6x120xi32, #tpu.memory_space<vmem>> -> memref<1x120xi32, #tpu.memory_space<vmem>>
          %dma_wait3A_473 = tpu.memref_squeeze %dma_wait3A_472 : memref<1x120xi32, #tpu.memory_space<vmem>> -> memref<120xi32, #tpu.memory_space<vmem>>
          %dma_wait3A_474 = arith.constant 0 : i32
          %dma_wait3A_475 = arith.constant 0 : i32
          %dma_wait3A_476 = tpu.memref_slice %arg12[%dma_wait3A_474, %dma_wait3A_475] : memref<10112x128xf32, #tpu.memory_space<vmem_shared>> -> memref<10112x128xf32, #tpu.memory_space<vmem_shared>>
          tpu.wait_indirect_dma semaphore(%run_scoped3A_465 : memref<!tpu.dma_semaphore, #tpu.memory_space<semaphore_mem>>) src(%arg15 : memref<120x128xf32, #tpu.memory_space<vmem>>) dst(%dma_wait3A_476 : memref<10112x128xf32, #tpu.memory_space<vmem_shared>>)
          tpu.yield
        }) : () -> ()
        %run_scoped3A_464 = arith.constant 1 : i32
        "tpu.region"() ({
          %run_scoped3A_465 = tpu.sem_alloc : memref<!tpu.dma_semaphore, #tpu.memory_space<semaphore_mem>>
          %dma_start3A = arith.constant 0 : i32
          %dma_start3A_466 = tpu.memref_slice %arg10[%dma_start3A] : memref<128xf32, #tpu.memory_space<vmem>> -> memref<120xf32, #tpu.memory_space<vmem>>
          %dma_start3A_467 = arith.constant 0 : i32
          %dma_start3A_468 = tpu.memref_slice %arg9[%run_scoped3A_464, %dma_start3A_467] : memref<6x120xi32, #tpu.memory_space<vmem>> -> memref<1x120xi32, #tpu.memory_space<vmem>>
          %dma_start3A_469 = tpu.memref_squeeze %dma_start3A_468 : memref<1x120xi32, #tpu.memory_space<vmem>> -> memref<120xi32, #tpu.memory_space<vmem>>
          %dma_start3A_470 = arith.constant 0 : i32
          %dma_start3A_471 = tpu.memref_slice %arg13[%dma_start3A_470] : memref<10112xf32, #tpu.memory_space<vmem_shared>> -> memref<10112xf32, #tpu.memory_space<vmem_shared>>
          tpu.enqueue_indirect_dma source(%dma_start3A_466 : memref<120xf32, #tpu.memory_space<vmem>>) target(%dma_start3A_471 : memref<10112xf32, #tpu.memory_space<vmem_shared>>) offsets(%dma_start3A_469 : memref<120xi32, #tpu.memory_space<vmem>>) semaphore(%run_scoped3A_465 : memref<!tpu.dma_semaphore, #tpu.memory_space<semaphore_mem>>) {add = true}
          %dma_wait3A_472 = arith.constant 0 : i32
          %dma_wait3A_473 = tpu.memref_slice %arg10[%dma_wait3A_472] : memref<128xf32, #tpu.memory_space<vmem>> -> memref<120xf32, #tpu.memory_space<vmem>>
          %dma_wait3A_474 = arith.constant 0 : i32
          %dma_wait3A_475 = tpu.memref_slice %arg9[%run_scoped3A_464, %dma_wait3A_474] : memref<6x120xi32, #tpu.memory_space<vmem>> -> memref<1x120xi32, #tpu.memory_space<vmem>>
          %dma_wait3A_476 = tpu.memref_squeeze %dma_wait3A_475 : memref<1x120xi32, #tpu.memory_space<vmem>> -> memref<120xi32, #tpu.memory_space<vmem>>
          %dma_wait3A_477 = arith.constant 0 : i32
          %dma_wait3A_478 = tpu.memref_slice %arg13[%dma_wait3A_477] : memref<10112xf32, #tpu.memory_space<vmem_shared>> -> memref<10112xf32, #tpu.memory_space<vmem_shared>>
          tpu.wait_indirect_dma semaphore(%run_scoped3A_465 : memref<!tpu.dma_semaphore, #tpu.memory_space<semaphore_mem>>) src(%dma_wait3A_473 : memref<120xf32, #tpu.memory_space<vmem>>) dst(%dma_wait3A_478 : memref<10112xf32, #tpu.memory_space<vmem_shared>>)
          tpu.yield
        }) : () -> ()
      } else {
      }
      %add3A_374 = arith.constant 6 : i32
      %add3A_375 = arith.addi %add3A_369, %add3A_374 : i32
      %lt3A_376 = arith.cmpi slt, %add3A_375, %select_n3A : i32
      %convert_element_type3A_377 = arith.extui %lt3A_376 : i1 to i32
      %cond3A_378 = arith.constant 0 : i32
      %cond3A_379 = arith.cmpi ne, %convert_element_type3A_377, %cond3A_378 : i32
      scf.if %cond3A_379 {
        %add3A_458 = arith.constant 6 : i32
        %add3A_459 = arith.addi %add3A_369, %add3A_458 : i32
        %add3A_460 = arith.addi %select_n3A_8, %add3A_459 : i32
        %mul3A_461 = arith.constant 120 : i32
        %mul3A_462 = arith.muli %add3A_460, %mul3A_461 : i32
        %dma_start3A = arith.constant 1 : i32
        %dma_start3A_463 = arith.constant 0 : i32
        %dma_start3A_464 = tpu.memref_slice %arg8[%dma_start3A, %dma_start3A_463] : memref<6x120xi32, #tpu.memory_space<vmem>> -> memref<1x120xi32, #tpu.memory_space<vmem>>
        %dma_start3A_465 = tpu.memref_squeeze %dma_start3A_464 : memref<1x120xi32, #tpu.memory_space<vmem>> -> memref<120xi32, #tpu.memory_space<vmem>>
        %dma_start3A_466 = tpu.memref_slice %arg3[%mul3A_462] : memref<322560xi32, #tpu.memory_space<hbm>> -> memref<120xi32, #tpu.memory_space<hbm>>
        %dma_start3A_467 = arith.constant 0 : i32
        %dma_start3A_468 = tpu.memref_slice %arg8[%dma_start3A, %dma_start3A_467] : memref<6x120xi32, #tpu.memory_space<vmem>> -> memref<1x120xi32, #tpu.memory_space<vmem>>
        %dma_start3A_469 = tpu.memref_squeeze %dma_start3A_468 : memref<1x120xi32, #tpu.memory_space<vmem>> -> memref<120xi32, #tpu.memory_space<vmem>>
        %dma_start3A_470 = tpu.memref_slice %arg3[%mul3A_462] : memref<322560xi32, #tpu.memory_space<hbm>> -> memref<120xi32, #tpu.memory_space<hbm>>
        tpu.enqueue_dma source(%dma_start3A_470 : memref<120xi32, #tpu.memory_space<hbm>>) target(%dma_start3A_469 : memref<120xi32, #tpu.memory_space<vmem>>) target_semaphore(%arg21 : memref<!tpu.dma_semaphore, #tpu.memory_space<semaphore_mem>>)
        %dma_start3A_471 = arith.constant 1 : i32
        %dma_start3A_472 = arith.constant 0 : i32
        %dma_start3A_473 = tpu.memref_slice %arg9[%dma_start3A_471, %dma_start3A_472] : memref<6x120xi32, #tpu.memory_space<vmem>> -> memref<1x120xi32, #tpu.memory_space<vmem>>
        %dma_start3A_474 = tpu.memref_squeeze %dma_start3A_473 : memref<1x120xi32, #tpu.memory_space<vmem>> -> memref<120xi32, #tpu.memory_space<vmem>>
        %dma_start3A_475 = tpu.memref_slice %arg4[%mul3A_462] : memref<322560xi32, #tpu.memory_space<hbm>> -> memref<120xi32, #tpu.memory_space<hbm>>
        %dma_start3A_476 = arith.constant 0 : i32
        %dma_start3A_477 = tpu.memref_slice %arg9[%dma_start3A_471, %dma_start3A_476] : memref<6x120xi32, #tpu.memory_space<vmem>> -> memref<1x120xi32, #tpu.memory_space<vmem>>
        %dma_start3A_478 = tpu.memref_squeeze %dma_start3A_477 : memref<1x120xi32, #tpu.memory_space<vmem>> -> memref<120xi32, #tpu.memory_space<vmem>>
        %dma_start3A_479 = tpu.memref_slice %arg4[%mul3A_462] : memref<322560xi32, #tpu.memory_space<hbm>> -> memref<120xi32, #tpu.memory_space<hbm>>
        tpu.enqueue_dma source(%dma_start3A_479 : memref<120xi32, #tpu.memory_space<hbm>>) target(%dma_start3A_478 : memref<120xi32, #tpu.memory_space<vmem>>) target_semaphore(%arg21 : memref<!tpu.dma_semaphore, #tpu.memory_space<semaphore_mem>>)
      } else {
      }
      %add3A_380 = arith.constant 3 : i32
      %add3A_381 = arith.addi %add3A_369, %add3A_380 : i32
      %lt3A_382 = arith.cmpi slt, %add3A_381, %select_n3A : i32
      %convert_element_type3A_383 = arith.extui %lt3A_382 : i1 to i32
      %cond3A_384 = arith.constant 0 : i32
      %cond3A_385 = arith.cmpi ne, %convert_element_type3A_383, %cond3A_384 : i32
      scf.if %cond3A_385 {
        %dma_wait3A = arith.constant 4 : i32
        %dma_wait3A_458 = arith.constant 0 : i32
        %dma_wait3A_459 = tpu.memref_slice %arg8[%dma_wait3A, %dma_wait3A_458] : memref<6x120xi32, #tpu.memory_space<vmem>> -> memref<1x120xi32, #tpu.memory_space<vmem>>
        %dma_wait3A_460 = tpu.memref_squeeze %dma_wait3A_459 : memref<1x120xi32, #tpu.memory_space<vmem>> -> memref<120xi32, #tpu.memory_space<vmem>>
        %dma_wait3A_461 = arith.constant 0 : i32
        %dma_wait3A_462 = tpu.memref_slice %arg3[%dma_wait3A_461] : memref<322560xi32, #tpu.memory_space<hbm>> -> memref<120xi32, #tpu.memory_space<hbm>>
        %dma_wait3A_463 = arith.constant 0 : i32
        %dma_wait3A_464 = tpu.memref_slice %arg8[%dma_wait3A, %dma_wait3A_463] : memref<6x120xi32, #tpu.memory_space<vmem>> -> memref<1x120xi32, #tpu.memory_space<vmem>>
        %dma_wait3A_465 = tpu.memref_squeeze %dma_wait3A_464 : memref<1x120xi32, #tpu.memory_space<vmem>> -> memref<120xi32, #tpu.memory_space<vmem>>
        %dma_wait3A_466 = arith.constant 0 : i32
        %dma_wait3A_467 = tpu.memref_slice %arg3[%dma_wait3A_466] : memref<322560xi32, #tpu.memory_space<hbm>> -> memref<120xi32, #tpu.memory_space<hbm>>
        tpu.wait_dma2 semaphore(%arg24 : memref<!tpu.dma_semaphore, #tpu.memory_space<semaphore_mem>>) src(%dma_wait3A_467 : memref<120xi32, #tpu.memory_space<hbm>>) dst(%dma_wait3A_465 : memref<120xi32, #tpu.memory_space<vmem>>)
        %dma_wait3A_468 = arith.constant 4 : i32
        %dma_wait3A_469 = arith.constant 0 : i32
        %dma_wait3A_470 = tpu.memref_slice %arg9[%dma_wait3A_468, %dma_wait3A_469] : memref<6x120xi32, #tpu.memory_space<vmem>> -> memref<1x120xi32, #tpu.memory_space<vmem>>
        %dma_wait3A_471 = tpu.memref_squeeze %dma_wait3A_470 : memref<1x120xi32, #tpu.memory_space<vmem>> -> memref<120xi32, #tpu.memory_space<vmem>>
        %dma_wait3A_472 = arith.constant 0 : i32
        %dma_wait3A_473 = tpu.memref_slice %arg4[%dma_wait3A_472] : memref<322560xi32, #tpu.memory_space<hbm>> -> memref<120xi32, #tpu.memory_space<hbm>>
        %dma_wait3A_474 = arith.constant 0 : i32
        %dma_wait3A_475 = tpu.memref_slice %arg9[%dma_wait3A_468, %dma_wait3A_474] : memref<6x120xi32, #tpu.memory_space<vmem>> -> memref<1x120xi32, #tpu.memory_space<vmem>>
        %dma_wait3A_476 = tpu.memref_squeeze %dma_wait3A_475 : memref<1x120xi32, #tpu.memory_space<vmem>> -> memref<120xi32, #tpu.memory_space<vmem>>
        %dma_wait3A_477 = arith.constant 0 : i32
        %dma_wait3A_478 = tpu.memref_slice %arg4[%dma_wait3A_477] : memref<322560xi32, #tpu.memory_space<hbm>> -> memref<120xi32, #tpu.memory_space<hbm>>
        tpu.wait_dma2 semaphore(%arg24 : memref<!tpu.dma_semaphore, #tpu.memory_space<semaphore_mem>>) src(%dma_wait3A_478 : memref<120xi32, #tpu.memory_space<hbm>>) dst(%dma_wait3A_476 : memref<120xi32, #tpu.memory_space<vmem>>)
        %dma_start3A = arith.constant 4 : i32
        %dma_start3A_479 = arith.constant 0 : i32
        %dma_start3A_480 = tpu.memref_slice %arg8[%dma_start3A, %dma_start3A_479] : memref<6x120xi32, #tpu.memory_space<vmem>> -> memref<1x120xi32, #tpu.memory_space<vmem>>
        %dma_start3A_481 = tpu.memref_squeeze %dma_start3A_480 : memref<1x120xi32, #tpu.memory_space<vmem>> -> memref<120xi32, #tpu.memory_space<vmem>>
        %dma_start3A_482 = arith.constant 0 : i32
        %dma_start3A_483 = arith.constant 0 : i32
        %dma_start3A_484 = tpu.memref_slice %arg2[%dma_start3A_482, %dma_start3A_483] : memref<10000x128xf32, #tpu.memory_space<hbm>> -> memref<10000x128xf32, #tpu.memory_space<hbm>>
        tpu.enqueue_indirect_dma source(%dma_start3A_484 : memref<10000x128xf32, #tpu.memory_space<hbm>>) target(%arg15 : memref<120x128xf32, #tpu.memory_space<vmem>>) offsets(%dma_start3A_481 : memref<120xi32, #tpu.memory_space<vmem>>) semaphore(%arg18 : memref<!tpu.dma_semaphore, #tpu.memory_space<semaphore_mem>>)
      } else {
      }
      %add3A_386 = arith.constant 2 : i32
      %add3A_387 = arith.addi %mul3A_350, %add3A_386 : i32
      %lt3A_388 = arith.cmpi slt, %add3A_387, %select_n3A : i32
      %convert_element_type3A_389 = arith.extui %lt3A_388 : i1 to i32
      %cond3A_390 = arith.constant 0 : i32
      %cond3A_391 = arith.cmpi ne, %convert_element_type3A_389, %cond3A_390 : i32
      scf.if %cond3A_391 {
        %dma_wait3A = arith.constant 2 : i32
        %dma_wait3A_458 = arith.constant 0 : i32
        %dma_wait3A_459 = tpu.memref_slice %arg8[%dma_wait3A, %dma_wait3A_458] : memref<6x120xi32, #tpu.memory_space<vmem>> -> memref<1x120xi32, #tpu.memory_space<vmem>>
        %dma_wait3A_460 = tpu.memref_squeeze %dma_wait3A_459 : memref<1x120xi32, #tpu.memory_space<vmem>> -> memref<120xi32, #tpu.memory_space<vmem>>
        %dma_wait3A_461 = arith.constant 0 : i32
        %dma_wait3A_462 = arith.constant 0 : i32
        %dma_wait3A_463 = tpu.memref_slice %arg2[%dma_wait3A_461, %dma_wait3A_462] : memref<10000x128xf32, #tpu.memory_space<hbm>> -> memref<10000x128xf32, #tpu.memory_space<hbm>>
        tpu.wait_indirect_dma semaphore(%arg19 : memref<!tpu.dma_semaphore, #tpu.memory_space<semaphore_mem>>) src(%dma_wait3A_463 : memref<10000x128xf32, #tpu.memory_space<hbm>>) dst(%arg16 : memref<120x128xf32, #tpu.memory_space<vmem>>)
        %run_scoped3A = arith.constant 2 : i32
        "tpu.region"() ({
          %run_scoped3A_465 = tpu.sem_alloc : memref<!tpu.dma_semaphore, #tpu.memory_space<semaphore_mem>>
          %dma_start3A = arith.constant 0 : i32
          %dma_start3A_466 = tpu.memref_slice %arg9[%run_scoped3A, %dma_start3A] : memref<6x120xi32, #tpu.memory_space<vmem>> -> memref<1x120xi32, #tpu.memory_space<vmem>>
          %dma_start3A_467 = tpu.memref_squeeze %dma_start3A_466 : memref<1x120xi32, #tpu.memory_space<vmem>> -> memref<120xi32, #tpu.memory_space<vmem>>
          %dma_start3A_468 = arith.constant 0 : i32
          %dma_start3A_469 = arith.constant 0 : i32
          %dma_start3A_470 = tpu.memref_slice %arg12[%dma_start3A_468, %dma_start3A_469] : memref<10112x128xf32, #tpu.memory_space<vmem_shared>> -> memref<10112x128xf32, #tpu.memory_space<vmem_shared>>
          tpu.enqueue_indirect_dma source(%arg16 : memref<120x128xf32, #tpu.memory_space<vmem>>) target(%dma_start3A_470 : memref<10112x128xf32, #tpu.memory_space<vmem_shared>>) offsets(%dma_start3A_467 : memref<120xi32, #tpu.memory_space<vmem>>) semaphore(%run_scoped3A_465 : memref<!tpu.dma_semaphore, #tpu.memory_space<semaphore_mem>>) {add = true}
          %dma_wait3A_471 = arith.constant 0 : i32
          %dma_wait3A_472 = tpu.memref_slice %arg9[%run_scoped3A, %dma_wait3A_471] : memref<6x120xi32, #tpu.memory_space<vmem>> -> memref<1x120xi32, #tpu.memory_space<vmem>>
          %dma_wait3A_473 = tpu.memref_squeeze %dma_wait3A_472 : memref<1x120xi32, #tpu.memory_space<vmem>> -> memref<120xi32, #tpu.memory_space<vmem>>
          %dma_wait3A_474 = arith.constant 0 : i32
          %dma_wait3A_475 = arith.constant 0 : i32
          %dma_wait3A_476 = tpu.memref_slice %arg12[%dma_wait3A_474, %dma_wait3A_475] : memref<10112x128xf32, #tpu.memory_space<vmem_shared>> -> memref<10112x128xf32, #tpu.memory_space<vmem_shared>>
          tpu.wait_indirect_dma semaphore(%run_scoped3A_465 : memref<!tpu.dma_semaphore, #tpu.memory_space<semaphore_mem>>) src(%arg16 : memref<120x128xf32, #tpu.memory_space<vmem>>) dst(%dma_wait3A_476 : memref<10112x128xf32, #tpu.memory_space<vmem_shared>>)
          tpu.yield
        }) : () -> ()
        %run_scoped3A_464 = arith.constant 2 : i32
        "tpu.region"() ({
          %run_scoped3A_465 = tpu.sem_alloc : memref<!tpu.dma_semaphore, #tpu.memory_space<semaphore_mem>>
          %dma_start3A = arith.constant 0 : i32
          %dma_start3A_466 = tpu.memref_slice %arg10[%dma_start3A] : memref<128xf32, #tpu.memory_space<vmem>> -> memref<120xf32, #tpu.memory_space<vmem>>
          %dma_start3A_467 = arith.constant 0 : i32
          %dma_start3A_468 = tpu.memref_slice %arg9[%run_scoped3A_464, %dma_start3A_467] : memref<6x120xi32, #tpu.memory_space<vmem>> -> memref<1x120xi32, #tpu.memory_space<vmem>>
          %dma_start3A_469 = tpu.memref_squeeze %dma_start3A_468 : memref<1x120xi32, #tpu.memory_space<vmem>> -> memref<120xi32, #tpu.memory_space<vmem>>
          %dma_start3A_470 = arith.constant 0 : i32
          %dma_start3A_471 = tpu.memref_slice %arg13[%dma_start3A_470] : memref<10112xf32, #tpu.memory_space<vmem_shared>> -> memref<10112xf32, #tpu.memory_space<vmem_shared>>
          tpu.enqueue_indirect_dma source(%dma_start3A_466 : memref<120xf32, #tpu.memory_space<vmem>>) target(%dma_start3A_471 : memref<10112xf32, #tpu.memory_space<vmem_shared>>) offsets(%dma_start3A_469 : memref<120xi32, #tpu.memory_space<vmem>>) semaphore(%run_scoped3A_465 : memref<!tpu.dma_semaphore, #tpu.memory_space<semaphore_mem>>) {add = true}
          %dma_wait3A_472 = arith.constant 0 : i32
          %dma_wait3A_473 = tpu.memref_slice %arg10[%dma_wait3A_472] : memref<128xf32, #tpu.memory_space<vmem>> -> memref<120xf32, #tpu.memory_space<vmem>>
          %dma_wait3A_474 = arith.constant 0 : i32
          %dma_wait3A_475 = tpu.memref_slice %arg9[%run_scoped3A_464, %dma_wait3A_474] : memref<6x120xi32, #tpu.memory_space<vmem>> -> memref<1x120xi32, #tpu.memory_space<vmem>>
          %dma_wait3A_476 = tpu.memref_squeeze %dma_wait3A_475 : memref<1x120xi32, #tpu.memory_space<vmem>> -> memref<120xi32, #tpu.memory_space<vmem>>
          %dma_wait3A_477 = arith.constant 0 : i32
          %dma_wait3A_478 = tpu.memref_slice %arg13[%dma_wait3A_477] : memref<10112xf32, #tpu.memory_space<vmem_shared>> -> memref<10112xf32, #tpu.memory_space<vmem_shared>>
          tpu.wait_indirect_dma semaphore(%run_scoped3A_465 : memref<!tpu.dma_semaphore, #tpu.memory_space<semaphore_mem>>) src(%dma_wait3A_473 : memref<120xf32, #tpu.memory_space<vmem>>) dst(%dma_wait3A_478 : memref<10112xf32, #tpu.memory_space<vmem_shared>>)
          tpu.yield
        }) : () -> ()
      } else {
      }
      %add3A_392 = arith.constant 6 : i32
      %add3A_393 = arith.addi %add3A_387, %add3A_392 : i32
      %lt3A_394 = arith.cmpi slt, %add3A_393, %select_n3A : i32
      %convert_element_type3A_395 = arith.extui %lt3A_394 : i1 to i32
      %cond3A_396 = arith.constant 0 : i32
      %cond3A_397 = arith.cmpi ne, %convert_element_type3A_395, %cond3A_396 : i32
      scf.if %cond3A_397 {
        %add3A_458 = arith.constant 6 : i32
        %add3A_459 = arith.addi %add3A_387, %add3A_458 : i32
        %add3A_460 = arith.addi %select_n3A_8, %add3A_459 : i32
        %mul3A_461 = arith.constant 120 : i32
        %mul3A_462 = arith.muli %add3A_460, %mul3A_461 : i32
        %dma_start3A = arith.constant 2 : i32
        %dma_start3A_463 = arith.constant 0 : i32
        %dma_start3A_464 = tpu.memref_slice %arg8[%dma_start3A, %dma_start3A_463] : memref<6x120xi32, #tpu.memory_space<vmem>> -> memref<1x120xi32, #tpu.memory_space<vmem>>
        %dma_start3A_465 = tpu.memref_squeeze %dma_start3A_464 : memref<1x120xi32, #tpu.memory_space<vmem>> -> memref<120xi32, #tpu.memory_space<vmem>>
        %dma_start3A_466 = tpu.memref_slice %arg3[%mul3A_462] : memref<322560xi32, #tpu.memory_space<hbm>> -> memref<120xi32, #tpu.memory_space<hbm>>
        %dma_start3A_467 = arith.constant 0 : i32
        %dma_start3A_468 = tpu.memref_slice %arg8[%dma_start3A, %dma_start3A_467] : memref<6x120xi32, #tpu.memory_space<vmem>> -> memref<1x120xi32, #tpu.memory_space<vmem>>
        %dma_start3A_469 = tpu.memref_squeeze %dma_start3A_468 : memref<1x120xi32, #tpu.memory_space<vmem>> -> memref<120xi32, #tpu.memory_space<vmem>>
        %dma_start3A_470 = tpu.memref_slice %arg3[%mul3A_462] : memref<322560xi32, #tpu.memory_space<hbm>> -> memref<120xi32, #tpu.memory_space<hbm>>
        tpu.enqueue_dma source(%dma_start3A_470 : memref<120xi32, #tpu.memory_space<hbm>>) target(%dma_start3A_469 : memref<120xi32, #tpu.memory_space<vmem>>) target_semaphore(%arg22 : memref<!tpu.dma_semaphore, #tpu.memory_space<semaphore_mem>>)
        %dma_start3A_471 = arith.constant 2 : i32
        %dma_start3A_472 = arith.constant 0 : i32
        %dma_start3A_473 = tpu.memref_slice %arg9[%dma_start3A_471, %dma_start3A_472] : memref<6x120xi32, #tpu.memory_space<vmem>> -> memref<1x120xi32, #tpu.memory_space<vmem>>
        %dma_start3A_474 = tpu.memref_squeeze %dma_start3A_473 : memref<1x120xi32, #tpu.memory_space<vmem>> -> memref<120xi32, #tpu.memory_space<vmem>>
        %dma_start3A_475 = tpu.memref_slice %arg4[%mul3A_462] : memref<322560xi32, #tpu.memory_space<hbm>> -> memref<120xi32, #tpu.memory_space<hbm>>
        %dma_start3A_476 = arith.constant 0 : i32
        %dma_start3A_477 = tpu.memref_slice %arg9[%dma_start3A_471, %dma_start3A_476] : memref<6x120xi32, #tpu.memory_space<vmem>> -> memref<1x120xi32, #tpu.memory_space<vmem>>
        %dma_start3A_478 = tpu.memref_squeeze %dma_start3A_477 : memref<1x120xi32, #tpu.memory_space<vmem>> -> memref<120xi32, #tpu.memory_space<vmem>>
        %dma_start3A_479 = tpu.memref_slice %arg4[%mul3A_462] : memref<322560xi32, #tpu.memory_space<hbm>> -> memref<120xi32, #tpu.memory_space<hbm>>
        tpu.enqueue_dma source(%dma_start3A_479 : memref<120xi32, #tpu.memory_space<hbm>>) target(%dma_start3A_478 : memref<120xi32, #tpu.memory_space<vmem>>) target_semaphore(%arg22 : memref<!tpu.dma_semaphore, #tpu.memory_space<semaphore_mem>>)
      } else {
      }
      %add3A_398 = arith.constant 3 : i32
      %add3A_399 = arith.addi %add3A_387, %add3A_398 : i32
      %lt3A_400 = arith.cmpi slt, %add3A_399, %select_n3A : i32
      %convert_element_type3A_401 = arith.extui %lt3A_400 : i1 to i32
      %cond3A_402 = arith.constant 0 : i32
      %cond3A_403 = arith.cmpi ne, %convert_element_type3A_401, %cond3A_402 : i32
      scf.if %cond3A_403 {
        %dma_wait3A = arith.constant 5 : i32
        %dma_wait3A_458 = arith.constant 0 : i32
        %dma_wait3A_459 = tpu.memref_slice %arg8[%dma_wait3A, %dma_wait3A_458] : memref<6x120xi32, #tpu.memory_space<vmem>> -> memref<1x120xi32, #tpu.memory_space<vmem>>
        %dma_wait3A_460 = tpu.memref_squeeze %dma_wait3A_459 : memref<1x120xi32, #tpu.memory_space<vmem>> -> memref<120xi32, #tpu.memory_space<vmem>>
        %dma_wait3A_461 = arith.constant 0 : i32
        %dma_wait3A_462 = tpu.memref_slice %arg3[%dma_wait3A_461] : memref<322560xi32, #tpu.memory_space<hbm>> -> memref<120xi32, #tpu.memory_space<hbm>>
        %dma_wait3A_463 = arith.constant 0 : i32
        %dma_wait3A_464 = tpu.memref_slice %arg8[%dma_wait3A, %dma_wait3A_463] : memref<6x120xi32, #tpu.memory_space<vmem>> -> memref<1x120xi32, #tpu.memory_space<vmem>>
        %dma_wait3A_465 = tpu.memref_squeeze %dma_wait3A_464 : memref<1x120xi32, #tpu.memory_space<vmem>> -> memref<120xi32, #tpu.memory_space<vmem>>
        %dma_wait3A_466 = arith.constant 0 : i32
        %dma_wait3A_467 = tpu.memref_slice %arg3[%dma_wait3A_466] : memref<322560xi32, #tpu.memory_space<hbm>> -> memref<120xi32, #tpu.memory_space<hbm>>
        tpu.wait_dma2 semaphore(%arg25 : memref<!tpu.dma_semaphore, #tpu.memory_space<semaphore_mem>>) src(%dma_wait3A_467 : memref<120xi32, #tpu.memory_space<hbm>>) dst(%dma_wait3A_465 : memref<120xi32, #tpu.memory_space<vmem>>)
        %dma_wait3A_468 = arith.constant 5 : i32
        %dma_wait3A_469 = arith.constant 0 : i32
        %dma_wait3A_470 = tpu.memref_slice %arg9[%dma_wait3A_468, %dma_wait3A_469] : memref<6x120xi32, #tpu.memory_space<vmem>> -> memref<1x120xi32, #tpu.memory_space<vmem>>
        %dma_wait3A_471 = tpu.memref_squeeze %dma_wait3A_470 : memref<1x120xi32, #tpu.memory_space<vmem>> -> memref<120xi32, #tpu.memory_space<vmem>>
        %dma_wait3A_472 = arith.constant 0 : i32
        %dma_wait3A_473 = tpu.memref_slice %arg4[%dma_wait3A_472] : memref<322560xi32, #tpu.memory_space<hbm>> -> memref<120xi32, #tpu.memory_space<hbm>>
        %dma_wait3A_474 = arith.constant 0 : i32
        %dma_wait3A_475 = tpu.memref_slice %arg9[%dma_wait3A_468, %dma_wait3A_474] : memref<6x120xi32, #tpu.memory_space<vmem>> -> memref<1x120xi32, #tpu.memory_space<vmem>>
        %dma_wait3A_476 = tpu.memref_squeeze %dma_wait3A_475 : memref<1x120xi32, #tpu.memory_space<vmem>> -> memref<120xi32, #tpu.memory_space<vmem>>
        %dma_wait3A_477 = arith.constant 0 : i32
        %dma_wait3A_478 = tpu.memref_slice %arg4[%dma_wait3A_477] : memref<322560xi32, #tpu.memory_space<hbm>> -> memref<120xi32, #tpu.memory_space<hbm>>
        tpu.wait_dma2 semaphore(%arg25 : memref<!tpu.dma_semaphore, #tpu.memory_space<semaphore_mem>>) src(%dma_wait3A_478 : memref<120xi32, #tpu.memory_space<hbm>>) dst(%dma_wait3A_476 : memref<120xi32, #tpu.memory_space<vmem>>)
        %dma_start3A = arith.constant 5 : i32
        %dma_start3A_479 = arith.constant 0 : i32
        %dma_start3A_480 = tpu.memref_slice %arg8[%dma_start3A, %dma_start3A_479] : memref<6x120xi32, #tpu.memory_space<vmem>> -> memref<1x120xi32, #tpu.memory_space<vmem>>
        %dma_start3A_481 = tpu.memref_squeeze %dma_start3A_480 : memref<1x120xi32, #tpu.memory_space<vmem>> -> memref<120xi32, #tpu.memory_space<vmem>>
        %dma_start3A_482 = arith.constant 0 : i32
        %dma_start3A_483 = arith.constant 0 : i32
        %dma_start3A_484 = tpu.memref_slice %arg2[%dma_start3A_482, %dma_start3A_483] : memref<10000x128xf32, #tpu.memory_space<hbm>> -> memref<10000x128xf32, #tpu.memory_space<hbm>>
        tpu.enqueue_indirect_dma source(%dma_start3A_484 : memref<10000x128xf32, #tpu.memory_space<hbm>>) target(%arg16 : memref<120x128xf32, #tpu.memory_space<vmem>>) offsets(%dma_start3A_481 : memref<120xi32, #tpu.memory_space<vmem>>) semaphore(%arg19 : memref<!tpu.dma_semaphore, #tpu.memory_space<semaphore_mem>>)
      } else {
      }
      %add3A_404 = arith.constant 3 : i32
      %add3A_405 = arith.addi %mul3A_350, %add3A_404 : i32
      %lt3A_406 = arith.cmpi slt, %add3A_405, %select_n3A : i32
      %convert_element_type3A_407 = arith.extui %lt3A_406 : i1 to i32
      %cond3A_408 = arith.constant 0 : i32
      %cond3A_409 = arith.cmpi ne, %convert_element_type3A_407, %cond3A_408 : i32
      scf.if %cond3A_409 {
        %dma_wait3A = arith.constant 3 : i32
        %dma_wait3A_458 = arith.constant 0 : i32
        %dma_wait3A_459 = tpu.memref_slice %arg8[%dma_wait3A, %dma_wait3A_458] : memref<6x120xi32, #tpu.memory_space<vmem>> -> memref<1x120xi32, #tpu.memory_space<vmem>>
        %dma_wait3A_460 = tpu.memref_squeeze %dma_wait3A_459 : memref<1x120xi32, #tpu.memory_space<vmem>> -> memref<120xi32, #tpu.memory_space<vmem>>
        %dma_wait3A_461 = arith.constant 0 : i32
        %dma_wait3A_462 = arith.constant 0 : i32
        %dma_wait3A_463 = tpu.memref_slice %arg2[%dma_wait3A_461, %dma_wait3A_462] : memref<10000x128xf32, #tpu.memory_space<hbm>> -> memref<10000x128xf32, #tpu.memory_space<hbm>>
        tpu.wait_indirect_dma semaphore(%arg17 : memref<!tpu.dma_semaphore, #tpu.memory_space<semaphore_mem>>) src(%dma_wait3A_463 : memref<10000x128xf32, #tpu.memory_space<hbm>>) dst(%arg14 : memref<120x128xf32, #tpu.memory_space<vmem>>)
        %run_scoped3A = arith.constant 3 : i32
        "tpu.region"() ({
          %run_scoped3A_465 = tpu.sem_alloc : memref<!tpu.dma_semaphore, #tpu.memory_space<semaphore_mem>>
          %dma_start3A = arith.constant 0 : i32
          %dma_start3A_466 = tpu.memref_slice %arg9[%run_scoped3A, %dma_start3A] : memref<6x120xi32, #tpu.memory_space<vmem>> -> memref<1x120xi32, #tpu.memory_space<vmem>>
          %dma_start3A_467 = tpu.memref_squeeze %dma_start3A_466 : memref<1x120xi32, #tpu.memory_space<vmem>> -> memref<120xi32, #tpu.memory_space<vmem>>
          %dma_start3A_468 = arith.constant 0 : i32
          %dma_start3A_469 = arith.constant 0 : i32
          %dma_start3A_470 = tpu.memref_slice %arg12[%dma_start3A_468, %dma_start3A_469] : memref<10112x128xf32, #tpu.memory_space<vmem_shared>> -> memref<10112x128xf32, #tpu.memory_space<vmem_shared>>
          tpu.enqueue_indirect_dma source(%arg14 : memref<120x128xf32, #tpu.memory_space<vmem>>) target(%dma_start3A_470 : memref<10112x128xf32, #tpu.memory_space<vmem_shared>>) offsets(%dma_start3A_467 : memref<120xi32, #tpu.memory_space<vmem>>) semaphore(%run_scoped3A_465 : memref<!tpu.dma_semaphore, #tpu.memory_space<semaphore_mem>>) {add = true}
          %dma_wait3A_471 = arith.constant 0 : i32
          %dma_wait3A_472 = tpu.memref_slice %arg9[%run_scoped3A, %dma_wait3A_471] : memref<6x120xi32, #tpu.memory_space<vmem>> -> memref<1x120xi32, #tpu.memory_space<vmem>>
          %dma_wait3A_473 = tpu.memref_squeeze %dma_wait3A_472 : memref<1x120xi32, #tpu.memory_space<vmem>> -> memref<120xi32, #tpu.memory_space<vmem>>
          %dma_wait3A_474 = arith.constant 0 : i32
          %dma_wait3A_475 = arith.constant 0 : i32
          %dma_wait3A_476 = tpu.memref_slice %arg12[%dma_wait3A_474, %dma_wait3A_475] : memref<10112x128xf32, #tpu.memory_space<vmem_shared>> -> memref<10112x128xf32, #tpu.memory_space<vmem_shared>>
          tpu.wait_indirect_dma semaphore(%run_scoped3A_465 : memref<!tpu.dma_semaphore, #tpu.memory_space<semaphore_mem>>) src(%arg14 : memref<120x128xf32, #tpu.memory_space<vmem>>) dst(%dma_wait3A_476 : memref<10112x128xf32, #tpu.memory_space<vmem_shared>>)
          tpu.yield
        }) : () -> ()
        %run_scoped3A_464 = arith.constant 3 : i32
        "tpu.region"() ({
          %run_scoped3A_465 = tpu.sem_alloc : memref<!tpu.dma_semaphore, #tpu.memory_space<semaphore_mem>>
          %dma_start3A = arith.constant 0 : i32
          %dma_start3A_466 = tpu.memref_slice %arg10[%dma_start3A] : memref<128xf32, #tpu.memory_space<vmem>> -> memref<120xf32, #tpu.memory_space<vmem>>
          %dma_start3A_467 = arith.constant 0 : i32
          %dma_start3A_468 = tpu.memref_slice %arg9[%run_scoped3A_464, %dma_start3A_467] : memref<6x120xi32, #tpu.memory_space<vmem>> -> memref<1x120xi32, #tpu.memory_space<vmem>>
          %dma_start3A_469 = tpu.memref_squeeze %dma_start3A_468 : memref<1x120xi32, #tpu.memory_space<vmem>> -> memref<120xi32, #tpu.memory_space<vmem>>
          %dma_start3A_470 = arith.constant 0 : i32
          %dma_start3A_471 = tpu.memref_slice %arg13[%dma_start3A_470] : memref<10112xf32, #tpu.memory_space<vmem_shared>> -> memref<10112xf32, #tpu.memory_space<vmem_shared>>
          tpu.enqueue_indirect_dma source(%dma_start3A_466 : memref<120xf32, #tpu.memory_space<vmem>>) target(%dma_start3A_471 : memref<10112xf32, #tpu.memory_space<vmem_shared>>) offsets(%dma_start3A_469 : memref<120xi32, #tpu.memory_space<vmem>>) semaphore(%run_scoped3A_465 : memref<!tpu.dma_semaphore, #tpu.memory_space<semaphore_mem>>) {add = true}
          %dma_wait3A_472 = arith.constant 0 : i32
          %dma_wait3A_473 = tpu.memref_slice %arg10[%dma_wait3A_472] : memref<128xf32, #tpu.memory_space<vmem>> -> memref<120xf32, #tpu.memory_space<vmem>>
          %dma_wait3A_474 = arith.constant 0 : i32
          %dma_wait3A_475 = tpu.memref_slice %arg9[%run_scoped3A_464, %dma_wait3A_474] : memref<6x120xi32, #tpu.memory_space<vmem>> -> memref<1x120xi32, #tpu.memory_space<vmem>>
          %dma_wait3A_476 = tpu.memref_squeeze %dma_wait3A_475 : memref<1x120xi32, #tpu.memory_space<vmem>> -> memref<120xi32, #tpu.memory_space<vmem>>
          %dma_wait3A_477 = arith.constant 0 : i32
          %dma_wait3A_478 = tpu.memref_slice %arg13[%dma_wait3A_477] : memref<10112xf32, #tpu.memory_space<vmem_shared>> -> memref<10112xf32, #tpu.memory_space<vmem_shared>>
          tpu.wait_indirect_dma semaphore(%run_scoped3A_465 : memref<!tpu.dma_semaphore, #tpu.memory_space<semaphore_mem>>) src(%dma_wait3A_473 : memref<120xf32, #tpu.memory_space<vmem>>) dst(%dma_wait3A_478 : memref<10112xf32, #tpu.memory_space<vmem_shared>>)
          tpu.yield
        }) : () -> ()
      } else {
      }
      %add3A_410 = arith.constant 6 : i32
      %add3A_411 = arith.addi %add3A_405, %add3A_410 : i32
      %lt3A_412 = arith.cmpi slt, %add3A_411, %select_n3A : i32
      %convert_element_type3A_413 = arith.extui %lt3A_412 : i1 to i32
      %cond3A_414 = arith.constant 0 : i32
      %cond3A_415 = arith.cmpi ne, %convert_element_type3A_413, %cond3A_414 : i32
      scf.if %cond3A_415 {
        %add3A_458 = arith.constant 6 : i32
        %add3A_459 = arith.addi %add3A_405, %add3A_458 : i32
        %add3A_460 = arith.addi %select_n3A_8, %add3A_459 : i32
        %mul3A_461 = arith.constant 120 : i32
        %mul3A_462 = arith.muli %add3A_460, %mul3A_461 : i32
        %dma_start3A = arith.constant 3 : i32
        %dma_start3A_463 = arith.constant 0 : i32
        %dma_start3A_464 = tpu.memref_slice %arg8[%dma_start3A, %dma_start3A_463] : memref<6x120xi32, #tpu.memory_space<vmem>> -> memref<1x120xi32, #tpu.memory_space<vmem>>
        %dma_start3A_465 = tpu.memref_squeeze %dma_start3A_464 : memref<1x120xi32, #tpu.memory_space<vmem>> -> memref<120xi32, #tpu.memory_space<vmem>>
        %dma_start3A_466 = tpu.memref_slice %arg3[%mul3A_462] : memref<322560xi32, #tpu.memory_space<hbm>> -> memref<120xi32, #tpu.memory_space<hbm>>
        %dma_start3A_467 = arith.constant 0 : i32
        %dma_start3A_468 = tpu.memref_slice %arg8[%dma_start3A, %dma_start3A_467] : memref<6x120xi32, #tpu.memory_space<vmem>> -> memref<1x120xi32, #tpu.memory_space<vmem>>
        %dma_start3A_469 = tpu.memref_squeeze %dma_start3A_468 : memref<1x120xi32, #tpu.memory_space<vmem>> -> memref<120xi32, #tpu.memory_space<vmem>>
        %dma_start3A_470 = tpu.memref_slice %arg3[%mul3A_462] : memref<322560xi32, #tpu.memory_space<hbm>> -> memref<120xi32, #tpu.memory_space<hbm>>
        tpu.enqueue_dma source(%dma_start3A_470 : memref<120xi32, #tpu.memory_space<hbm>>) target(%dma_start3A_469 : memref<120xi32, #tpu.memory_space<vmem>>) target_semaphore(%arg23 : memref<!tpu.dma_semaphore, #tpu.memory_space<semaphore_mem>>)
        %dma_start3A_471 = arith.constant 3 : i32
        %dma_start3A_472 = arith.constant 0 : i32
        %dma_start3A_473 = tpu.memref_slice %arg9[%dma_start3A_471, %dma_start3A_472] : memref<6x120xi32, #tpu.memory_space<vmem>> -> memref<1x120xi32, #tpu.memory_space<vmem>>
        %dma_start3A_474 = tpu.memref_squeeze %dma_start3A_473 : memref<1x120xi32, #tpu.memory_space<vmem>> -> memref<120xi32, #tpu.memory_space<vmem>>
        %dma_start3A_475 = tpu.memref_slice %arg4[%mul3A_462] : memref<322560xi32, #tpu.memory_space<hbm>> -> memref<120xi32, #tpu.memory_space<hbm>>
        %dma_start3A_476 = arith.constant 0 : i32
        %dma_start3A_477 = tpu.memref_slice %arg9[%dma_start3A_471, %dma_start3A_476] : memref<6x120xi32, #tpu.memory_space<vmem>> -> memref<1x120xi32, #tpu.memory_space<vmem>>
        %dma_start3A_478 = tpu.memref_squeeze %dma_start3A_477 : memref<1x120xi32, #tpu.memory_space<vmem>> -> memref<120xi32, #tpu.memory_space<vmem>>
        %dma_start3A_479 = tpu.memref_slice %arg4[%mul3A_462] : memref<322560xi32, #tpu.memory_space<hbm>> -> memref<120xi32, #tpu.memory_space<hbm>>
        tpu.enqueue_dma source(%dma_start3A_479 : memref<120xi32, #tpu.memory_space<hbm>>) target(%dma_start3A_478 : memref<120xi32, #tpu.memory_space<vmem>>) target_semaphore(%arg23 : memref<!tpu.dma_semaphore, #tpu.memory_space<semaphore_mem>>)
      } else {
      }
      %add3A_416 = arith.constant 3 : i32
      %add3A_417 = arith.addi %add3A_405, %add3A_416 : i32
      %lt3A_418 = arith.cmpi slt, %add3A_417, %select_n3A : i32
      %convert_element_type3A_419 = arith.extui %lt3A_418 : i1 to i32
      %cond3A_420 = arith.constant 0 : i32
      %cond3A_421 = arith.cmpi ne, %convert_element_type3A_419, %cond3A_420 : i32
      scf.if %cond3A_421 {
        %dma_wait3A = arith.constant 0 : i32
        %dma_wait3A_458 = arith.constant 0 : i32
        %dma_wait3A_459 = tpu.memref_slice %arg8[%dma_wait3A, %dma_wait3A_458] : memref<6x120xi32, #tpu.memory_space<vmem>> -> memref<1x120xi32, #tpu.memory_space<vmem>>
        %dma_wait3A_460 = tpu.memref_squeeze %dma_wait3A_459 : memref<1x120xi32, #tpu.memory_space<vmem>> -> memref<120xi32, #tpu.memory_space<vmem>>
        %dma_wait3A_461 = arith.constant 0 : i32
        %dma_wait3A_462 = tpu.memref_slice %arg3[%dma_wait3A_461] : memref<322560xi32, #tpu.memory_space<hbm>> -> memref<120xi32, #tpu.memory_space<hbm>>
        %dma_wait3A_463 = arith.constant 0 : i32
        %dma_wait3A_464 = tpu.memref_slice %arg8[%dma_wait3A, %dma_wait3A_463] : memref<6x120xi32, #tpu.memory_space<vmem>> -> memref<1x120xi32, #tpu.memory_space<vmem>>
        %dma_wait3A_465 = tpu.memref_squeeze %dma_wait3A_464 : memref<1x120xi32, #tpu.memory_space<vmem>> -> memref<120xi32, #tpu.memory_space<vmem>>
        %dma_wait3A_466 = arith.constant 0 : i32
        %dma_wait3A_467 = tpu.memref_slice %arg3[%dma_wait3A_466] : memref<322560xi32, #tpu.memory_space<hbm>> -> memref<120xi32, #tpu.memory_space<hbm>>
        tpu.wait_dma2 semaphore(%arg20 : memref<!tpu.dma_semaphore, #tpu.memory_space<semaphore_mem>>) src(%dma_wait3A_467 : memref<120xi32, #tpu.memory_space<hbm>>) dst(%dma_wait3A_465 : memref<120xi32, #tpu.memory_space<vmem>>)
        %dma_wait3A_468 = arith.constant 0 : i32
        %dma_wait3A_469 = arith.constant 0 : i32
        %dma_wait3A_470 = tpu.memref_slice %arg9[%dma_wait3A_468, %dma_wait3A_469] : memref<6x120xi32, #tpu.memory_space<vmem>> -> memref<1x120xi32, #tpu.memory_space<vmem>>
        %dma_wait3A_471 = tpu.memref_squeeze %dma_wait3A_470 : memref<1x120xi32, #tpu.memory_space<vmem>> -> memref<120xi32, #tpu.memory_space<vmem>>
        %dma_wait3A_472 = arith.constant 0 : i32
        %dma_wait3A_473 = tpu.memref_slice %arg4[%dma_wait3A_472] : memref<322560xi32, #tpu.memory_space<hbm>> -> memref<120xi32, #tpu.memory_space<hbm>>
        %dma_wait3A_474 = arith.constant 0 : i32
        %dma_wait3A_475 = tpu.memref_slice %arg9[%dma_wait3A_468, %dma_wait3A_474] : memref<6x120xi32, #tpu.memory_space<vmem>> -> memref<1x120xi32, #tpu.memory_space<vmem>>
        %dma_wait3A_476 = tpu.memref_squeeze %dma_wait3A_475 : memref<1x120xi32, #tpu.memory_space<vmem>> -> memref<120xi32, #tpu.memory_space<vmem>>
        %dma_wait3A_477 = arith.constant 0 : i32
        %dma_wait3A_478 = tpu.memref_slice %arg4[%dma_wait3A_477] : memref<322560xi32, #tpu.memory_space<hbm>> -> memref<120xi32, #tpu.memory_space<hbm>>
        tpu.wait_dma2 semaphore(%arg20 : memref<!tpu.dma_semaphore, #tpu.memory_space<semaphore_mem>>) src(%dma_wait3A_478 : memref<120xi32, #tpu.memory_space<hbm>>) dst(%dma_wait3A_476 : memref<120xi32, #tpu.memory_space<vmem>>)
        %dma_start3A = arith.constant 0 : i32
        %dma_start3A_479 = arith.constant 0 : i32
        %dma_start3A_480 = tpu.memref_slice %arg8[%dma_start3A, %dma_start3A_479] : memref<6x120xi32, #tpu.memory_space<vmem>> -> memref<1x120xi32, #tpu.memory_space<vmem>>
        %dma_start3A_481 = tpu.memref_squeeze %dma_start3A_480 : memref<1x120xi32, #tpu.memory_space<vmem>> -> memref<120xi32, #tpu.memory_space<vmem>>
        %dma_start3A_482 = arith.constant 0 : i32
        %dma_start3A_483 = arith.constant 0 : i32
        %dma_start3A_484 = tpu.memref_slice %arg2[%dma_start3A_482, %dma_start3A_483] : memref<10000x128xf32, #tpu.memory_space<hbm>> -> memref<10000x128xf32, #tpu.memory_space<hbm>>
        tpu.enqueue_indirect_dma source(%dma_start3A_484 : memref<10000x128xf32, #tpu.memory_space<hbm>>) target(%arg14 : memref<120x128xf32, #tpu.memory_space<vmem>>) offsets(%dma_start3A_481 : memref<120xi32, #tpu.memory_space<vmem>>) semaphore(%arg17 : memref<!tpu.dma_semaphore, #tpu.memory_space<semaphore_mem>>)
      } else {
      }
      %add3A_422 = arith.constant 4 : i32
      %add3A_423 = arith.addi %mul3A_350, %add3A_422 : i32
      %lt3A_424 = arith.cmpi slt, %add3A_423, %select_n3A : i32
      %convert_element_type3A_425 = arith.extui %lt3A_424 : i1 to i32
      %cond3A_426 = arith.constant 0 : i32
      %cond3A_427 = arith.cmpi ne, %convert_element_type3A_425, %cond3A_426 : i32
      scf.if %cond3A_427 {
        %dma_wait3A = arith.constant 4 : i32
        %dma_wait3A_458 = arith.constant 0 : i32
        %dma_wait3A_459 = tpu.memref_slice %arg8[%dma_wait3A, %dma_wait3A_458] : memref<6x120xi32, #tpu.memory_space<vmem>> -> memref<1x120xi32, #tpu.memory_space<vmem>>
        %dma_wait3A_460 = tpu.memref_squeeze %dma_wait3A_459 : memref<1x120xi32, #tpu.memory_space<vmem>> -> memref<120xi32, #tpu.memory_space<vmem>>
        %dma_wait3A_461 = arith.constant 0 : i32
        %dma_wait3A_462 = arith.constant 0 : i32
        %dma_wait3A_463 = tpu.memref_slice %arg2[%dma_wait3A_461, %dma_wait3A_462] : memref<10000x128xf32, #tpu.memory_space<hbm>> -> memref<10000x128xf32, #tpu.memory_space<hbm>>
        tpu.wait_indirect_dma semaphore(%arg18 : memref<!tpu.dma_semaphore, #tpu.memory_space<semaphore_mem>>) src(%dma_wait3A_463 : memref<10000x128xf32, #tpu.memory_space<hbm>>) dst(%arg15 : memref<120x128xf32, #tpu.memory_space<vmem>>)
        %run_scoped3A = arith.constant 4 : i32
        "tpu.region"() ({
          %run_scoped3A_465 = tpu.sem_alloc : memref<!tpu.dma_semaphore, #tpu.memory_space<semaphore_mem>>
          %dma_start3A = arith.constant 0 : i32
          %dma_start3A_466 = tpu.memref_slice %arg9[%run_scoped3A, %dma_start3A] : memref<6x120xi32, #tpu.memory_space<vmem>> -> memref<1x120xi32, #tpu.memory_space<vmem>>
          %dma_start3A_467 = tpu.memref_squeeze %dma_start3A_466 : memref<1x120xi32, #tpu.memory_space<vmem>> -> memref<120xi32, #tpu.memory_space<vmem>>
          %dma_start3A_468 = arith.constant 0 : i32
          %dma_start3A_469 = arith.constant 0 : i32
          %dma_start3A_470 = tpu.memref_slice %arg12[%dma_start3A_468, %dma_start3A_469] : memref<10112x128xf32, #tpu.memory_space<vmem_shared>> -> memref<10112x128xf32, #tpu.memory_space<vmem_shared>>
          tpu.enqueue_indirect_dma source(%arg15 : memref<120x128xf32, #tpu.memory_space<vmem>>) target(%dma_start3A_470 : memref<10112x128xf32, #tpu.memory_space<vmem_shared>>) offsets(%dma_start3A_467 : memref<120xi32, #tpu.memory_space<vmem>>) semaphore(%run_scoped3A_465 : memref<!tpu.dma_semaphore, #tpu.memory_space<semaphore_mem>>) {add = true}
          %dma_wait3A_471 = arith.constant 0 : i32
          %dma_wait3A_472 = tpu.memref_slice %arg9[%run_scoped3A, %dma_wait3A_471] : memref<6x120xi32, #tpu.memory_space<vmem>> -> memref<1x120xi32, #tpu.memory_space<vmem>>
          %dma_wait3A_473 = tpu.memref_squeeze %dma_wait3A_472 : memref<1x120xi32, #tpu.memory_space<vmem>> -> memref<120xi32, #tpu.memory_space<vmem>>
          %dma_wait3A_474 = arith.constant 0 : i32
          %dma_wait3A_475 = arith.constant 0 : i32
          %dma_wait3A_476 = tpu.memref_slice %arg12[%dma_wait3A_474, %dma_wait3A_475] : memref<10112x128xf32, #tpu.memory_space<vmem_shared>> -> memref<10112x128xf32, #tpu.memory_space<vmem_shared>>
          tpu.wait_indirect_dma semaphore(%run_scoped3A_465 : memref<!tpu.dma_semaphore, #tpu.memory_space<semaphore_mem>>) src(%arg15 : memref<120x128xf32, #tpu.memory_space<vmem>>) dst(%dma_wait3A_476 : memref<10112x128xf32, #tpu.memory_space<vmem_shared>>)
          tpu.yield
        }) : () -> ()
        %run_scoped3A_464 = arith.constant 4 : i32
        "tpu.region"() ({
          %run_scoped3A_465 = tpu.sem_alloc : memref<!tpu.dma_semaphore, #tpu.memory_space<semaphore_mem>>
          %dma_start3A = arith.constant 0 : i32
          %dma_start3A_466 = tpu.memref_slice %arg10[%dma_start3A] : memref<128xf32, #tpu.memory_space<vmem>> -> memref<120xf32, #tpu.memory_space<vmem>>
          %dma_start3A_467 = arith.constant 0 : i32
          %dma_start3A_468 = tpu.memref_slice %arg9[%run_scoped3A_464, %dma_start3A_467] : memref<6x120xi32, #tpu.memory_space<vmem>> -> memref<1x120xi32, #tpu.memory_space<vmem>>
          %dma_start3A_469 = tpu.memref_squeeze %dma_start3A_468 : memref<1x120xi32, #tpu.memory_space<vmem>> -> memref<120xi32, #tpu.memory_space<vmem>>
          %dma_start3A_470 = arith.constant 0 : i32
          %dma_start3A_471 = tpu.memref_slice %arg13[%dma_start3A_470] : memref<10112xf32, #tpu.memory_space<vmem_shared>> -> memref<10112xf32, #tpu.memory_space<vmem_shared>>
          tpu.enqueue_indirect_dma source(%dma_start3A_466 : memref<120xf32, #tpu.memory_space<vmem>>) target(%dma_start3A_471 : memref<10112xf32, #tpu.memory_space<vmem_shared>>) offsets(%dma_start3A_469 : memref<120xi32, #tpu.memory_space<vmem>>) semaphore(%run_scoped3A_465 : memref<!tpu.dma_semaphore, #tpu.memory_space<semaphore_mem>>) {add = true}
          %dma_wait3A_472 = arith.constant 0 : i32
          %dma_wait3A_473 = tpu.memref_slice %arg10[%dma_wait3A_472] : memref<128xf32, #tpu.memory_space<vmem>> -> memref<120xf32, #tpu.memory_space<vmem>>
          %dma_wait3A_474 = arith.constant 0 : i32
          %dma_wait3A_475 = tpu.memref_slice %arg9[%run_scoped3A_464, %dma_wait3A_474] : memref<6x120xi32, #tpu.memory_space<vmem>> -> memref<1x120xi32, #tpu.memory_space<vmem>>
          %dma_wait3A_476 = tpu.memref_squeeze %dma_wait3A_475 : memref<1x120xi32, #tpu.memory_space<vmem>> -> memref<120xi32, #tpu.memory_space<vmem>>
          %dma_wait3A_477 = arith.constant 0 : i32
          %dma_wait3A_478 = tpu.memref_slice %arg13[%dma_wait3A_477] : memref<10112xf32, #tpu.memory_space<vmem_shared>> -> memref<10112xf32, #tpu.memory_space<vmem_shared>>
          tpu.wait_indirect_dma semaphore(%run_scoped3A_465 : memref<!tpu.dma_semaphore, #tpu.memory_space<semaphore_mem>>) src(%dma_wait3A_473 : memref<120xf32, #tpu.memory_space<vmem>>) dst(%dma_wait3A_478 : memref<10112xf32, #tpu.memory_space<vmem_shared>>)
          tpu.yield
        }) : () -> ()
      } else {
      }
      %add3A_428 = arith.constant 6 : i32
      %add3A_429 = arith.addi %add3A_423, %add3A_428 : i32
      %lt3A_430 = arith.cmpi slt, %add3A_429, %select_n3A : i32
      %convert_element_type3A_431 = arith.extui %lt3A_430 : i1 to i32
      %cond3A_432 = arith.constant 0 : i32
      %cond3A_433 = arith.cmpi ne, %convert_element_type3A_431, %cond3A_432 : i32
      scf.if %cond3A_433 {
        %add3A_458 = arith.constant 6 : i32
        %add3A_459 = arith.addi %add3A_423, %add3A_458 : i32
        %add3A_460 = arith.addi %select_n3A_8, %add3A_459 : i32
        %mul3A_461 = arith.constant 120 : i32
        %mul3A_462 = arith.muli %add3A_460, %mul3A_461 : i32
        %dma_start3A = arith.constant 4 : i32
        %dma_start3A_463 = arith.constant 0 : i32
        %dma_start3A_464 = tpu.memref_slice %arg8[%dma_start3A, %dma_start3A_463] : memref<6x120xi32, #tpu.memory_space<vmem>> -> memref<1x120xi32, #tpu.memory_space<vmem>>
        %dma_start3A_465 = tpu.memref_squeeze %dma_start3A_464 : memref<1x120xi32, #tpu.memory_space<vmem>> -> memref<120xi32, #tpu.memory_space<vmem>>
        %dma_start3A_466 = tpu.memref_slice %arg3[%mul3A_462] : memref<322560xi32, #tpu.memory_space<hbm>> -> memref<120xi32, #tpu.memory_space<hbm>>
        %dma_start3A_467 = arith.constant 0 : i32
        %dma_start3A_468 = tpu.memref_slice %arg8[%dma_start3A, %dma_start3A_467] : memref<6x120xi32, #tpu.memory_space<vmem>> -> memref<1x120xi32, #tpu.memory_space<vmem>>
        %dma_start3A_469 = tpu.memref_squeeze %dma_start3A_468 : memref<1x120xi32, #tpu.memory_space<vmem>> -> memref<120xi32, #tpu.memory_space<vmem>>
        %dma_start3A_470 = tpu.memref_slice %arg3[%mul3A_462] : memref<322560xi32, #tpu.memory_space<hbm>> -> memref<120xi32, #tpu.memory_space<hbm>>
        tpu.enqueue_dma source(%dma_start3A_470 : memref<120xi32, #tpu.memory_space<hbm>>) target(%dma_start3A_469 : memref<120xi32, #tpu.memory_space<vmem>>) target_semaphore(%arg24 : memref<!tpu.dma_semaphore, #tpu.memory_space<semaphore_mem>>)
        %dma_start3A_471 = arith.constant 4 : i32
        %dma_start3A_472 = arith.constant 0 : i32
        %dma_start3A_473 = tpu.memref_slice %arg9[%dma_start3A_471, %dma_start3A_472] : memref<6x120xi32, #tpu.memory_space<vmem>> -> memref<1x120xi32, #tpu.memory_space<vmem>>
        %dma_start3A_474 = tpu.memref_squeeze %dma_start3A_473 : memref<1x120xi32, #tpu.memory_space<vmem>> -> memref<120xi32, #tpu.memory_space<vmem>>
        %dma_start3A_475 = tpu.memref_slice %arg4[%mul3A_462] : memref<322560xi32, #tpu.memory_space<hbm>> -> memref<120xi32, #tpu.memory_space<hbm>>
        %dma_start3A_476 = arith.constant 0 : i32
        %dma_start3A_477 = tpu.memref_slice %arg9[%dma_start3A_471, %dma_start3A_476] : memref<6x120xi32, #tpu.memory_space<vmem>> -> memref<1x120xi32, #tpu.memory_space<vmem>>
        %dma_start3A_478 = tpu.memref_squeeze %dma_start3A_477 : memref<1x120xi32, #tpu.memory_space<vmem>> -> memref<120xi32, #tpu.memory_space<vmem>>
        %dma_start3A_479 = tpu.memref_slice %arg4[%mul3A_462] : memref<322560xi32, #tpu.memory_space<hbm>> -> memref<120xi32, #tpu.memory_space<hbm>>
        tpu.enqueue_dma source(%dma_start3A_479 : memref<120xi32, #tpu.memory_space<hbm>>) target(%dma_start3A_478 : memref<120xi32, #tpu.memory_space<vmem>>) target_semaphore(%arg24 : memref<!tpu.dma_semaphore, #tpu.memory_space<semaphore_mem>>)
      } else {
      }
      %add3A_434 = arith.constant 3 : i32
      %add3A_435 = arith.addi %add3A_423, %add3A_434 : i32
      %lt3A_436 = arith.cmpi slt, %add3A_435, %select_n3A : i32
      %convert_element_type3A_437 = arith.extui %lt3A_436 : i1 to i32
      %cond3A_438 = arith.constant 0 : i32
      %cond3A_439 = arith.cmpi ne, %convert_element_type3A_437, %cond3A_438 : i32
      scf.if %cond3A_439 {
        %dma_wait3A = arith.constant 1 : i32
        %dma_wait3A_458 = arith.constant 0 : i32
        %dma_wait3A_459 = tpu.memref_slice %arg8[%dma_wait3A, %dma_wait3A_458] : memref<6x120xi32, #tpu.memory_space<vmem>> -> memref<1x120xi32, #tpu.memory_space<vmem>>
        %dma_wait3A_460 = tpu.memref_squeeze %dma_wait3A_459 : memref<1x120xi32, #tpu.memory_space<vmem>> -> memref<120xi32, #tpu.memory_space<vmem>>
        %dma_wait3A_461 = arith.constant 0 : i32
        %dma_wait3A_462 = tpu.memref_slice %arg3[%dma_wait3A_461] : memref<322560xi32, #tpu.memory_space<hbm>> -> memref<120xi32, #tpu.memory_space<hbm>>
        %dma_wait3A_463 = arith.constant 0 : i32
        %dma_wait3A_464 = tpu.memref_slice %arg8[%dma_wait3A, %dma_wait3A_463] : memref<6x120xi32, #tpu.memory_space<vmem>> -> memref<1x120xi32, #tpu.memory_space<vmem>>
        %dma_wait3A_465 = tpu.memref_squeeze %dma_wait3A_464 : memref<1x120xi32, #tpu.memory_space<vmem>> -> memref<120xi32, #tpu.memory_space<vmem>>
        %dma_wait3A_466 = arith.constant 0 : i32
        %dma_wait3A_467 = tpu.memref_slice %arg3[%dma_wait3A_466] : memref<322560xi32, #tpu.memory_space<hbm>> -> memref<120xi32, #tpu.memory_space<hbm>>
        tpu.wait_dma2 semaphore(%arg21 : memref<!tpu.dma_semaphore, #tpu.memory_space<semaphore_mem>>) src(%dma_wait3A_467 : memref<120xi32, #tpu.memory_space<hbm>>) dst(%dma_wait3A_465 : memref<120xi32, #tpu.memory_space<vmem>>)
        %dma_wait3A_468 = arith.constant 1 : i32
        %dma_wait3A_469 = arith.constant 0 : i32
        %dma_wait3A_470 = tpu.memref_slice %arg9[%dma_wait3A_468, %dma_wait3A_469] : memref<6x120xi32, #tpu.memory_space<vmem>> -> memref<1x120xi32, #tpu.memory_space<vmem>>
        %dma_wait3A_471 = tpu.memref_squeeze %dma_wait3A_470 : memref<1x120xi32, #tpu.memory_space<vmem>> -> memref<120xi32, #tpu.memory_space<vmem>>
        %dma_wait3A_472 = arith.constant 0 : i32
        %dma_wait3A_473 = tpu.memref_slice %arg4[%dma_wait3A_472] : memref<322560xi32, #tpu.memory_space<hbm>> -> memref<120xi32, #tpu.memory_space<hbm>>
        %dma_wait3A_474 = arith.constant 0 : i32
        %dma_wait3A_475 = tpu.memref_slice %arg9[%dma_wait3A_468, %dma_wait3A_474] : memref<6x120xi32, #tpu.memory_space<vmem>> -> memref<1x120xi32, #tpu.memory_space<vmem>>
        %dma_wait3A_476 = tpu.memref_squeeze %dma_wait3A_475 : memref<1x120xi32, #tpu.memory_space<vmem>> -> memref<120xi32, #tpu.memory_space<vmem>>
        %dma_wait3A_477 = arith.constant 0 : i32
        %dma_wait3A_478 = tpu.memref_slice %arg4[%dma_wait3A_477] : memref<322560xi32, #tpu.memory_space<hbm>> -> memref<120xi32, #tpu.memory_space<hbm>>
        tpu.wait_dma2 semaphore(%arg21 : memref<!tpu.dma_semaphore, #tpu.memory_space<semaphore_mem>>) src(%dma_wait3A_478 : memref<120xi32, #tpu.memory_space<hbm>>) dst(%dma_wait3A_476 : memref<120xi32, #tpu.memory_space<vmem>>)
        %dma_start3A = arith.constant 1 : i32
        %dma_start3A_479 = arith.constant 0 : i32
        %dma_start3A_480 = tpu.memref_slice %arg8[%dma_start3A, %dma_start3A_479] : memref<6x120xi32, #tpu.memory_space<vmem>> -> memref<1x120xi32, #tpu.memory_space<vmem>>
        %dma_start3A_481 = tpu.memref_squeeze %dma_start3A_480 : memref<1x120xi32, #tpu.memory_space<vmem>> -> memref<120xi32, #tpu.memory_space<vmem>>
        %dma_start3A_482 = arith.constant 0 : i32
        %dma_start3A_483 = arith.constant 0 : i32
        %dma_start3A_484 = tpu.memref_slice %arg2[%dma_start3A_482, %dma_start3A_483] : memref<10000x128xf32, #tpu.memory_space<hbm>> -> memref<10000x128xf32, #tpu.memory_space<hbm>>
        tpu.enqueue_indirect_dma source(%dma_start3A_484 : memref<10000x128xf32, #tpu.memory_space<hbm>>) target(%arg15 : memref<120x128xf32, #tpu.memory_space<vmem>>) offsets(%dma_start3A_481 : memref<120xi32, #tpu.memory_space<vmem>>) semaphore(%arg18 : memref<!tpu.dma_semaphore, #tpu.memory_space<semaphore_mem>>)
      } else {
      }
      %add3A_440 = arith.constant 5 : i32
      %add3A_441 = arith.addi %mul3A_350, %add3A_440 : i32
      %lt3A_442 = arith.cmpi slt, %add3A_441, %select_n3A : i32
      %convert_element_type3A_443 = arith.extui %lt3A_442 : i1 to i32
      %cond3A_444 = arith.constant 0 : i32
      %cond3A_445 = arith.cmpi ne, %convert_element_type3A_443, %cond3A_444 : i32
      scf.if %cond3A_445 {
        %dma_wait3A = arith.constant 5 : i32
        %dma_wait3A_458 = arith.constant 0 : i32
        %dma_wait3A_459 = tpu.memref_slice %arg8[%dma_wait3A, %dma_wait3A_458] : memref<6x120xi32, #tpu.memory_space<vmem>> -> memref<1x120xi32, #tpu.memory_space<vmem>>
        %dma_wait3A_460 = tpu.memref_squeeze %dma_wait3A_459 : memref<1x120xi32, #tpu.memory_space<vmem>> -> memref<120xi32, #tpu.memory_space<vmem>>
        %dma_wait3A_461 = arith.constant 0 : i32
        %dma_wait3A_462 = arith.constant 0 : i32
        %dma_wait3A_463 = tpu.memref_slice %arg2[%dma_wait3A_461, %dma_wait3A_462] : memref<10000x128xf32, #tpu.memory_space<hbm>> -> memref<10000x128xf32, #tpu.memory_space<hbm>>
        tpu.wait_indirect_dma semaphore(%arg19 : memref<!tpu.dma_semaphore, #tpu.memory_space<semaphore_mem>>) src(%dma_wait3A_463 : memref<10000x128xf32, #tpu.memory_space<hbm>>) dst(%arg16 : memref<120x128xf32, #tpu.memory_space<vmem>>)
        %run_scoped3A = arith.constant 5 : i32
        "tpu.region"() ({
          %run_scoped3A_465 = tpu.sem_alloc : memref<!tpu.dma_semaphore, #tpu.memory_space<semaphore_mem>>
          %dma_start3A = arith.constant 0 : i32
          %dma_start3A_466 = tpu.memref_slice %arg9[%run_scoped3A, %dma_start3A] : memref<6x120xi32, #tpu.memory_space<vmem>> -> memref<1x120xi32, #tpu.memory_space<vmem>>
          %dma_start3A_467 = tpu.memref_squeeze %dma_start3A_466 : memref<1x120xi32, #tpu.memory_space<vmem>> -> memref<120xi32, #tpu.memory_space<vmem>>
          %dma_start3A_468 = arith.constant 0 : i32
          %dma_start3A_469 = arith.constant 0 : i32
          %dma_start3A_470 = tpu.memref_slice %arg12[%dma_start3A_468, %dma_start3A_469] : memref<10112x128xf32, #tpu.memory_space<vmem_shared>> -> memref<10112x128xf32, #tpu.memory_space<vmem_shared>>
          tpu.enqueue_indirect_dma source(%arg16 : memref<120x128xf32, #tpu.memory_space<vmem>>) target(%dma_start3A_470 : memref<10112x128xf32, #tpu.memory_space<vmem_shared>>) offsets(%dma_start3A_467 : memref<120xi32, #tpu.memory_space<vmem>>) semaphore(%run_scoped3A_465 : memref<!tpu.dma_semaphore, #tpu.memory_space<semaphore_mem>>) {add = true}
          %dma_wait3A_471 = arith.constant 0 : i32
          %dma_wait3A_472 = tpu.memref_slice %arg9[%run_scoped3A, %dma_wait3A_471] : memref<6x120xi32, #tpu.memory_space<vmem>> -> memref<1x120xi32, #tpu.memory_space<vmem>>
          %dma_wait3A_473 = tpu.memref_squeeze %dma_wait3A_472 : memref<1x120xi32, #tpu.memory_space<vmem>> -> memref<120xi32, #tpu.memory_space<vmem>>
          %dma_wait3A_474 = arith.constant 0 : i32
          %dma_wait3A_475 = arith.constant 0 : i32
          %dma_wait3A_476 = tpu.memref_slice %arg12[%dma_wait3A_474, %dma_wait3A_475] : memref<10112x128xf32, #tpu.memory_space<vmem_shared>> -> memref<10112x128xf32, #tpu.memory_space<vmem_shared>>
          tpu.wait_indirect_dma semaphore(%run_scoped3A_465 : memref<!tpu.dma_semaphore, #tpu.memory_space<semaphore_mem>>) src(%arg16 : memref<120x128xf32, #tpu.memory_space<vmem>>) dst(%dma_wait3A_476 : memref<10112x128xf32, #tpu.memory_space<vmem_shared>>)
          tpu.yield
        }) : () -> ()
        %run_scoped3A_464 = arith.constant 5 : i32
        "tpu.region"() ({
          %run_scoped3A_465 = tpu.sem_alloc : memref<!tpu.dma_semaphore, #tpu.memory_space<semaphore_mem>>
          %dma_start3A = arith.constant 0 : i32
          %dma_start3A_466 = tpu.memref_slice %arg10[%dma_start3A] : memref<128xf32, #tpu.memory_space<vmem>> -> memref<120xf32, #tpu.memory_space<vmem>>
          %dma_start3A_467 = arith.constant 0 : i32
          %dma_start3A_468 = tpu.memref_slice %arg9[%run_scoped3A_464, %dma_start3A_467] : memref<6x120xi32, #tpu.memory_space<vmem>> -> memref<1x120xi32, #tpu.memory_space<vmem>>
          %dma_start3A_469 = tpu.memref_squeeze %dma_start3A_468 : memref<1x120xi32, #tpu.memory_space<vmem>> -> memref<120xi32, #tpu.memory_space<vmem>>
          %dma_start3A_470 = arith.constant 0 : i32
          %dma_start3A_471 = tpu.memref_slice %arg13[%dma_start3A_470] : memref<10112xf32, #tpu.memory_space<vmem_shared>> -> memref<10112xf32, #tpu.memory_space<vmem_shared>>
          tpu.enqueue_indirect_dma source(%dma_start3A_466 : memref<120xf32, #tpu.memory_space<vmem>>) target(%dma_start3A_471 : memref<10112xf32, #tpu.memory_space<vmem_shared>>) offsets(%dma_start3A_469 : memref<120xi32, #tpu.memory_space<vmem>>) semaphore(%run_scoped3A_465 : memref<!tpu.dma_semaphore, #tpu.memory_space<semaphore_mem>>) {add = true}
          %dma_wait3A_472 = arith.constant 0 : i32
          %dma_wait3A_473 = tpu.memref_slice %arg10[%dma_wait3A_472] : memref<128xf32, #tpu.memory_space<vmem>> -> memref<120xf32, #tpu.memory_space<vmem>>
          %dma_wait3A_474 = arith.constant 0 : i32
          %dma_wait3A_475 = tpu.memref_slice %arg9[%run_scoped3A_464, %dma_wait3A_474] : memref<6x120xi32, #tpu.memory_space<vmem>> -> memref<1x120xi32, #tpu.memory_space<vmem>>
          %dma_wait3A_476 = tpu.memref_squeeze %dma_wait3A_475 : memref<1x120xi32, #tpu.memory_space<vmem>> -> memref<120xi32, #tpu.memory_space<vmem>>
          %dma_wait3A_477 = arith.constant 0 : i32
          %dma_wait3A_478 = tpu.memref_slice %arg13[%dma_wait3A_477] : memref<10112xf32, #tpu.memory_space<vmem_shared>> -> memref<10112xf32, #tpu.memory_space<vmem_shared>>
          tpu.wait_indirect_dma semaphore(%run_scoped3A_465 : memref<!tpu.dma_semaphore, #tpu.memory_space<semaphore_mem>>) src(%dma_wait3A_473 : memref<120xf32, #tpu.memory_space<vmem>>) dst(%dma_wait3A_478 : memref<10112xf32, #tpu.memory_space<vmem_shared>>)
          tpu.yield
        }) : () -> ()
      } else {
      }
      %add3A_446 = arith.constant 6 : i32
      %add3A_447 = arith.addi %add3A_441, %add3A_446 : i32
      %lt3A_448 = arith.cmpi slt, %add3A_447, %select_n3A : i32
      %convert_element_type3A_449 = arith.extui %lt3A_448 : i1 to i32
      %cond3A_450 = arith.constant 0 : i32
      %cond3A_451 = arith.cmpi ne, %convert_element_type3A_449, %cond3A_450 : i32
      scf.if %cond3A_451 {
        %add3A_458 = arith.constant 6 : i32
        %add3A_459 = arith.addi %add3A_441, %add3A_458 : i32
        %add3A_460 = arith.addi %select_n3A_8, %add3A_459 : i32
        %mul3A_461 = arith.constant 120 : i32
        %mul3A_462 = arith.muli %add3A_460, %mul3A_461 : i32
        %dma_start3A = arith.constant 5 : i32
        %dma_start3A_463 = arith.constant 0 : i32
        %dma_start3A_464 = tpu.memref_slice %arg8[%dma_start3A, %dma_start3A_463] : memref<6x120xi32, #tpu.memory_space<vmem>> -> memref<1x120xi32, #tpu.memory_space<vmem>>
        %dma_start3A_465 = tpu.memref_squeeze %dma_start3A_464 : memref<1x120xi32, #tpu.memory_space<vmem>> -> memref<120xi32, #tpu.memory_space<vmem>>
        %dma_start3A_466 = tpu.memref_slice %arg3[%mul3A_462] : memref<322560xi32, #tpu.memory_space<hbm>> -> memref<120xi32, #tpu.memory_space<hbm>>
        %dma_start3A_467 = arith.constant 0 : i32
        %dma_start3A_468 = tpu.memref_slice %arg8[%dma_start3A, %dma_start3A_467] : memref<6x120xi32, #tpu.memory_space<vmem>> -> memref<1x120xi32, #tpu.memory_space<vmem>>
        %dma_start3A_469 = tpu.memref_squeeze %dma_start3A_468 : memref<1x120xi32, #tpu.memory_space<vmem>> -> memref<120xi32, #tpu.memory_space<vmem>>
        %dma_start3A_470 = tpu.memref_slice %arg3[%mul3A_462] : memref<322560xi32, #tpu.memory_space<hbm>> -> memref<120xi32, #tpu.memory_space<hbm>>
        tpu.enqueue_dma source(%dma_start3A_470 : memref<120xi32, #tpu.memory_space<hbm>>) target(%dma_start3A_469 : memref<120xi32, #tpu.memory_space<vmem>>) target_semaphore(%arg25 : memref<!tpu.dma_semaphore, #tpu.memory_space<semaphore_mem>>)
        %dma_start3A_471 = arith.constant 5 : i32
        %dma_start3A_472 = arith.constant 0 : i32
        %dma_start3A_473 = tpu.memref_slice %arg9[%dma_start3A_471, %dma_start3A_472] : memref<6x120xi32, #tpu.memory_space<vmem>> -> memref<1x120xi32, #tpu.memory_space<vmem>>
        %dma_start3A_474 = tpu.memref_squeeze %dma_start3A_473 : memref<1x120xi32, #tpu.memory_space<vmem>> -> memref<120xi32, #tpu.memory_space<vmem>>
        %dma_start3A_475 = tpu.memref_slice %arg4[%mul3A_462] : memref<322560xi32, #tpu.memory_space<hbm>> -> memref<120xi32, #tpu.memory_space<hbm>>
        %dma_start3A_476 = arith.constant 0 : i32
        %dma_start3A_477 = tpu.memref_slice %arg9[%dma_start3A_471, %dma_start3A_476] : memref<6x120xi32, #tpu.memory_space<vmem>> -> memref<1x120xi32, #tpu.memory_space<vmem>>
        %dma_start3A_478 = tpu.memref_squeeze %dma_start3A_477 : memref<1x120xi32, #tpu.memory_space<vmem>> -> memref<120xi32, #tpu.memory_space<vmem>>
        %dma_start3A_479 = tpu.memref_slice %arg4[%mul3A_462] : memref<322560xi32, #tpu.memory_space<hbm>> -> memref<120xi32, #tpu.memory_space<hbm>>
        tpu.enqueue_dma source(%dma_start3A_479 : memref<120xi32, #tpu.memory_space<hbm>>) target(%dma_start3A_478 : memref<120xi32, #tpu.memory_space<vmem>>) target_semaphore(%arg25 : memref<!tpu.dma_semaphore, #tpu.memory_space<semaphore_mem>>)
      } else {
      }
      %add3A_452 = arith.constant 3 : i32
      %add3A_453 = arith.addi %add3A_441, %add3A_452 : i32
      %lt3A_454 = arith.cmpi slt, %add3A_453, %select_n3A : i32
      %convert_element_type3A_455 = arith.extui %lt3A_454 : i1 to i32
      %cond3A_456 = arith.constant 0 : i32
      %cond3A_457 = arith.cmpi ne, %convert_element_type3A_455, %cond3A_456 : i32
      scf.if %cond3A_457 {
        %dma_wait3A = arith.constant 2 : i32
        %dma_wait3A_458 = arith.constant 0 : i32
        %dma_wait3A_459 = tpu.memref_slice %arg8[%dma_wait3A, %dma_wait3A_458] : memref<6x120xi32, #tpu.memory_space<vmem>> -> memref<1x120xi32, #tpu.memory_space<vmem>>
        %dma_wait3A_460 = tpu.memref_squeeze %dma_wait3A_459 : memref<1x120xi32, #tpu.memory_space<vmem>> -> memref<120xi32, #tpu.memory_space<vmem>>
        %dma_wait3A_461 = arith.constant 0 : i32
        %dma_wait3A_462 = tpu.memref_slice %arg3[%dma_wait3A_461] : memref<322560xi32, #tpu.memory_space<hbm>> -> memref<120xi32, #tpu.memory_space<hbm>>
        %dma_wait3A_463 = arith.constant 0 : i32
        %dma_wait3A_464 = tpu.memref_slice %arg8[%dma_wait3A, %dma_wait3A_463] : memref<6x120xi32, #tpu.memory_space<vmem>> -> memref<1x120xi32, #tpu.memory_space<vmem>>
        %dma_wait3A_465 = tpu.memref_squeeze %dma_wait3A_464 : memref<1x120xi32, #tpu.memory_space<vmem>> -> memref<120xi32, #tpu.memory_space<vmem>>
        %dma_wait3A_466 = arith.constant 0 : i32
        %dma_wait3A_467 = tpu.memref_slice %arg3[%dma_wait3A_466] : memref<322560xi32, #tpu.memory_space<hbm>> -> memref<120xi32, #tpu.memory_space<hbm>>
        tpu.wait_dma2 semaphore(%arg22 : memref<!tpu.dma_semaphore, #tpu.memory_space<semaphore_mem>>) src(%dma_wait3A_467 : memref<120xi32, #tpu.memory_space<hbm>>) dst(%dma_wait3A_465 : memref<120xi32, #tpu.memory_space<vmem>>)
        %dma_wait3A_468 = arith.constant 2 : i32
        %dma_wait3A_469 = arith.constant 0 : i32
        %dma_wait3A_470 = tpu.memref_slice %arg9[%dma_wait3A_468, %dma_wait3A_469] : memref<6x120xi32, #tpu.memory_space<vmem>> -> memref<1x120xi32, #tpu.memory_space<vmem>>
        %dma_wait3A_471 = tpu.memref_squeeze %dma_wait3A_470 : memref<1x120xi32, #tpu.memory_space<vmem>> -> memref<120xi32, #tpu.memory_space<vmem>>
        %dma_wait3A_472 = arith.constant 0 : i32
        %dma_wait3A_473 = tpu.memref_slice %arg4[%dma_wait3A_472] : memref<322560xi32, #tpu.memory_space<hbm>> -> memref<120xi32, #tpu.memory_space<hbm>>
        %dma_wait3A_474 = arith.constant 0 : i32
        %dma_wait3A_475 = tpu.memref_slice %arg9[%dma_wait3A_468, %dma_wait3A_474] : memref<6x120xi32, #tpu.memory_space<vmem>> -> memref<1x120xi32, #tpu.memory_space<vmem>>
        %dma_wait3A_476 = tpu.memref_squeeze %dma_wait3A_475 : memref<1x120xi32, #tpu.memory_space<vmem>> -> memref<120xi32, #tpu.memory_space<vmem>>
        %dma_wait3A_477 = arith.constant 0 : i32
        %dma_wait3A_478 = tpu.memref_slice %arg4[%dma_wait3A_477] : memref<322560xi32, #tpu.memory_space<hbm>> -> memref<120xi32, #tpu.memory_space<hbm>>
        tpu.wait_dma2 semaphore(%arg22 : memref<!tpu.dma_semaphore, #tpu.memory_space<semaphore_mem>>) src(%dma_wait3A_478 : memref<120xi32, #tpu.memory_space<hbm>>) dst(%dma_wait3A_476 : memref<120xi32, #tpu.memory_space<vmem>>)
        %dma_start3A = arith.constant 2 : i32
        %dma_start3A_479 = arith.constant 0 : i32
        %dma_start3A_480 = tpu.memref_slice %arg8[%dma_start3A, %dma_start3A_479] : memref<6x120xi32, #tpu.memory_space<vmem>> -> memref<1x120xi32, #tpu.memory_space<vmem>>
        %dma_start3A_481 = tpu.memref_squeeze %dma_start3A_480 : memref<1x120xi32, #tpu.memory_space<vmem>> -> memref<120xi32, #tpu.memory_space<vmem>>
        %dma_start3A_482 = arith.constant 0 : i32
        %dma_start3A_483 = arith.constant 0 : i32
        %dma_start3A_484 = tpu.memref_slice %arg2[%dma_start3A_482, %dma_start3A_483] : memref<10000x128xf32, #tpu.memory_space<hbm>> -> memref<10000x128xf32, #tpu.memory_space<hbm>>
        tpu.enqueue_indirect_dma source(%dma_start3A_484 : memref<10000x128xf32, #tpu.memory_space<hbm>>) target(%arg16 : memref<120x128xf32, #tpu.memory_space<vmem>>) offsets(%dma_start3A_481 : memref<120xi32, #tpu.memory_space<vmem>>) semaphore(%arg19 : memref<!tpu.dma_semaphore, #tpu.memory_space<semaphore_mem>>)
      } else {
      }
    }
    %scan3A_343 = arith.constant 23 : i32
    %barrier3A_344 = arith.constant 0 : index
    tpu.barrier barrier_id(%barrier3A_344)
    "tpu.region"() ({
      %run_scoped3A = tpu.sem_alloc : memref<!tpu.dma_semaphore, #tpu.memory_space<semaphore_mem>>
      %dma_start3A = arith.constant 0 : i32
      %dma_start3A_348 = tpu.memref_slice %arg6[%arg0, %mul3A_37, %dma_start3A] : memref<2x10112x128xf32, #tpu.memory_space<hbm>> -> memref<1x632x128xf32, #tpu.memory_space<hbm>>
      %dma_start3A_349 = tpu.memref_squeeze %dma_start3A_348 : memref<1x632x128xf32, #tpu.memory_space<hbm>> -> memref<632x128xf32, #tpu.memory_space<hbm>>
      %dma_start3A_350 = arith.constant 0 : i32
      %dma_start3A_351 = tpu.memref_slice %arg12[%mul3A_37, %dma_start3A_350] : memref<10112x128xf32, #tpu.memory_space<vmem_shared>> -> memref<632x128xf32, #tpu.memory_space<vmem_shared>>
      tpu.enqueue_dma source(%dma_start3A_351 : memref<632x128xf32, #tpu.memory_space<vmem_shared>>) target(%dma_start3A_349 : memref<632x128xf32, #tpu.memory_space<hbm>>) target_semaphore(%run_scoped3A : memref<!tpu.dma_semaphore, #tpu.memory_space<semaphore_mem>>)
      %dma_wait3A = arith.constant 0 : i32
      %dma_wait3A_352 = tpu.memref_slice %arg6[%arg0, %mul3A_37, %dma_wait3A] : memref<2x10112x128xf32, #tpu.memory_space<hbm>> -> memref<1x632x128xf32, #tpu.memory_space<hbm>>
      %dma_wait3A_353 = tpu.memref_squeeze %dma_wait3A_352 : memref<1x632x128xf32, #tpu.memory_space<hbm>> -> memref<632x128xf32, #tpu.memory_space<hbm>>
      %dma_wait3A_354 = arith.constant 0 : i32
      %dma_wait3A_355 = tpu.memref_slice %arg12[%mul3A_37, %dma_wait3A_354] : memref<10112x128xf32, #tpu.memory_space<vmem_shared>> -> memref<632x128xf32, #tpu.memory_space<vmem_shared>>
      tpu.wait_dma2 semaphore(%run_scoped3A : memref<!tpu.dma_semaphore, #tpu.memory_space<semaphore_mem>>) src(%dma_wait3A_355 : memref<632x128xf32, #tpu.memory_space<vmem_shared>>) dst(%dma_wait3A_353 : memref<632x128xf32, #tpu.memory_space<hbm>>)
      tpu.yield
    }) : () -> ()
    "tpu.region"() ({
      %run_scoped3A = tpu.sem_alloc : memref<!tpu.dma_semaphore, #tpu.memory_space<semaphore_mem>>
      %dma_start3A = arith.constant 0 : i32
      %dma_start3A_348 = tpu.memref_slice %arg11[%dma_start3A] : memref<640xf32, #tpu.memory_space<vmem>> -> memref<632xf32, #tpu.memory_space<vmem>>
      %dma_start3A_349 = tpu.memref_slice %arg13[%mul3A_37] : memref<10112xf32, #tpu.memory_space<vmem_shared>> -> memref<632xf32, #tpu.memory_space<vmem_shared>>
      %dma_start3A_350 = arith.constant 0 : i32
      %dma_start3A_351 = tpu.memref_slice %arg11[%dma_start3A_350] : memref<640xf32, #tpu.memory_space<vmem>> -> memref<632xf32, #tpu.memory_space<vmem>>
      %dma_start3A_352 = tpu.memref_slice %arg13[%mul3A_37] : memref<10112xf32, #tpu.memory_space<vmem_shared>> -> memref<632xf32, #tpu.memory_space<vmem_shared>>
      tpu.enqueue_dma source(%dma_start3A_352 : memref<632xf32, #tpu.memory_space<vmem_shared>>) target(%dma_start3A_351 : memref<632xf32, #tpu.memory_space<vmem>>) target_semaphore(%run_scoped3A : memref<!tpu.dma_semaphore, #tpu.memory_space<semaphore_mem>>)
      %dma_wait3A = arith.constant 0 : i32
      %dma_wait3A_353 = tpu.memref_slice %arg11[%dma_wait3A] : memref<640xf32, #tpu.memory_space<vmem>> -> memref<632xf32, #tpu.memory_space<vmem>>
      %dma_wait3A_354 = tpu.memref_slice %arg13[%mul3A_37] : memref<10112xf32, #tpu.memory_space<vmem_shared>> -> memref<632xf32, #tpu.memory_space<vmem_shared>>
      %dma_wait3A_355 = arith.constant 0 : i32
      %dma_wait3A_356 = tpu.memref_slice %arg11[%dma_wait3A_355] : memref<640xf32, #tpu.memory_space<vmem>> -> memref<632xf32, #tpu.memory_space<vmem>>
      %dma_wait3A_357 = tpu.memref_slice %arg13[%mul3A_37] : memref<10112xf32, #tpu.memory_space<vmem_shared>> -> memref<632xf32, #tpu.memory_space<vmem_shared>>
      tpu.wait_dma2 semaphore(%run_scoped3A : memref<!tpu.dma_semaphore, #tpu.memory_space<semaphore_mem>>) src(%dma_wait3A_357 : memref<632xf32, #tpu.memory_space<vmem_shared>>) dst(%dma_wait3A_356 : memref<632xf32, #tpu.memory_space<vmem>>)
      tpu.yield
    }) : () -> ()
    %mul3A_345 = arith.constant 10112 : i32
    %mul3A_346 = arith.muli %arg0, %mul3A_345 : i32
    %add3A_347 = arith.addi %mul3A_346, %mul3A_37 : i32
    "tpu.region"() ({
      %run_scoped3A = tpu.sem_alloc : memref<!tpu.dma_semaphore, #tpu.memory_space<semaphore_mem>>
      %dma_start3A = arith.constant 0 : i32
      %dma_start3A_348 = tpu.memref_slice %arg11[%dma_start3A] : memref<640xf32, #tpu.memory_space<vmem>> -> memref<632xf32, #tpu.memory_space<vmem>>
      %dma_start3A_349 = tpu.memref_slice %arg7[%add3A_347] : memref<20224xf32, #tpu.memory_space<hbm>> -> memref<632xf32, #tpu.memory_space<hbm>>
      %dma_start3A_350 = tpu.memref_slice %arg7[%add3A_347] : memref<20224xf32, #tpu.memory_space<hbm>> -> memref<632xf32, #tpu.memory_space<hbm>>
      %dma_start3A_351 = arith.constant 0 : i32
      %dma_start3A_352 = tpu.memref_slice %arg11[%dma_start3A_351] : memref<640xf32, #tpu.memory_space<vmem>> -> memref<632xf32, #tpu.memory_space<vmem>>
      tpu.enqueue_dma source(%dma_start3A_352 : memref<632xf32, #tpu.memory_space<vmem>>) target(%dma_start3A_350 : memref<632xf32, #tpu.memory_space<hbm>>) target_semaphore(%run_scoped3A : memref<!tpu.dma_semaphore, #tpu.memory_space<semaphore_mem>>)
      %dma_wait3A = arith.constant 0 : i32
      %dma_wait3A_353 = tpu.memref_slice %arg11[%dma_wait3A] : memref<640xf32, #tpu.memory_space<vmem>> -> memref<632xf32, #tpu.memory_space<vmem>>
      %dma_wait3A_354 = tpu.memref_slice %arg7[%add3A_347] : memref<20224xf32, #tpu.memory_space<hbm>> -> memref<632xf32, #tpu.memory_space<hbm>>
      %dma_wait3A_355 = tpu.memref_slice %arg7[%add3A_347] : memref<20224xf32, #tpu.memory_space<hbm>> -> memref<632xf32, #tpu.memory_space<hbm>>
      %dma_wait3A_356 = arith.constant 0 : i32
      %dma_wait3A_357 = tpu.memref_slice %arg11[%dma_wait3A_356] : memref<640xf32, #tpu.memory_space<vmem>> -> memref<632xf32, #tpu.memory_space<vmem>>
      tpu.wait_dma2 semaphore(%run_scoped3A : memref<!tpu.dma_semaphore, #tpu.memory_space<semaphore_mem>>) src(%dma_wait3A_357 : memref<632xf32, #tpu.memory_space<vmem>>) dst(%dma_wait3A_355 : memref<632xf32, #tpu.memory_space<hbm>>)
      tpu.yield
    }) : () -> ()
    return
  }
}

#map = affine_map<(d0, d1) -> (0, 0)>
#map1 = affine_map<(d0, d1) -> (0)>
#map2 = affine_map<(d0, d1) -> (0, 0, 0)>
module attributes {stable_mosaic.version = 14 : i64} {
  func.func @_sc_agg_body(%arg0: i32, %arg1: i32, %arg2: memref<10000x128xf32, #tpu.memory_space<hbm>>, %arg3: memref<322560xi32, #tpu.memory_space<hbm>>, %arg4: memref<322560xi32, #tpu.memory_space<hbm>>, %arg5: memref<632x128xf32, #tpu.memory_space<hbm>>, %arg6: memref<2x10112x128xf32, #tpu.memory_space<hbm>>, %arg7: memref<6x120xi32, #tpu.memory_space<vmem>>, %arg8: memref<6x120xi32, #tpu.memory_space<vmem>>, %arg9: memref<10112x128xf32, #tpu.memory_space<vmem_shared>>, %arg10: memref<120x128xf32, #tpu.memory_space<vmem>>, %arg11: memref<120x128xf32, #tpu.memory_space<vmem>>, %arg12: memref<120x128xf32, #tpu.memory_space<vmem>>, %arg13: memref<!tpu.dma_semaphore, #tpu.memory_space<semaphore_mem>>, %arg14: memref<!tpu.dma_semaphore, #tpu.memory_space<semaphore_mem>>, %arg15: memref<!tpu.dma_semaphore, #tpu.memory_space<semaphore_mem>>, %arg16: memref<!tpu.dma_semaphore, #tpu.memory_space<semaphore_mem>>, %arg17: memref<!tpu.dma_semaphore, #tpu.memory_space<semaphore_mem>>, %arg18: memref<!tpu.dma_semaphore, #tpu.memory_space<semaphore_mem>>, %arg19: memref<!tpu.dma_semaphore, #tpu.memory_space<semaphore_mem>>, %arg20: memref<!tpu.dma_semaphore, #tpu.memory_space<semaphore_mem>>, %arg21: memref<!tpu.dma_semaphore, #tpu.memory_space<semaphore_mem>>) attributes {dimension_semantics = [#tpu.dimension_semantics<core_parallel>, #tpu.dimension_semantics<subcore_parallel>], iteration_bounds = array<i64: 2, 16>, scalar_prefetch = 0 : i64, scratch_operands = 15 : i64, tpu.core_type = #tpu.core_type<sc_vector_subcore>, window_params = [{transform_indices = #map}, {transform_indices = #map1}, {transform_indices = #map1}, {transform_indices = #map}, {transform_indices = #map2}]} {
    %eq3A = arith.constant 0 : i32
    %eq3A_0 = arith.cmpi eq, %arg0, %eq3A : i32
    %jit3A = arith.constant 138 : i32
    %jit3A_1 = arith.constant 30 : i32
    %select_n3A = arith.select %eq3A_0, %jit3A, %jit3A_1 : i32
    %eq3A_2 = arith.constant 0 : i32
    %eq3A_3 = arith.cmpi eq, %arg0, %eq3A_2 : i32
    %mul3A = arith.constant 138 : i32
    %mul3A_4 = arith.muli %arg1, %mul3A : i32
    %mul3A_5 = arith.constant 30 : i32
    %mul3A_6 = arith.muli %arg1, %mul3A_5 : i32
    %add3A = arith.constant 2208 : i32
    %add3A_7 = arith.addi %add3A, %mul3A_6 : i32
    %select_n3A_8 = arith.select %eq3A_3, %mul3A_4, %add3A_7 : i32
    %gt3A = arith.constant 0 : i32
    %gt3A_9 = arith.cmpi sgt, %select_n3A, %gt3A : i32
    %convert_element_type3A = arith.extui %gt3A_9 : i1 to i32
    %cond3A = arith.constant 0 : i32
    %cond3A_10 = arith.cmpi ne, %convert_element_type3A, %cond3A : i32
    scf.if %cond3A_10 {
      %add3A_59 = arith.constant 0 : i32
      %add3A_60 = arith.addi %select_n3A_8, %add3A_59 : i32
      %mul3A_61 = arith.constant 120 : i32
      %mul3A_62 = arith.muli %add3A_60, %mul3A_61 : i32
      %dma_start3A = arith.constant 0 : i32
      %dma_start3A_63 = arith.constant 0 : i32
      %dma_start3A_64 = tpu.memref_slice %arg7[%dma_start3A, %dma_start3A_63] : memref<6x120xi32, #tpu.memory_space<vmem>> -> memref<1x120xi32, #tpu.memory_space<vmem>>
      %dma_start3A_65 = tpu.memref_squeeze %dma_start3A_64 : memref<1x120xi32, #tpu.memory_space<vmem>> -> memref<120xi32, #tpu.memory_space<vmem>>
      %dma_start3A_66 = tpu.memref_slice %arg3[%mul3A_62] : memref<322560xi32, #tpu.memory_space<hbm>> -> memref<120xi32, #tpu.memory_space<hbm>>
      %dma_start3A_67 = arith.constant 0 : i32
      %dma_start3A_68 = tpu.memref_slice %arg7[%dma_start3A, %dma_start3A_67] : memref<6x120xi32, #tpu.memory_space<vmem>> -> memref<1x120xi32, #tpu.memory_space<vmem>>
      %dma_start3A_69 = tpu.memref_squeeze %dma_start3A_68 : memref<1x120xi32, #tpu.memory_space<vmem>> -> memref<120xi32, #tpu.memory_space<vmem>>
      %dma_start3A_70 = tpu.memref_slice %arg3[%mul3A_62] : memref<322560xi32, #tpu.memory_space<hbm>> -> memref<120xi32, #tpu.memory_space<hbm>>
      tpu.enqueue_dma source(%dma_start3A_70 : memref<120xi32, #tpu.memory_space<hbm>>) target(%dma_start3A_69 : memref<120xi32, #tpu.memory_space<vmem>>) target_semaphore(%arg16 : memref<!tpu.dma_semaphore, #tpu.memory_space<semaphore_mem>>)
      %dma_start3A_71 = arith.constant 0 : i32
      %dma_start3A_72 = arith.constant 0 : i32
      %dma_start3A_73 = tpu.memref_slice %arg8[%dma_start3A_71, %dma_start3A_72] : memref<6x120xi32, #tpu.memory_space<vmem>> -> memref<1x120xi32, #tpu.memory_space<vmem>>
      %dma_start3A_74 = tpu.memref_squeeze %dma_start3A_73 : memref<1x120xi32, #tpu.memory_space<vmem>> -> memref<120xi32, #tpu.memory_space<vmem>>
      %dma_start3A_75 = tpu.memref_slice %arg4[%mul3A_62] : memref<322560xi32, #tpu.memory_space<hbm>> -> memref<120xi32, #tpu.memory_space<hbm>>
      %dma_start3A_76 = arith.constant 0 : i32
      %dma_start3A_77 = tpu.memref_slice %arg8[%dma_start3A_71, %dma_start3A_76] : memref<6x120xi32, #tpu.memory_space<vmem>> -> memref<1x120xi32, #tpu.memory_space<vmem>>
      %dma_start3A_78 = tpu.memref_squeeze %dma_start3A_77 : memref<1x120xi32, #tpu.memory_space<vmem>> -> memref<120xi32, #tpu.memory_space<vmem>>
      %dma_start3A_79 = tpu.memref_slice %arg4[%mul3A_62] : memref<322560xi32, #tpu.memory_space<hbm>> -> memref<120xi32, #tpu.memory_space<hbm>>
      tpu.enqueue_dma source(%dma_start3A_79 : memref<120xi32, #tpu.memory_space<hbm>>) target(%dma_start3A_78 : memref<120xi32, #tpu.memory_space<vmem>>) target_semaphore(%arg16 : memref<!tpu.dma_semaphore, #tpu.memory_space<semaphore_mem>>)
    } else {
    }
    %gt3A_11 = arith.constant 1 : i32
    %gt3A_12 = arith.cmpi sgt, %select_n3A, %gt3A_11 : i32
    %convert_element_type3A_13 = arith.extui %gt3A_12 : i1 to i32
    %cond3A_14 = arith.constant 0 : i32
    %cond3A_15 = arith.cmpi ne, %convert_element_type3A_13, %cond3A_14 : i32
    scf.if %cond3A_15 {
      %add3A_59 = arith.constant 1 : i32
      %add3A_60 = arith.addi %select_n3A_8, %add3A_59 : i32
      %mul3A_61 = arith.constant 120 : i32
      %mul3A_62 = arith.muli %add3A_60, %mul3A_61 : i32
      %dma_start3A = arith.constant 1 : i32
      %dma_start3A_63 = arith.constant 0 : i32
      %dma_start3A_64 = tpu.memref_slice %arg7[%dma_start3A, %dma_start3A_63] : memref<6x120xi32, #tpu.memory_space<vmem>> -> memref<1x120xi32, #tpu.memory_space<vmem>>
      %dma_start3A_65 = tpu.memref_squeeze %dma_start3A_64 : memref<1x120xi32, #tpu.memory_space<vmem>> -> memref<120xi32, #tpu.memory_space<vmem>>
      %dma_start3A_66 = tpu.memref_slice %arg3[%mul3A_62] : memref<322560xi32, #tpu.memory_space<hbm>> -> memref<120xi32, #tpu.memory_space<hbm>>
      %dma_start3A_67 = arith.constant 0 : i32
      %dma_start3A_68 = tpu.memref_slice %arg7[%dma_start3A, %dma_start3A_67] : memref<6x120xi32, #tpu.memory_space<vmem>> -> memref<1x120xi32, #tpu.memory_space<vmem>>
      %dma_start3A_69 = tpu.memref_squeeze %dma_start3A_68 : memref<1x120xi32, #tpu.memory_space<vmem>> -> memref<120xi32, #tpu.memory_space<vmem>>
      %dma_start3A_70 = tpu.memref_slice %arg3[%mul3A_62] : memref<322560xi32, #tpu.memory_space<hbm>> -> memref<120xi32, #tpu.memory_space<hbm>>
      tpu.enqueue_dma source(%dma_start3A_70 : memref<120xi32, #tpu.memory_space<hbm>>) target(%dma_start3A_69 : memref<120xi32, #tpu.memory_space<vmem>>) target_semaphore(%arg17 : memref<!tpu.dma_semaphore, #tpu.memory_space<semaphore_mem>>)
      %dma_start3A_71 = arith.constant 1 : i32
      %dma_start3A_72 = arith.constant 0 : i32
      %dma_start3A_73 = tpu.memref_slice %arg8[%dma_start3A_71, %dma_start3A_72] : memref<6x120xi32, #tpu.memory_space<vmem>> -> memref<1x120xi32, #tpu.memory_space<vmem>>
      %dma_start3A_74 = tpu.memref_squeeze %dma_start3A_73 : memref<1x120xi32, #tpu.memory_space<vmem>> -> memref<120xi32, #tpu.memory_space<vmem>>
      %dma_start3A_75 = tpu.memref_slice %arg4[%mul3A_62] : memref<322560xi32, #tpu.memory_space<hbm>> -> memref<120xi32, #tpu.memory_space<hbm>>
      %dma_start3A_76 = arith.constant 0 : i32
      %dma_start3A_77 = tpu.memref_slice %arg8[%dma_start3A_71, %dma_start3A_76] : memref<6x120xi32, #tpu.memory_space<vmem>> -> memref<1x120xi32, #tpu.memory_space<vmem>>
      %dma_start3A_78 = tpu.memref_squeeze %dma_start3A_77 : memref<1x120xi32, #tpu.memory_space<vmem>> -> memref<120xi32, #tpu.memory_space<vmem>>
      %dma_start3A_79 = tpu.memref_slice %arg4[%mul3A_62] : memref<322560xi32, #tpu.memory_space<hbm>> -> memref<120xi32, #tpu.memory_space<hbm>>
      tpu.enqueue_dma source(%dma_start3A_79 : memref<120xi32, #tpu.memory_space<hbm>>) target(%dma_start3A_78 : memref<120xi32, #tpu.memory_space<vmem>>) target_semaphore(%arg17 : memref<!tpu.dma_semaphore, #tpu.memory_space<semaphore_mem>>)
    } else {
    }
    %gt3A_16 = arith.constant 2 : i32
    %gt3A_17 = arith.cmpi sgt, %select_n3A, %gt3A_16 : i32
    %convert_element_type3A_18 = arith.extui %gt3A_17 : i1 to i32
    %cond3A_19 = arith.constant 0 : i32
    %cond3A_20 = arith.cmpi ne, %convert_element_type3A_18, %cond3A_19 : i32
    scf.if %cond3A_20 {
      %add3A_59 = arith.constant 2 : i32
      %add3A_60 = arith.addi %select_n3A_8, %add3A_59 : i32
      %mul3A_61 = arith.constant 120 : i32
      %mul3A_62 = arith.muli %add3A_60, %mul3A_61 : i32
      %dma_start3A = arith.constant 2 : i32
      %dma_start3A_63 = arith.constant 0 : i32
      %dma_start3A_64 = tpu.memref_slice %arg7[%dma_start3A, %dma_start3A_63] : memref<6x120xi32, #tpu.memory_space<vmem>> -> memref<1x120xi32, #tpu.memory_space<vmem>>
      %dma_start3A_65 = tpu.memref_squeeze %dma_start3A_64 : memref<1x120xi32, #tpu.memory_space<vmem>> -> memref<120xi32, #tpu.memory_space<vmem>>
      %dma_start3A_66 = tpu.memref_slice %arg3[%mul3A_62] : memref<322560xi32, #tpu.memory_space<hbm>> -> memref<120xi32, #tpu.memory_space<hbm>>
      %dma_start3A_67 = arith.constant 0 : i32
      %dma_start3A_68 = tpu.memref_slice %arg7[%dma_start3A, %dma_start3A_67] : memref<6x120xi32, #tpu.memory_space<vmem>> -> memref<1x120xi32, #tpu.memory_space<vmem>>
      %dma_start3A_69 = tpu.memref_squeeze %dma_start3A_68 : memref<1x120xi32, #tpu.memory_space<vmem>> -> memref<120xi32, #tpu.memory_space<vmem>>
      %dma_start3A_70 = tpu.memref_slice %arg3[%mul3A_62] : memref<322560xi32, #tpu.memory_space<hbm>> -> memref<120xi32, #tpu.memory_space<hbm>>
      tpu.enqueue_dma source(%dma_start3A_70 : memref<120xi32, #tpu.memory_space<hbm>>) target(%dma_start3A_69 : memref<120xi32, #tpu.memory_space<vmem>>) target_semaphore(%arg18 : memref<!tpu.dma_semaphore, #tpu.memory_space<semaphore_mem>>)
      %dma_start3A_71 = arith.constant 2 : i32
      %dma_start3A_72 = arith.constant 0 : i32
      %dma_start3A_73 = tpu.memref_slice %arg8[%dma_start3A_71, %dma_start3A_72] : memref<6x120xi32, #tpu.memory_space<vmem>> -> memref<1x120xi32, #tpu.memory_space<vmem>>
      %dma_start3A_74 = tpu.memref_squeeze %dma_start3A_73 : memref<1x120xi32, #tpu.memory_space<vmem>> -> memref<120xi32, #tpu.memory_space<vmem>>
      %dma_start3A_75 = tpu.memref_slice %arg4[%mul3A_62] : memref<322560xi32, #tpu.memory_space<hbm>> -> memref<120xi32, #tpu.memory_space<hbm>>
      %dma_start3A_76 = arith.constant 0 : i32
      %dma_start3A_77 = tpu.memref_slice %arg8[%dma_start3A_71, %dma_start3A_76] : memref<6x120xi32, #tpu.memory_space<vmem>> -> memref<1x120xi32, #tpu.memory_space<vmem>>
      %dma_start3A_78 = tpu.memref_squeeze %dma_start3A_77 : memref<1x120xi32, #tpu.memory_space<vmem>> -> memref<120xi32, #tpu.memory_space<vmem>>
      %dma_start3A_79 = tpu.memref_slice %arg4[%mul3A_62] : memref<322560xi32, #tpu.memory_space<hbm>> -> memref<120xi32, #tpu.memory_space<hbm>>
      tpu.enqueue_dma source(%dma_start3A_79 : memref<120xi32, #tpu.memory_space<hbm>>) target(%dma_start3A_78 : memref<120xi32, #tpu.memory_space<vmem>>) target_semaphore(%arg18 : memref<!tpu.dma_semaphore, #tpu.memory_space<semaphore_mem>>)
    } else {
    }
    %gt3A_21 = arith.constant 3 : i32
    %gt3A_22 = arith.cmpi sgt, %select_n3A, %gt3A_21 : i32
    %convert_element_type3A_23 = arith.extui %gt3A_22 : i1 to i32
    %cond3A_24 = arith.constant 0 : i32
    %cond3A_25 = arith.cmpi ne, %convert_element_type3A_23, %cond3A_24 : i32
    scf.if %cond3A_25 {
      %add3A_59 = arith.constant 3 : i32
      %add3A_60 = arith.addi %select_n3A_8, %add3A_59 : i32
      %mul3A_61 = arith.constant 120 : i32
      %mul3A_62 = arith.muli %add3A_60, %mul3A_61 : i32
      %dma_start3A = arith.constant 3 : i32
      %dma_start3A_63 = arith.constant 0 : i32
      %dma_start3A_64 = tpu.memref_slice %arg7[%dma_start3A, %dma_start3A_63] : memref<6x120xi32, #tpu.memory_space<vmem>> -> memref<1x120xi32, #tpu.memory_space<vmem>>
      %dma_start3A_65 = tpu.memref_squeeze %dma_start3A_64 : memref<1x120xi32, #tpu.memory_space<vmem>> -> memref<120xi32, #tpu.memory_space<vmem>>
      %dma_start3A_66 = tpu.memref_slice %arg3[%mul3A_62] : memref<322560xi32, #tpu.memory_space<hbm>> -> memref<120xi32, #tpu.memory_space<hbm>>
      %dma_start3A_67 = arith.constant 0 : i32
      %dma_start3A_68 = tpu.memref_slice %arg7[%dma_start3A, %dma_start3A_67] : memref<6x120xi32, #tpu.memory_space<vmem>> -> memref<1x120xi32, #tpu.memory_space<vmem>>
      %dma_start3A_69 = tpu.memref_squeeze %dma_start3A_68 : memref<1x120xi32, #tpu.memory_space<vmem>> -> memref<120xi32, #tpu.memory_space<vmem>>
      %dma_start3A_70 = tpu.memref_slice %arg3[%mul3A_62] : memref<322560xi32, #tpu.memory_space<hbm>> -> memref<120xi32, #tpu.memory_space<hbm>>
      tpu.enqueue_dma source(%dma_start3A_70 : memref<120xi32, #tpu.memory_space<hbm>>) target(%dma_start3A_69 : memref<120xi32, #tpu.memory_space<vmem>>) target_semaphore(%arg19 : memref<!tpu.dma_semaphore, #tpu.memory_space<semaphore_mem>>)
      %dma_start3A_71 = arith.constant 3 : i32
      %dma_start3A_72 = arith.constant 0 : i32
      %dma_start3A_73 = tpu.memref_slice %arg8[%dma_start3A_71, %dma_start3A_72] : memref<6x120xi32, #tpu.memory_space<vmem>> -> memref<1x120xi32, #tpu.memory_space<vmem>>
      %dma_start3A_74 = tpu.memref_squeeze %dma_start3A_73 : memref<1x120xi32, #tpu.memory_space<vmem>> -> memref<120xi32, #tpu.memory_space<vmem>>
      %dma_start3A_75 = tpu.memref_slice %arg4[%mul3A_62] : memref<322560xi32, #tpu.memory_space<hbm>> -> memref<120xi32, #tpu.memory_space<hbm>>
      %dma_start3A_76 = arith.constant 0 : i32
      %dma_start3A_77 = tpu.memref_slice %arg8[%dma_start3A_71, %dma_start3A_76] : memref<6x120xi32, #tpu.memory_space<vmem>> -> memref<1x120xi32, #tpu.memory_space<vmem>>
      %dma_start3A_78 = tpu.memref_squeeze %dma_start3A_77 : memref<1x120xi32, #tpu.memory_space<vmem>> -> memref<120xi32, #tpu.memory_space<vmem>>
      %dma_start3A_79 = tpu.memref_slice %arg4[%mul3A_62] : memref<322560xi32, #tpu.memory_space<hbm>> -> memref<120xi32, #tpu.memory_space<hbm>>
      tpu.enqueue_dma source(%dma_start3A_79 : memref<120xi32, #tpu.memory_space<hbm>>) target(%dma_start3A_78 : memref<120xi32, #tpu.memory_space<vmem>>) target_semaphore(%arg19 : memref<!tpu.dma_semaphore, #tpu.memory_space<semaphore_mem>>)
    } else {
    }
    %gt3A_26 = arith.constant 4 : i32
    %gt3A_27 = arith.cmpi sgt, %select_n3A, %gt3A_26 : i32
    %convert_element_type3A_28 = arith.extui %gt3A_27 : i1 to i32
    %cond3A_29 = arith.constant 0 : i32
    %cond3A_30 = arith.cmpi ne, %convert_element_type3A_28, %cond3A_29 : i32
    scf.if %cond3A_30 {
      %add3A_59 = arith.constant 4 : i32
      %add3A_60 = arith.addi %select_n3A_8, %add3A_59 : i32
      %mul3A_61 = arith.constant 120 : i32
      %mul3A_62 = arith.muli %add3A_60, %mul3A_61 : i32
      %dma_start3A = arith.constant 4 : i32
      %dma_start3A_63 = arith.constant 0 : i32
      %dma_start3A_64 = tpu.memref_slice %arg7[%dma_start3A, %dma_start3A_63] : memref<6x120xi32, #tpu.memory_space<vmem>> -> memref<1x120xi32, #tpu.memory_space<vmem>>
      %dma_start3A_65 = tpu.memref_squeeze %dma_start3A_64 : memref<1x120xi32, #tpu.memory_space<vmem>> -> memref<120xi32, #tpu.memory_space<vmem>>
      %dma_start3A_66 = tpu.memref_slice %arg3[%mul3A_62] : memref<322560xi32, #tpu.memory_space<hbm>> -> memref<120xi32, #tpu.memory_space<hbm>>
      %dma_start3A_67 = arith.constant 0 : i32
      %dma_start3A_68 = tpu.memref_slice %arg7[%dma_start3A, %dma_start3A_67] : memref<6x120xi32, #tpu.memory_space<vmem>> -> memref<1x120xi32, #tpu.memory_space<vmem>>
      %dma_start3A_69 = tpu.memref_squeeze %dma_start3A_68 : memref<1x120xi32, #tpu.memory_space<vmem>> -> memref<120xi32, #tpu.memory_space<vmem>>
      %dma_start3A_70 = tpu.memref_slice %arg3[%mul3A_62] : memref<322560xi32, #tpu.memory_space<hbm>> -> memref<120xi32, #tpu.memory_space<hbm>>
      tpu.enqueue_dma source(%dma_start3A_70 : memref<120xi32, #tpu.memory_space<hbm>>) target(%dma_start3A_69 : memref<120xi32, #tpu.memory_space<vmem>>) target_semaphore(%arg20 : memref<!tpu.dma_semaphore, #tpu.memory_space<semaphore_mem>>)
      %dma_start3A_71 = arith.constant 4 : i32
      %dma_start3A_72 = arith.constant 0 : i32
      %dma_start3A_73 = tpu.memref_slice %arg8[%dma_start3A_71, %dma_start3A_72] : memref<6x120xi32, #tpu.memory_space<vmem>> -> memref<1x120xi32, #tpu.memory_space<vmem>>
      %dma_start3A_74 = tpu.memref_squeeze %dma_start3A_73 : memref<1x120xi32, #tpu.memory_space<vmem>> -> memref<120xi32, #tpu.memory_space<vmem>>
      %dma_start3A_75 = tpu.memref_slice %arg4[%mul3A_62] : memref<322560xi32, #tpu.memory_space<hbm>> -> memref<120xi32, #tpu.memory_space<hbm>>
      %dma_start3A_76 = arith.constant 0 : i32
      %dma_start3A_77 = tpu.memref_slice %arg8[%dma_start3A_71, %dma_start3A_76] : memref<6x120xi32, #tpu.memory_space<vmem>> -> memref<1x120xi32, #tpu.memory_space<vmem>>
      %dma_start3A_78 = tpu.memref_squeeze %dma_start3A_77 : memref<1x120xi32, #tpu.memory_space<vmem>> -> memref<120xi32, #tpu.memory_space<vmem>>
      %dma_start3A_79 = tpu.memref_slice %arg4[%mul3A_62] : memref<322560xi32, #tpu.memory_space<hbm>> -> memref<120xi32, #tpu.memory_space<hbm>>
      tpu.enqueue_dma source(%dma_start3A_79 : memref<120xi32, #tpu.memory_space<hbm>>) target(%dma_start3A_78 : memref<120xi32, #tpu.memory_space<vmem>>) target_semaphore(%arg20 : memref<!tpu.dma_semaphore, #tpu.memory_space<semaphore_mem>>)
    } else {
    }
    %gt3A_31 = arith.constant 5 : i32
    %gt3A_32 = arith.cmpi sgt, %select_n3A, %gt3A_31 : i32
    %convert_element_type3A_33 = arith.extui %gt3A_32 : i1 to i32
    %cond3A_34 = arith.constant 0 : i32
    %cond3A_35 = arith.cmpi ne, %convert_element_type3A_33, %cond3A_34 : i32
    scf.if %cond3A_35 {
      %add3A_59 = arith.constant 5 : i32
      %add3A_60 = arith.addi %select_n3A_8, %add3A_59 : i32
      %mul3A_61 = arith.constant 120 : i32
      %mul3A_62 = arith.muli %add3A_60, %mul3A_61 : i32
      %dma_start3A = arith.constant 5 : i32
      %dma_start3A_63 = arith.constant 0 : i32
      %dma_start3A_64 = tpu.memref_slice %arg7[%dma_start3A, %dma_start3A_63] : memref<6x120xi32, #tpu.memory_space<vmem>> -> memref<1x120xi32, #tpu.memory_space<vmem>>
      %dma_start3A_65 = tpu.memref_squeeze %dma_start3A_64 : memref<1x120xi32, #tpu.memory_space<vmem>> -> memref<120xi32, #tpu.memory_space<vmem>>
      %dma_start3A_66 = tpu.memref_slice %arg3[%mul3A_62] : memref<322560xi32, #tpu.memory_space<hbm>> -> memref<120xi32, #tpu.memory_space<hbm>>
      %dma_start3A_67 = arith.constant 0 : i32
      %dma_start3A_68 = tpu.memref_slice %arg7[%dma_start3A, %dma_start3A_67] : memref<6x120xi32, #tpu.memory_space<vmem>> -> memref<1x120xi32, #tpu.memory_space<vmem>>
      %dma_start3A_69 = tpu.memref_squeeze %dma_start3A_68 : memref<1x120xi32, #tpu.memory_space<vmem>> -> memref<120xi32, #tpu.memory_space<vmem>>
      %dma_start3A_70 = tpu.memref_slice %arg3[%mul3A_62] : memref<322560xi32, #tpu.memory_space<hbm>> -> memref<120xi32, #tpu.memory_space<hbm>>
      tpu.enqueue_dma source(%dma_start3A_70 : memref<120xi32, #tpu.memory_space<hbm>>) target(%dma_start3A_69 : memref<120xi32, #tpu.memory_space<vmem>>) target_semaphore(%arg21 : memref<!tpu.dma_semaphore, #tpu.memory_space<semaphore_mem>>)
      %dma_start3A_71 = arith.constant 5 : i32
      %dma_start3A_72 = arith.constant 0 : i32
      %dma_start3A_73 = tpu.memref_slice %arg8[%dma_start3A_71, %dma_start3A_72] : memref<6x120xi32, #tpu.memory_space<vmem>> -> memref<1x120xi32, #tpu.memory_space<vmem>>
      %dma_start3A_74 = tpu.memref_squeeze %dma_start3A_73 : memref<1x120xi32, #tpu.memory_space<vmem>> -> memref<120xi32, #tpu.memory_space<vmem>>
      %dma_start3A_75 = tpu.memref_slice %arg4[%mul3A_62] : memref<322560xi32, #tpu.memory_space<hbm>> -> memref<120xi32, #tpu.memory_space<hbm>>
      %dma_start3A_76 = arith.constant 0 : i32
      %dma_start3A_77 = tpu.memref_slice %arg8[%dma_start3A_71, %dma_start3A_76] : memref<6x120xi32, #tpu.memory_space<vmem>> -> memref<1x120xi32, #tpu.memory_space<vmem>>
      %dma_start3A_78 = tpu.memref_squeeze %dma_start3A_77 : memref<1x120xi32, #tpu.memory_space<vmem>> -> memref<120xi32, #tpu.memory_space<vmem>>
      %dma_start3A_79 = tpu.memref_slice %arg4[%mul3A_62] : memref<322560xi32, #tpu.memory_space<hbm>> -> memref<120xi32, #tpu.memory_space<hbm>>
      tpu.enqueue_dma source(%dma_start3A_79 : memref<120xi32, #tpu.memory_space<hbm>>) target(%dma_start3A_78 : memref<120xi32, #tpu.memory_space<vmem>>) target_semaphore(%arg21 : memref<!tpu.dma_semaphore, #tpu.memory_space<semaphore_mem>>)
    } else {
    }
    %mul3A_36 = arith.constant 632 : i32
    %mul3A_37 = arith.muli %arg1, %mul3A_36 : i32
    "tpu.region"() ({
      %run_scoped3A = tpu.sem_alloc : memref<!tpu.dma_semaphore, #tpu.memory_space<semaphore_mem>>
      %dma_start3A = arith.constant 0 : i32
      %dma_start3A_59 = tpu.memref_slice %arg9[%mul3A_37, %dma_start3A] : memref<10112x128xf32, #tpu.memory_space<vmem_shared>> -> memref<632x128xf32, #tpu.memory_space<vmem_shared>>
      tpu.enqueue_dma source(%arg5 : memref<632x128xf32, #tpu.memory_space<hbm>>) target(%dma_start3A_59 : memref<632x128xf32, #tpu.memory_space<vmem_shared>>) target_semaphore(%run_scoped3A : memref<!tpu.dma_semaphore, #tpu.memory_space<semaphore_mem>>)
      %dma_wait3A = arith.constant 0 : i32
      %dma_wait3A_60 = tpu.memref_slice %arg9[%mul3A_37, %dma_wait3A] : memref<10112x128xf32, #tpu.memory_space<vmem_shared>> -> memref<632x128xf32, #tpu.memory_space<vmem_shared>>
      tpu.wait_dma2 semaphore(%run_scoped3A : memref<!tpu.dma_semaphore, #tpu.memory_space<semaphore_mem>>) src(%arg5 : memref<632x128xf32, #tpu.memory_space<hbm>>) dst(%dma_wait3A_60 : memref<632x128xf32, #tpu.memory_space<vmem_shared>>)
      tpu.yield
    }) : () -> ()
    %barrier3A = arith.constant 0 : index
    tpu.barrier barrier_id(%barrier3A)
    %gt3A_38 = arith.constant 0 : i32
    %gt3A_39 = arith.cmpi sgt, %select_n3A, %gt3A_38 : i32
    %convert_element_type3A_40 = arith.extui %gt3A_39 : i1 to i32
    %cond3A_41 = arith.constant 0 : i32
    %cond3A_42 = arith.cmpi ne, %convert_element_type3A_40, %cond3A_41 : i32
    scf.if %cond3A_42 {
      %dma_wait3A = arith.constant 0 : i32
      %dma_wait3A_59 = arith.constant 0 : i32
      %dma_wait3A_60 = tpu.memref_slice %arg7[%dma_wait3A, %dma_wait3A_59] : memref<6x120xi32, #tpu.memory_space<vmem>> -> memref<1x120xi32, #tpu.memory_space<vmem>>
      %dma_wait3A_61 = tpu.memref_squeeze %dma_wait3A_60 : memref<1x120xi32, #tpu.memory_space<vmem>> -> memref<120xi32, #tpu.memory_space<vmem>>
      %dma_wait3A_62 = arith.constant 0 : i32
      %dma_wait3A_63 = tpu.memref_slice %arg3[%dma_wait3A_62] : memref<322560xi32, #tpu.memory_space<hbm>> -> memref<120xi32, #tpu.memory_space<hbm>>
      %dma_wait3A_64 = arith.constant 0 : i32
      %dma_wait3A_65 = tpu.memref_slice %arg7[%dma_wait3A, %dma_wait3A_64] : memref<6x120xi32, #tpu.memory_space<vmem>> -> memref<1x120xi32, #tpu.memory_space<vmem>>
      %dma_wait3A_66 = tpu.memref_squeeze %dma_wait3A_65 : memref<1x120xi32, #tpu.memory_space<vmem>> -> memref<120xi32, #tpu.memory_space<vmem>>
      %dma_wait3A_67 = arith.constant 0 : i32
      %dma_wait3A_68 = tpu.memref_slice %arg3[%dma_wait3A_67] : memref<322560xi32, #tpu.memory_space<hbm>> -> memref<120xi32, #tpu.memory_space<hbm>>
      tpu.wait_dma2 semaphore(%arg16 : memref<!tpu.dma_semaphore, #tpu.memory_space<semaphore_mem>>) src(%dma_wait3A_68 : memref<120xi32, #tpu.memory_space<hbm>>) dst(%dma_wait3A_66 : memref<120xi32, #tpu.memory_space<vmem>>)
      %dma_wait3A_69 = arith.constant 0 : i32
      %dma_wait3A_70 = arith.constant 0 : i32
      %dma_wait3A_71 = tpu.memref_slice %arg8[%dma_wait3A_69, %dma_wait3A_70] : memref<6x120xi32, #tpu.memory_space<vmem>> -> memref<1x120xi32, #tpu.memory_space<vmem>>
      %dma_wait3A_72 = tpu.memref_squeeze %dma_wait3A_71 : memref<1x120xi32, #tpu.memory_space<vmem>> -> memref<120xi32, #tpu.memory_space<vmem>>
      %dma_wait3A_73 = arith.constant 0 : i32
      %dma_wait3A_74 = tpu.memref_slice %arg4[%dma_wait3A_73] : memref<322560xi32, #tpu.memory_space<hbm>> -> memref<120xi32, #tpu.memory_space<hbm>>
      %dma_wait3A_75 = arith.constant 0 : i32
      %dma_wait3A_76 = tpu.memref_slice %arg8[%dma_wait3A_69, %dma_wait3A_75] : memref<6x120xi32, #tpu.memory_space<vmem>> -> memref<1x120xi32, #tpu.memory_space<vmem>>
      %dma_wait3A_77 = tpu.memref_squeeze %dma_wait3A_76 : memref<1x120xi32, #tpu.memory_space<vmem>> -> memref<120xi32, #tpu.memory_space<vmem>>
      %dma_wait3A_78 = arith.constant 0 : i32
      %dma_wait3A_79 = tpu.memref_slice %arg4[%dma_wait3A_78] : memref<322560xi32, #tpu.memory_space<hbm>> -> memref<120xi32, #tpu.memory_space<hbm>>
      tpu.wait_dma2 semaphore(%arg16 : memref<!tpu.dma_semaphore, #tpu.memory_space<semaphore_mem>>) src(%dma_wait3A_79 : memref<120xi32, #tpu.memory_space<hbm>>) dst(%dma_wait3A_77 : memref<120xi32, #tpu.memory_space<vmem>>)
      %dma_start3A = arith.constant 0 : i32
      %dma_start3A_80 = arith.constant 0 : i32
      %dma_start3A_81 = tpu.memref_slice %arg7[%dma_start3A, %dma_start3A_80] : memref<6x120xi32, #tpu.memory_space<vmem>> -> memref<1x120xi32, #tpu.memory_space<vmem>>
      %dma_start3A_82 = tpu.memref_squeeze %dma_start3A_81 : memref<1x120xi32, #tpu.memory_space<vmem>> -> memref<120xi32, #tpu.memory_space<vmem>>
      %dma_start3A_83 = arith.constant 0 : i32
      %dma_start3A_84 = arith.constant 0 : i32
      %dma_start3A_85 = tpu.memref_slice %arg2[%dma_start3A_83, %dma_start3A_84] : memref<10000x128xf32, #tpu.memory_space<hbm>> -> memref<10000x128xf32, #tpu.memory_space<hbm>>
      tpu.enqueue_indirect_dma source(%dma_start3A_85 : memref<10000x128xf32, #tpu.memory_space<hbm>>) target(%arg10 : memref<120x128xf32, #tpu.memory_space<vmem>>) offsets(%dma_start3A_82 : memref<120xi32, #tpu.memory_space<vmem>>) semaphore(%arg13 : memref<!tpu.dma_semaphore, #tpu.memory_space<semaphore_mem>>)
    } else {
    }
    %gt3A_43 = arith.constant 1 : i32
    %gt3A_44 = arith.cmpi sgt, %select_n3A, %gt3A_43 : i32
    %convert_element_type3A_45 = arith.extui %gt3A_44 : i1 to i32
    %cond3A_46 = arith.constant 0 : i32
    %cond3A_47 = arith.cmpi ne, %convert_element_type3A_45, %cond3A_46 : i32
    scf.if %cond3A_47 {
      %dma_wait3A = arith.constant 1 : i32
      %dma_wait3A_59 = arith.constant 0 : i32
      %dma_wait3A_60 = tpu.memref_slice %arg7[%dma_wait3A, %dma_wait3A_59] : memref<6x120xi32, #tpu.memory_space<vmem>> -> memref<1x120xi32, #tpu.memory_space<vmem>>
      %dma_wait3A_61 = tpu.memref_squeeze %dma_wait3A_60 : memref<1x120xi32, #tpu.memory_space<vmem>> -> memref<120xi32, #tpu.memory_space<vmem>>
      %dma_wait3A_62 = arith.constant 0 : i32
      %dma_wait3A_63 = tpu.memref_slice %arg3[%dma_wait3A_62] : memref<322560xi32, #tpu.memory_space<hbm>> -> memref<120xi32, #tpu.memory_space<hbm>>
      %dma_wait3A_64 = arith.constant 0 : i32
      %dma_wait3A_65 = tpu.memref_slice %arg7[%dma_wait3A, %dma_wait3A_64] : memref<6x120xi32, #tpu.memory_space<vmem>> -> memref<1x120xi32, #tpu.memory_space<vmem>>
      %dma_wait3A_66 = tpu.memref_squeeze %dma_wait3A_65 : memref<1x120xi32, #tpu.memory_space<vmem>> -> memref<120xi32, #tpu.memory_space<vmem>>
      %dma_wait3A_67 = arith.constant 0 : i32
      %dma_wait3A_68 = tpu.memref_slice %arg3[%dma_wait3A_67] : memref<322560xi32, #tpu.memory_space<hbm>> -> memref<120xi32, #tpu.memory_space<hbm>>
      tpu.wait_dma2 semaphore(%arg17 : memref<!tpu.dma_semaphore, #tpu.memory_space<semaphore_mem>>) src(%dma_wait3A_68 : memref<120xi32, #tpu.memory_space<hbm>>) dst(%dma_wait3A_66 : memref<120xi32, #tpu.memory_space<vmem>>)
      %dma_wait3A_69 = arith.constant 1 : i32
      %dma_wait3A_70 = arith.constant 0 : i32
      %dma_wait3A_71 = tpu.memref_slice %arg8[%dma_wait3A_69, %dma_wait3A_70] : memref<6x120xi32, #tpu.memory_space<vmem>> -> memref<1x120xi32, #tpu.memory_space<vmem>>
      %dma_wait3A_72 = tpu.memref_squeeze %dma_wait3A_71 : memref<1x120xi32, #tpu.memory_space<vmem>> -> memref<120xi32, #tpu.memory_space<vmem>>
      %dma_wait3A_73 = arith.constant 0 : i32
      %dma_wait3A_74 = tpu.memref_slice %arg4[%dma_wait3A_73] : memref<322560xi32, #tpu.memory_space<hbm>> -> memref<120xi32, #tpu.memory_space<hbm>>
      %dma_wait3A_75 = arith.constant 0 : i32
      %dma_wait3A_76 = tpu.memref_slice %arg8[%dma_wait3A_69, %dma_wait3A_75] : memref<6x120xi32, #tpu.memory_space<vmem>> -> memref<1x120xi32, #tpu.memory_space<vmem>>
      %dma_wait3A_77 = tpu.memref_squeeze %dma_wait3A_76 : memref<1x120xi32, #tpu.memory_space<vmem>> -> memref<120xi32, #tpu.memory_space<vmem>>
      %dma_wait3A_78 = arith.constant 0 : i32
      %dma_wait3A_79 = tpu.memref_slice %arg4[%dma_wait3A_78] : memref<322560xi32, #tpu.memory_space<hbm>> -> memref<120xi32, #tpu.memory_space<hbm>>
      tpu.wait_dma2 semaphore(%arg17 : memref<!tpu.dma_semaphore, #tpu.memory_space<semaphore_mem>>) src(%dma_wait3A_79 : memref<120xi32, #tpu.memory_space<hbm>>) dst(%dma_wait3A_77 : memref<120xi32, #tpu.memory_space<vmem>>)
      %dma_start3A = arith.constant 1 : i32
      %dma_start3A_80 = arith.constant 0 : i32
      %dma_start3A_81 = tpu.memref_slice %arg7[%dma_start3A, %dma_start3A_80] : memref<6x120xi32, #tpu.memory_space<vmem>> -> memref<1x120xi32, #tpu.memory_space<vmem>>
      %dma_start3A_82 = tpu.memref_squeeze %dma_start3A_81 : memref<1x120xi32, #tpu.memory_space<vmem>> -> memref<120xi32, #tpu.memory_space<vmem>>
      %dma_start3A_83 = arith.constant 0 : i32
      %dma_start3A_84 = arith.constant 0 : i32
      %dma_start3A_85 = tpu.memref_slice %arg2[%dma_start3A_83, %dma_start3A_84] : memref<10000x128xf32, #tpu.memory_space<hbm>> -> memref<10000x128xf32, #tpu.memory_space<hbm>>
      tpu.enqueue_indirect_dma source(%dma_start3A_85 : memref<10000x128xf32, #tpu.memory_space<hbm>>) target(%arg11 : memref<120x128xf32, #tpu.memory_space<vmem>>) offsets(%dma_start3A_82 : memref<120xi32, #tpu.memory_space<vmem>>) semaphore(%arg14 : memref<!tpu.dma_semaphore, #tpu.memory_space<semaphore_mem>>)
    } else {
    }
    %gt3A_48 = arith.constant 2 : i32
    %gt3A_49 = arith.cmpi sgt, %select_n3A, %gt3A_48 : i32
    %convert_element_type3A_50 = arith.extui %gt3A_49 : i1 to i32
    %cond3A_51 = arith.constant 0 : i32
    %cond3A_52 = arith.cmpi ne, %convert_element_type3A_50, %cond3A_51 : i32
    scf.if %cond3A_52 {
      %dma_wait3A = arith.constant 2 : i32
      %dma_wait3A_59 = arith.constant 0 : i32
      %dma_wait3A_60 = tpu.memref_slice %arg7[%dma_wait3A, %dma_wait3A_59] : memref<6x120xi32, #tpu.memory_space<vmem>> -> memref<1x120xi32, #tpu.memory_space<vmem>>
      %dma_wait3A_61 = tpu.memref_squeeze %dma_wait3A_60 : memref<1x120xi32, #tpu.memory_space<vmem>> -> memref<120xi32, #tpu.memory_space<vmem>>
      %dma_wait3A_62 = arith.constant 0 : i32
      %dma_wait3A_63 = tpu.memref_slice %arg3[%dma_wait3A_62] : memref<322560xi32, #tpu.memory_space<hbm>> -> memref<120xi32, #tpu.memory_space<hbm>>
      %dma_wait3A_64 = arith.constant 0 : i32
      %dma_wait3A_65 = tpu.memref_slice %arg7[%dma_wait3A, %dma_wait3A_64] : memref<6x120xi32, #tpu.memory_space<vmem>> -> memref<1x120xi32, #tpu.memory_space<vmem>>
      %dma_wait3A_66 = tpu.memref_squeeze %dma_wait3A_65 : memref<1x120xi32, #tpu.memory_space<vmem>> -> memref<120xi32, #tpu.memory_space<vmem>>
      %dma_wait3A_67 = arith.constant 0 : i32
      %dma_wait3A_68 = tpu.memref_slice %arg3[%dma_wait3A_67] : memref<322560xi32, #tpu.memory_space<hbm>> -> memref<120xi32, #tpu.memory_space<hbm>>
      tpu.wait_dma2 semaphore(%arg18 : memref<!tpu.dma_semaphore, #tpu.memory_space<semaphore_mem>>) src(%dma_wait3A_68 : memref<120xi32, #tpu.memory_space<hbm>>) dst(%dma_wait3A_66 : memref<120xi32, #tpu.memory_space<vmem>>)
      %dma_wait3A_69 = arith.constant 2 : i32
      %dma_wait3A_70 = arith.constant 0 : i32
      %dma_wait3A_71 = tpu.memref_slice %arg8[%dma_wait3A_69, %dma_wait3A_70] : memref<6x120xi32, #tpu.memory_space<vmem>> -> memref<1x120xi32, #tpu.memory_space<vmem>>
      %dma_wait3A_72 = tpu.memref_squeeze %dma_wait3A_71 : memref<1x120xi32, #tpu.memory_space<vmem>> -> memref<120xi32, #tpu.memory_space<vmem>>
      %dma_wait3A_73 = arith.constant 0 : i32
      %dma_wait3A_74 = tpu.memref_slice %arg4[%dma_wait3A_73] : memref<322560xi32, #tpu.memory_space<hbm>> -> memref<120xi32, #tpu.memory_space<hbm>>
      %dma_wait3A_75 = arith.constant 0 : i32
      %dma_wait3A_76 = tpu.memref_slice %arg8[%dma_wait3A_69, %dma_wait3A_75] : memref<6x120xi32, #tpu.memory_space<vmem>> -> memref<1x120xi32, #tpu.memory_space<vmem>>
      %dma_wait3A_77 = tpu.memref_squeeze %dma_wait3A_76 : memref<1x120xi32, #tpu.memory_space<vmem>> -> memref<120xi32, #tpu.memory_space<vmem>>
      %dma_wait3A_78 = arith.constant 0 : i32
      %dma_wait3A_79 = tpu.memref_slice %arg4[%dma_wait3A_78] : memref<322560xi32, #tpu.memory_space<hbm>> -> memref<120xi32, #tpu.memory_space<hbm>>
      tpu.wait_dma2 semaphore(%arg18 : memref<!tpu.dma_semaphore, #tpu.memory_space<semaphore_mem>>) src(%dma_wait3A_79 : memref<120xi32, #tpu.memory_space<hbm>>) dst(%dma_wait3A_77 : memref<120xi32, #tpu.memory_space<vmem>>)
      %dma_start3A = arith.constant 2 : i32
      %dma_start3A_80 = arith.constant 0 : i32
      %dma_start3A_81 = tpu.memref_slice %arg7[%dma_start3A, %dma_start3A_80] : memref<6x120xi32, #tpu.memory_space<vmem>> -> memref<1x120xi32, #tpu.memory_space<vmem>>
      %dma_start3A_82 = tpu.memref_squeeze %dma_start3A_81 : memref<1x120xi32, #tpu.memory_space<vmem>> -> memref<120xi32, #tpu.memory_space<vmem>>
      %dma_start3A_83 = arith.constant 0 : i32
      %dma_start3A_84 = arith.constant 0 : i32
      %dma_start3A_85 = tpu.memref_slice %arg2[%dma_start3A_83, %dma_start3A_84] : memref<10000x128xf32, #tpu.memory_space<hbm>> -> memref<10000x128xf32, #tpu.memory_space<hbm>>
      tpu.enqueue_indirect_dma source(%dma_start3A_85 : memref<10000x128xf32, #tpu.memory_space<hbm>>) target(%arg12 : memref<120x128xf32, #tpu.memory_space<vmem>>) offsets(%dma_start3A_82 : memref<120xi32, #tpu.memory_space<vmem>>) semaphore(%arg15 : memref<!tpu.dma_semaphore, #tpu.memory_space<semaphore_mem>>)
    } else {
    }
    %scan3A = arith.constant 0 : i32
    %scan3A_53 = arith.constant 0 : i32
    %scan3A_54 = arith.constant 23 : i32
    %scan3A_55 = arith.addi %scan3A_53, %scan3A_54 : i32
    %scan3A_56 = arith.constant 1 : i32
    scf.for %scan3A_59 = %scan3A_53 to %scan3A_55 step %scan3A_56  : i32 {
      %mul3A_60 = arith.constant 6 : i32
      %mul3A_61 = arith.muli %scan3A_59, %mul3A_60 : i32
      %add3A_62 = arith.constant 0 : i32
      %add3A_63 = arith.addi %mul3A_61, %add3A_62 : i32
      %lt3A = arith.cmpi slt, %add3A_63, %select_n3A : i32
      %convert_element_type3A_64 = arith.extui %lt3A : i1 to i32
      %cond3A_65 = arith.constant 0 : i32
      %cond3A_66 = arith.cmpi ne, %convert_element_type3A_64, %cond3A_65 : i32
      scf.if %cond3A_66 {
        %dma_wait3A = arith.constant 0 : i32
        %dma_wait3A_169 = arith.constant 0 : i32
        %dma_wait3A_170 = tpu.memref_slice %arg7[%dma_wait3A, %dma_wait3A_169] : memref<6x120xi32, #tpu.memory_space<vmem>> -> memref<1x120xi32, #tpu.memory_space<vmem>>
        %dma_wait3A_171 = tpu.memref_squeeze %dma_wait3A_170 : memref<1x120xi32, #tpu.memory_space<vmem>> -> memref<120xi32, #tpu.memory_space<vmem>>
        %dma_wait3A_172 = arith.constant 0 : i32
        %dma_wait3A_173 = arith.constant 0 : i32
        %dma_wait3A_174 = tpu.memref_slice %arg2[%dma_wait3A_172, %dma_wait3A_173] : memref<10000x128xf32, #tpu.memory_space<hbm>> -> memref<10000x128xf32, #tpu.memory_space<hbm>>
        tpu.wait_indirect_dma semaphore(%arg13 : memref<!tpu.dma_semaphore, #tpu.memory_space<semaphore_mem>>) src(%dma_wait3A_174 : memref<10000x128xf32, #tpu.memory_space<hbm>>) dst(%arg10 : memref<120x128xf32, #tpu.memory_space<vmem>>)
        %run_scoped3A = arith.constant 0 : i32
        "tpu.region"() ({
          %run_scoped3A_175 = tpu.sem_alloc : memref<!tpu.dma_semaphore, #tpu.memory_space<semaphore_mem>>
          %dma_start3A = arith.constant 0 : i32
          %dma_start3A_176 = tpu.memref_slice %arg8[%run_scoped3A, %dma_start3A] : memref<6x120xi32, #tpu.memory_space<vmem>> -> memref<1x120xi32, #tpu.memory_space<vmem>>
          %dma_start3A_177 = tpu.memref_squeeze %dma_start3A_176 : memref<1x120xi32, #tpu.memory_space<vmem>> -> memref<120xi32, #tpu.memory_space<vmem>>
          %dma_start3A_178 = arith.constant 0 : i32
          %dma_start3A_179 = arith.constant 0 : i32
          %dma_start3A_180 = tpu.memref_slice %arg9[%dma_start3A_178, %dma_start3A_179] : memref<10112x128xf32, #tpu.memory_space<vmem_shared>> -> memref<10112x128xf32, #tpu.memory_space<vmem_shared>>
          tpu.enqueue_indirect_dma source(%arg10 : memref<120x128xf32, #tpu.memory_space<vmem>>) target(%dma_start3A_180 : memref<10112x128xf32, #tpu.memory_space<vmem_shared>>) offsets(%dma_start3A_177 : memref<120xi32, #tpu.memory_space<vmem>>) semaphore(%run_scoped3A_175 : memref<!tpu.dma_semaphore, #tpu.memory_space<semaphore_mem>>) {add = true}
          %dma_wait3A_181 = arith.constant 0 : i32
          %dma_wait3A_182 = tpu.memref_slice %arg8[%run_scoped3A, %dma_wait3A_181] : memref<6x120xi32, #tpu.memory_space<vmem>> -> memref<1x120xi32, #tpu.memory_space<vmem>>
          %dma_wait3A_183 = tpu.memref_squeeze %dma_wait3A_182 : memref<1x120xi32, #tpu.memory_space<vmem>> -> memref<120xi32, #tpu.memory_space<vmem>>
          %dma_wait3A_184 = arith.constant 0 : i32
          %dma_wait3A_185 = arith.constant 0 : i32
          %dma_wait3A_186 = tpu.memref_slice %arg9[%dma_wait3A_184, %dma_wait3A_185] : memref<10112x128xf32, #tpu.memory_space<vmem_shared>> -> memref<10112x128xf32, #tpu.memory_space<vmem_shared>>
          tpu.wait_indirect_dma semaphore(%run_scoped3A_175 : memref<!tpu.dma_semaphore, #tpu.memory_space<semaphore_mem>>) src(%arg10 : memref<120x128xf32, #tpu.memory_space<vmem>>) dst(%dma_wait3A_186 : memref<10112x128xf32, #tpu.memory_space<vmem_shared>>)
          tpu.yield
        }) : () -> ()
      } else {
      }
      %add3A_67 = arith.constant 6 : i32
      %add3A_68 = arith.addi %add3A_63, %add3A_67 : i32
      %lt3A_69 = arith.cmpi slt, %add3A_68, %select_n3A : i32
      %convert_element_type3A_70 = arith.extui %lt3A_69 : i1 to i32
      %cond3A_71 = arith.constant 0 : i32
      %cond3A_72 = arith.cmpi ne, %convert_element_type3A_70, %cond3A_71 : i32
      scf.if %cond3A_72 {
        %add3A_169 = arith.constant 6 : i32
        %add3A_170 = arith.addi %add3A_63, %add3A_169 : i32
        %add3A_171 = arith.addi %select_n3A_8, %add3A_170 : i32
        %mul3A_172 = arith.constant 120 : i32
        %mul3A_173 = arith.muli %add3A_171, %mul3A_172 : i32
        %dma_start3A = arith.constant 0 : i32
        %dma_start3A_174 = arith.constant 0 : i32
        %dma_start3A_175 = tpu.memref_slice %arg7[%dma_start3A, %dma_start3A_174] : memref<6x120xi32, #tpu.memory_space<vmem>> -> memref<1x120xi32, #tpu.memory_space<vmem>>
        %dma_start3A_176 = tpu.memref_squeeze %dma_start3A_175 : memref<1x120xi32, #tpu.memory_space<vmem>> -> memref<120xi32, #tpu.memory_space<vmem>>
        %dma_start3A_177 = tpu.memref_slice %arg3[%mul3A_173] : memref<322560xi32, #tpu.memory_space<hbm>> -> memref<120xi32, #tpu.memory_space<hbm>>
        %dma_start3A_178 = arith.constant 0 : i32
        %dma_start3A_179 = tpu.memref_slice %arg7[%dma_start3A, %dma_start3A_178] : memref<6x120xi32, #tpu.memory_space<vmem>> -> memref<1x120xi32, #tpu.memory_space<vmem>>
        %dma_start3A_180 = tpu.memref_squeeze %dma_start3A_179 : memref<1x120xi32, #tpu.memory_space<vmem>> -> memref<120xi32, #tpu.memory_space<vmem>>
        %dma_start3A_181 = tpu.memref_slice %arg3[%mul3A_173] : memref<322560xi32, #tpu.memory_space<hbm>> -> memref<120xi32, #tpu.memory_space<hbm>>
        tpu.enqueue_dma source(%dma_start3A_181 : memref<120xi32, #tpu.memory_space<hbm>>) target(%dma_start3A_180 : memref<120xi32, #tpu.memory_space<vmem>>) target_semaphore(%arg16 : memref<!tpu.dma_semaphore, #tpu.memory_space<semaphore_mem>>)
        %dma_start3A_182 = arith.constant 0 : i32
        %dma_start3A_183 = arith.constant 0 : i32
        %dma_start3A_184 = tpu.memref_slice %arg8[%dma_start3A_182, %dma_start3A_183] : memref<6x120xi32, #tpu.memory_space<vmem>> -> memref<1x120xi32, #tpu.memory_space<vmem>>
        %dma_start3A_185 = tpu.memref_squeeze %dma_start3A_184 : memref<1x120xi32, #tpu.memory_space<vmem>> -> memref<120xi32, #tpu.memory_space<vmem>>
        %dma_start3A_186 = tpu.memref_slice %arg4[%mul3A_173] : memref<322560xi32, #tpu.memory_space<hbm>> -> memref<120xi32, #tpu.memory_space<hbm>>
        %dma_start3A_187 = arith.constant 0 : i32
        %dma_start3A_188 = tpu.memref_slice %arg8[%dma_start3A_182, %dma_start3A_187] : memref<6x120xi32, #tpu.memory_space<vmem>> -> memref<1x120xi32, #tpu.memory_space<vmem>>
        %dma_start3A_189 = tpu.memref_squeeze %dma_start3A_188 : memref<1x120xi32, #tpu.memory_space<vmem>> -> memref<120xi32, #tpu.memory_space<vmem>>
        %dma_start3A_190 = tpu.memref_slice %arg4[%mul3A_173] : memref<322560xi32, #tpu.memory_space<hbm>> -> memref<120xi32, #tpu.memory_space<hbm>>
        tpu.enqueue_dma source(%dma_start3A_190 : memref<120xi32, #tpu.memory_space<hbm>>) target(%dma_start3A_189 : memref<120xi32, #tpu.memory_space<vmem>>) target_semaphore(%arg16 : memref<!tpu.dma_semaphore, #tpu.memory_space<semaphore_mem>>)
      } else {
      }
      %add3A_73 = arith.constant 3 : i32
      %add3A_74 = arith.addi %add3A_63, %add3A_73 : i32
      %lt3A_75 = arith.cmpi slt, %add3A_74, %select_n3A : i32
      %convert_element_type3A_76 = arith.extui %lt3A_75 : i1 to i32
      %cond3A_77 = arith.constant 0 : i32
      %cond3A_78 = arith.cmpi ne, %convert_element_type3A_76, %cond3A_77 : i32
      scf.if %cond3A_78 {
        %dma_wait3A = arith.constant 3 : i32
        %dma_wait3A_169 = arith.constant 0 : i32
        %dma_wait3A_170 = tpu.memref_slice %arg7[%dma_wait3A, %dma_wait3A_169] : memref<6x120xi32, #tpu.memory_space<vmem>> -> memref<1x120xi32, #tpu.memory_space<vmem>>
        %dma_wait3A_171 = tpu.memref_squeeze %dma_wait3A_170 : memref<1x120xi32, #tpu.memory_space<vmem>> -> memref<120xi32, #tpu.memory_space<vmem>>
        %dma_wait3A_172 = arith.constant 0 : i32
        %dma_wait3A_173 = tpu.memref_slice %arg3[%dma_wait3A_172] : memref<322560xi32, #tpu.memory_space<hbm>> -> memref<120xi32, #tpu.memory_space<hbm>>
        %dma_wait3A_174 = arith.constant 0 : i32
        %dma_wait3A_175 = tpu.memref_slice %arg7[%dma_wait3A, %dma_wait3A_174] : memref<6x120xi32, #tpu.memory_space<vmem>> -> memref<1x120xi32, #tpu.memory_space<vmem>>
        %dma_wait3A_176 = tpu.memref_squeeze %dma_wait3A_175 : memref<1x120xi32, #tpu.memory_space<vmem>> -> memref<120xi32, #tpu.memory_space<vmem>>
        %dma_wait3A_177 = arith.constant 0 : i32
        %dma_wait3A_178 = tpu.memref_slice %arg3[%dma_wait3A_177] : memref<322560xi32, #tpu.memory_space<hbm>> -> memref<120xi32, #tpu.memory_space<hbm>>
        tpu.wait_dma2 semaphore(%arg19 : memref<!tpu.dma_semaphore, #tpu.memory_space<semaphore_mem>>) src(%dma_wait3A_178 : memref<120xi32, #tpu.memory_space<hbm>>) dst(%dma_wait3A_176 : memref<120xi32, #tpu.memory_space<vmem>>)
        %dma_wait3A_179 = arith.constant 3 : i32
        %dma_wait3A_180 = arith.constant 0 : i32
        %dma_wait3A_181 = tpu.memref_slice %arg8[%dma_wait3A_179, %dma_wait3A_180] : memref<6x120xi32, #tpu.memory_space<vmem>> -> memref<1x120xi32, #tpu.memory_space<vmem>>
        %dma_wait3A_182 = tpu.memref_squeeze %dma_wait3A_181 : memref<1x120xi32, #tpu.memory_space<vmem>> -> memref<120xi32, #tpu.memory_space<vmem>>
        %dma_wait3A_183 = arith.constant 0 : i32
        %dma_wait3A_184 = tpu.memref_slice %arg4[%dma_wait3A_183] : memref<322560xi32, #tpu.memory_space<hbm>> -> memref<120xi32, #tpu.memory_space<hbm>>
        %dma_wait3A_185 = arith.constant 0 : i32
        %dma_wait3A_186 = tpu.memref_slice %arg8[%dma_wait3A_179, %dma_wait3A_185] : memref<6x120xi32, #tpu.memory_space<vmem>> -> memref<1x120xi32, #tpu.memory_space<vmem>>
        %dma_wait3A_187 = tpu.memref_squeeze %dma_wait3A_186 : memref<1x120xi32, #tpu.memory_space<vmem>> -> memref<120xi32, #tpu.memory_space<vmem>>
        %dma_wait3A_188 = arith.constant 0 : i32
        %dma_wait3A_189 = tpu.memref_slice %arg4[%dma_wait3A_188] : memref<322560xi32, #tpu.memory_space<hbm>> -> memref<120xi32, #tpu.memory_space<hbm>>
        tpu.wait_dma2 semaphore(%arg19 : memref<!tpu.dma_semaphore, #tpu.memory_space<semaphore_mem>>) src(%dma_wait3A_189 : memref<120xi32, #tpu.memory_space<hbm>>) dst(%dma_wait3A_187 : memref<120xi32, #tpu.memory_space<vmem>>)
        %dma_start3A = arith.constant 3 : i32
        %dma_start3A_190 = arith.constant 0 : i32
        %dma_start3A_191 = tpu.memref_slice %arg7[%dma_start3A, %dma_start3A_190] : memref<6x120xi32, #tpu.memory_space<vmem>> -> memref<1x120xi32, #tpu.memory_space<vmem>>
        %dma_start3A_192 = tpu.memref_squeeze %dma_start3A_191 : memref<1x120xi32, #tpu.memory_space<vmem>> -> memref<120xi32, #tpu.memory_space<vmem>>
        %dma_start3A_193 = arith.constant 0 : i32
        %dma_start3A_194 = arith.constant 0 : i32
        %dma_start3A_195 = tpu.memref_slice %arg2[%dma_start3A_193, %dma_start3A_194] : memref<10000x128xf32, #tpu.memory_space<hbm>> -> memref<10000x128xf32, #tpu.memory_space<hbm>>
        tpu.enqueue_indirect_dma source(%dma_start3A_195 : memref<10000x128xf32, #tpu.memory_space<hbm>>) target(%arg10 : memref<120x128xf32, #tpu.memory_space<vmem>>) offsets(%dma_start3A_192 : memref<120xi32, #tpu.memory_space<vmem>>) semaphore(%arg13 : memref<!tpu.dma_semaphore, #tpu.memory_space<semaphore_mem>>)
      } else {
      }
      %add3A_79 = arith.constant 1 : i32
      %add3A_80 = arith.addi %mul3A_61, %add3A_79 : i32
      %lt3A_81 = arith.cmpi slt, %add3A_80, %select_n3A : i32
      %convert_element_type3A_82 = arith.extui %lt3A_81 : i1 to i32
      %cond3A_83 = arith.constant 0 : i32
      %cond3A_84 = arith.cmpi ne, %convert_element_type3A_82, %cond3A_83 : i32
      scf.if %cond3A_84 {
        %dma_wait3A = arith.constant 1 : i32
        %dma_wait3A_169 = arith.constant 0 : i32
        %dma_wait3A_170 = tpu.memref_slice %arg7[%dma_wait3A, %dma_wait3A_169] : memref<6x120xi32, #tpu.memory_space<vmem>> -> memref<1x120xi32, #tpu.memory_space<vmem>>
        %dma_wait3A_171 = tpu.memref_squeeze %dma_wait3A_170 : memref<1x120xi32, #tpu.memory_space<vmem>> -> memref<120xi32, #tpu.memory_space<vmem>>
        %dma_wait3A_172 = arith.constant 0 : i32
        %dma_wait3A_173 = arith.constant 0 : i32
        %dma_wait3A_174 = tpu.memref_slice %arg2[%dma_wait3A_172, %dma_wait3A_173] : memref<10000x128xf32, #tpu.memory_space<hbm>> -> memref<10000x128xf32, #tpu.memory_space<hbm>>
        tpu.wait_indirect_dma semaphore(%arg14 : memref<!tpu.dma_semaphore, #tpu.memory_space<semaphore_mem>>) src(%dma_wait3A_174 : memref<10000x128xf32, #tpu.memory_space<hbm>>) dst(%arg11 : memref<120x128xf32, #tpu.memory_space<vmem>>)
        %run_scoped3A = arith.constant 1 : i32
        "tpu.region"() ({
          %run_scoped3A_175 = tpu.sem_alloc : memref<!tpu.dma_semaphore, #tpu.memory_space<semaphore_mem>>
          %dma_start3A = arith.constant 0 : i32
          %dma_start3A_176 = tpu.memref_slice %arg8[%run_scoped3A, %dma_start3A] : memref<6x120xi32, #tpu.memory_space<vmem>> -> memref<1x120xi32, #tpu.memory_space<vmem>>
          %dma_start3A_177 = tpu.memref_squeeze %dma_start3A_176 : memref<1x120xi32, #tpu.memory_space<vmem>> -> memref<120xi32, #tpu.memory_space<vmem>>
          %dma_start3A_178 = arith.constant 0 : i32
          %dma_start3A_179 = arith.constant 0 : i32
          %dma_start3A_180 = tpu.memref_slice %arg9[%dma_start3A_178, %dma_start3A_179] : memref<10112x128xf32, #tpu.memory_space<vmem_shared>> -> memref<10112x128xf32, #tpu.memory_space<vmem_shared>>
          tpu.enqueue_indirect_dma source(%arg11 : memref<120x128xf32, #tpu.memory_space<vmem>>) target(%dma_start3A_180 : memref<10112x128xf32, #tpu.memory_space<vmem_shared>>) offsets(%dma_start3A_177 : memref<120xi32, #tpu.memory_space<vmem>>) semaphore(%run_scoped3A_175 : memref<!tpu.dma_semaphore, #tpu.memory_space<semaphore_mem>>) {add = true}
          %dma_wait3A_181 = arith.constant 0 : i32
          %dma_wait3A_182 = tpu.memref_slice %arg8[%run_scoped3A, %dma_wait3A_181] : memref<6x120xi32, #tpu.memory_space<vmem>> -> memref<1x120xi32, #tpu.memory_space<vmem>>
          %dma_wait3A_183 = tpu.memref_squeeze %dma_wait3A_182 : memref<1x120xi32, #tpu.memory_space<vmem>> -> memref<120xi32, #tpu.memory_space<vmem>>
          %dma_wait3A_184 = arith.constant 0 : i32
          %dma_wait3A_185 = arith.constant 0 : i32
          %dma_wait3A_186 = tpu.memref_slice %arg9[%dma_wait3A_184, %dma_wait3A_185] : memref<10112x128xf32, #tpu.memory_space<vmem_shared>> -> memref<10112x128xf32, #tpu.memory_space<vmem_shared>>
          tpu.wait_indirect_dma semaphore(%run_scoped3A_175 : memref<!tpu.dma_semaphore, #tpu.memory_space<semaphore_mem>>) src(%arg11 : memref<120x128xf32, #tpu.memory_space<vmem>>) dst(%dma_wait3A_186 : memref<10112x128xf32, #tpu.memory_space<vmem_shared>>)
          tpu.yield
        }) : () -> ()
      } else {
      }
      %add3A_85 = arith.constant 6 : i32
      %add3A_86 = arith.addi %add3A_80, %add3A_85 : i32
      %lt3A_87 = arith.cmpi slt, %add3A_86, %select_n3A : i32
      %convert_element_type3A_88 = arith.extui %lt3A_87 : i1 to i32
      %cond3A_89 = arith.constant 0 : i32
      %cond3A_90 = arith.cmpi ne, %convert_element_type3A_88, %cond3A_89 : i32
      scf.if %cond3A_90 {
        %add3A_169 = arith.constant 6 : i32
        %add3A_170 = arith.addi %add3A_80, %add3A_169 : i32
        %add3A_171 = arith.addi %select_n3A_8, %add3A_170 : i32
        %mul3A_172 = arith.constant 120 : i32
        %mul3A_173 = arith.muli %add3A_171, %mul3A_172 : i32
        %dma_start3A = arith.constant 1 : i32
        %dma_start3A_174 = arith.constant 0 : i32
        %dma_start3A_175 = tpu.memref_slice %arg7[%dma_start3A, %dma_start3A_174] : memref<6x120xi32, #tpu.memory_space<vmem>> -> memref<1x120xi32, #tpu.memory_space<vmem>>
        %dma_start3A_176 = tpu.memref_squeeze %dma_start3A_175 : memref<1x120xi32, #tpu.memory_space<vmem>> -> memref<120xi32, #tpu.memory_space<vmem>>
        %dma_start3A_177 = tpu.memref_slice %arg3[%mul3A_173] : memref<322560xi32, #tpu.memory_space<hbm>> -> memref<120xi32, #tpu.memory_space<hbm>>
        %dma_start3A_178 = arith.constant 0 : i32
        %dma_start3A_179 = tpu.memref_slice %arg7[%dma_start3A, %dma_start3A_178] : memref<6x120xi32, #tpu.memory_space<vmem>> -> memref<1x120xi32, #tpu.memory_space<vmem>>
        %dma_start3A_180 = tpu.memref_squeeze %dma_start3A_179 : memref<1x120xi32, #tpu.memory_space<vmem>> -> memref<120xi32, #tpu.memory_space<vmem>>
        %dma_start3A_181 = tpu.memref_slice %arg3[%mul3A_173] : memref<322560xi32, #tpu.memory_space<hbm>> -> memref<120xi32, #tpu.memory_space<hbm>>
        tpu.enqueue_dma source(%dma_start3A_181 : memref<120xi32, #tpu.memory_space<hbm>>) target(%dma_start3A_180 : memref<120xi32, #tpu.memory_space<vmem>>) target_semaphore(%arg17 : memref<!tpu.dma_semaphore, #tpu.memory_space<semaphore_mem>>)
        %dma_start3A_182 = arith.constant 1 : i32
        %dma_start3A_183 = arith.constant 0 : i32
        %dma_start3A_184 = tpu.memref_slice %arg8[%dma_start3A_182, %dma_start3A_183] : memref<6x120xi32, #tpu.memory_space<vmem>> -> memref<1x120xi32, #tpu.memory_space<vmem>>
        %dma_start3A_185 = tpu.memref_squeeze %dma_start3A_184 : memref<1x120xi32, #tpu.memory_space<vmem>> -> memref<120xi32, #tpu.memory_space<vmem>>
        %dma_start3A_186 = tpu.memref_slice %arg4[%mul3A_173] : memref<322560xi32, #tpu.memory_space<hbm>> -> memref<120xi32, #tpu.memory_space<hbm>>
        %dma_start3A_187 = arith.constant 0 : i32
        %dma_start3A_188 = tpu.memref_slice %arg8[%dma_start3A_182, %dma_start3A_187] : memref<6x120xi32, #tpu.memory_space<vmem>> -> memref<1x120xi32, #tpu.memory_space<vmem>>
        %dma_start3A_189 = tpu.memref_squeeze %dma_start3A_188 : memref<1x120xi32, #tpu.memory_space<vmem>> -> memref<120xi32, #tpu.memory_space<vmem>>
        %dma_start3A_190 = tpu.memref_slice %arg4[%mul3A_173] : memref<322560xi32, #tpu.memory_space<hbm>> -> memref<120xi32, #tpu.memory_space<hbm>>
        tpu.enqueue_dma source(%dma_start3A_190 : memref<120xi32, #tpu.memory_space<hbm>>) target(%dma_start3A_189 : memref<120xi32, #tpu.memory_space<vmem>>) target_semaphore(%arg17 : memref<!tpu.dma_semaphore, #tpu.memory_space<semaphore_mem>>)
      } else {
      }
      %add3A_91 = arith.constant 3 : i32
      %add3A_92 = arith.addi %add3A_80, %add3A_91 : i32
      %lt3A_93 = arith.cmpi slt, %add3A_92, %select_n3A : i32
      %convert_element_type3A_94 = arith.extui %lt3A_93 : i1 to i32
      %cond3A_95 = arith.constant 0 : i32
      %cond3A_96 = arith.cmpi ne, %convert_element_type3A_94, %cond3A_95 : i32
      scf.if %cond3A_96 {
        %dma_wait3A = arith.constant 4 : i32
        %dma_wait3A_169 = arith.constant 0 : i32
        %dma_wait3A_170 = tpu.memref_slice %arg7[%dma_wait3A, %dma_wait3A_169] : memref<6x120xi32, #tpu.memory_space<vmem>> -> memref<1x120xi32, #tpu.memory_space<vmem>>
        %dma_wait3A_171 = tpu.memref_squeeze %dma_wait3A_170 : memref<1x120xi32, #tpu.memory_space<vmem>> -> memref<120xi32, #tpu.memory_space<vmem>>
        %dma_wait3A_172 = arith.constant 0 : i32
        %dma_wait3A_173 = tpu.memref_slice %arg3[%dma_wait3A_172] : memref<322560xi32, #tpu.memory_space<hbm>> -> memref<120xi32, #tpu.memory_space<hbm>>
        %dma_wait3A_174 = arith.constant 0 : i32
        %dma_wait3A_175 = tpu.memref_slice %arg7[%dma_wait3A, %dma_wait3A_174] : memref<6x120xi32, #tpu.memory_space<vmem>> -> memref<1x120xi32, #tpu.memory_space<vmem>>
        %dma_wait3A_176 = tpu.memref_squeeze %dma_wait3A_175 : memref<1x120xi32, #tpu.memory_space<vmem>> -> memref<120xi32, #tpu.memory_space<vmem>>
        %dma_wait3A_177 = arith.constant 0 : i32
        %dma_wait3A_178 = tpu.memref_slice %arg3[%dma_wait3A_177] : memref<322560xi32, #tpu.memory_space<hbm>> -> memref<120xi32, #tpu.memory_space<hbm>>
        tpu.wait_dma2 semaphore(%arg20 : memref<!tpu.dma_semaphore, #tpu.memory_space<semaphore_mem>>) src(%dma_wait3A_178 : memref<120xi32, #tpu.memory_space<hbm>>) dst(%dma_wait3A_176 : memref<120xi32, #tpu.memory_space<vmem>>)
        %dma_wait3A_179 = arith.constant 4 : i32
        %dma_wait3A_180 = arith.constant 0 : i32
        %dma_wait3A_181 = tpu.memref_slice %arg8[%dma_wait3A_179, %dma_wait3A_180] : memref<6x120xi32, #tpu.memory_space<vmem>> -> memref<1x120xi32, #tpu.memory_space<vmem>>
        %dma_wait3A_182 = tpu.memref_squeeze %dma_wait3A_181 : memref<1x120xi32, #tpu.memory_space<vmem>> -> memref<120xi32, #tpu.memory_space<vmem>>
        %dma_wait3A_183 = arith.constant 0 : i32
        %dma_wait3A_184 = tpu.memref_slice %arg4[%dma_wait3A_183] : memref<322560xi32, #tpu.memory_space<hbm>> -> memref<120xi32, #tpu.memory_space<hbm>>
        %dma_wait3A_185 = arith.constant 0 : i32
        %dma_wait3A_186 = tpu.memref_slice %arg8[%dma_wait3A_179, %dma_wait3A_185] : memref<6x120xi32, #tpu.memory_space<vmem>> -> memref<1x120xi32, #tpu.memory_space<vmem>>
        %dma_wait3A_187 = tpu.memref_squeeze %dma_wait3A_186 : memref<1x120xi32, #tpu.memory_space<vmem>> -> memref<120xi32, #tpu.memory_space<vmem>>
        %dma_wait3A_188 = arith.constant 0 : i32
        %dma_wait3A_189 = tpu.memref_slice %arg4[%dma_wait3A_188] : memref<322560xi32, #tpu.memory_space<hbm>> -> memref<120xi32, #tpu.memory_space<hbm>>
        tpu.wait_dma2 semaphore(%arg20 : memref<!tpu.dma_semaphore, #tpu.memory_space<semaphore_mem>>) src(%dma_wait3A_189 : memref<120xi32, #tpu.memory_space<hbm>>) dst(%dma_wait3A_187 : memref<120xi32, #tpu.memory_space<vmem>>)
        %dma_start3A = arith.constant 4 : i32
        %dma_start3A_190 = arith.constant 0 : i32
        %dma_start3A_191 = tpu.memref_slice %arg7[%dma_start3A, %dma_start3A_190] : memref<6x120xi32, #tpu.memory_space<vmem>> -> memref<1x120xi32, #tpu.memory_space<vmem>>
        %dma_start3A_192 = tpu.memref_squeeze %dma_start3A_191 : memref<1x120xi32, #tpu.memory_space<vmem>> -> memref<120xi32, #tpu.memory_space<vmem>>
        %dma_start3A_193 = arith.constant 0 : i32
        %dma_start3A_194 = arith.constant 0 : i32
        %dma_start3A_195 = tpu.memref_slice %arg2[%dma_start3A_193, %dma_start3A_194] : memref<10000x128xf32, #tpu.memory_space<hbm>> -> memref<10000x128xf32, #tpu.memory_space<hbm>>
        tpu.enqueue_indirect_dma source(%dma_start3A_195 : memref<10000x128xf32, #tpu.memory_space<hbm>>) target(%arg11 : memref<120x128xf32, #tpu.memory_space<vmem>>) offsets(%dma_start3A_192 : memref<120xi32, #tpu.memory_space<vmem>>) semaphore(%arg14 : memref<!tpu.dma_semaphore, #tpu.memory_space<semaphore_mem>>)
      } else {
      }
      %add3A_97 = arith.constant 2 : i32
      %add3A_98 = arith.addi %mul3A_61, %add3A_97 : i32
      %lt3A_99 = arith.cmpi slt, %add3A_98, %select_n3A : i32
      %convert_element_type3A_100 = arith.extui %lt3A_99 : i1 to i32
      %cond3A_101 = arith.constant 0 : i32
      %cond3A_102 = arith.cmpi ne, %convert_element_type3A_100, %cond3A_101 : i32
      scf.if %cond3A_102 {
        %dma_wait3A = arith.constant 2 : i32
        %dma_wait3A_169 = arith.constant 0 : i32
        %dma_wait3A_170 = tpu.memref_slice %arg7[%dma_wait3A, %dma_wait3A_169] : memref<6x120xi32, #tpu.memory_space<vmem>> -> memref<1x120xi32, #tpu.memory_space<vmem>>
        %dma_wait3A_171 = tpu.memref_squeeze %dma_wait3A_170 : memref<1x120xi32, #tpu.memory_space<vmem>> -> memref<120xi32, #tpu.memory_space<vmem>>
        %dma_wait3A_172 = arith.constant 0 : i32
        %dma_wait3A_173 = arith.constant 0 : i32
        %dma_wait3A_174 = tpu.memref_slice %arg2[%dma_wait3A_172, %dma_wait3A_173] : memref<10000x128xf32, #tpu.memory_space<hbm>> -> memref<10000x128xf32, #tpu.memory_space<hbm>>
        tpu.wait_indirect_dma semaphore(%arg15 : memref<!tpu.dma_semaphore, #tpu.memory_space<semaphore_mem>>) src(%dma_wait3A_174 : memref<10000x128xf32, #tpu.memory_space<hbm>>) dst(%arg12 : memref<120x128xf32, #tpu.memory_space<vmem>>)
        %run_scoped3A = arith.constant 2 : i32
        "tpu.region"() ({
          %run_scoped3A_175 = tpu.sem_alloc : memref<!tpu.dma_semaphore, #tpu.memory_space<semaphore_mem>>
          %dma_start3A = arith.constant 0 : i32
          %dma_start3A_176 = tpu.memref_slice %arg8[%run_scoped3A, %dma_start3A] : memref<6x120xi32, #tpu.memory_space<vmem>> -> memref<1x120xi32, #tpu.memory_space<vmem>>
          %dma_start3A_177 = tpu.memref_squeeze %dma_start3A_176 : memref<1x120xi32, #tpu.memory_space<vmem>> -> memref<120xi32, #tpu.memory_space<vmem>>
          %dma_start3A_178 = arith.constant 0 : i32
          %dma_start3A_179 = arith.constant 0 : i32
          %dma_start3A_180 = tpu.memref_slice %arg9[%dma_start3A_178, %dma_start3A_179] : memref<10112x128xf32, #tpu.memory_space<vmem_shared>> -> memref<10112x128xf32, #tpu.memory_space<vmem_shared>>
          tpu.enqueue_indirect_dma source(%arg12 : memref<120x128xf32, #tpu.memory_space<vmem>>) target(%dma_start3A_180 : memref<10112x128xf32, #tpu.memory_space<vmem_shared>>) offsets(%dma_start3A_177 : memref<120xi32, #tpu.memory_space<vmem>>) semaphore(%run_scoped3A_175 : memref<!tpu.dma_semaphore, #tpu.memory_space<semaphore_mem>>) {add = true}
          %dma_wait3A_181 = arith.constant 0 : i32
          %dma_wait3A_182 = tpu.memref_slice %arg8[%run_scoped3A, %dma_wait3A_181] : memref<6x120xi32, #tpu.memory_space<vmem>> -> memref<1x120xi32, #tpu.memory_space<vmem>>
          %dma_wait3A_183 = tpu.memref_squeeze %dma_wait3A_182 : memref<1x120xi32, #tpu.memory_space<vmem>> -> memref<120xi32, #tpu.memory_space<vmem>>
          %dma_wait3A_184 = arith.constant 0 : i32
          %dma_wait3A_185 = arith.constant 0 : i32
          %dma_wait3A_186 = tpu.memref_slice %arg9[%dma_wait3A_184, %dma_wait3A_185] : memref<10112x128xf32, #tpu.memory_space<vmem_shared>> -> memref<10112x128xf32, #tpu.memory_space<vmem_shared>>
          tpu.wait_indirect_dma semaphore(%run_scoped3A_175 : memref<!tpu.dma_semaphore, #tpu.memory_space<semaphore_mem>>) src(%arg12 : memref<120x128xf32, #tpu.memory_space<vmem>>) dst(%dma_wait3A_186 : memref<10112x128xf32, #tpu.memory_space<vmem_shared>>)
          tpu.yield
        }) : () -> ()
      } else {
      }
      %add3A_103 = arith.constant 6 : i32
      %add3A_104 = arith.addi %add3A_98, %add3A_103 : i32
      %lt3A_105 = arith.cmpi slt, %add3A_104, %select_n3A : i32
      %convert_element_type3A_106 = arith.extui %lt3A_105 : i1 to i32
      %cond3A_107 = arith.constant 0 : i32
      %cond3A_108 = arith.cmpi ne, %convert_element_type3A_106, %cond3A_107 : i32
      scf.if %cond3A_108 {
        %add3A_169 = arith.constant 6 : i32
        %add3A_170 = arith.addi %add3A_98, %add3A_169 : i32
        %add3A_171 = arith.addi %select_n3A_8, %add3A_170 : i32
        %mul3A_172 = arith.constant 120 : i32
        %mul3A_173 = arith.muli %add3A_171, %mul3A_172 : i32
        %dma_start3A = arith.constant 2 : i32
        %dma_start3A_174 = arith.constant 0 : i32
        %dma_start3A_175 = tpu.memref_slice %arg7[%dma_start3A, %dma_start3A_174] : memref<6x120xi32, #tpu.memory_space<vmem>> -> memref<1x120xi32, #tpu.memory_space<vmem>>
        %dma_start3A_176 = tpu.memref_squeeze %dma_start3A_175 : memref<1x120xi32, #tpu.memory_space<vmem>> -> memref<120xi32, #tpu.memory_space<vmem>>
        %dma_start3A_177 = tpu.memref_slice %arg3[%mul3A_173] : memref<322560xi32, #tpu.memory_space<hbm>> -> memref<120xi32, #tpu.memory_space<hbm>>
        %dma_start3A_178 = arith.constant 0 : i32
        %dma_start3A_179 = tpu.memref_slice %arg7[%dma_start3A, %dma_start3A_178] : memref<6x120xi32, #tpu.memory_space<vmem>> -> memref<1x120xi32, #tpu.memory_space<vmem>>
        %dma_start3A_180 = tpu.memref_squeeze %dma_start3A_179 : memref<1x120xi32, #tpu.memory_space<vmem>> -> memref<120xi32, #tpu.memory_space<vmem>>
        %dma_start3A_181 = tpu.memref_slice %arg3[%mul3A_173] : memref<322560xi32, #tpu.memory_space<hbm>> -> memref<120xi32, #tpu.memory_space<hbm>>
        tpu.enqueue_dma source(%dma_start3A_181 : memref<120xi32, #tpu.memory_space<hbm>>) target(%dma_start3A_180 : memref<120xi32, #tpu.memory_space<vmem>>) target_semaphore(%arg18 : memref<!tpu.dma_semaphore, #tpu.memory_space<semaphore_mem>>)
        %dma_start3A_182 = arith.constant 2 : i32
        %dma_start3A_183 = arith.constant 0 : i32
        %dma_start3A_184 = tpu.memref_slice %arg8[%dma_start3A_182, %dma_start3A_183] : memref<6x120xi32, #tpu.memory_space<vmem>> -> memref<1x120xi32, #tpu.memory_space<vmem>>
        %dma_start3A_185 = tpu.memref_squeeze %dma_start3A_184 : memref<1x120xi32, #tpu.memory_space<vmem>> -> memref<120xi32, #tpu.memory_space<vmem>>
        %dma_start3A_186 = tpu.memref_slice %arg4[%mul3A_173] : memref<322560xi32, #tpu.memory_space<hbm>> -> memref<120xi32, #tpu.memory_space<hbm>>
        %dma_start3A_187 = arith.constant 0 : i32
        %dma_start3A_188 = tpu.memref_slice %arg8[%dma_start3A_182, %dma_start3A_187] : memref<6x120xi32, #tpu.memory_space<vmem>> -> memref<1x120xi32, #tpu.memory_space<vmem>>
        %dma_start3A_189 = tpu.memref_squeeze %dma_start3A_188 : memref<1x120xi32, #tpu.memory_space<vmem>> -> memref<120xi32, #tpu.memory_space<vmem>>
        %dma_start3A_190 = tpu.memref_slice %arg4[%mul3A_173] : memref<322560xi32, #tpu.memory_space<hbm>> -> memref<120xi32, #tpu.memory_space<hbm>>
        tpu.enqueue_dma source(%dma_start3A_190 : memref<120xi32, #tpu.memory_space<hbm>>) target(%dma_start3A_189 : memref<120xi32, #tpu.memory_space<vmem>>) target_semaphore(%arg18 : memref<!tpu.dma_semaphore, #tpu.memory_space<semaphore_mem>>)
      } else {
      }
      %add3A_109 = arith.constant 3 : i32
      %add3A_110 = arith.addi %add3A_98, %add3A_109 : i32
      %lt3A_111 = arith.cmpi slt, %add3A_110, %select_n3A : i32
      %convert_element_type3A_112 = arith.extui %lt3A_111 : i1 to i32
      %cond3A_113 = arith.constant 0 : i32
      %cond3A_114 = arith.cmpi ne, %convert_element_type3A_112, %cond3A_113 : i32
      scf.if %cond3A_114 {
        %dma_wait3A = arith.constant 5 : i32
        %dma_wait3A_169 = arith.constant 0 : i32
        %dma_wait3A_170 = tpu.memref_slice %arg7[%dma_wait3A, %dma_wait3A_169] : memref<6x120xi32, #tpu.memory_space<vmem>> -> memref<1x120xi32, #tpu.memory_space<vmem>>
        %dma_wait3A_171 = tpu.memref_squeeze %dma_wait3A_170 : memref<1x120xi32, #tpu.memory_space<vmem>> -> memref<120xi32, #tpu.memory_space<vmem>>
        %dma_wait3A_172 = arith.constant 0 : i32
        %dma_wait3A_173 = tpu.memref_slice %arg3[%dma_wait3A_172] : memref<322560xi32, #tpu.memory_space<hbm>> -> memref<120xi32, #tpu.memory_space<hbm>>
        %dma_wait3A_174 = arith.constant 0 : i32
        %dma_wait3A_175 = tpu.memref_slice %arg7[%dma_wait3A, %dma_wait3A_174] : memref<6x120xi32, #tpu.memory_space<vmem>> -> memref<1x120xi32, #tpu.memory_space<vmem>>
        %dma_wait3A_176 = tpu.memref_squeeze %dma_wait3A_175 : memref<1x120xi32, #tpu.memory_space<vmem>> -> memref<120xi32, #tpu.memory_space<vmem>>
        %dma_wait3A_177 = arith.constant 0 : i32
        %dma_wait3A_178 = tpu.memref_slice %arg3[%dma_wait3A_177] : memref<322560xi32, #tpu.memory_space<hbm>> -> memref<120xi32, #tpu.memory_space<hbm>>
        tpu.wait_dma2 semaphore(%arg21 : memref<!tpu.dma_semaphore, #tpu.memory_space<semaphore_mem>>) src(%dma_wait3A_178 : memref<120xi32, #tpu.memory_space<hbm>>) dst(%dma_wait3A_176 : memref<120xi32, #tpu.memory_space<vmem>>)
        %dma_wait3A_179 = arith.constant 5 : i32
        %dma_wait3A_180 = arith.constant 0 : i32
        %dma_wait3A_181 = tpu.memref_slice %arg8[%dma_wait3A_179, %dma_wait3A_180] : memref<6x120xi32, #tpu.memory_space<vmem>> -> memref<1x120xi32, #tpu.memory_space<vmem>>
        %dma_wait3A_182 = tpu.memref_squeeze %dma_wait3A_181 : memref<1x120xi32, #tpu.memory_space<vmem>> -> memref<120xi32, #tpu.memory_space<vmem>>
        %dma_wait3A_183 = arith.constant 0 : i32
        %dma_wait3A_184 = tpu.memref_slice %arg4[%dma_wait3A_183] : memref<322560xi32, #tpu.memory_space<hbm>> -> memref<120xi32, #tpu.memory_space<hbm>>
        %dma_wait3A_185 = arith.constant 0 : i32
        %dma_wait3A_186 = tpu.memref_slice %arg8[%dma_wait3A_179, %dma_wait3A_185] : memref<6x120xi32, #tpu.memory_space<vmem>> -> memref<1x120xi32, #tpu.memory_space<vmem>>
        %dma_wait3A_187 = tpu.memref_squeeze %dma_wait3A_186 : memref<1x120xi32, #tpu.memory_space<vmem>> -> memref<120xi32, #tpu.memory_space<vmem>>
        %dma_wait3A_188 = arith.constant 0 : i32
        %dma_wait3A_189 = tpu.memref_slice %arg4[%dma_wait3A_188] : memref<322560xi32, #tpu.memory_space<hbm>> -> memref<120xi32, #tpu.memory_space<hbm>>
        tpu.wait_dma2 semaphore(%arg21 : memref<!tpu.dma_semaphore, #tpu.memory_space<semaphore_mem>>) src(%dma_wait3A_189 : memref<120xi32, #tpu.memory_space<hbm>>) dst(%dma_wait3A_187 : memref<120xi32, #tpu.memory_space<vmem>>)
        %dma_start3A = arith.constant 5 : i32
        %dma_start3A_190 = arith.constant 0 : i32
        %dma_start3A_191 = tpu.memref_slice %arg7[%dma_start3A, %dma_start3A_190] : memref<6x120xi32, #tpu.memory_space<vmem>> -> memref<1x120xi32, #tpu.memory_space<vmem>>
        %dma_start3A_192 = tpu.memref_squeeze %dma_start3A_191 : memref<1x120xi32, #tpu.memory_space<vmem>> -> memref<120xi32, #tpu.memory_space<vmem>>
        %dma_start3A_193 = arith.constant 0 : i32
        %dma_start3A_194 = arith.constant 0 : i32
        %dma_start3A_195 = tpu.memref_slice %arg2[%dma_start3A_193, %dma_start3A_194] : memref<10000x128xf32, #tpu.memory_space<hbm>> -> memref<10000x128xf32, #tpu.memory_space<hbm>>
        tpu.enqueue_indirect_dma source(%dma_start3A_195 : memref<10000x128xf32, #tpu.memory_space<hbm>>) target(%arg12 : memref<120x128xf32, #tpu.memory_space<vmem>>) offsets(%dma_start3A_192 : memref<120xi32, #tpu.memory_space<vmem>>) semaphore(%arg15 : memref<!tpu.dma_semaphore, #tpu.memory_space<semaphore_mem>>)
      } else {
      }
      %add3A_115 = arith.constant 3 : i32
      %add3A_116 = arith.addi %mul3A_61, %add3A_115 : i32
      %lt3A_117 = arith.cmpi slt, %add3A_116, %select_n3A : i32
      %convert_element_type3A_118 = arith.extui %lt3A_117 : i1 to i32
      %cond3A_119 = arith.constant 0 : i32
      %cond3A_120 = arith.cmpi ne, %convert_element_type3A_118, %cond3A_119 : i32
      scf.if %cond3A_120 {
        %dma_wait3A = arith.constant 3 : i32
        %dma_wait3A_169 = arith.constant 0 : i32
        %dma_wait3A_170 = tpu.memref_slice %arg7[%dma_wait3A, %dma_wait3A_169] : memref<6x120xi32, #tpu.memory_space<vmem>> -> memref<1x120xi32, #tpu.memory_space<vmem>>
        %dma_wait3A_171 = tpu.memref_squeeze %dma_wait3A_170 : memref<1x120xi32, #tpu.memory_space<vmem>> -> memref<120xi32, #tpu.memory_space<vmem>>
        %dma_wait3A_172 = arith.constant 0 : i32
        %dma_wait3A_173 = arith.constant 0 : i32
        %dma_wait3A_174 = tpu.memref_slice %arg2[%dma_wait3A_172, %dma_wait3A_173] : memref<10000x128xf32, #tpu.memory_space<hbm>> -> memref<10000x128xf32, #tpu.memory_space<hbm>>
        tpu.wait_indirect_dma semaphore(%arg13 : memref<!tpu.dma_semaphore, #tpu.memory_space<semaphore_mem>>) src(%dma_wait3A_174 : memref<10000x128xf32, #tpu.memory_space<hbm>>) dst(%arg10 : memref<120x128xf32, #tpu.memory_space<vmem>>)
        %run_scoped3A = arith.constant 3 : i32
        "tpu.region"() ({
          %run_scoped3A_175 = tpu.sem_alloc : memref<!tpu.dma_semaphore, #tpu.memory_space<semaphore_mem>>
          %dma_start3A = arith.constant 0 : i32
          %dma_start3A_176 = tpu.memref_slice %arg8[%run_scoped3A, %dma_start3A] : memref<6x120xi32, #tpu.memory_space<vmem>> -> memref<1x120xi32, #tpu.memory_space<vmem>>
          %dma_start3A_177 = tpu.memref_squeeze %dma_start3A_176 : memref<1x120xi32, #tpu.memory_space<vmem>> -> memref<120xi32, #tpu.memory_space<vmem>>
          %dma_start3A_178 = arith.constant 0 : i32
          %dma_start3A_179 = arith.constant 0 : i32
          %dma_start3A_180 = tpu.memref_slice %arg9[%dma_start3A_178, %dma_start3A_179] : memref<10112x128xf32, #tpu.memory_space<vmem_shared>> -> memref<10112x128xf32, #tpu.memory_space<vmem_shared>>
          tpu.enqueue_indirect_dma source(%arg10 : memref<120x128xf32, #tpu.memory_space<vmem>>) target(%dma_start3A_180 : memref<10112x128xf32, #tpu.memory_space<vmem_shared>>) offsets(%dma_start3A_177 : memref<120xi32, #tpu.memory_space<vmem>>) semaphore(%run_scoped3A_175 : memref<!tpu.dma_semaphore, #tpu.memory_space<semaphore_mem>>) {add = true}
          %dma_wait3A_181 = arith.constant 0 : i32
          %dma_wait3A_182 = tpu.memref_slice %arg8[%run_scoped3A, %dma_wait3A_181] : memref<6x120xi32, #tpu.memory_space<vmem>> -> memref<1x120xi32, #tpu.memory_space<vmem>>
          %dma_wait3A_183 = tpu.memref_squeeze %dma_wait3A_182 : memref<1x120xi32, #tpu.memory_space<vmem>> -> memref<120xi32, #tpu.memory_space<vmem>>
          %dma_wait3A_184 = arith.constant 0 : i32
          %dma_wait3A_185 = arith.constant 0 : i32
          %dma_wait3A_186 = tpu.memref_slice %arg9[%dma_wait3A_184, %dma_wait3A_185] : memref<10112x128xf32, #tpu.memory_space<vmem_shared>> -> memref<10112x128xf32, #tpu.memory_space<vmem_shared>>
          tpu.wait_indirect_dma semaphore(%run_scoped3A_175 : memref<!tpu.dma_semaphore, #tpu.memory_space<semaphore_mem>>) src(%arg10 : memref<120x128xf32, #tpu.memory_space<vmem>>) dst(%dma_wait3A_186 : memref<10112x128xf32, #tpu.memory_space<vmem_shared>>)
          tpu.yield
        }) : () -> ()
      } else {
      }
      %add3A_121 = arith.constant 6 : i32
      %add3A_122 = arith.addi %add3A_116, %add3A_121 : i32
      %lt3A_123 = arith.cmpi slt, %add3A_122, %select_n3A : i32
      %convert_element_type3A_124 = arith.extui %lt3A_123 : i1 to i32
      %cond3A_125 = arith.constant 0 : i32
      %cond3A_126 = arith.cmpi ne, %convert_element_type3A_124, %cond3A_125 : i32
      scf.if %cond3A_126 {
        %add3A_169 = arith.constant 6 : i32
        %add3A_170 = arith.addi %add3A_116, %add3A_169 : i32
        %add3A_171 = arith.addi %select_n3A_8, %add3A_170 : i32
        %mul3A_172 = arith.constant 120 : i32
        %mul3A_173 = arith.muli %add3A_171, %mul3A_172 : i32
        %dma_start3A = arith.constant 3 : i32
        %dma_start3A_174 = arith.constant 0 : i32
        %dma_start3A_175 = tpu.memref_slice %arg7[%dma_start3A, %dma_start3A_174] : memref<6x120xi32, #tpu.memory_space<vmem>> -> memref<1x120xi32, #tpu.memory_space<vmem>>
        %dma_start3A_176 = tpu.memref_squeeze %dma_start3A_175 : memref<1x120xi32, #tpu.memory_space<vmem>> -> memref<120xi32, #tpu.memory_space<vmem>>
        %dma_start3A_177 = tpu.memref_slice %arg3[%mul3A_173] : memref<322560xi32, #tpu.memory_space<hbm>> -> memref<120xi32, #tpu.memory_space<hbm>>
        %dma_start3A_178 = arith.constant 0 : i32
        %dma_start3A_179 = tpu.memref_slice %arg7[%dma_start3A, %dma_start3A_178] : memref<6x120xi32, #tpu.memory_space<vmem>> -> memref<1x120xi32, #tpu.memory_space<vmem>>
        %dma_start3A_180 = tpu.memref_squeeze %dma_start3A_179 : memref<1x120xi32, #tpu.memory_space<vmem>> -> memref<120xi32, #tpu.memory_space<vmem>>
        %dma_start3A_181 = tpu.memref_slice %arg3[%mul3A_173] : memref<322560xi32, #tpu.memory_space<hbm>> -> memref<120xi32, #tpu.memory_space<hbm>>
        tpu.enqueue_dma source(%dma_start3A_181 : memref<120xi32, #tpu.memory_space<hbm>>) target(%dma_start3A_180 : memref<120xi32, #tpu.memory_space<vmem>>) target_semaphore(%arg19 : memref<!tpu.dma_semaphore, #tpu.memory_space<semaphore_mem>>)
        %dma_start3A_182 = arith.constant 3 : i32
        %dma_start3A_183 = arith.constant 0 : i32
        %dma_start3A_184 = tpu.memref_slice %arg8[%dma_start3A_182, %dma_start3A_183] : memref<6x120xi32, #tpu.memory_space<vmem>> -> memref<1x120xi32, #tpu.memory_space<vmem>>
        %dma_start3A_185 = tpu.memref_squeeze %dma_start3A_184 : memref<1x120xi32, #tpu.memory_space<vmem>> -> memref<120xi32, #tpu.memory_space<vmem>>
        %dma_start3A_186 = tpu.memref_slice %arg4[%mul3A_173] : memref<322560xi32, #tpu.memory_space<hbm>> -> memref<120xi32, #tpu.memory_space<hbm>>
        %dma_start3A_187 = arith.constant 0 : i32
        %dma_start3A_188 = tpu.memref_slice %arg8[%dma_start3A_182, %dma_start3A_187] : memref<6x120xi32, #tpu.memory_space<vmem>> -> memref<1x120xi32, #tpu.memory_space<vmem>>
        %dma_start3A_189 = tpu.memref_squeeze %dma_start3A_188 : memref<1x120xi32, #tpu.memory_space<vmem>> -> memref<120xi32, #tpu.memory_space<vmem>>
        %dma_start3A_190 = tpu.memref_slice %arg4[%mul3A_173] : memref<322560xi32, #tpu.memory_space<hbm>> -> memref<120xi32, #tpu.memory_space<hbm>>
        tpu.enqueue_dma source(%dma_start3A_190 : memref<120xi32, #tpu.memory_space<hbm>>) target(%dma_start3A_189 : memref<120xi32, #tpu.memory_space<vmem>>) target_semaphore(%arg19 : memref<!tpu.dma_semaphore, #tpu.memory_space<semaphore_mem>>)
      } else {
      }
      %add3A_127 = arith.constant 3 : i32
      %add3A_128 = arith.addi %add3A_116, %add3A_127 : i32
      %lt3A_129 = arith.cmpi slt, %add3A_128, %select_n3A : i32
      %convert_element_type3A_130 = arith.extui %lt3A_129 : i1 to i32
      %cond3A_131 = arith.constant 0 : i32
      %cond3A_132 = arith.cmpi ne, %convert_element_type3A_130, %cond3A_131 : i32
      scf.if %cond3A_132 {
        %dma_wait3A = arith.constant 0 : i32
        %dma_wait3A_169 = arith.constant 0 : i32
        %dma_wait3A_170 = tpu.memref_slice %arg7[%dma_wait3A, %dma_wait3A_169] : memref<6x120xi32, #tpu.memory_space<vmem>> -> memref<1x120xi32, #tpu.memory_space<vmem>>
        %dma_wait3A_171 = tpu.memref_squeeze %dma_wait3A_170 : memref<1x120xi32, #tpu.memory_space<vmem>> -> memref<120xi32, #tpu.memory_space<vmem>>
        %dma_wait3A_172 = arith.constant 0 : i32
        %dma_wait3A_173 = tpu.memref_slice %arg3[%dma_wait3A_172] : memref<322560xi32, #tpu.memory_space<hbm>> -> memref<120xi32, #tpu.memory_space<hbm>>
        %dma_wait3A_174 = arith.constant 0 : i32
        %dma_wait3A_175 = tpu.memref_slice %arg7[%dma_wait3A, %dma_wait3A_174] : memref<6x120xi32, #tpu.memory_space<vmem>> -> memref<1x120xi32, #tpu.memory_space<vmem>>
        %dma_wait3A_176 = tpu.memref_squeeze %dma_wait3A_175 : memref<1x120xi32, #tpu.memory_space<vmem>> -> memref<120xi32, #tpu.memory_space<vmem>>
        %dma_wait3A_177 = arith.constant 0 : i32
        %dma_wait3A_178 = tpu.memref_slice %arg3[%dma_wait3A_177] : memref<322560xi32, #tpu.memory_space<hbm>> -> memref<120xi32, #tpu.memory_space<hbm>>
        tpu.wait_dma2 semaphore(%arg16 : memref<!tpu.dma_semaphore, #tpu.memory_space<semaphore_mem>>) src(%dma_wait3A_178 : memref<120xi32, #tpu.memory_space<hbm>>) dst(%dma_wait3A_176 : memref<120xi32, #tpu.memory_space<vmem>>)
        %dma_wait3A_179 = arith.constant 0 : i32
        %dma_wait3A_180 = arith.constant 0 : i32
        %dma_wait3A_181 = tpu.memref_slice %arg8[%dma_wait3A_179, %dma_wait3A_180] : memref<6x120xi32, #tpu.memory_space<vmem>> -> memref<1x120xi32, #tpu.memory_space<vmem>>
        %dma_wait3A_182 = tpu.memref_squeeze %dma_wait3A_181 : memref<1x120xi32, #tpu.memory_space<vmem>> -> memref<120xi32, #tpu.memory_space<vmem>>
        %dma_wait3A_183 = arith.constant 0 : i32
        %dma_wait3A_184 = tpu.memref_slice %arg4[%dma_wait3A_183] : memref<322560xi32, #tpu.memory_space<hbm>> -> memref<120xi32, #tpu.memory_space<hbm>>
        %dma_wait3A_185 = arith.constant 0 : i32
        %dma_wait3A_186 = tpu.memref_slice %arg8[%dma_wait3A_179, %dma_wait3A_185] : memref<6x120xi32, #tpu.memory_space<vmem>> -> memref<1x120xi32, #tpu.memory_space<vmem>>
        %dma_wait3A_187 = tpu.memref_squeeze %dma_wait3A_186 : memref<1x120xi32, #tpu.memory_space<vmem>> -> memref<120xi32, #tpu.memory_space<vmem>>
        %dma_wait3A_188 = arith.constant 0 : i32
        %dma_wait3A_189 = tpu.memref_slice %arg4[%dma_wait3A_188] : memref<322560xi32, #tpu.memory_space<hbm>> -> memref<120xi32, #tpu.memory_space<hbm>>
        tpu.wait_dma2 semaphore(%arg16 : memref<!tpu.dma_semaphore, #tpu.memory_space<semaphore_mem>>) src(%dma_wait3A_189 : memref<120xi32, #tpu.memory_space<hbm>>) dst(%dma_wait3A_187 : memref<120xi32, #tpu.memory_space<vmem>>)
        %dma_start3A = arith.constant 0 : i32
        %dma_start3A_190 = arith.constant 0 : i32
        %dma_start3A_191 = tpu.memref_slice %arg7[%dma_start3A, %dma_start3A_190] : memref<6x120xi32, #tpu.memory_space<vmem>> -> memref<1x120xi32, #tpu.memory_space<vmem>>
        %dma_start3A_192 = tpu.memref_squeeze %dma_start3A_191 : memref<1x120xi32, #tpu.memory_space<vmem>> -> memref<120xi32, #tpu.memory_space<vmem>>
        %dma_start3A_193 = arith.constant 0 : i32
        %dma_start3A_194 = arith.constant 0 : i32
        %dma_start3A_195 = tpu.memref_slice %arg2[%dma_start3A_193, %dma_start3A_194] : memref<10000x128xf32, #tpu.memory_space<hbm>> -> memref<10000x128xf32, #tpu.memory_space<hbm>>
        tpu.enqueue_indirect_dma source(%dma_start3A_195 : memref<10000x128xf32, #tpu.memory_space<hbm>>) target(%arg10 : memref<120x128xf32, #tpu.memory_space<vmem>>) offsets(%dma_start3A_192 : memref<120xi32, #tpu.memory_space<vmem>>) semaphore(%arg13 : memref<!tpu.dma_semaphore, #tpu.memory_space<semaphore_mem>>)
      } else {
      }
      %add3A_133 = arith.constant 4 : i32
      %add3A_134 = arith.addi %mul3A_61, %add3A_133 : i32
      %lt3A_135 = arith.cmpi slt, %add3A_134, %select_n3A : i32
      %convert_element_type3A_136 = arith.extui %lt3A_135 : i1 to i32
      %cond3A_137 = arith.constant 0 : i32
      %cond3A_138 = arith.cmpi ne, %convert_element_type3A_136, %cond3A_137 : i32
      scf.if %cond3A_138 {
        %dma_wait3A = arith.constant 4 : i32
        %dma_wait3A_169 = arith.constant 0 : i32
        %dma_wait3A_170 = tpu.memref_slice %arg7[%dma_wait3A, %dma_wait3A_169] : memref<6x120xi32, #tpu.memory_space<vmem>> -> memref<1x120xi32, #tpu.memory_space<vmem>>
        %dma_wait3A_171 = tpu.memref_squeeze %dma_wait3A_170 : memref<1x120xi32, #tpu.memory_space<vmem>> -> memref<120xi32, #tpu.memory_space<vmem>>
        %dma_wait3A_172 = arith.constant 0 : i32
        %dma_wait3A_173 = arith.constant 0 : i32
        %dma_wait3A_174 = tpu.memref_slice %arg2[%dma_wait3A_172, %dma_wait3A_173] : memref<10000x128xf32, #tpu.memory_space<hbm>> -> memref<10000x128xf32, #tpu.memory_space<hbm>>
        tpu.wait_indirect_dma semaphore(%arg14 : memref<!tpu.dma_semaphore, #tpu.memory_space<semaphore_mem>>) src(%dma_wait3A_174 : memref<10000x128xf32, #tpu.memory_space<hbm>>) dst(%arg11 : memref<120x128xf32, #tpu.memory_space<vmem>>)
        %run_scoped3A = arith.constant 4 : i32
        "tpu.region"() ({
          %run_scoped3A_175 = tpu.sem_alloc : memref<!tpu.dma_semaphore, #tpu.memory_space<semaphore_mem>>
          %dma_start3A = arith.constant 0 : i32
          %dma_start3A_176 = tpu.memref_slice %arg8[%run_scoped3A, %dma_start3A] : memref<6x120xi32, #tpu.memory_space<vmem>> -> memref<1x120xi32, #tpu.memory_space<vmem>>
          %dma_start3A_177 = tpu.memref_squeeze %dma_start3A_176 : memref<1x120xi32, #tpu.memory_space<vmem>> -> memref<120xi32, #tpu.memory_space<vmem>>
          %dma_start3A_178 = arith.constant 0 : i32
          %dma_start3A_179 = arith.constant 0 : i32
          %dma_start3A_180 = tpu.memref_slice %arg9[%dma_start3A_178, %dma_start3A_179] : memref<10112x128xf32, #tpu.memory_space<vmem_shared>> -> memref<10112x128xf32, #tpu.memory_space<vmem_shared>>
          tpu.enqueue_indirect_dma source(%arg11 : memref<120x128xf32, #tpu.memory_space<vmem>>) target(%dma_start3A_180 : memref<10112x128xf32, #tpu.memory_space<vmem_shared>>) offsets(%dma_start3A_177 : memref<120xi32, #tpu.memory_space<vmem>>) semaphore(%run_scoped3A_175 : memref<!tpu.dma_semaphore, #tpu.memory_space<semaphore_mem>>) {add = true}
          %dma_wait3A_181 = arith.constant 0 : i32
          %dma_wait3A_182 = tpu.memref_slice %arg8[%run_scoped3A, %dma_wait3A_181] : memref<6x120xi32, #tpu.memory_space<vmem>> -> memref<1x120xi32, #tpu.memory_space<vmem>>
          %dma_wait3A_183 = tpu.memref_squeeze %dma_wait3A_182 : memref<1x120xi32, #tpu.memory_space<vmem>> -> memref<120xi32, #tpu.memory_space<vmem>>
          %dma_wait3A_184 = arith.constant 0 : i32
          %dma_wait3A_185 = arith.constant 0 : i32
          %dma_wait3A_186 = tpu.memref_slice %arg9[%dma_wait3A_184, %dma_wait3A_185] : memref<10112x128xf32, #tpu.memory_space<vmem_shared>> -> memref<10112x128xf32, #tpu.memory_space<vmem_shared>>
          tpu.wait_indirect_dma semaphore(%run_scoped3A_175 : memref<!tpu.dma_semaphore, #tpu.memory_space<semaphore_mem>>) src(%arg11 : memref<120x128xf32, #tpu.memory_space<vmem>>) dst(%dma_wait3A_186 : memref<10112x128xf32, #tpu.memory_space<vmem_shared>>)
          tpu.yield
        }) : () -> ()
      } else {
      }
      %add3A_139 = arith.constant 6 : i32
      %add3A_140 = arith.addi %add3A_134, %add3A_139 : i32
      %lt3A_141 = arith.cmpi slt, %add3A_140, %select_n3A : i32
      %convert_element_type3A_142 = arith.extui %lt3A_141 : i1 to i32
      %cond3A_143 = arith.constant 0 : i32
      %cond3A_144 = arith.cmpi ne, %convert_element_type3A_142, %cond3A_143 : i32
      scf.if %cond3A_144 {
        %add3A_169 = arith.constant 6 : i32
        %add3A_170 = arith.addi %add3A_134, %add3A_169 : i32
        %add3A_171 = arith.addi %select_n3A_8, %add3A_170 : i32
        %mul3A_172 = arith.constant 120 : i32
        %mul3A_173 = arith.muli %add3A_171, %mul3A_172 : i32
        %dma_start3A = arith.constant 4 : i32
        %dma_start3A_174 = arith.constant 0 : i32
        %dma_start3A_175 = tpu.memref_slice %arg7[%dma_start3A, %dma_start3A_174] : memref<6x120xi32, #tpu.memory_space<vmem>> -> memref<1x120xi32, #tpu.memory_space<vmem>>
        %dma_start3A_176 = tpu.memref_squeeze %dma_start3A_175 : memref<1x120xi32, #tpu.memory_space<vmem>> -> memref<120xi32, #tpu.memory_space<vmem>>
        %dma_start3A_177 = tpu.memref_slice %arg3[%mul3A_173] : memref<322560xi32, #tpu.memory_space<hbm>> -> memref<120xi32, #tpu.memory_space<hbm>>
        %dma_start3A_178 = arith.constant 0 : i32
        %dma_start3A_179 = tpu.memref_slice %arg7[%dma_start3A, %dma_start3A_178] : memref<6x120xi32, #tpu.memory_space<vmem>> -> memref<1x120xi32, #tpu.memory_space<vmem>>
        %dma_start3A_180 = tpu.memref_squeeze %dma_start3A_179 : memref<1x120xi32, #tpu.memory_space<vmem>> -> memref<120xi32, #tpu.memory_space<vmem>>
        %dma_start3A_181 = tpu.memref_slice %arg3[%mul3A_173] : memref<322560xi32, #tpu.memory_space<hbm>> -> memref<120xi32, #tpu.memory_space<hbm>>
        tpu.enqueue_dma source(%dma_start3A_181 : memref<120xi32, #tpu.memory_space<hbm>>) target(%dma_start3A_180 : memref<120xi32, #tpu.memory_space<vmem>>) target_semaphore(%arg20 : memref<!tpu.dma_semaphore, #tpu.memory_space<semaphore_mem>>)
        %dma_start3A_182 = arith.constant 4 : i32
        %dma_start3A_183 = arith.constant 0 : i32
        %dma_start3A_184 = tpu.memref_slice %arg8[%dma_start3A_182, %dma_start3A_183] : memref<6x120xi32, #tpu.memory_space<vmem>> -> memref<1x120xi32, #tpu.memory_space<vmem>>
        %dma_start3A_185 = tpu.memref_squeeze %dma_start3A_184 : memref<1x120xi32, #tpu.memory_space<vmem>> -> memref<120xi32, #tpu.memory_space<vmem>>
        %dma_start3A_186 = tpu.memref_slice %arg4[%mul3A_173] : memref<322560xi32, #tpu.memory_space<hbm>> -> memref<120xi32, #tpu.memory_space<hbm>>
        %dma_start3A_187 = arith.constant 0 : i32
        %dma_start3A_188 = tpu.memref_slice %arg8[%dma_start3A_182, %dma_start3A_187] : memref<6x120xi32, #tpu.memory_space<vmem>> -> memref<1x120xi32, #tpu.memory_space<vmem>>
        %dma_start3A_189 = tpu.memref_squeeze %dma_start3A_188 : memref<1x120xi32, #tpu.memory_space<vmem>> -> memref<120xi32, #tpu.memory_space<vmem>>
        %dma_start3A_190 = tpu.memref_slice %arg4[%mul3A_173] : memref<322560xi32, #tpu.memory_space<hbm>> -> memref<120xi32, #tpu.memory_space<hbm>>
        tpu.enqueue_dma source(%dma_start3A_190 : memref<120xi32, #tpu.memory_space<hbm>>) target(%dma_start3A_189 : memref<120xi32, #tpu.memory_space<vmem>>) target_semaphore(%arg20 : memref<!tpu.dma_semaphore, #tpu.memory_space<semaphore_mem>>)
      } else {
      }
      %add3A_145 = arith.constant 3 : i32
      %add3A_146 = arith.addi %add3A_134, %add3A_145 : i32
      %lt3A_147 = arith.cmpi slt, %add3A_146, %select_n3A : i32
      %convert_element_type3A_148 = arith.extui %lt3A_147 : i1 to i32
      %cond3A_149 = arith.constant 0 : i32
      %cond3A_150 = arith.cmpi ne, %convert_element_type3A_148, %cond3A_149 : i32
      scf.if %cond3A_150 {
        %dma_wait3A = arith.constant 1 : i32
        %dma_wait3A_169 = arith.constant 0 : i32
        %dma_wait3A_170 = tpu.memref_slice %arg7[%dma_wait3A, %dma_wait3A_169] : memref<6x120xi32, #tpu.memory_space<vmem>> -> memref<1x120xi32, #tpu.memory_space<vmem>>
        %dma_wait3A_171 = tpu.memref_squeeze %dma_wait3A_170 : memref<1x120xi32, #tpu.memory_space<vmem>> -> memref<120xi32, #tpu.memory_space<vmem>>
        %dma_wait3A_172 = arith.constant 0 : i32
        %dma_wait3A_173 = tpu.memref_slice %arg3[%dma_wait3A_172] : memref<322560xi32, #tpu.memory_space<hbm>> -> memref<120xi32, #tpu.memory_space<hbm>>
        %dma_wait3A_174 = arith.constant 0 : i32
        %dma_wait3A_175 = tpu.memref_slice %arg7[%dma_wait3A, %dma_wait3A_174] : memref<6x120xi32, #tpu.memory_space<vmem>> -> memref<1x120xi32, #tpu.memory_space<vmem>>
        %dma_wait3A_176 = tpu.memref_squeeze %dma_wait3A_175 : memref<1x120xi32, #tpu.memory_space<vmem>> -> memref<120xi32, #tpu.memory_space<vmem>>
        %dma_wait3A_177 = arith.constant 0 : i32
        %dma_wait3A_178 = tpu.memref_slice %arg3[%dma_wait3A_177] : memref<322560xi32, #tpu.memory_space<hbm>> -> memref<120xi32, #tpu.memory_space<hbm>>
        tpu.wait_dma2 semaphore(%arg17 : memref<!tpu.dma_semaphore, #tpu.memory_space<semaphore_mem>>) src(%dma_wait3A_178 : memref<120xi32, #tpu.memory_space<hbm>>) dst(%dma_wait3A_176 : memref<120xi32, #tpu.memory_space<vmem>>)
        %dma_wait3A_179 = arith.constant 1 : i32
        %dma_wait3A_180 = arith.constant 0 : i32
        %dma_wait3A_181 = tpu.memref_slice %arg8[%dma_wait3A_179, %dma_wait3A_180] : memref<6x120xi32, #tpu.memory_space<vmem>> -> memref<1x120xi32, #tpu.memory_space<vmem>>
        %dma_wait3A_182 = tpu.memref_squeeze %dma_wait3A_181 : memref<1x120xi32, #tpu.memory_space<vmem>> -> memref<120xi32, #tpu.memory_space<vmem>>
        %dma_wait3A_183 = arith.constant 0 : i32
        %dma_wait3A_184 = tpu.memref_slice %arg4[%dma_wait3A_183] : memref<322560xi32, #tpu.memory_space<hbm>> -> memref<120xi32, #tpu.memory_space<hbm>>
        %dma_wait3A_185 = arith.constant 0 : i32
        %dma_wait3A_186 = tpu.memref_slice %arg8[%dma_wait3A_179, %dma_wait3A_185] : memref<6x120xi32, #tpu.memory_space<vmem>> -> memref<1x120xi32, #tpu.memory_space<vmem>>
        %dma_wait3A_187 = tpu.memref_squeeze %dma_wait3A_186 : memref<1x120xi32, #tpu.memory_space<vmem>> -> memref<120xi32, #tpu.memory_space<vmem>>
        %dma_wait3A_188 = arith.constant 0 : i32
        %dma_wait3A_189 = tpu.memref_slice %arg4[%dma_wait3A_188] : memref<322560xi32, #tpu.memory_space<hbm>> -> memref<120xi32, #tpu.memory_space<hbm>>
        tpu.wait_dma2 semaphore(%arg17 : memref<!tpu.dma_semaphore, #tpu.memory_space<semaphore_mem>>) src(%dma_wait3A_189 : memref<120xi32, #tpu.memory_space<hbm>>) dst(%dma_wait3A_187 : memref<120xi32, #tpu.memory_space<vmem>>)
        %dma_start3A = arith.constant 1 : i32
        %dma_start3A_190 = arith.constant 0 : i32
        %dma_start3A_191 = tpu.memref_slice %arg7[%dma_start3A, %dma_start3A_190] : memref<6x120xi32, #tpu.memory_space<vmem>> -> memref<1x120xi32, #tpu.memory_space<vmem>>
        %dma_start3A_192 = tpu.memref_squeeze %dma_start3A_191 : memref<1x120xi32, #tpu.memory_space<vmem>> -> memref<120xi32, #tpu.memory_space<vmem>>
        %dma_start3A_193 = arith.constant 0 : i32
        %dma_start3A_194 = arith.constant 0 : i32
        %dma_start3A_195 = tpu.memref_slice %arg2[%dma_start3A_193, %dma_start3A_194] : memref<10000x128xf32, #tpu.memory_space<hbm>> -> memref<10000x128xf32, #tpu.memory_space<hbm>>
        tpu.enqueue_indirect_dma source(%dma_start3A_195 : memref<10000x128xf32, #tpu.memory_space<hbm>>) target(%arg11 : memref<120x128xf32, #tpu.memory_space<vmem>>) offsets(%dma_start3A_192 : memref<120xi32, #tpu.memory_space<vmem>>) semaphore(%arg14 : memref<!tpu.dma_semaphore, #tpu.memory_space<semaphore_mem>>)
      } else {
      }
      %add3A_151 = arith.constant 5 : i32
      %add3A_152 = arith.addi %mul3A_61, %add3A_151 : i32
      %lt3A_153 = arith.cmpi slt, %add3A_152, %select_n3A : i32
      %convert_element_type3A_154 = arith.extui %lt3A_153 : i1 to i32
      %cond3A_155 = arith.constant 0 : i32
      %cond3A_156 = arith.cmpi ne, %convert_element_type3A_154, %cond3A_155 : i32
      scf.if %cond3A_156 {
        %dma_wait3A = arith.constant 5 : i32
        %dma_wait3A_169 = arith.constant 0 : i32
        %dma_wait3A_170 = tpu.memref_slice %arg7[%dma_wait3A, %dma_wait3A_169] : memref<6x120xi32, #tpu.memory_space<vmem>> -> memref<1x120xi32, #tpu.memory_space<vmem>>
        %dma_wait3A_171 = tpu.memref_squeeze %dma_wait3A_170 : memref<1x120xi32, #tpu.memory_space<vmem>> -> memref<120xi32, #tpu.memory_space<vmem>>
        %dma_wait3A_172 = arith.constant 0 : i32
        %dma_wait3A_173 = arith.constant 0 : i32
        %dma_wait3A_174 = tpu.memref_slice %arg2[%dma_wait3A_172, %dma_wait3A_173] : memref<10000x128xf32, #tpu.memory_space<hbm>> -> memref<10000x128xf32, #tpu.memory_space<hbm>>
        tpu.wait_indirect_dma semaphore(%arg15 : memref<!tpu.dma_semaphore, #tpu.memory_space<semaphore_mem>>) src(%dma_wait3A_174 : memref<10000x128xf32, #tpu.memory_space<hbm>>) dst(%arg12 : memref<120x128xf32, #tpu.memory_space<vmem>>)
        %run_scoped3A = arith.constant 5 : i32
        "tpu.region"() ({
          %run_scoped3A_175 = tpu.sem_alloc : memref<!tpu.dma_semaphore, #tpu.memory_space<semaphore_mem>>
          %dma_start3A = arith.constant 0 : i32
          %dma_start3A_176 = tpu.memref_slice %arg8[%run_scoped3A, %dma_start3A] : memref<6x120xi32, #tpu.memory_space<vmem>> -> memref<1x120xi32, #tpu.memory_space<vmem>>
          %dma_start3A_177 = tpu.memref_squeeze %dma_start3A_176 : memref<1x120xi32, #tpu.memory_space<vmem>> -> memref<120xi32, #tpu.memory_space<vmem>>
          %dma_start3A_178 = arith.constant 0 : i32
          %dma_start3A_179 = arith.constant 0 : i32
          %dma_start3A_180 = tpu.memref_slice %arg9[%dma_start3A_178, %dma_start3A_179] : memref<10112x128xf32, #tpu.memory_space<vmem_shared>> -> memref<10112x128xf32, #tpu.memory_space<vmem_shared>>
          tpu.enqueue_indirect_dma source(%arg12 : memref<120x128xf32, #tpu.memory_space<vmem>>) target(%dma_start3A_180 : memref<10112x128xf32, #tpu.memory_space<vmem_shared>>) offsets(%dma_start3A_177 : memref<120xi32, #tpu.memory_space<vmem>>) semaphore(%run_scoped3A_175 : memref<!tpu.dma_semaphore, #tpu.memory_space<semaphore_mem>>) {add = true}
          %dma_wait3A_181 = arith.constant 0 : i32
          %dma_wait3A_182 = tpu.memref_slice %arg8[%run_scoped3A, %dma_wait3A_181] : memref<6x120xi32, #tpu.memory_space<vmem>> -> memref<1x120xi32, #tpu.memory_space<vmem>>
          %dma_wait3A_183 = tpu.memref_squeeze %dma_wait3A_182 : memref<1x120xi32, #tpu.memory_space<vmem>> -> memref<120xi32, #tpu.memory_space<vmem>>
          %dma_wait3A_184 = arith.constant 0 : i32
          %dma_wait3A_185 = arith.constant 0 : i32
          %dma_wait3A_186 = tpu.memref_slice %arg9[%dma_wait3A_184, %dma_wait3A_185] : memref<10112x128xf32, #tpu.memory_space<vmem_shared>> -> memref<10112x128xf32, #tpu.memory_space<vmem_shared>>
          tpu.wait_indirect_dma semaphore(%run_scoped3A_175 : memref<!tpu.dma_semaphore, #tpu.memory_space<semaphore_mem>>) src(%arg12 : memref<120x128xf32, #tpu.memory_space<vmem>>) dst(%dma_wait3A_186 : memref<10112x128xf32, #tpu.memory_space<vmem_shared>>)
          tpu.yield
        }) : () -> ()
      } else {
      }
      %add3A_157 = arith.constant 6 : i32
      %add3A_158 = arith.addi %add3A_152, %add3A_157 : i32
      %lt3A_159 = arith.cmpi slt, %add3A_158, %select_n3A : i32
      %convert_element_type3A_160 = arith.extui %lt3A_159 : i1 to i32
      %cond3A_161 = arith.constant 0 : i32
      %cond3A_162 = arith.cmpi ne, %convert_element_type3A_160, %cond3A_161 : i32
      scf.if %cond3A_162 {
        %add3A_169 = arith.constant 6 : i32
        %add3A_170 = arith.addi %add3A_152, %add3A_169 : i32
        %add3A_171 = arith.addi %select_n3A_8, %add3A_170 : i32
        %mul3A_172 = arith.constant 120 : i32
        %mul3A_173 = arith.muli %add3A_171, %mul3A_172 : i32
        %dma_start3A = arith.constant 5 : i32
        %dma_start3A_174 = arith.constant 0 : i32
        %dma_start3A_175 = tpu.memref_slice %arg7[%dma_start3A, %dma_start3A_174] : memref<6x120xi32, #tpu.memory_space<vmem>> -> memref<1x120xi32, #tpu.memory_space<vmem>>
        %dma_start3A_176 = tpu.memref_squeeze %dma_start3A_175 : memref<1x120xi32, #tpu.memory_space<vmem>> -> memref<120xi32, #tpu.memory_space<vmem>>
        %dma_start3A_177 = tpu.memref_slice %arg3[%mul3A_173] : memref<322560xi32, #tpu.memory_space<hbm>> -> memref<120xi32, #tpu.memory_space<hbm>>
        %dma_start3A_178 = arith.constant 0 : i32
        %dma_start3A_179 = tpu.memref_slice %arg7[%dma_start3A, %dma_start3A_178] : memref<6x120xi32, #tpu.memory_space<vmem>> -> memref<1x120xi32, #tpu.memory_space<vmem>>
        %dma_start3A_180 = tpu.memref_squeeze %dma_start3A_179 : memref<1x120xi32, #tpu.memory_space<vmem>> -> memref<120xi32, #tpu.memory_space<vmem>>
        %dma_start3A_181 = tpu.memref_slice %arg3[%mul3A_173] : memref<322560xi32, #tpu.memory_space<hbm>> -> memref<120xi32, #tpu.memory_space<hbm>>
        tpu.enqueue_dma source(%dma_start3A_181 : memref<120xi32, #tpu.memory_space<hbm>>) target(%dma_start3A_180 : memref<120xi32, #tpu.memory_space<vmem>>) target_semaphore(%arg21 : memref<!tpu.dma_semaphore, #tpu.memory_space<semaphore_mem>>)
        %dma_start3A_182 = arith.constant 5 : i32
        %dma_start3A_183 = arith.constant 0 : i32
        %dma_start3A_184 = tpu.memref_slice %arg8[%dma_start3A_182, %dma_start3A_183] : memref<6x120xi32, #tpu.memory_space<vmem>> -> memref<1x120xi32, #tpu.memory_space<vmem>>
        %dma_start3A_185 = tpu.memref_squeeze %dma_start3A_184 : memref<1x120xi32, #tpu.memory_space<vmem>> -> memref<120xi32, #tpu.memory_space<vmem>>
        %dma_start3A_186 = tpu.memref_slice %arg4[%mul3A_173] : memref<322560xi32, #tpu.memory_space<hbm>> -> memref<120xi32, #tpu.memory_space<hbm>>
        %dma_start3A_187 = arith.constant 0 : i32
        %dma_start3A_188 = tpu.memref_slice %arg8[%dma_start3A_182, %dma_start3A_187] : memref<6x120xi32, #tpu.memory_space<vmem>> -> memref<1x120xi32, #tpu.memory_space<vmem>>
        %dma_start3A_189 = tpu.memref_squeeze %dma_start3A_188 : memref<1x120xi32, #tpu.memory_space<vmem>> -> memref<120xi32, #tpu.memory_space<vmem>>
        %dma_start3A_190 = tpu.memref_slice %arg4[%mul3A_173] : memref<322560xi32, #tpu.memory_space<hbm>> -> memref<120xi32, #tpu.memory_space<hbm>>
        tpu.enqueue_dma source(%dma_start3A_190 : memref<120xi32, #tpu.memory_space<hbm>>) target(%dma_start3A_189 : memref<120xi32, #tpu.memory_space<vmem>>) target_semaphore(%arg21 : memref<!tpu.dma_semaphore, #tpu.memory_space<semaphore_mem>>)
      } else {
      }
      %add3A_163 = arith.constant 3 : i32
      %add3A_164 = arith.addi %add3A_152, %add3A_163 : i32
      %lt3A_165 = arith.cmpi slt, %add3A_164, %select_n3A : i32
      %convert_element_type3A_166 = arith.extui %lt3A_165 : i1 to i32
      %cond3A_167 = arith.constant 0 : i32
      %cond3A_168 = arith.cmpi ne, %convert_element_type3A_166, %cond3A_167 : i32
      scf.if %cond3A_168 {
        %dma_wait3A = arith.constant 2 : i32
        %dma_wait3A_169 = arith.constant 0 : i32
        %dma_wait3A_170 = tpu.memref_slice %arg7[%dma_wait3A, %dma_wait3A_169] : memref<6x120xi32, #tpu.memory_space<vmem>> -> memref<1x120xi32, #tpu.memory_space<vmem>>
        %dma_wait3A_171 = tpu.memref_squeeze %dma_wait3A_170 : memref<1x120xi32, #tpu.memory_space<vmem>> -> memref<120xi32, #tpu.memory_space<vmem>>
        %dma_wait3A_172 = arith.constant 0 : i32
        %dma_wait3A_173 = tpu.memref_slice %arg3[%dma_wait3A_172] : memref<322560xi32, #tpu.memory_space<hbm>> -> memref<120xi32, #tpu.memory_space<hbm>>
        %dma_wait3A_174 = arith.constant 0 : i32
        %dma_wait3A_175 = tpu.memref_slice %arg7[%dma_wait3A, %dma_wait3A_174] : memref<6x120xi32, #tpu.memory_space<vmem>> -> memref<1x120xi32, #tpu.memory_space<vmem>>
        %dma_wait3A_176 = tpu.memref_squeeze %dma_wait3A_175 : memref<1x120xi32, #tpu.memory_space<vmem>> -> memref<120xi32, #tpu.memory_space<vmem>>
        %dma_wait3A_177 = arith.constant 0 : i32
        %dma_wait3A_178 = tpu.memref_slice %arg3[%dma_wait3A_177] : memref<322560xi32, #tpu.memory_space<hbm>> -> memref<120xi32, #tpu.memory_space<hbm>>
        tpu.wait_dma2 semaphore(%arg18 : memref<!tpu.dma_semaphore, #tpu.memory_space<semaphore_mem>>) src(%dma_wait3A_178 : memref<120xi32, #tpu.memory_space<hbm>>) dst(%dma_wait3A_176 : memref<120xi32, #tpu.memory_space<vmem>>)
        %dma_wait3A_179 = arith.constant 2 : i32
        %dma_wait3A_180 = arith.constant 0 : i32
        %dma_wait3A_181 = tpu.memref_slice %arg8[%dma_wait3A_179, %dma_wait3A_180] : memref<6x120xi32, #tpu.memory_space<vmem>> -> memref<1x120xi32, #tpu.memory_space<vmem>>
        %dma_wait3A_182 = tpu.memref_squeeze %dma_wait3A_181 : memref<1x120xi32, #tpu.memory_space<vmem>> -> memref<120xi32, #tpu.memory_space<vmem>>
        %dma_wait3A_183 = arith.constant 0 : i32
        %dma_wait3A_184 = tpu.memref_slice %arg4[%dma_wait3A_183] : memref<322560xi32, #tpu.memory_space<hbm>> -> memref<120xi32, #tpu.memory_space<hbm>>
        %dma_wait3A_185 = arith.constant 0 : i32
        %dma_wait3A_186 = tpu.memref_slice %arg8[%dma_wait3A_179, %dma_wait3A_185] : memref<6x120xi32, #tpu.memory_space<vmem>> -> memref<1x120xi32, #tpu.memory_space<vmem>>
        %dma_wait3A_187 = tpu.memref_squeeze %dma_wait3A_186 : memref<1x120xi32, #tpu.memory_space<vmem>> -> memref<120xi32, #tpu.memory_space<vmem>>
        %dma_wait3A_188 = arith.constant 0 : i32
        %dma_wait3A_189 = tpu.memref_slice %arg4[%dma_wait3A_188] : memref<322560xi32, #tpu.memory_space<hbm>> -> memref<120xi32, #tpu.memory_space<hbm>>
        tpu.wait_dma2 semaphore(%arg18 : memref<!tpu.dma_semaphore, #tpu.memory_space<semaphore_mem>>) src(%dma_wait3A_189 : memref<120xi32, #tpu.memory_space<hbm>>) dst(%dma_wait3A_187 : memref<120xi32, #tpu.memory_space<vmem>>)
        %dma_start3A = arith.constant 2 : i32
        %dma_start3A_190 = arith.constant 0 : i32
        %dma_start3A_191 = tpu.memref_slice %arg7[%dma_start3A, %dma_start3A_190] : memref<6x120xi32, #tpu.memory_space<vmem>> -> memref<1x120xi32, #tpu.memory_space<vmem>>
        %dma_start3A_192 = tpu.memref_squeeze %dma_start3A_191 : memref<1x120xi32, #tpu.memory_space<vmem>> -> memref<120xi32, #tpu.memory_space<vmem>>
        %dma_start3A_193 = arith.constant 0 : i32
        %dma_start3A_194 = arith.constant 0 : i32
        %dma_start3A_195 = tpu.memref_slice %arg2[%dma_start3A_193, %dma_start3A_194] : memref<10000x128xf32, #tpu.memory_space<hbm>> -> memref<10000x128xf32, #tpu.memory_space<hbm>>
        tpu.enqueue_indirect_dma source(%dma_start3A_195 : memref<10000x128xf32, #tpu.memory_space<hbm>>) target(%arg12 : memref<120x128xf32, #tpu.memory_space<vmem>>) offsets(%dma_start3A_192 : memref<120xi32, #tpu.memory_space<vmem>>) semaphore(%arg15 : memref<!tpu.dma_semaphore, #tpu.memory_space<semaphore_mem>>)
      } else {
      }
    }
    %scan3A_57 = arith.constant 23 : i32
    %barrier3A_58 = arith.constant 0 : index
    tpu.barrier barrier_id(%barrier3A_58)
    "tpu.region"() ({
      %run_scoped3A = tpu.sem_alloc : memref<!tpu.dma_semaphore, #tpu.memory_space<semaphore_mem>>
      %dma_start3A = arith.constant 0 : i32
      %dma_start3A_59 = tpu.memref_slice %arg6[%arg0, %mul3A_37, %dma_start3A] : memref<2x10112x128xf32, #tpu.memory_space<hbm>> -> memref<1x632x128xf32, #tpu.memory_space<hbm>>
      %dma_start3A_60 = tpu.memref_squeeze %dma_start3A_59 : memref<1x632x128xf32, #tpu.memory_space<hbm>> -> memref<632x128xf32, #tpu.memory_space<hbm>>
      %dma_start3A_61 = arith.constant 0 : i32
      %dma_start3A_62 = tpu.memref_slice %arg9[%mul3A_37, %dma_start3A_61] : memref<10112x128xf32, #tpu.memory_space<vmem_shared>> -> memref<632x128xf32, #tpu.memory_space<vmem_shared>>
      tpu.enqueue_dma source(%dma_start3A_62 : memref<632x128xf32, #tpu.memory_space<vmem_shared>>) target(%dma_start3A_60 : memref<632x128xf32, #tpu.memory_space<hbm>>) target_semaphore(%run_scoped3A : memref<!tpu.dma_semaphore, #tpu.memory_space<semaphore_mem>>)
      %dma_wait3A = arith.constant 0 : i32
      %dma_wait3A_63 = tpu.memref_slice %arg6[%arg0, %mul3A_37, %dma_wait3A] : memref<2x10112x128xf32, #tpu.memory_space<hbm>> -> memref<1x632x128xf32, #tpu.memory_space<hbm>>
      %dma_wait3A_64 = tpu.memref_squeeze %dma_wait3A_63 : memref<1x632x128xf32, #tpu.memory_space<hbm>> -> memref<632x128xf32, #tpu.memory_space<hbm>>
      %dma_wait3A_65 = arith.constant 0 : i32
      %dma_wait3A_66 = tpu.memref_slice %arg9[%mul3A_37, %dma_wait3A_65] : memref<10112x128xf32, #tpu.memory_space<vmem_shared>> -> memref<632x128xf32, #tpu.memory_space<vmem_shared>>
      tpu.wait_dma2 semaphore(%run_scoped3A : memref<!tpu.dma_semaphore, #tpu.memory_space<semaphore_mem>>) src(%dma_wait3A_66 : memref<632x128xf32, #tpu.memory_space<vmem_shared>>) dst(%dma_wait3A_64 : memref<632x128xf32, #tpu.memory_space<hbm>>)
      tpu.yield
    }) : () -> ()
    return
  }
}

module attributes {stable_mosaic.version = 14 : i64} {
  func.func @_tc_layer1(%arg0: i32, %arg1: memref<2x1000x128xf32, #tpu.memory_space<vmem>>, %arg2: memref<2x1000x1xf32, #tpu.memory_space<vmem>>, %arg3: memref<1000x128xf32, #tpu.memory_space<vmem>>, %arg4: memref<128x128xf32, #tpu.memory_space<vmem>>, %arg5: memref<128x128xf32, #tpu.memory_space<vmem>>, %arg6: memref<1x128xf32, #tpu.memory_space<vmem>>, %arg7: memref<1000x128xf32, #tpu.memory_space<vmem>>) attributes {dimension_semantics = [#tpu.dimension_semantics<arbitrary>], iteration_bounds = array<i64: 10>, scalar_prefetch = 0 : i64, scratch_operands = 0 : i64, tpu.core_type = #tpu.core_type<tc>, window_params = [{transform_indices = @transform_0, window_bounds = array<i64: 2, 1000, 128>}, {transform_indices = @transform_1, window_bounds = array<i64: 2, 1000, 1>}, {transform_indices = @transform_2, window_bounds = array<i64: 1000, 128>}, {pipeline_mode = #tpu.pipeline_mode<synchronous>, transform_indices = @transform_3, window_bounds = array<i64: 128, 128>}, {pipeline_mode = #tpu.pipeline_mode<synchronous>, transform_indices = @transform_4, window_bounds = array<i64: 128, 128>}, {pipeline_mode = #tpu.pipeline_mode<synchronous>, transform_indices = @transform_5, window_bounds = array<i64: 1, 128>}, {transform_indices = @transform_6, window_bounds = array<i64: 1000, 128>}]} {
    %get3A = arith.constant 0 : index
    %get3A_0 = arith.constant 0 : index
    %get3A_1 = arith.constant 0 : index
    %get3A_2 = vector.load %arg1[%get3A, %get3A_0, %get3A_1] : memref<2x1000x128xf32, #tpu.memory_space<vmem>>, vector<1x1000x128xf32>
    %get3A_3 = vector.shape_cast %get3A_2 : vector<1x1000x128xf32> to vector<1000x128xf32>
    %get3A_4 = arith.constant 1 : index
    %get3A_5 = arith.constant 0 : index
    %get3A_6 = arith.constant 0 : index
    %get3A_7 = vector.load %arg1[%get3A_4, %get3A_5, %get3A_6] : memref<2x1000x128xf32, #tpu.memory_space<vmem>>, vector<1x1000x128xf32>
    %get3A_8 = vector.shape_cast %get3A_7 : vector<1x1000x128xf32> to vector<1000x128xf32>
    %add3A = arith.addf %get3A_3, %get3A_8 : vector<1000x128xf32>
    %get3A_9 = arith.constant 0 : index
    %get3A_10 = arith.constant 0 : index
    %get3A_11 = arith.constant 0 : index
    %get3A_12 = vector.load %arg2[%get3A_9, %get3A_10, %get3A_11] : memref<2x1000x1xf32, #tpu.memory_space<vmem>>, vector<1x1000x1xf32>
    %get3A_13 = vector.shape_cast %get3A_12 : vector<1x1000x1xf32> to vector<1000x1xf32>
    %get3A_14 = arith.constant 1 : index
    %get3A_15 = arith.constant 0 : index
    %get3A_16 = arith.constant 0 : index
    %get3A_17 = vector.load %arg2[%get3A_14, %get3A_15, %get3A_16] : memref<2x1000x1xf32, #tpu.memory_space<vmem>>, vector<1x1000x1xf32>
    %get3A_18 = vector.shape_cast %get3A_17 : vector<1x1000x1xf32> to vector<1000x1xf32>
    %add3A_19 = arith.addf %get3A_13, %get3A_18 : vector<1000x1xf32>
    %max3A = arith.constant 1.000000e+00 : f32
    %max3A_20 = vector.broadcast %max3A : f32 to vector<1000x1xf32>
    %max3A_21 = arith.maximumf %add3A_19, %max3A_20 : vector<1000x1xf32>
    %div3A = arith.constant 1.000000e+00 : f32
    %div3A_22 = vector.broadcast %div3A : f32 to vector<1000x1xf32>
    %div3A_23 = arith.divf %div3A_22, %max3A_21 : vector<1000x1xf32>
    %mul3A = vector.broadcast %div3A_23 : vector<1000x1xf32> to vector<1000x128xf32>
    %mul3A_24 = arith.mulf %add3A, %mul3A : vector<1000x128xf32>
    %get3A_25 = arith.constant 0 : index
    %get3A_26 = arith.constant 0 : index
    %get3A_27 = vector.load %arg4[%get3A_25, %get3A_26] : memref<128x128xf32, #tpu.memory_space<vmem>>, vector<128x128xf32>
    %dot_general3A = arith.constant dense<0.000000e+00> : vector<1000x128xf32>
    %dot_general3A_28 = tpu.matmul %mul3A_24, %get3A_27, %dot_general3A {dimension_numbers = #tpu.dot_dimension_numbers<[1], [0], [0], [1], [0, 0, 1, 1], [], []>, transpose_lhs_hint = false} : vector<1000x128xf32>, vector<128x128xf32>, vector<1000x128xf32> -> vector<1000x128xf32>
    %get3A_29 = arith.constant 0 : index
    %get3A_30 = arith.constant 0 : index
    %get3A_31 = vector.load %arg6[%get3A_29, %get3A_30] : memref<1x128xf32, #tpu.memory_space<vmem>>, vector<1x128xf32>
    %add3A_32 = vector.broadcast %get3A_31 : vector<1x128xf32> to vector<1000x128xf32>
    %add3A_33 = arith.addf %dot_general3A_28, %add3A_32 : vector<1000x128xf32>
    %get3A_34 = arith.constant 0 : index
    %get3A_35 = arith.constant 0 : index
    %get3A_36 = vector.load %arg3[%get3A_34, %get3A_35] : memref<1000x128xf32, #tpu.memory_space<vmem>>, vector<1000x128xf32>
    %get3A_37 = arith.constant 0 : index
    %get3A_38 = arith.constant 0 : index
    %get3A_39 = vector.load %arg5[%get3A_37, %get3A_38] : memref<128x128xf32, #tpu.memory_space<vmem>>, vector<128x128xf32>
    %dot_general3A_40 = arith.constant dense<0.000000e+00> : vector<1000x128xf32>
    %dot_general3A_41 = tpu.matmul %get3A_36, %get3A_39, %dot_general3A_40 {dimension_numbers = #tpu.dot_dimension_numbers<[1], [0], [0], [1], [0, 0, 1, 1], [], []>, transpose_lhs_hint = false} : vector<1000x128xf32>, vector<128x128xf32>, vector<1000x128xf32> -> vector<1000x128xf32>
    %add3A_42 = arith.addf %add3A_33, %dot_general3A_41 : vector<1000x128xf32>
    %max3A_43 = arith.constant 0.000000e+00 : f32
    %max3A_44 = vector.broadcast %max3A_43 : f32 to vector<1000x128xf32>
    %max3A_45 = arith.maximumf %add3A_42, %max3A_44 : vector<1000x128xf32>
    %swap3A = arith.constant 0 : index
    %swap3A_46 = arith.constant 0 : index
    %swap3A_47 = vector.load %arg7[%swap3A, %swap3A_46] : memref<1000x128xf32, #tpu.memory_space<vmem>>, vector<1000x128xf32>
    tpu.vector_store %arg7[%swap3A, %swap3A_46], %max3A_45 {strides = array<i32>} : memref<1000x128xf32, #tpu.memory_space<vmem>>, vector<1000x128xf32>,
    return
  }
  func.func @transform_0(%arg0: i32) -> (i32, i32, i32) {
    %c0_i32 = arith.constant 0 : i32
    %c0_i32_0 = arith.constant 0 : i32
    %c0_i32_1 = arith.constant 0 : i32
    return %c0_i32, %arg0, %c0_i32_0 : i32, i32, i32
  }
  func.func @transform_1(%arg0: i32) -> (i32, i32, i32) {
    %c0_i32 = arith.constant 0 : i32
    %c0_i32_0 = arith.constant 0 : i32
    %c0_i32_1 = arith.constant 0 : i32
    return %c0_i32, %arg0, %c0_i32_0 : i32, i32, i32
  }
  func.func @transform_2(%arg0: i32) -> (i32, i32) {
    %c0_i32 = arith.constant 0 : i32
    %c0_i32_0 = arith.constant 0 : i32
    return %arg0, %c0_i32 : i32, i32
  }
  func.func @transform_3(%arg0: i32) -> (i32, i32) {
    %c0_i32 = arith.constant 0 : i32
    %c0_i32_0 = arith.constant 0 : i32
    %c0_i32_1 = arith.constant 0 : i32
    return %c0_i32, %c0_i32_0 : i32, i32
  }
  func.func @transform_4(%arg0: i32) -> (i32, i32) {
    %c0_i32 = arith.constant 0 : i32
    %c0_i32_0 = arith.constant 0 : i32
    %c0_i32_1 = arith.constant 0 : i32
    return %c0_i32, %c0_i32_0 : i32, i32
  }
  func.func @transform_5(%arg0: i32) -> (i32, i32) {
    %c0_i32 = arith.constant 0 : i32
    %c0_i32_0 = arith.constant 0 : i32
    %c0_i32_1 = arith.constant 0 : i32
    return %c0_i32, %c0_i32_0 : i32, i32
  }
  func.func @transform_6(%arg0: i32) -> (i32, i32) {
    %c0_i32 = arith.constant 0 : i32
    %c0_i32_0 = arith.constant 0 : i32
    return %arg0, %c0_i32 : i32, i32
  }
}

module attributes {stable_mosaic.version = 14 : i64} {
  func.func @_tc_layer2(%arg0: i32, %arg1: memref<2x1000x128xf32, #tpu.memory_space<vmem>>, %arg2: memref<2x1000x1xf32, #tpu.memory_space<vmem>>, %arg3: memref<1000x128xf32, #tpu.memory_space<vmem>>, %arg4: memref<128x128xf32, #tpu.memory_space<vmem>>, %arg5: memref<128x128xf32, #tpu.memory_space<vmem>>, %arg6: memref<1x128xf32, #tpu.memory_space<vmem>>, %arg7: memref<128x128xf32, #tpu.memory_space<vmem>>, %arg8: memref<1x128xf32, #tpu.memory_space<vmem>>, %arg9: memref<1000x128xf32, #tpu.memory_space<vmem>>) attributes {dimension_semantics = [#tpu.dimension_semantics<arbitrary>], iteration_bounds = array<i64: 10>, scalar_prefetch = 0 : i64, scratch_operands = 0 : i64, tpu.core_type = #tpu.core_type<tc>, window_params = [{transform_indices = @transform_0, window_bounds = array<i64: 2, 1000, 128>}, {transform_indices = @transform_1, window_bounds = array<i64: 2, 1000, 1>}, {transform_indices = @transform_2, window_bounds = array<i64: 1000, 128>}, {pipeline_mode = #tpu.pipeline_mode<synchronous>, transform_indices = @transform_3, window_bounds = array<i64: 128, 128>}, {pipeline_mode = #tpu.pipeline_mode<synchronous>, transform_indices = @transform_4, window_bounds = array<i64: 128, 128>}, {pipeline_mode = #tpu.pipeline_mode<synchronous>, transform_indices = @transform_5, window_bounds = array<i64: 1, 128>}, {pipeline_mode = #tpu.pipeline_mode<synchronous>, transform_indices = @transform_6, window_bounds = array<i64: 128, 128>}, {pipeline_mode = #tpu.pipeline_mode<synchronous>, transform_indices = @transform_7, window_bounds = array<i64: 1, 128>}, {transform_indices = @transform_8, window_bounds = array<i64: 1000, 128>}]} {
    %get3A = arith.constant 0 : index
    %get3A_0 = arith.constant 0 : index
    %get3A_1 = arith.constant 0 : index
    %get3A_2 = vector.load %arg1[%get3A, %get3A_0, %get3A_1] : memref<2x1000x128xf32, #tpu.memory_space<vmem>>, vector<1x1000x128xf32>
    %get3A_3 = vector.shape_cast %get3A_2 : vector<1x1000x128xf32> to vector<1000x128xf32>
    %get3A_4 = arith.constant 1 : index
    %get3A_5 = arith.constant 0 : index
    %get3A_6 = arith.constant 0 : index
    %get3A_7 = vector.load %arg1[%get3A_4, %get3A_5, %get3A_6] : memref<2x1000x128xf32, #tpu.memory_space<vmem>>, vector<1x1000x128xf32>
    %get3A_8 = vector.shape_cast %get3A_7 : vector<1x1000x128xf32> to vector<1000x128xf32>
    %add3A = arith.addf %get3A_3, %get3A_8 : vector<1000x128xf32>
    %get3A_9 = arith.constant 0 : index
    %get3A_10 = arith.constant 0 : index
    %get3A_11 = arith.constant 0 : index
    %get3A_12 = vector.load %arg2[%get3A_9, %get3A_10, %get3A_11] : memref<2x1000x1xf32, #tpu.memory_space<vmem>>, vector<1x1000x1xf32>
    %get3A_13 = vector.shape_cast %get3A_12 : vector<1x1000x1xf32> to vector<1000x1xf32>
    %get3A_14 = arith.constant 1 : index
    %get3A_15 = arith.constant 0 : index
    %get3A_16 = arith.constant 0 : index
    %get3A_17 = vector.load %arg2[%get3A_14, %get3A_15, %get3A_16] : memref<2x1000x1xf32, #tpu.memory_space<vmem>>, vector<1x1000x1xf32>
    %get3A_18 = vector.shape_cast %get3A_17 : vector<1x1000x1xf32> to vector<1000x1xf32>
    %add3A_19 = arith.addf %get3A_13, %get3A_18 : vector<1000x1xf32>
    %max3A = arith.constant 1.000000e+00 : f32
    %max3A_20 = vector.broadcast %max3A : f32 to vector<1000x1xf32>
    %max3A_21 = arith.maximumf %add3A_19, %max3A_20 : vector<1000x1xf32>
    %div3A = arith.constant 1.000000e+00 : f32
    %div3A_22 = vector.broadcast %div3A : f32 to vector<1000x1xf32>
    %div3A_23 = arith.divf %div3A_22, %max3A_21 : vector<1000x1xf32>
    %mul3A = vector.broadcast %div3A_23 : vector<1000x1xf32> to vector<1000x128xf32>
    %mul3A_24 = arith.mulf %add3A, %mul3A : vector<1000x128xf32>
    %get3A_25 = arith.constant 0 : index
    %get3A_26 = arith.constant 0 : index
    %get3A_27 = vector.load %arg4[%get3A_25, %get3A_26] : memref<128x128xf32, #tpu.memory_space<vmem>>, vector<128x128xf32>
    %dot_general3A = arith.constant dense<0.000000e+00> : vector<1000x128xf32>
    %dot_general3A_28 = tpu.matmul %mul3A_24, %get3A_27, %dot_general3A {dimension_numbers = #tpu.dot_dimension_numbers<[1], [0], [0], [1], [0, 0, 1, 1], [], []>, transpose_lhs_hint = false} : vector<1000x128xf32>, vector<128x128xf32>, vector<1000x128xf32> -> vector<1000x128xf32>
    %get3A_29 = arith.constant 0 : index
    %get3A_30 = arith.constant 0 : index
    %get3A_31 = vector.load %arg6[%get3A_29, %get3A_30] : memref<1x128xf32, #tpu.memory_space<vmem>>, vector<1x128xf32>
    %add3A_32 = vector.broadcast %get3A_31 : vector<1x128xf32> to vector<1000x128xf32>
    %add3A_33 = arith.addf %dot_general3A_28, %add3A_32 : vector<1000x128xf32>
    %get3A_34 = arith.constant 0 : index
    %get3A_35 = arith.constant 0 : index
    %get3A_36 = vector.load %arg3[%get3A_34, %get3A_35] : memref<1000x128xf32, #tpu.memory_space<vmem>>, vector<1000x128xf32>
    %get3A_37 = arith.constant 0 : index
    %get3A_38 = arith.constant 0 : index
    %get3A_39 = vector.load %arg5[%get3A_37, %get3A_38] : memref<128x128xf32, #tpu.memory_space<vmem>>, vector<128x128xf32>
    %dot_general3A_40 = arith.constant dense<0.000000e+00> : vector<1000x128xf32>
    %dot_general3A_41 = tpu.matmul %get3A_36, %get3A_39, %dot_general3A_40 {dimension_numbers = #tpu.dot_dimension_numbers<[1], [0], [0], [1], [0, 0, 1, 1], [], []>, transpose_lhs_hint = false} : vector<1000x128xf32>, vector<128x128xf32>, vector<1000x128xf32> -> vector<1000x128xf32>
    %add3A_42 = arith.addf %add3A_33, %dot_general3A_41 : vector<1000x128xf32>
    %max3A_43 = arith.constant 0.000000e+00 : f32
    %max3A_44 = vector.broadcast %max3A_43 : f32 to vector<1000x128xf32>
    %max3A_45 = arith.maximumf %add3A_42, %max3A_44 : vector<1000x128xf32>
    %get3A_46 = arith.constant 0 : index
    %get3A_47 = arith.constant 0 : index
    %get3A_48 = vector.load %arg7[%get3A_46, %get3A_47] : memref<128x128xf32, #tpu.memory_space<vmem>>, vector<128x128xf32>
    %dot_general3A_49 = arith.constant dense<0.000000e+00> : vector<1000x128xf32>
    %dot_general3A_50 = tpu.matmul %max3A_45, %get3A_48, %dot_general3A_49 {dimension_numbers = #tpu.dot_dimension_numbers<[1], [0], [0], [1], [0, 0, 1, 1], [], []>, transpose_lhs_hint = false} : vector<1000x128xf32>, vector<128x128xf32>, vector<1000x128xf32> -> vector<1000x128xf32>
    %get3A_51 = arith.constant 0 : index
    %get3A_52 = arith.constant 0 : index
    %get3A_53 = vector.load %arg8[%get3A_51, %get3A_52] : memref<1x128xf32, #tpu.memory_space<vmem>>, vector<1x128xf32>
    %add3A_54 = vector.broadcast %get3A_53 : vector<1x128xf32> to vector<1000x128xf32>
    %add3A_55 = arith.addf %dot_general3A_50, %add3A_54 : vector<1000x128xf32>
    %swap3A = arith.constant 0 : index
    %swap3A_56 = arith.constant 0 : index
    %swap3A_57 = vector.load %arg9[%swap3A, %swap3A_56] : memref<1000x128xf32, #tpu.memory_space<vmem>>, vector<1000x128xf32>
    tpu.vector_store %arg9[%swap3A, %swap3A_56], %add3A_55 {strides = array<i32>} : memref<1000x128xf32, #tpu.memory_space<vmem>>, vector<1000x128xf32>,
    return
  }
  func.func @transform_0(%arg0: i32) -> (i32, i32, i32) {
    %c0_i32 = arith.constant 0 : i32
    %c0_i32_0 = arith.constant 0 : i32
    %c0_i32_1 = arith.constant 0 : i32
    return %c0_i32, %arg0, %c0_i32_0 : i32, i32, i32
  }
  func.func @transform_1(%arg0: i32) -> (i32, i32, i32) {
    %c0_i32 = arith.constant 0 : i32
    %c0_i32_0 = arith.constant 0 : i32
    %c0_i32_1 = arith.constant 0 : i32
    return %c0_i32, %arg0, %c0_i32_0 : i32, i32, i32
  }
  func.func @transform_2(%arg0: i32) -> (i32, i32) {
    %c0_i32 = arith.constant 0 : i32
    %c0_i32_0 = arith.constant 0 : i32
    return %arg0, %c0_i32 : i32, i32
  }
  func.func @transform_3(%arg0: i32) -> (i32, i32) {
    %c0_i32 = arith.constant 0 : i32
    %c0_i32_0 = arith.constant 0 : i32
    %c0_i32_1 = arith.constant 0 : i32
    return %c0_i32, %c0_i32_0 : i32, i32
  }
  func.func @transform_4(%arg0: i32) -> (i32, i32) {
    %c0_i32 = arith.constant 0 : i32
    %c0_i32_0 = arith.constant 0 : i32
    %c0_i32_1 = arith.constant 0 : i32
    return %c0_i32, %c0_i32_0 : i32, i32
  }
  func.func @transform_5(%arg0: i32) -> (i32, i32) {
    %c0_i32 = arith.constant 0 : i32
    %c0_i32_0 = arith.constant 0 : i32
    %c0_i32_1 = arith.constant 0 : i32
    return %c0_i32, %c0_i32_0 : i32, i32
  }
  func.func @transform_6(%arg0: i32) -> (i32, i32) {
    %c0_i32 = arith.constant 0 : i32
    %c0_i32_0 = arith.constant 0 : i32
    %c0_i32_1 = arith.constant 0 : i32
    return %c0_i32, %c0_i32_0 : i32, i32
  }
  func.func @transform_7(%arg0: i32) -> (i32, i32) {
    %c0_i32 = arith.constant 0 : i32
    %c0_i32_0 = arith.constant 0 : i32
    %c0_i32_1 = arith.constant 0 : i32
    return %c0_i32, %c0_i32_0 : i32, i32
  }
  func.func @transform_8(%arg0: i32) -> (i32, i32) {
    %c0_i32 = arith.constant 0 : i32
    %c0_i32_0 = arith.constant 0 : i32
    return %arg0, %c0_i32 : i32, i32
  }
}

</mosaic_0001>

<sc_bundles>
// kernel: kernel.6.cloned.1.call-start
scs
__scs_entry_jumppad:
0x0: {  	(pc) =	sbr.rel $0x88, $3  }
0x1: {  	(tag) =	ssettag $0x0;
	lr =	simm.s32 $0x1  }
0x2: {  	[smem:$0x3F97] =	sst lr;
	_ =	strace $0xD0000000  }
0x3: {  	_ = 	snop  }
0x4: {  	_ = 	snop  }
0x5: {  	_ = 	snop  }
0x6: {  	_ = 	snop  }
0x7: {  	_ = 	snop  }
__scs_overlays_trampoline_lowered:
0x8: {  	[smem:$0x3FA6] =	sst s0  }
0x9: {  	[smem:$0x3FA7] =	sst s1  }
0xa: {  	[smem:$0x3FA8] =	sst s2  }
0xb: {  	[smem:$0x3FA9] =	sst s3  }
0xc: {  	[smem:$0x3FAA] =	sst s4  }
0xd: {  	[smem:$0x3FAB] =	sst s5  }
0xe: {  	[smem:$0x3FAC] =	sst s6  }
0xf: {  	[smem:$0x3FAD] =	sst s7  }
0x10: {  	[smem:$0x3FAE] =	sst s8  }
0x11: {  	[smem:$0x3FAF] =	sst s9;
	s0 =	simm.s32 @!p0 $0x0  }
0x12: {  	s1 =	sld [smem:$0x3F95];
	s0 =	simm.s32 @p0 $0x1  }
0x13: {  	[smem:$0x3FB0] =	sst s0;
	s0 =	simm.s32 @!p1 $0x0  }
0x14: {  	s2 =	sld [smem:$0x3F94];
	s0 =	simm.s32 @p1 $0x1  }
0x15: {  	[smem:$0x3FB1] =	sst s0;
	s0 =	simm.s32 @!p2 $0x0  }
0x16: {  	s3 =	sld [smem:$0x3FDB];
	s0 =	simm.s32 @p2 $0x1  }
0x17: {  	s4 =	simm.s32 $0x1BF5;
	[smem:$0x3FB3] =	sst s0  }
0x18: {  	s0 =	sld [smem:$0x3F96];
	_ =	swait.ge [sflag:s4], $0x0  }
0x19: {  	s7 =	sld [smem:$0x3F97]  }
0x1a: {  	s8 =	sadd.s32 $0xFFFFE003, lr  }
0x1b: {  	s9 =	sadd.s32 $0xFFFFFEF7, lr;
	s5 =	simm.s32 $0xFFFFFFFF;
	p2 =	slt.u32 s8, $0xFFFFF086  }
0x1c: {  	p1 =	slt.u32 s9, $0xF7A;
	s5 =	simm.s32 @!p2 $0x0  }
0x1d: {  	s5 =	simm.s32 @p1 $0x1;
	p0 =	seq.s32 s7, s2  }
0x1e: {  	s7 =	smul.u32 @!p0 $0xF7A, s2;
	p2 =	seq.s32 @!p0 s5, $0x0  }
0x1f: {  	s9 =	smul.u32 $0xF7A, s1;
	s8 =	simm.s32 @!p0 $0x1BF5;
	p2 =	por !p2, p0  }
0x20: {  	[sflag:s8] =	ssyncset.s32 @!p0 $0xFFFFF086;
	s6 =	sadd.s32 @!p0 s3, s7;
	s7 =	simm.s32 @!p0 $0x108  }
0x21: {  	s3 =	sadd.s32 s3, s9;
	s6 =	sadd.s32 @!p0 $0x88, s6;
	s7 =	simm.s32 @p2 $0x1082  }
0x22: {  	[simem:s7], [sflag:s8] =	dma.local @!p0 [hbm:s6], $0xF7A  }
0x23: {  	s9 =	sor.u32 $0xD0000000, s2;
	s6 =	simm.s32 $0x108;
	_ =	swait.ge @!p0 [sflag:s8], $0x0  }
0x24: {  	s3 =	sadd.s32 $0x88, s3;
	s6 =	simm.s32 @!p1 $0x1082;
	[sflag:s4] =	ssyncset.s32 $0xFFFFF086  }
0x25: {  	[simem:s6], [sflag:s4] =	dma.local [hbm:s3], $0xF7A  }
0x26: {  	[smem:$0x3F97] =	sst s1;
	(tag) =	ssettag s2;
	_ =	strace s9  }
0x27: {  	s1 =	sld [smem:$0x3FA7]  }
0x28: {  	s2 =	sld [smem:$0x3FA8]  }
0x29: {  	s4 =	sld [smem:$0x3FAA]  }
0x2a: {  	p0 =	seq.s32 s5, $0x0;
	s5 =	sld [smem:$0x3FAB]  }
0x2b: {  	s6 =	sld [smem:$0x3FAC]  }
0x2c: {  	s7 =	sld [smem:$0x3FAD]  }
0x2d: {  	s3 =	simm.s32 $0x108;
	s8 =	sld [smem:$0x3FAE]  }
0x2e: {  	s3 =	simm.s32 @!p0 $0x1082;
	s9 =	sld [smem:$0x3FAF]  }
0x2f: {  	lr =	sadd.s32 s0, s3;
	s0 =	sld [smem:$0x3FA6]  }
0x30: {  	s3 =	sld [smem:$0x3FA9]  }
0x31: {  	[smem:$0x3FB2] =	sst s10  }
0x32: {  	s10 =	sld [smem:$0x3FB0];
	_ =	sdelay $0x3  }
0x33: {  	p0 =	seq.s32 s10, $0x1;
	s10 =	sld [smem:$0x3FB2];
	_ =	sdelay $0x3  }
0x34: {  	[smem:$0x3FB2] =	sst s10  }
0x35: {  	s10 =	sld [smem:$0x3FB1];
	_ =	sdelay $0x3  }
0x36: {  	p1 =	seq.s32 s10, $0x1;
	s10 =	sld [smem:$0x3FB2];
	_ =	sdelay $0x3  }
0x37: {  	[smem:$0x3FB2] =	sst s10  }
0x38: {  	s10 =	sld [smem:$0x3FB3]  }
0x39: {  	_ = 	snop;
	(pc) =	sbr.ind lr, $3  }
0x3a: {  	_ = 	snop  }
0x3b: {  	_ = 	snop  }
0x3c: {  	p2 =	seq.s32 s10, $0x1;
	s10 =	sld [smem:$0x3FB2]  }
0x3d: {  	_ =	shalt  }
0x3e: {  	_ =	shalt  }
0x3f: {  	_ =	shalt  }
0x40: {  	_ =	shalt  }
0x41: {  	_ =	shalt  }
0x42: {  	_ =	shalt  }
0x43: {  	_ =	shalt  }
0x44: {  	_ =	shalt  }
0x45: {  	_ =	shalt  }
0x46: {  	_ =	shalt  }
0x47: {  	_ =	shalt  }
0x48: {  	_ =	shalt  }
0x49: {  	_ =	shalt  }
0x4a: {  	_ =	shalt  }
0x4b: {  	_ =	shalt  }
0x4c: {  	_ =	shalt  }
0x4d: {  	_ =	shalt  }
0x4e: {  	_ =	shalt  }
0x4f: {  	_ =	shalt  }
0x50: {  	_ =	shalt  }
0x51: {  	_ =	shalt  }
0x52: {  	_ =	shalt  }
0x53: {  	_ =	shalt  }
0x54: {  	_ =	shalt  }
0x55: {  	_ =	shalt  }
0x56: {  	_ =	shalt  }
0x57: {  	_ =	shalt  }
0x58: {  	_ =	shalt  }
0x59: {  	_ =	shalt  }
0x5a: {  	_ =	shalt  }
0x5b: {  	_ =	shalt  }
0x5c: {  	_ =	shalt  }
0x5d: {  	_ =	shalt  }
0x5e: {  	_ =	shalt  }
0x5f: {  	_ =	shalt  }
0x60: {  	_ =	shalt  }
0x61: {  	_ =	shalt  }
0x62: {  	_ =	shalt  }
0x63: {  	_ =	shalt  }
0x64: {  	_ =	shalt  }
0x65: {  	_ =	shalt  }
0x66: {  	_ =	shalt  }
0x67: {  	_ =	shalt  }
0x68: {  	_ =	shalt  }
0x69: {  	_ =	shalt  }
0x6a: {  	_ =	shalt  }
0x6b: {  	_ =	shalt  }
0x6c: {  	_ =	shalt  }
0x6d: {  	_ =	shalt  }
0x6e: {  	_ =	shalt  }
0x6f: {  	_ =	shalt  }
0x70: {  	_ =	shalt  }
0x71: {  	_ =	shalt  }
0x72: {  	_ =	shalt  }
0x73: {  	_ =	shalt  }
0x74: {  	_ =	shalt  }
0x75: {  	_ =	shalt  }
0x76: {  	_ =	shalt  }
0x77: {  	_ =	shalt  }
0x78: {  	_ =	shalt  }
0x79: {  	_ =	shalt  }
0x7a: {  	_ =	shalt  }
0x7b: {  	_ =	shalt  }
0x7c: {  	_ =	shalt  }
0x7d: {  	_ =	shalt  }
0x7e: {  	_ =	shalt  }
0x7f: {  	_ =	shalt  }
0x80: {  	_ =	shalt  }
0x81: {  	_ =	shalt  }
0x82: {  	_ =	shalt  }
0x83: {  	_ =	shalt  }
0x84: {  	_ =	shalt  }
0x85: {  	_ =	shalt  }
0x86: {  	_ =	shalt  }
0x87: {  	_ =	shalt  }
.Lfunc_end0:
.L_simem_size_0:
called_computation_lowered:
.L_overlay_start_0:
0x88: {  	s2 =	sld [smem:$0x3FD9]  }
0x89: {  	s3 =	sld [smem:$0x3FFE];
	_ =	sdelay $0x1  }
0x8a: {  	s1 =	srdreg.scid  }
0x8b: {  	s0 =	sand.u32 $0x1, s1  }
0x8c: {  	s17 =	sshll.u32 s0, $0xA;
	s2 =	sadd.s32 s3, s2  }
0x8d: {  	s2 =	sadd.s32 s2, s17  }
0x8e: {  	[smem:$0x3FBE] =	sst s2  }
0x8f: {  	_ = 	snop  }
0x90: {  	s2 =	sld [smem:$0x3FC9]  }
0x91: {  	s18 =	sld [smem:$0x3FD0];
	(tm) =	ssettm $0x1  }
0x92: {  	s4 =	sld [smem:$0x3FFB];
	_ =	sdelay $0x3  }
0x93: {  	_ =	strace s4  }
0x94: {  	s4 =	sld [smem:$0x3FFC];
	_ =	sdelay $0x3  }
0x95: {  	_ =	strace s4  }
0x96: {  	s4 =	sld [smem:$0x3FFD];
	_ =	sdelay $0x3  }
0x97: {  	_ =	strace s4  }
0x98: {  	_ =	strace $0x8FFFFFFF  }
0x99: {  	s19 =	sld [smem:$0x3FDB];
	_ =	sdelay $0x1  }
0x9a: {  	s5 =	simm.s32 $_scs_section_size  }
0x9b: {  	s6 =	simm.s32 $_size__tile_overlayer_lowered;
	s7 =	simm.s32 $_tile_overlayer_lowered  }
0x9c: {  	s22 =	simm.s32 $0x1BFF;
	s21 =	sshll.u32 s7, $0x1;
	s4 =	sadd.s32 s5, s19  }
0x9d: {  	s8 =	simm.s32 $0x0;
	s20 =	sshll.u32 s6, $0x1;
	s6 =	sadd.s32 s21, s4  }
0x9e: {  	[timem:s8], [sflag:s22] =	dma.local [hbm:s6], s20  }
0x9f: {  	_ =	swait.ge [sflag:s22], s20  }
0xa0: {  	s5 =	ssub.s32 $0x0, s20;
	[sflag:s22] =	ssyncset.done $0x0  }
0xa1: {  	[sflag:s22] =	ssyncadd.s32 s5;
	_ =	sdelay $0x1  }
0xa2: {  	s23 =	simm.s32 $0x1B8B  }
0xa3: {  	_ =	swait.ge [sflag:s23], $0x1  }
0xa4: {  	[sflag:s23] =	ssyncset.done $0x0  }
0xa5: {  	s25 =	simm.s32 $0x1B8E;
	s24 =	sld [smem:$0x3FFE];
	[sflag:s23] =	ssyncadd.s32 $0xFFFFFFFF  }
0xa6: {  	s26 =	simm.s32 $execute0_lowered;
	[smem:$0x3FD2] =	sst s25  }
0xa7: {  	s6 =	sshll.u32 s26, $0x1;
	_ =	strace $0x80000046;
	[dreg:$0x1] =	wrdreg $0xFFFFFFFF  }
0xa8: {  	s28 =	simm.s32 $_size_execute0_lowered;
	s4 =	sadd.s32 s4, s6;
	[dreg:$0x0] =	wrdreg $0x0  }
0xa9: {  	s6 =	sshll.u32 s28, $0x1;
	[dreg:$0x2] =	wrdreg s4  }
0xaa: {  	[dreg:$0x3] =	wrdreg s6  }
0xab: {  	[dreg:$0x4] =	wrdreg $0xC0  }
0xac: {  	_ =	task [dreg:s8], $0x5FFFF  }
0xad: {  	[dreg:$0x1] =	wrdreg $0xFFFFFFFF  }
0xae: {  	[dreg:$0x0] =	wrdreg $0x60  }
0xaf: {  	[dreg:$0x2] =	wrdreg s2  }
0xb0: {  	[dreg:$0x3] =	wrdreg s24  }
0xb1: {  	[dreg:$0x4] =	wrdreg s18  }
0xb2: {  	[dreg:$0x5] =	wrdreg $0xB000  }
0xb3: {  	[dreg:$0x6] =	wrdreg $0x147000  }
0xb4: {  	[dreg:$0x7] =	wrdreg $0x9  }
0xb5: {  	_ =	task.clear_ibuf [dreg:s8], $0x8FFFF;
	_ =	strace $0x90000046  }
0xb6: {  	s29 =	simm.s32 $0x9;
	_ =	strace $0x80000048  }
0xb7: {  	_ =	swait.ge [sflag:s29], $0x1  }
0xb8: {  	[sflag:s29] =	ssyncadd.s32 $0xFFFFFFFF  }
0xb9: {  	_ =	strace $0x90000048  }
0xba: {  	_ =	sfence  }
0xbb: {  	s30 =	sld [smem:$0x0];
	_ =	sdelay $0x2  }
0xbc: {  	s31 =	sshll.u32 s1, $0xD;
	s1 =	sshrl.u32 s1, $0x2  }
0xbd: {  	s3 =	sand.u32 $0x4000, s31;
	s1 =	sadd.s32 s1, s30  }
0xbe: {  	s0 =	sor.u32 s3, s0;
	s1 =	sshll.u32 s1, $0x11  }
0xbf: {  	s0 =	sor.u32 s1, s0  }
0xc0: {  	s0 =	sadd.s32 $0x8F2B, s0  }
0xc1: {  	[sflag:s0] =	ssyncadd.remote.s32 $0x1  }
0xc2: {  	_ =	sfence.sel $0xFFFF  }
0xc3: {  	[dreg:$0x0] =	wrdreg $0xFFFFFFFF;
	(pc) =	sbr.abs _section_cstart, $3  }
0xc4: {  	[dreg:$0x1] =	wrdreg $0xFFFFFFFF  }
0xc5: {  	_ =	task.clear_ibuf [dreg:s8], $0x2FFFF;
	_ =	strace $0x9FFFFFFF  }
0xc6: {  	(tm) =	ssettm $0x7FFFFFFF  }
0xc7: {  	_ =	shalt  }
tec
execute0_lowered:
.L_overlay_start_1:
0x0: {  	(tag) =	ssettag $0x1  }
0x1: {  	s1 =	rddreg [dreg:$0x0]  }
0x2: {  	s0 =	rddreg [dreg:$0x1]  }
0x3: {  	s2 =	rddreg [dreg:$0x2];
	s19 =	stileid.u32  }
0x4: {  	s6 =	srdreg.scid;
	s7 =	smul.u32 $0x1E, s19  }
0x5: {  	s3 =	rddreg [dreg:$0x3];
	s9 =	sand.u32 $0x1, s6;
	s6 =	smul.u32 $0x8A, s19  }
0x6: {  	s4 =	rddreg [dreg:$0x4];
	s5 =	simm.s32 $0x0;
	s10 =	smul.u32 $0x13C00, s19  }
0x7: {  	[smem:$0x7FF] =	sst s5;
	s23 =	smul.u32 $0x278, s19  }
0x8: {  	s11 =	sadd.s32 $0xC200, s0;
	s13 =	sadd.s32 $0x2400, s0;
	s8 =	smul.u32 $0x13C000, s9  }
0x9: {  	p0 =	seq.s32 s9, $0x0;
	_ =	strace $0x80000047;
	s24 =	ssub.s32 $0x2, s9  }
0xa: {  	s9 =	smul.u32 $0x2780, s9;
	s7 =	sadd.s32 $0x8A0, s7;
	s14 =	sshrl.u32 s24, $0x1  }
0xb: {  	s7 =	smov.u32 @p0 s6;
	s10 =	sadd.s32 s10, s8;
	s6 =	simm.s32 $0x8A  }
0xc: {  	s14 =	ssub.s32 s24, s14;
	s12 =	smul.u32 $0xF, s7;
	s6 =	simm.s32 @!p0 $0x1E  }
0xd: {  	s9 =	sadd.s32 s23, s9;
	s15 =	smul.u32 $0x78, s7;
	s20 =	sadd.s32 $0xFFFFFFFD, s6  }
0xe: {  	s10 =	sshrl.u32 s10, $0x3;
	s21 =	sadd.s32 $0xFFFFFFFF, s6;
	[dreg:$0x6] =	wrdreg s20  }
0xf: {  	s9 =	sshrl.u32 s9, $0x3;
	s22 =	sadd.s32 $0xFFFFFFFC, s6;
	[dreg:$0x7] =	wrdreg s21  }
0x10: {  	s24 =	sadd.s32 $0xFFFFFFFE, s6;
	s10 =	sadd.s32 s10, s0;
	[dreg:$0x8] =	wrdreg s22  }
0x11: {  	s2 =	sadd.s32 s2, s9;
	s0 =	sadd.s32 $0x16000, s0;
	[dreg:$0x9] =	wrdreg s24  }
0x12: {  	s7 =	sadd.s32 s11, s12;
	s16 =	sadd.s32 $0x78, s15;
	[dreg:$0x15] =	wrdreg s2  }
0x13: {  	s26 =	sshrl.u32 s15, $0x3;
	[dreg:$0x16] =	wrdreg s0;
	s25 =	sshrl.u32 s16, $0x3  }
0x14: {  	s28 =	sadd.s32 $0x1E, s26;
	s16 =	sadd.s32 $0x3C, s26;
	s26 =	sadd.s32 $0xFFFFFFFB, s6  }
0x15: {  	s8 =	sadd.s32 s13, s12;
	s17 =	sadd.s32 s11, s25;
	[dreg:$0xa] =	wrdreg s26  }
0x16: {  	s18 =	sadd.s32 $0x168, s15;
	s12 =	sadd.s32 s13, s25;
	[dreg:$0xb] =	wrdreg s17  }
0x17: {  	s30 =	sshrl.u32 s18, $0x3;
	s29 =	sadd.s32 s11, s28;
	[dreg:$0xc] =	wrdreg s12  }
0x18: {  	s31 =	sadd.s32 s11, s30;
	[dreg:$0xd] =	wrdreg s29  }
0x19: {  	s15 =	sadd.s32 $0x258, s15;
	s18 =	sadd.s32 s11, s16;
	[dreg:$0xf] =	wrdreg s31  }
0x1a: {  	s15 =	sshrl.u32 s15, $0x3;
	s16 =	sadd.s32 s13, s16;
	[dreg:$0x11] =	wrdreg s18  }
0x1b: {  	s11 =	sadd.s32 s11, s15;
	[dreg:$0x12] =	wrdreg s16  }
0x1c: {  	s17 =	sadd.s32 s13, s28;
	[dreg:$0x13] =	wrdreg s11  }
0x1d: {  	s12 =	sadd.s32 s13, s30;
	[dreg:$0xe] =	wrdreg s17  }
0x1e: {  	s9 =	simm.s32 $0x6;
	s13 =	sadd.s32 s13, s15;
	[dreg:$0x10] =	wrdreg s12  }
0x1f: {  	s2 =	simm.s32 $0xA;
	s30 =	sadd.s32 $0x18800, s10;
	[dreg:$0x14] =	wrdreg s13  }
0x20: {  	s25 =	smul.u32 $0x4F000, s19;
	s31 =	smax.u32 s14, $0x1;
	[dreg:$0x1a] =	wrdreg s30  }
0x21: {  	s28 =	sshll.u32 s19, $0x6;
	s15 =	sadd.s32 s23, s4;
	[dreg:$0x1b] =	wrdreg s31  }
0x22: {  	s11 =	sshrl.u32 s25, $0x2;
	s13 =	sor.u32 $0x1C0A, s28;
	[dreg:$0x19] =	wrdreg s15  }
0x23: {  	s0 =	simm.s32 $0x5;
	s29 =	sadd.s32 s11, s3;
	[dreg:$0x18] =	wrdreg s13  }
0x24: {  	v0 =	vimm.f32 $1.000000000e+00;
	v1 =	vimm.f32 $0.0e+00;
	s10 =	simm.s32 $0x0;
	s17 =	simm.s32 $0x880;
	[dreg:$0x17] =	wrdreg s29  }
.LBB2_1:
0x25: {  	[tilespmem:s5], [sflag:$0x4] =	stream.linear.gather [hbm4b:s7+s5], $0x78, $0x38;
	[tilespmem:$0x1FD78] =	vst v63  }
0x26: {  	s12 =	rddreg [dreg:$0xb]  }
0x27: {  	s11 =	simm.s32 $0x400;
	s16 =	rddreg [dreg:$0xc]  }
0x28: {  	[tilespmem:s11], [sflag:$0x4] =	stream.linear.gather [hbm4b:s8+s5], $0x78, $0x38;
	[tilespmem:$0x1FD78] =	vst v63  }
0x29: {  	s14 =	simm.s32 $0x80;
	s18 =	rddreg [dreg:$0xd]  }
0x2a: {  	[tilespmem:s14], [sflag:$0x5] =	stream.linear.gather [hbm4b:s12+s5], $0x78, $0x38;
	[tilespmem:$0x1FD78] =	vst v63  }
0x2b: {  	s19 =	rddreg [dreg:$0xe];
	s12 =	simm.s32 $0x480  }
0x2c: {  	[tilespmem:s12], [sflag:$0x5] =	stream.linear.gather [hbm4b:s16+s5], $0x78, $0x38;
	[tilespmem:$0x1FD78] =	vst v63  }
0x2d: {  	s21 =	rddreg [dreg:$0xf];
	s16 =	simm.s32 $0x100  }
0x2e: {  	[tilespmem:s16], [sflag:$0x6] =	stream.linear.gather [hbm4b:s18+s5], $0x78, $0x38;
	[tilespmem:$0x1FD78] =	vst v63  }
0x2f: {  	s20 =	simm.s32 $0x500;
	s23 =	rddreg [dreg:$0x10]  }
0x30: {  	[tilespmem:s20], [sflag:$0x6] =	stream.linear.gather [hbm4b:s19+s5], $0x78, $0x38;
	[tilespmem:$0x1FD78] =	vst v63  }
0x31: {  	s22 =	simm.s32 $0x180;
	s25 =	rddreg [dreg:$0x11]  }
0x32: {  	[tilespmem:s22], [sflag:$0x7] =	stream.linear.gather [hbm4b:s21+s5], $0x78, $0x38;
	[tilespmem:$0x1FD78] =	vst v63  }
0x33: {  	s24 =	simm.s32 $0x580;
	s28 =	rddreg [dreg:$0x12]  }
0x34: {  	[tilespmem:s24], [sflag:$0x7] =	stream.linear.gather [hbm4b:s23+s5], $0x78, $0x38;
	[tilespmem:$0x1FD78] =	vst v63  }
0x35: {  	s26 =	simm.s32 $0x200;
	s30 =	rddreg [dreg:$0x13]  }
0x36: {  	[tilespmem:s26], [sflag:$0x8] =	stream.linear.gather [hbm4b:s25+s5], $0x78, $0x38;
	[tilespmem:$0x1FD78] =	vst v63  }
0x37: {  	s29 =	simm.s32 $0x600;
	s18 =	rddreg [dreg:$0x14]  }
0x38: {  	[tilespmem:s29], [sflag:$0x8] =	stream.linear.gather [hbm4b:s28+s5], $0x78, $0x38;
	[tilespmem:$0x1FD78] =	vst v63  }
0x39: {  	s31 =	simm.s32 $0x280;
	s20 =	rddreg [dreg:$0x17]  }
0x3a: {  	[tilespmem:s31], [sflag:$0x9] =	stream.linear.gather [hbm4b:s30+s5], $0x78, $0x38;
	[tilespmem:$0x1FD78] =	vst v63  }
0x3b: {  	s19 =	simm.s32 $0x680;
	s11 =	sshrl.u32 s20, $0x3;
	s21 =	rddreg [dreg:$0x16]  }
0x3c: {  	[tilespmem:s19], [sflag:$0x9] =	stream.linear.gather [hbm4b:s18+s5], $0x78, $0x38;
	[tilespmem:$0x1FD78] =	vst v63  }
0x3d: {  	[spmem:s11], [sflag:s13] =	dma.local [hbm:s21], $0x2780  }
0x3e: {  	_ =	swait.ge [sflag:s2], $0x2780  }
0x3f: {  	[sflag:s2] =	ssyncset.done $0x0  }
0x40: {  	[sflag:s2] =	ssyncadd.s32 $0xFFFFD880  }
0x41: {  	[tilespmem:$0x800] =	vst v0  }
0x42: {  	[tilespmem:$0x810] =	vst v0  }
0x43: {  	[tilespmem:$0x820] =	vst v0  }
0x44: {  	[tilespmem:$0x830] =	vst v0  }
0x45: {  	[tilespmem:$0x840] =	vst v0  }
0x46: {  	[tilespmem:$0x850] =	vst v0  }
0x47: {  	[tilespmem:$0x860] =	vst v0  }
0x48: {  	[tilespmem:$0x870] =	vst v0  }
0x49: {  	[tilespmem:$0x880] =	vst v1  }
0x4a: {  	[tilespmem:$0x890] =	vst v1  }
0x4b: {  	[tilespmem:$0x8A0] =	vst v1  }
0x4c: {  	[tilespmem:$0x8B0] =	vst v1  }
0x4d: {  	[tilespmem:$0x8C0] =	vst v1  }
0x4e: {  	[tilespmem:$0x8D0] =	vst v1  }
0x4f: {  	[tilespmem:$0x8E0] =	vst v1  }
0x50: {  	[tilespmem:$0x8F0] =	vst v1  }
0x51: {  	[tilespmem:$0x900] =	vst v1  }
0x52: {  	[tilespmem:$0x910] =	vst v1  }
0x53: {  	[tilespmem:$0x920] =	vst v1  }
0x54: {  	[tilespmem:$0x930] =	vst v1  }
0x55: {  	[tilespmem:$0x940] =	vst v1  }
0x56: {  	[tilespmem:$0x950] =	vst v1  }
0x57: {  	[tilespmem:$0x960] =	vst v1  }
0x58: {  	[tilespmem:$0x970] =	vst v1  }
0x59: {  	[tilespmem:$0x980] =	vst v1  }
0x5a: {  	[tilespmem:$0x990] =	vst v1  }
0x5b: {  	[tilespmem:$0x9A0] =	vst v1  }
0x5c: {  	[tilespmem:$0x9B0] =	vst v1  }
0x5d: {  	[tilespmem:$0x9C0] =	vst v1  }
0x5e: {  	[tilespmem:$0x9D0] =	vst v1  }
0x5f: {  	[tilespmem:$0x9E0] =	vst v1  }
0x60: {  	[tilespmem:$0x9F0] =	vst v1  }
0x61: {  	[tilespmem:$0xA00] =	vst v1  }
0x62: {  	[tilespmem:$0xA10] =	vst v1  }
0x63: {  	[tilespmem:$0xA20] =	vst v1  }
0x64: {  	[tilespmem:$0xA30] =	vst v1  }
0x65: {  	[tilespmem:$0xA40] =	vst v1  }
0x66: {  	[tilespmem:$0xA50] =	vst v1  }
0x67: {  	[tilespmem:$0xA60] =	vst v1  }
0x68: {  	[tilespmem:$0xA70] =	vst v1  }
0x69: {  	[tilespmem:$0xA80] =	vst v1  }
0x6a: {  	[tilespmem:$0xA90] =	vst v1  }
0x6b: {  	[tilespmem:$0xAA0] =	vst v1  }
0x6c: {  	[tilespmem:$0xAB0] =	vst v1  }
0x6d: {  	[tilespmem:$0xAC0] =	vst v1  }
0x6e: {  	[tilespmem:$0xAD0] =	vst v1  }
0x6f: {  	[tilespmem:$0xAE0] =	vst v1  }
0x70: {  	[tilespmem:$0xAF0] =	vst v1  }
0x71: {  	[spmem:s15] =	stream.linear.scatter [tilespmem:s17], [sflag:$0xA], $0x278, $0x38;
	[tilespmem:$0x1FD78] =	vst v63  }
0x72: {  	_ =	swait.ge [sflag:s2], $0x278  }
0x73: {  	[sflag:s2] =	ssyncset.done $0x0  }
0x74: {  	[sflag:s2] =	ssyncadd.s32 $0xFFFFFD88  }
0x75: {  	s22 =	simm.s32 $0x4;
	[bflag:$0x0] =	sbarrier.arrive $0xFFFF  }
0x76: {  	_ =	swait.ge [sflag:s22], $0x78  }
0x77: {  	[sflag:s22] =	ssyncset.done $0x0  }
0x78: {  	[sflag:s22] =	ssyncadd.s32 $0xFFFFFF88  }
0x79: {  	_ =	swait.ge [sflag:s22], $0x78  }
0x7a: {  	[sflag:s22] =	ssyncset.done $0x0  }
0x7b: {  	s23 =	simm.s32 $0x78;
	s24 =	simm.s32 $0x14978;
	[sflag:s22] =	ssyncadd.s32 $0xFFFFFF88  }
0x7c: {  	[tilespmem:s24], [sflag:$0x1] =	stream.indirect.gather [hbm4b:s1+s23], $0x80, s5, s23, $0xb8;
	[tilespmem:$0x1FD78] =	vst v63  }
0x7d: {  	_ =	swait.ge [sflag:s0], $0x78  }
0x7e: {  	[sflag:s0] =	ssyncset.done $0x0  }
0x7f: {  	[sflag:s0] =	ssyncadd.s32 $0xFFFFFF88  }
0x80: {  	_ =	swait.ge [sflag:s0], $0x78  }
0x81: {  	[sflag:s0] =	ssyncset.done $0x0  }
0x82: {  	s25 =	simm.s32 $0x18578;
	[sflag:s0] =	ssyncadd.s32 $0xFFFFFF88  }
0x83: {  	[tilespmem:s25], [sflag:$0x2] =	stream.indirect.gather [hbm4b:s1+s23], $0x80, s14, s23, $0xb8;
	[tilespmem:$0x1FD78] =	vst v63  }
0x84: {  	_ =	swait.ge [sflag:s9], $0x78  }
0x85: {  	[sflag:s9] =	ssyncset.done $0x0  }
0x86: {  	[sflag:s9] =	ssyncadd.s32 $0xFFFFFF88  }
0x87: {  	_ =	swait.ge [sflag:s9], $0x78  }
0x88: {  	p1 =	sle.u32 s6, $0x0;
	[sflag:s9] =	ssyncset.done $0x0  }
0x89: {  	s12 =	simm.s32 @!p1 $0x1;
	s26 =	simm.s32 $0x1C178;
	[sflag:s9] =	ssyncadd.s32 $0xFFFFFF88  }
0x8a: {  	[tilespmem:s26], [sflag:$0x3] =	stream.indirect.gather [hbm4b:s1+s23], $0x80, s16, s23, $0xb8;
	[tilespmem:$0x1FD78] =	vst v63  }
0x8b: {  	_ =	swait.ge @!p1 [sflag:s12], $0x3C00  }
0x8c: {  	s13 =	simm.s32 @!p1 $0xA;
	s15 =	simm.s32 @!p1 $0x400;
	[sflag:s12] =	ssyncset.done @!p1 $0x0  }
0x8d: {  	s14 =	simm.s32 @!p1 $0x14978;
	[sflag:s12] =	ssyncadd.s32 @!p1 $0xFFFFC400;
	s12 =	simm.s32 @!p1 $0x78  }
0x8e: {  	[spmem:s3] =	stream.indirect.scatter.add.f32 @!p1 [tilespmem:s14], [sflag:$0xA], $0x80, s15, s12, $0xb8;
	[tilespmem:$0x1FD78] =	vst v63  }
0x8f: {  	_ =	swait.ge @!p1 [sflag:s13], $0x3C00  }
0x90: {  	[sflag:s13] =	ssyncset.done @!p1 $0x0  }
0x91: {  	p0 =	sle.u32 s6, $0x6;
	s14 =	simm.s32 @!p1 $0x800;
	[sflag:s13] =	ssyncadd.s32 @!p1 $0xFFFFC400  }
0x92: {  	[spmem:s4] =	stream.indirect.scatter.add.f32 @!p1 [tilespmem:s14], [sflag:$0xA], $0x1, s15, s12, $0xb8;
	[tilespmem:$0x1FD78] =	vst v63  }
0x93: {  	s12 =	sadd.s32 @!p0 $0x0, s7;
	_ =	swait.ge @!p1 [sflag:s13], $0x78  }
0x94: {  	s14 =	sadd.s32 @!p0 $0x0, s8;
	s16 =	sadd.s32 @!p0 $0x5A, s12;
	[sflag:s13] =	ssyncset.done @!p1 $0x0  }
0x95: {  	s12 =	simm.s32 @!p0 $0x0;
	s28 =	rddreg [dreg:$0x6];
	[sflag:s13] =	ssyncadd.s32 @!p1 $0xFFFFFF88  }
0x96: {  	[tilespmem:s12], [sflag:$0x4] =	stream.linear.gather @!p0 [hbm4b:s16+s12], $0x78, $0x38;
	[tilespmem:$0x1FD78] =	vst v63  }
0x97: {  	s13 =	sadd.s32 @!p0 $0x5A, s14;
	s14 =	simm.s32 @!p0 $0x400;
	p4 =	sle.u32 s28, $0x0  }
0x98: {  	[tilespmem:s14], [sflag:$0x4] =	stream.linear.gather @!p0 [hbm4b:s13+s12], $0x78, $0x38;
	[tilespmem:$0x1FD78] =	vst v63  }
0x99: {  	s13 =	simm.s32 @!p4 $0x7  }
0x9a: {  	_ =	swait.ge @!p4 [sflag:s13], $0x78  }
0x9b: {  	[sflag:s13] =	ssyncset.done @!p4 $0x0  }
0x9c: {  	[sflag:s13] =	ssyncadd.s32 @!p4 $0xFFFFFF88  }
0x9d: {  	s15 =	simm.s32 @!p4 $0x14978;
	_ =	swait.ge @!p4 [sflag:s13], $0x78  }
0x9e: {  	s17 =	simm.s32 @!p4 $0x180;
	[sflag:s13] =	ssyncset.done @!p4 $0x0;
	s29 =	rddreg [dreg:$0x7]  }
0x9f: {  	s14 =	simm.s32 @!p4 $0x78;
	[sflag:s13] =	ssyncadd.s32 @!p4 $0xFFFFFF88;
	p1 =	sle.u32 s29, $0x0  }
0xa0: {  	[tilespmem:s15], [sflag:$0x1] =	stream.indirect.gather @!p4 [hbm4b:s1+s14], $0x80, s17, s14, $0xb8;
	[tilespmem:$0x1FD78] =	vst v63  }
0xa1: {  	s13 =	simm.s32 @!p1 $0x2  }
0xa2: {  	_ =	swait.ge @!p1 [sflag:s13], $0x3C00  }
0xa3: {  	s16 =	simm.s32 @!p1 $0xA;
	s17 =	simm.s32 @!p1 $0x18578;
	[sflag:s13] =	ssyncset.done @!p1 $0x0  }
0xa4: {  	s18 =	simm.s32 @!p1 $0x78;
	s19 =	simm.s32 @!p1 $0x480;
	[sflag:s13] =	ssyncadd.s32 @!p1 $0xFFFFC400  }
0xa5: {  	[spmem:s3] =	stream.indirect.scatter.add.f32 @!p1 [tilespmem:s17], [sflag:$0xA], $0x80, s19, s18, $0xb8;
	[tilespmem:$0x1FD78] =	vst v63  }
0xa6: {  	_ =	swait.ge @!p1 [sflag:s16], $0x3C00  }
0xa7: {  	p3 =	sle.u32 s6, $0x7;
	[sflag:s16] =	ssyncset.done @!p1 $0x0  }
0xa8: {  	s13 =	sadd.s32 @!p3 $0x0, s7;
	s17 =	simm.s32 @!p1 $0x800;
	[sflag:s16] =	ssyncadd.s32 @!p1 $0xFFFFC400  }
0xa9: {  	[spmem:s4] =	stream.indirect.scatter.add.f32 @!p1 [tilespmem:s17], [sflag:$0xA], $0x1, s19, s18, $0xb8;
	[tilespmem:$0x1FD78] =	vst v63  }
0xaa: {  	s17 =	sadd.s32 @!p3 $0x69, s13;
	_ =	swait.ge @!p1 [sflag:s16], $0x78  }
0xab: {  	s18 =	sadd.s32 @!p3 $0x0, s8;
	s13 =	simm.s32 @!p3 $0x80;
	[sflag:s16] =	ssyncset.done @!p1 $0x0  }
0xac: {  	s30 =	rddreg [dreg:$0x8];
	[sflag:s16] =	ssyncadd.s32 @!p1 $0xFFFFFF88;
	s16 =	simm.s32 @!p3 $0x0  }
0xad: {  	[tilespmem:s13], [sflag:$0x5] =	stream.linear.gather @!p3 [hbm4b:s17+s16], $0x78, $0x38;
	[tilespmem:$0x1FD78] =	vst v63  }
0xae: {  	p5 =	sle.u32 s30, $0x0;
	s17 =	sadd.s32 @!p3 $0x69, s18;
	s18 =	simm.s32 @!p3 $0x480  }
0xaf: {  	[tilespmem:s18], [sflag:$0x5] =	stream.linear.gather @!p3 [hbm4b:s17+s16], $0x78, $0x38;
	[tilespmem:$0x1FD78] =	vst v63  }
0xb0: {  	s16 =	simm.s32 @!p5 $0x8  }
0xb1: {  	_ =	swait.ge @!p5 [sflag:s16], $0x78  }
0xb2: {  	[sflag:s16] =	ssyncset.done @!p5 $0x0  }
0xb3: {  	[sflag:s16] =	ssyncadd.s32 @!p5 $0xFFFFFF88  }
0xb4: {  	s20 =	simm.s32 @!p5 $0x18578;
	_ =	swait.ge @!p5 [sflag:s16], $0x78  }
0xb5: {  	s19 =	simm.s32 @!p5 $0x78;
	[sflag:s16] =	ssyncset.done @!p5 $0x0;
	s31 =	rddreg [dreg:$0x9]  }
0xb6: {  	s18 =	simm.s32 @!p5 $0x200;
	[sflag:s16] =	ssyncadd.s32 @!p5 $0xFFFFFF88;
	p2 =	sle.u32 s31, $0x0  }
0xb7: {  	[tilespmem:s20], [sflag:$0x2] =	stream.indirect.gather @!p5 [hbm4b:s1+s19], $0x80, s18, s19, $0xb8;
	[tilespmem:$0x1FD78] =	vst v63  }
0xb8: {  	s16 =	simm.s32 @!p2 $0x3  }
0xb9: {  	_ =	swait.ge @!p2 [sflag:s16], $0x3C00  }
0xba: {  	s17 =	simm.s32 @!p2 $0x1C178;
	s18 =	simm.s32 @!p2 $0xA;
	[sflag:s16] =	ssyncset.done @!p2 $0x0  }
0xbb: {  	s21 =	simm.s32 @!p2 $0x78;
	s24 =	simm.s32 @!p2 $0x500;
	[sflag:s16] =	ssyncadd.s32 @!p2 $0xFFFFC400  }
0xbc: {  	[spmem:s3] =	stream.indirect.scatter.add.f32 @!p2 [tilespmem:s17], [sflag:$0xA], $0x80, s24, s21, $0xb8;
	[tilespmem:$0x1FD78] =	vst v63  }
0xbd: {  	_ =	swait.ge @!p2 [sflag:s18], $0x3C00  }
0xbe: {  	p1 =	sle.u32 s6, $0x8;
	[sflag:s18] =	ssyncset.done @!p2 $0x0  }
0xbf: {  	s16 =	simm.s32 @!p2 $0x800;
	s17 =	sadd.s32 @!p1 $0x0, s7;
	[sflag:s18] =	ssyncadd.s32 @!p2 $0xFFFFC400  }
0xc0: {  	[spmem:s4] =	stream.indirect.scatter.add.f32 @!p2 [tilespmem:s16], [sflag:$0xA], $0x1, s24, s21, $0xb8;
	[tilespmem:$0x1FD78] =	vst v63  }
0xc1: {  	s17 =	sadd.s32 @!p1 $0x78, s17;
	s21 =	sadd.s32 @!p1 $0x0, s8;
	_ =	swait.ge @!p2 [sflag:s18], $0x78  }
0xc2: {  	s24 =	simm.s32 @!p1 $0x0;
	[sflag:s18] =	ssyncset.done @!p2 $0x0;
	s25 =	rddreg [dreg:$0xa]  }
0xc3: {  	s16 =	simm.s32 @!p1 $0x100;
	[sflag:s18] =	ssyncadd.s32 @!p2 $0xFFFFFF88;
	p2 =	sle.u32 s25, $0x0  }
0xc4: {  	[tilespmem:s16], [sflag:$0x6] =	stream.linear.gather @!p1 [hbm4b:s17+s24], $0x78, $0x38;
	[tilespmem:$0x1FD78] =	vst v63  }
0xc5: {  	s18 =	simm.s32 @!p1 $0x500;
	s17 =	sadd.s32 @!p1 $0x78, s21;
	s21 =	simm.s32 @!p2 $0x9  }
0xc6: {  	[tilespmem:s18], [sflag:$0x6] =	stream.linear.gather @!p1 [hbm4b:s17+s24], $0x78, $0x38;
	[tilespmem:$0x1FD78] =	vst v63  }
0xc7: {  	_ =	swait.ge @!p2 [sflag:s21], $0x78  }
0xc8: {  	[sflag:s21] =	ssyncset.done @!p2 $0x0  }
0xc9: {  	[sflag:s21] =	ssyncadd.s32 @!p2 $0xFFFFFF88  }
0xca: {  	_ =	swait.ge @!p2 [sflag:s21], $0x78  }
0xcb: {  	s24 =	simm.s32 @!p4 $0x1;
	s18 =	simm.s32 @!p2 $0x1C178;
	[sflag:s21] =	ssyncset.done @!p2 $0x0  }
0xcc: {  	s17 =	simm.s32 @!p2 $0x78;
	[sflag:s21] =	ssyncadd.s32 @!p2 $0xFFFFFF88;
	s21 =	simm.s32 @!p2 $0x280  }
0xcd: {  	[tilespmem:s18], [sflag:$0x3] =	stream.indirect.gather @!p2 [hbm4b:s1+s17], $0x80, s21, s17, $0xb8;
	[tilespmem:$0x1FD78] =	vst v63  }
0xce: {  	_ =	swait.ge @!p4 [sflag:s24], $0x3C00  }
0xcf: {  	[sflag:s24] =	ssyncset.done @!p4 $0x0  }
0xd0: {  	s21 =	simm.s32 @!p4 $0x580;
	[sflag:s24] =	ssyncadd.s32 @!p4 $0xFFFFC400;
	s24 =	simm.s32 @!p4 $0xA  }
0xd1: {  	[spmem:s3] =	stream.indirect.scatter.add.f32 @!p4 [tilespmem:s15], [sflag:$0xA], $0x80, s21, s14, $0xb8;
	[tilespmem:$0x1FD78] =	vst v63  }
0xd2: {  	_ =	swait.ge @!p4 [sflag:s24], $0x3C00  }
0xd3: {  	[sflag:s24] =	ssyncset.done @!p4 $0x0  }
0xd4: {  	s15 =	simm.s32 @!p4 $0x800;
	[sflag:s24] =	ssyncadd.s32 @!p4 $0xFFFFC400  }
0xd5: {  	[spmem:s4] =	stream.indirect.scatter.add.f32 @!p4 [tilespmem:s15], [sflag:$0xA], $0x1, s21, s14, $0xb8;
	[tilespmem:$0x1FD78] =	vst v63  }
0xd6: {  	p6 =	sle.u32 s6, $0x9;
	_ =	swait.ge @!p4 [sflag:s24], $0x78  }
0xd7: {  	s14 =	sadd.s32 @!p6 $0x0, s7;
	s15 =	simm.s32 @!p6 $0x0;
	[sflag:s24] =	ssyncset.done @!p4 $0x0  }
0xd8: {  	s21 =	simm.s32 @!p6 $0x180;
	s14 =	sadd.s32 @!p6 $0x87, s14;
	[sflag:s24] =	ssyncadd.s32 @!p4 $0xFFFFFF88  }
0xd9: {  	[tilespmem:s21], [sflag:$0x7] =	stream.linear.gather @!p6 [hbm4b:s14+s15], $0x78, $0x38;
	[tilespmem:$0x1FD78] =	vst v63  }
0xda: {  	s14 =	sadd.s32 @!p6 $0x0, s8  }
0xdb: {  	s21 =	simm.s32 @!p6 $0x580;
	s14 =	sadd.s32 @!p6 $0x87, s14  }
0xdc: {  	[tilespmem:s21], [sflag:$0x7] =	stream.linear.gather @!p6 [hbm4b:s14+s15], $0x78, $0x38;
	[tilespmem:$0x1FD78] =	vst v63  }
0xdd: {  	s14 =	simm.s32 @!p0 $0x4  }
0xde: {  	_ =	swait.ge @!p0 [sflag:s14], $0x78  }
0xdf: {  	[sflag:s14] =	ssyncset.done @!p0 $0x0  }
0xe0: {  	[sflag:s14] =	ssyncadd.s32 @!p0 $0xFFFFFF88  }
0xe1: {  	_ =	swait.ge @!p0 [sflag:s14], $0x78  }
0xe2: {  	s15 =	simm.s32 @!p0 $0x14978;
	[sflag:s14] =	ssyncset.done @!p0 $0x0  }
0xe3: {  	s21 =	simm.s32 @!p0 $0x78;
	[sflag:s14] =	ssyncadd.s32 @!p0 $0xFFFFFF88;
	s14 =	simm.s32 @!p5 $0x2  }
0xe4: {  	[tilespmem:s15], [sflag:$0x1] =	stream.indirect.gather @!p0 [hbm4b:s1+s21], $0x80, s12, s21, $0xb8;
	[tilespmem:$0x1FD78] =	vst v63  }
0xe5: {  	_ =	swait.ge @!p5 [sflag:s14], $0x3C00  }
0xe6: {  	[sflag:s14] =	ssyncset.done @!p5 $0x0  }
0xe7: {  	s12 =	simm.s32 @!p5 $0x600;
	[sflag:s14] =	ssyncadd.s32 @!p5 $0xFFFFC400;
	s14 =	simm.s32 @!p5 $0xA  }
0xe8: {  	[spmem:s3] =	stream.indirect.scatter.add.f32 @!p5 [tilespmem:s20], [sflag:$0xA], $0x80, s12, s19, $0xb8;
	[tilespmem:$0x1FD78] =	vst v63  }
0xe9: {  	_ =	swait.ge @!p5 [sflag:s14], $0x3C00  }
0xea: {  	[sflag:s14] =	ssyncset.done @!p5 $0x0  }
0xeb: {  	p0 =	sle.u32 s6, $0xA;
	s15 =	simm.s32 @!p5 $0x800;
	[sflag:s14] =	ssyncadd.s32 @!p5 $0xFFFFC400  }
0xec: {  	[spmem:s4] =	stream.indirect.scatter.add.f32 @!p5 [tilespmem:s15], [sflag:$0xA], $0x1, s12, s19, $0xb8;
	[tilespmem:$0x1FD78] =	vst v63  }
0xed: {  	s20 =	sadd.s32 @!p0 $0x0, s8;
	_ =	swait.ge @!p5 [sflag:s14], $0x78  }
0xee: {  	s12 =	sadd.s32 @!p0 $0x0, s7;
	s15 =	simm.s32 @!p0 $0x200;
	[sflag:s14] =	ssyncset.done @!p5 $0x0  }
0xef: {  	s19 =	simm.s32 @!p0 $0x0;
	s12 =	sadd.s32 @!p0 $0x96, s12;
	[sflag:s14] =	ssyncadd.s32 @!p5 $0xFFFFFF88  }
0xf0: {  	[tilespmem:s15], [sflag:$0x8] =	stream.linear.gather @!p0 [hbm4b:s12+s19], $0x78, $0x38;
	[tilespmem:$0x1FD78] =	vst v63  }
0xf1: {  	s14 =	simm.s32 @!p3 $0x5;
	s12 =	sadd.s32 @!p0 $0x96, s20;
	s15 =	simm.s32 @!p0 $0x600  }
0xf2: {  	[tilespmem:s15], [sflag:$0x8] =	stream.linear.gather @!p0 [hbm4b:s12+s19], $0x78, $0x38;
	[tilespmem:$0x1FD78] =	vst v63  }
0xf3: {  	_ =	swait.ge @!p3 [sflag:s14], $0x78  }
0xf4: {  	[sflag:s14] =	ssyncset.done @!p3 $0x0  }
0xf5: {  	[sflag:s14] =	ssyncadd.s32 @!p3 $0xFFFFFF88  }
0xf6: {  	_ =	swait.ge @!p3 [sflag:s14], $0x78  }
0xf7: {  	s24 =	simm.s32 $0xB;
	s15 =	simm.s32 @!p2 $0x3;
	[sflag:s14] =	ssyncset.done @!p3 $0x0  }
0xf8: {  	s19 =	simm.s32 @!p3 $0x18578;
	[sflag:s14] =	ssyncadd.s32 @!p3 $0xFFFFFF88;
	s14 =	simm.s32 @!p3 $0x78  }
0xf9: {  	[tilespmem:s19], [sflag:$0x2] =	stream.indirect.gather @!p3 [hbm4b:s1+s14], $0x80, s13, s14, $0xb8;
	[tilespmem:$0x1FD78] =	vst v63  }
0xfa: {  	s21 =	simm.s32 @!p2 $0x680;
	s20 =	simm.s32 @!p2 $0xA;
	_ =	swait.ge @!p2 [sflag:s15], $0x3C00  }
0xfb: {  	s12 =	simm.s32 $0x5A;
	s13 =	simm.s32 $0x6;
	[sflag:s15] =	ssyncset.done @!p2 $0x0  }
0xfc: {  	s19 =	simm.s32 @!p2 $0x800;
	s14 =	simm.s32 $0x0;
	[sflag:s15] =	ssyncadd.s32 @!p2 $0xFFFFC400  }
.LBB2_2:
0xfd: {  	[spmem:s3] =	stream.indirect.scatter.add.f32 @!p2 [tilespmem:s18], [sflag:$0xA], $0x80, s21, s17, $0xb8;
	[tilespmem:$0x1FD78] =	vst v63  }
0xfe: {  	s31 =	smov.u32 s12;
	s12 =	sadd.s32 $0x5A, s12  }
0xff: {  	p3 =	sne.s32 s12, $0x816  }
0x100: {  	_ =	swait.ge @!p2 [sflag:s20], $0x3C00;
	s22 =	simm.s32 @!p3 $0x0  }
0x101: {  	[sflag:s20] =	ssyncset.done @!p2 $0x0;
	s22 =	simm.s32 @p3 $0x1  }
0x102: {  	p0 =	sge.u32 s24, s6;
	[sflag:s20] =	ssyncadd.s32 @!p2 $0xFFFFC400;
	[smem:$0x7FD] =	sst s22  }
0x103: {  	[spmem:s4] =	stream.indirect.scatter.add.f32 @!p2 [tilespmem:s19], [sflag:$0xA], $0x1, s21, s17, $0xb8;
	[tilespmem:$0x1FD78] =	vst v63  }
0x104: {  	s17 =	sadd.s32 @!p0 s14, s7;
	s14 =	sadd.s32 @!p0 s14, s8;
	_ =	swait.ge @!p2 [sflag:s20], $0x78  }
0x105: {  	s17 =	sadd.s32 @!p0 $0xA5, s17;
	s19 =	sadd.s32 @!p0 $0xA5, s14;
	[sflag:s20] =	ssyncset.done @!p2 $0x0  }
0x106: {  	s14 =	simm.s32 @!p0 $0x280;
	[sflag:s20] =	ssyncadd.s32 @!p2 $0xFFFFFF88;
	s20 =	simm.s32 @!p0 $0x0  }
0x107: {  	[tilespmem:s14], [sflag:$0x9] =	stream.linear.gather @!p0 [hbm4b:s17+s20], $0x78, $0x38;
	[tilespmem:$0x1FD78] =	vst v63  }
0x108: {  	s25 =	simm.s32 @!p1 $0x6;
	s17 =	simm.s32 @!p0 $0x680  }
0x109: {  	[tilespmem:s17], [sflag:$0x9] =	stream.linear.gather @!p0 [hbm4b:s19+s20], $0x78, $0x38;
	[tilespmem:$0x1FD78] =	vst v63  }
0x10a: {  	_ =	swait.ge @!p1 [sflag:s25], $0x78  }
0x10b: {  	[sflag:s25] =	ssyncset.done @!p1 $0x0  }
0x10c: {  	[sflag:s25] =	ssyncadd.s32 @!p1 $0xFFFFFF88  }
0x10d: {  	_ =	swait.ge @!p1 [sflag:s25], $0x78  }
0x10e: {  	p4 =	sge.u32 s13, s6;
	s18 =	simm.s32 @!p1 $0x78;
	[sflag:s25] =	ssyncset.done @!p1 $0x0  }
0x10f: {  	s24 =	simm.s32 @!p4 $0x1;
	s19 =	simm.s32 @!p1 $0x1C178;
	[sflag:s25] =	ssyncadd.s32 @!p1 $0xFFFFFF88  }
0x110: {  	[tilespmem:s19], [sflag:$0x3] =	stream.indirect.gather @!p1 [hbm4b:s1+s18], $0x80, s16, s18, $0xb8;
	[tilespmem:$0x1FD78] =	vst v63  }
0x111: {  	_ =	swait.ge @!p4 [sflag:s24], $0x3C00  }
0x112: {  	s17 =	simm.s32 @!p4 $0xA;
	s20 =	simm.s32 @!p4 $0x14978;
	[sflag:s24] =	ssyncset.done @!p4 $0x0  }
0x113: {  	s16 =	simm.s32 @!p4 $0x78;
	s18 =	simm.s32 @!p4 $0x400;
	[sflag:s24] =	ssyncadd.s32 @!p4 $0xFFFFC400  }
0x114: {  	[spmem:s3] =	stream.indirect.scatter.add.f32 @!p4 [tilespmem:s20], [sflag:$0xA], $0x80, s18, s16, $0xb8;
	[tilespmem:$0x1FD78] =	vst v63  }
0x115: {  	s15 =	smov.u32 s13;
	s13 =	sadd.s32 $0x6, s13;
	_ =	swait.ge @!p4 [sflag:s17], $0x3C00  }
0x116: {  	p3 =	sge.u32 s13, s6;
	s14 =	smov.u32 s31;
	[sflag:s17] =	ssyncset.done @!p4 $0x0  }
0x117: {  	s21 =	sadd.s32 @!p3 s14, s7;
	s19 =	simm.s32 @!p4 $0x800;
	[sflag:s17] =	ssyncadd.s32 @!p4 $0xFFFFC400  }
0x118: {  	[spmem:s4] =	stream.indirect.scatter.add.f32 @!p4 [tilespmem:s19], [sflag:$0xA], $0x1, s18, s16, $0xb8;
	[tilespmem:$0x1FD78] =	vst v63  }
0x119: {  	s28 =	sadd.s32 @!p3 s14, s8;
	s21 =	sadd.s32 @!p3 $0x5A, s21;
	_ =	swait.ge @!p4 [sflag:s17], $0x78  }
0x11a: {  	s30 =	sadd.s32 @!p3 $0x5A, s28;
	[sflag:s17] =	ssyncset.done @!p4 $0x0;
	s22 =	rddreg [dreg:$0x6]  }
0x11b: {  	s28 =	simm.s32 @!p3 $0x0;
	[sflag:s17] =	ssyncadd.s32 @!p4 $0xFFFFFF88;
	p5 =	sge.u32 s15, s22  }
0x11c: {  	[tilespmem:s28], [sflag:$0x4] =	stream.linear.gather @!p3 [hbm4b:s21+s28], $0x78, $0x38;
	[tilespmem:$0x1FD78] =	vst v63  }
0x11d: {  	s17 =	simm.s32 @!p3 $0x400;
	s16 =	simm.s32 @!p5 $0x7  }
0x11e: {  	[tilespmem:s17], [sflag:$0x4] =	stream.linear.gather @!p3 [hbm4b:s30+s28], $0x78, $0x38;
	[tilespmem:$0x1FD78] =	vst v63  }
0x11f: {  	_ =	swait.ge @!p5 [sflag:s16], $0x78  }
0x120: {  	[sflag:s16] =	ssyncset.done @!p5 $0x0  }
0x121: {  	[sflag:s16] =	ssyncadd.s32 @!p5 $0xFFFFFF88  }
0x122: {  	s21 =	simm.s32 @!p5 $0x14978;
	_ =	swait.ge @!p5 [sflag:s16], $0x78  }
0x123: {  	s20 =	simm.s32 @!p5 $0x78;
	[sflag:s16] =	ssyncset.done @!p5 $0x0;
	s23 =	rddreg [dreg:$0x7]  }
0x124: {  	s17 =	simm.s32 @!p5 $0x180;
	[sflag:s16] =	ssyncadd.s32 @!p5 $0xFFFFFF88;
	p0 =	sge.u32 s15, s23  }
0x125: {  	[tilespmem:s21], [sflag:$0x1] =	stream.indirect.gather @!p5 [hbm4b:s1+s20], $0x80, s17, s20, $0xb8;
	[tilespmem:$0x1FD78] =	vst v63  }
0x126: {  	s17 =	simm.s32 @!p0 $0x2  }
0x127: {  	_ =	swait.ge @!p0 [sflag:s17], $0x3C00  }
0x128: {  	s18 =	simm.s32 @!p0 $0xA;
	s19 =	simm.s32 @!p0 $0x18578;
	[sflag:s17] =	ssyncset.done @!p0 $0x0  }
0x129: {  	s25 =	simm.s32 @!p0 $0x78;
	s30 =	simm.s32 @!p0 $0x480;
	[sflag:s17] =	ssyncadd.s32 @!p0 $0xFFFFC400  }
0x12a: {  	[spmem:s3] =	stream.indirect.scatter.add.f32 @!p0 [tilespmem:s19], [sflag:$0xA], $0x80, s30, s25, $0xb8;
	[tilespmem:$0x1FD78] =	vst v63  }
0x12b: {  	s24 =	sadd.s32 $0x7, s15;
	_ =	swait.ge @!p0 [sflag:s18], $0x3C00  }
0x12c: {  	p4 =	sge.u32 s24, s6;
	[sflag:s18] =	ssyncset.done @!p0 $0x0  }
0x12d: {  	s16 =	sadd.s32 @!p4 s14, s7;
	s19 =	simm.s32 @!p0 $0x800;
	[sflag:s18] =	ssyncadd.s32 @!p0 $0xFFFFC400  }
0x12e: {  	[spmem:s4] =	stream.indirect.scatter.add.f32 @!p0 [tilespmem:s19], [sflag:$0xA], $0x1, s30, s25, $0xb8;
	[tilespmem:$0x1FD78] =	vst v63  }
0x12f: {  	s24 =	sadd.s32 @!p4 s14, s8;
	s16 =	sadd.s32 @!p4 $0x69, s16;
	_ =	swait.ge @!p0 [sflag:s18], $0x78  }
0x130: {  	s30 =	simm.s32 @!p4 $0x80;
	[sflag:s18] =	ssyncset.done @!p0 $0x0;
	s25 =	rddreg [dreg:$0x8]  }
0x131: {  	[sflag:s18] =	ssyncadd.s32 @!p0 $0xFFFFFF88;
	s18 =	simm.s32 @!p4 $0x0;
	p6 =	sge.u32 s15, s25  }
0x132: {  	[tilespmem:s30], [sflag:$0x5] =	stream.linear.gather @!p4 [hbm4b:s16+s18], $0x78, $0x38;
	[tilespmem:$0x1FD78] =	vst v63  }
0x133: {  	s17 =	sadd.s32 @!p4 $0x69, s24;
	s24 =	simm.s32 @!p4 $0x480;
	s16 =	simm.s32 @!p6 $0x8  }
0x134: {  	[tilespmem:s24], [sflag:$0x5] =	stream.linear.gather @!p4 [hbm4b:s17+s18], $0x78, $0x38;
	[tilespmem:$0x1FD78] =	vst v63  }
0x135: {  	_ =	swait.ge @!p6 [sflag:s16], $0x78  }
0x136: {  	[sflag:s16] =	ssyncset.done @!p6 $0x0  }
0x137: {  	[sflag:s16] =	ssyncadd.s32 @!p6 $0xFFFFFF88  }
0x138: {  	s25 =	simm.s32 @!p6 $0x18578;
	_ =	swait.ge @!p6 [sflag:s16], $0x78  }
0x139: {  	s17 =	simm.s32 @!p6 $0x200;
	[sflag:s16] =	ssyncset.done @!p6 $0x0;
	s26 =	rddreg [dreg:$0x9]  }
0x13a: {  	s24 =	simm.s32 @!p6 $0x78;
	[sflag:s16] =	ssyncadd.s32 @!p6 $0xFFFFFF88;
	p2 =	sge.u32 s15, s26  }
0x13b: {  	[tilespmem:s25], [sflag:$0x2] =	stream.indirect.gather @!p6 [hbm4b:s1+s24], $0x80, s17, s24, $0xb8;
	[tilespmem:$0x1FD78] =	vst v63  }
0x13c: {  	s16 =	simm.s32 @!p2 $0x3  }
0x13d: {  	_ =	swait.ge @!p2 [sflag:s16], $0x3C00  }
0x13e: {  	s19 =	simm.s32 @!p2 $0x1C178;
	s26 =	simm.s32 @!p2 $0xA;
	[sflag:s16] =	ssyncset.done @!p2 $0x0  }
0x13f: {  	s31 =	simm.s32 @!p2 $0x78;
	s22 =	simm.s32 @!p2 $0x500;
	[sflag:s16] =	ssyncadd.s32 @!p2 $0xFFFFC400  }
0x140: {  	[spmem:s3] =	stream.indirect.scatter.add.f32 @!p2 [tilespmem:s19], [sflag:$0xA], $0x80, s22, s31, $0xb8;
	[tilespmem:$0x1FD78] =	vst v63  }
0x141: {  	s29 =	sadd.s32 $0x8, s15;
	_ =	swait.ge @!p2 [sflag:s26], $0x3C00  }
0x142: {  	p1 =	sge.u32 s29, s6;
	[sflag:s26] =	ssyncset.done @!p2 $0x0  }
0x143: {  	s23 =	simm.s32 @!p1 $0x0;
	s29 =	simm.s32 @!p2 $0x800;
	[sflag:s26] =	ssyncadd.s32 @!p2 $0xFFFFC400  }
0x144: {  	[spmem:s4] =	stream.indirect.scatter.add.f32 @!p2 [tilespmem:s29], [sflag:$0xA], $0x1, s22, s31, $0xb8;
	[tilespmem:$0x1FD78] =	vst v63  }
0x145: {  	s18 =	sadd.s32 @!p1 s14, s8;
	s17 =	sadd.s32 @!p1 s14, s7;
	_ =	swait.ge @!p2 [sflag:s26], $0x78  }
0x146: {  	s17 =	sadd.s32 @!p1 $0x78, s17;
	[sflag:s26] =	ssyncset.done @!p2 $0x0;
	s31 =	rddreg [dreg:$0xa]  }
0x147: {  	s16 =	simm.s32 @!p1 $0x100;
	[sflag:s26] =	ssyncadd.s32 @!p2 $0xFFFFFF88;
	p2 =	sge.u32 s15, s31  }
0x148: {  	[tilespmem:s16], [sflag:$0x6] =	stream.linear.gather @!p1 [hbm4b:s17+s23], $0x78, $0x38;
	[tilespmem:$0x1FD78] =	vst v63  }
0x149: {  	s18 =	sadd.s32 @!p1 $0x78, s18;
	s19 =	simm.s32 @!p1 $0x500;
	s22 =	simm.s32 @!p2 $0x9  }
0x14a: {  	[tilespmem:s19], [sflag:$0x6] =	stream.linear.gather @!p1 [hbm4b:s18+s23], $0x78, $0x38;
	[tilespmem:$0x1FD78] =	vst v63  }
0x14b: {  	_ =	swait.ge @!p2 [sflag:s22], $0x78  }
0x14c: {  	[sflag:s22] =	ssyncset.done @!p2 $0x0  }
0x14d: {  	[sflag:s22] =	ssyncadd.s32 @!p2 $0xFFFFFF88  }
0x14e: {  	_ =	swait.ge @!p2 [sflag:s22], $0x78  }
0x14f: {  	s17 =	simm.s32 @!p2 $0x78;
	s29 =	simm.s32 @!p2 $0x280;
	[sflag:s22] =	ssyncset.done @!p2 $0x0  }
0x150: {  	s23 =	simm.s32 @!p5 $0x1;
	s18 =	simm.s32 @!p2 $0x1C178;
	[sflag:s22] =	ssyncadd.s32 @!p2 $0xFFFFFF88  }
0x151: {  	[tilespmem:s18], [sflag:$0x3] =	stream.indirect.gather @!p2 [hbm4b:s1+s17], $0x80, s29, s17, $0xb8;
	[tilespmem:$0x1FD78] =	vst v63  }
0x152: {  	_ =	swait.ge @!p5 [sflag:s23], $0x3C00  }
0x153: {  	[sflag:s23] =	ssyncset.done @!p5 $0x0  }
0x154: {  	s31 =	simm.s32 @!p5 $0xA;
	s22 =	simm.s32 @!p5 $0x580;
	[sflag:s23] =	ssyncadd.s32 @!p5 $0xFFFFC400  }
0x155: {  	[spmem:s3] =	stream.indirect.scatter.add.f32 @!p5 [tilespmem:s21], [sflag:$0xA], $0x80, s22, s20, $0xb8;
	[tilespmem:$0x1FD78] =	vst v63  }
0x156: {  	_ =	swait.ge @!p5 [sflag:s31], $0x3C00  }
0x157: {  	s26 =	sadd.s32 $0x9, s15;
	[sflag:s31] =	ssyncset.done @!p5 $0x0  }
0x158: {  	p0 =	sge.u32 s26, s6;
	s29 =	simm.s32 @!p5 $0x800;
	[sflag:s31] =	ssyncadd.s32 @!p5 $0xFFFFC400  }
0x159: {  	[spmem:s4] =	stream.indirect.scatter.add.f32 @!p5 [tilespmem:s29], [sflag:$0xA], $0x1, s22, s20, $0xb8;
	[tilespmem:$0x1FD78] =	vst v63  }
0x15a: {  	s26 =	sadd.s32 @!p0 s14, s8;
	s23 =	sadd.s32 @!p0 s14, s7;
	_ =	swait.ge @!p5 [sflag:s31], $0x78  }
0x15b: {  	s21 =	sadd.s32 @!p0 $0x87, s23;
	s23 =	sadd.s32 @!p0 $0x87, s26;
	[sflag:s31] =	ssyncset.done @!p5 $0x0  }
0x15c: {  	s26 =	simm.s32 @!p0 $0x0;
	s29 =	simm.s32 @!p0 $0x180;
	[sflag:s31] =	ssyncadd.s32 @!p5 $0xFFFFFF88  }
0x15d: {  	[tilespmem:s29], [sflag:$0x7] =	stream.linear.gather @!p0 [hbm4b:s21+s26], $0x78, $0x38;
	[tilespmem:$0x1FD78] =	vst v63  }
0x15e: {  	s20 =	simm.s32 @!p0 $0x580;
	s22 =	simm.s32 @!p3 $0x4  }
0x15f: {  	[tilespmem:s20], [sflag:$0x7] =	stream.linear.gather @!p0 [hbm4b:s23+s26], $0x78, $0x38;
	[tilespmem:$0x1FD78] =	vst v63  }
0x160: {  	_ =	swait.ge @!p3 [sflag:s22], $0x78  }
0x161: {  	[sflag:s22] =	ssyncset.done @!p3 $0x0  }
0x162: {  	[sflag:s22] =	ssyncadd.s32 @!p3 $0xFFFFFF88  }
0x163: {  	_ =	swait.ge @!p3 [sflag:s22], $0x78  }
0x164: {  	s21 =	simm.s32 @!p3 $0x78;
	[sflag:s22] =	ssyncset.done @!p3 $0x0  }
0x165: {  	s20 =	simm.s32 @!p3 $0x14978;
	[sflag:s22] =	ssyncadd.s32 @!p3 $0xFFFFFF88;
	s22 =	simm.s32 @!p6 $0x2  }
0x166: {  	[tilespmem:s20], [sflag:$0x1] =	stream.indirect.gather @!p3 [hbm4b:s1+s21], $0x80, s28, s21, $0xb8;
	[tilespmem:$0x1FD78] =	vst v63  }
0x167: {  	_ =	swait.ge @!p6 [sflag:s22], $0x3C00  }
0x168: {  	[sflag:s22] =	ssyncset.done @!p6 $0x0  }
0x169: {  	s20 =	simm.s32 @!p6 $0x600;
	s21 =	simm.s32 @!p6 $0xA;
	[sflag:s22] =	ssyncadd.s32 @!p6 $0xFFFFC400  }
0x16a: {  	[spmem:s3] =	stream.indirect.scatter.add.f32 @!p6 [tilespmem:s25], [sflag:$0xA], $0x80, s20, s24, $0xb8;
	[tilespmem:$0x1FD78] =	vst v63  }
0x16b: {  	_ =	swait.ge @!p6 [sflag:s21], $0x3C00  }
0x16c: {  	s29 =	sadd.s32 $0xA, s15;
	[sflag:s21] =	ssyncset.done @!p6 $0x0  }
0x16d: {  	p0 =	sge.u32 s29, s6;
	s23 =	simm.s32 @!p6 $0x800;
	[sflag:s21] =	ssyncadd.s32 @!p6 $0xFFFFC400  }
0x16e: {  	[spmem:s4] =	stream.indirect.scatter.add.f32 @!p6 [tilespmem:s23], [sflag:$0xA], $0x1, s20, s24, $0xb8;
	[tilespmem:$0x1FD78] =	vst v63  }
0x16f: {  	s25 =	sadd.s32 @!p0 s14, s7;
	_ =	swait.ge @!p6 [sflag:s21], $0x78  }
0x170: {  	s26 =	simm.s32 @!p0 $0x200;
	s25 =	sadd.s32 @!p0 $0x96, s25;
	[sflag:s21] =	ssyncset.done @!p6 $0x0  }
0x171: {  	s20 =	simm.s32 @!p0 $0x0;
	s23 =	sadd.s32 @!p0 s14, s8;
	[sflag:s21] =	ssyncadd.s32 @!p6 $0xFFFFFF88  }
0x172: {  	[tilespmem:s26], [sflag:$0x8] =	stream.linear.gather @!p0 [hbm4b:s25+s20], $0x78, $0x38;
	[tilespmem:$0x1FD78] =	vst v63  }
0x173: {  	s22 =	simm.s32 @!p4 $0x5;
	s23 =	sadd.s32 @!p0 $0x96, s23;
	s21 =	simm.s32 @!p0 $0x600  }
0x174: {  	[tilespmem:s21], [sflag:$0x8] =	stream.linear.gather @!p0 [hbm4b:s23+s20], $0x78, $0x38;
	[tilespmem:$0x1FD78] =	vst v63  }
0x175: {  	_ =	swait.ge @!p4 [sflag:s22], $0x78  }
0x176: {  	[sflag:s22] =	ssyncset.done @!p4 $0x0  }
0x177: {  	[sflag:s22] =	ssyncadd.s32 @!p4 $0xFFFFFF88  }
0x178: {  	_ =	swait.ge @!p4 [sflag:s22], $0x78  }
0x179: {  	s23 =	simm.s32 @!p2 $0x3;
	[sflag:s22] =	ssyncset.done @!p4 $0x0  }
0x17a: {  	s20 =	simm.s32 @!p4 $0x18578;
	[sflag:s22] =	ssyncadd.s32 @!p4 $0xFFFFFF88;
	s22 =	simm.s32 @!p4 $0x78  }
0x17b: {  	[tilespmem:s20], [sflag:$0x2] =	stream.indirect.gather @!p4 [hbm4b:s1+s22], $0x80, s30, s22, $0xb8;
	[tilespmem:$0x1FD78] =	vst v63  }
0x17c: {  	_ =	swait.ge @!p2 [sflag:s23], $0x3C00  }
0x17d: {  	s31 =	sld [smem:$0x7FD];
	_ =	sdelay $0x2  }
0x17e: {  	p0 =	seq.s32 s31, $0x1  }
.Ltmp0:
0x17f: {  	_ = 	snop;
	(pc) =	sbr.rel @p0 .LBB2_2-.Ltmp0, $3  }
0x180: {  	_ =	sdelay $0x1  }
0x181: {  	s19 =	simm.s32 @!p2 $0x800;
	s24 =	sadd.s32 $0xB, s15;
	[sflag:s23] =	ssyncset.done @!p2 $0x0  }
0x182: {  	s21 =	simm.s32 @!p2 $0x680;
	s20 =	simm.s32 @!p2 $0xA;
	[sflag:s23] =	ssyncadd.s32 @!p2 $0xFFFFC400  }
0x183: {  	[spmem:s3] =	stream.indirect.scatter.add.f32 @!p2 [tilespmem:s18], [sflag:$0xA], $0x80, s21, s17, $0xb8;
	[tilespmem:$0x1FD78] =	vst v63  }
0x184: {  	_ =	swait.ge @!p2 [sflag:s20], $0x3C00  }
0x185: {  	[sflag:s20] =	ssyncset.done @!p2 $0x0  }
0x186: {  	p0 =	sge.u32 s24, s6;
	[sflag:s20] =	ssyncadd.s32 @!p2 $0xFFFFC400  }
0x187: {  	[spmem:s4] =	stream.indirect.scatter.add.f32 @!p2 [tilespmem:s19], [sflag:$0xA], $0x1, s21, s17, $0xb8;
	[tilespmem:$0x1FD78] =	vst v63  }
0x188: {  	s12 =	sadd.s32 @!p0 s14, s7;
	_ =	swait.ge @!p2 [sflag:s20], $0x78  }
0x189: {  	s13 =	sadd.s32 @!p0 s14, s8;
	s14 =	simm.s32 @!p0 $0x0;
	[sflag:s20] =	ssyncset.done @!p2 $0x0  }
0x18a: {  	s15 =	simm.s32 @!p0 $0x280;
	s12 =	sadd.s32 @!p0 $0xA5, s12;
	[sflag:s20] =	ssyncadd.s32 @!p2 $0xFFFFFF88  }
0x18b: {  	[tilespmem:s15], [sflag:$0x9] =	stream.linear.gather @!p0 [hbm4b:s12+s14], $0x78, $0x38;
	[tilespmem:$0x1FD78] =	vst v63  }
0x18c: {  	s13 =	sadd.s32 @!p0 $0xA5, s13;
	s12 =	simm.s32 @!p1 $0x6;
	s15 =	simm.s32 @!p0 $0x680  }
0x18d: {  	[tilespmem:s15], [sflag:$0x9] =	stream.linear.gather @!p0 [hbm4b:s13+s14], $0x78, $0x38;
	[tilespmem:$0x1FD78] =	vst v63  }
0x18e: {  	_ =	swait.ge @!p1 [sflag:s12], $0x78  }
0x18f: {  	[sflag:s12] =	ssyncset.done @!p1 $0x0  }
0x190: {  	[sflag:s12] =	ssyncadd.s32 @!p1 $0xFFFFFF88  }
0x191: {  	_ =	swait.ge @!p1 [sflag:s12], $0x78  }
0x192: {  	[sflag:s12] =	ssyncset.done @!p1 $0x0  }
0x193: {  	s13 =	simm.s32 @!p1 $0x78;
	s14 =	simm.s32 @!p1 $0x1C178;
	[sflag:s12] =	ssyncadd.s32 @!p1 $0xFFFFFF88  }
0x194: {  	[tilespmem:s14], [sflag:$0x3] =	stream.indirect.gather @!p1 [hbm4b:s1+s13], $0x80, s16, s13, $0xb8;
	[tilespmem:$0x1FD78] =	vst v63  }
0x195: {  	[bflag:$0x0] =	sbarrier.arrive $0xFFFF  }
0x196: {  	s13 =	rddreg [dreg:$0x18]  }
0x197: {  	s29 =	rddreg [dreg:$0x1a]  }
0x198: {  	[hbm:s29], [sflag:s13] =	dma.local [spmem:s11], $0x2780  }
0x199: {  	_ =	swait.ge [sflag:s2], $0x2780  }
0x19a: {  	[sflag:s2] =	ssyncset.done $0x0  }
0x19b: {  	s17 =	simm.s32 $0x880;
	s15 =	rddreg [dreg:$0x19];
	[sflag:s2] =	ssyncadd.s32 $0xFFFFD880  }
0x19c: {  	[tilespmem:s17], [sflag:$0xA] =	stream.linear.gather [spmem:s15], $0x278, $0x38;
	[tilespmem:$0x1FD78] =	vst v63  }
0x19d: {  	_ =	swait.ge [sflag:s2], $0x278  }
0x19e: {  	[sflag:s2] =	ssyncset.done $0x0  }
0x19f: {  	s30 =	rddreg [dreg:$0x15];
	[sflag:s2] =	ssyncadd.s32 $0xFFFFFD88  }
0x1a0: {  	[hbm4b:s30+s5] =	stream.linear.scatter [tilespmem:s17], [sflag:$0xA], $0x278, $0x38;
	[tilespmem:$0x1FD78] =	vst v63  }
0x1a1: {  	_ =	swait.ge [sflag:s2], $0x278  }
0x1a2: {  	s10 =	sadd.s32 $0x1, s10;
	s31 =	rddreg [dreg:$0x1b]  }
0x1a3: {  	p0 =	sne.s32 s10, s31  }
.Ltmp1:
0x1a4: {  	_ = 	snop;
	(pc) =	sbr.rel @p0 .LBB2_1-.Ltmp1, $3  }
0x1a5: {  	_ =	sdelay $0x1  }
0x1a6: {  	[sflag:s2] =	ssyncset.done $0x0  }
0x1a7: {  	[sflag:s2] =	ssyncadd.s32 $0xFFFFFD88  }
0x1a8: {  	_ =	sfence.sel $0x180000  }
0x1a9: {  	[bflag:$0x0] =	sbarrier.arrive $0xFFFF  }
0x1aa: {  	_ =	strace $0x90000047  }
0x1ab: {  	s0 =	stileid.u32;
	[bflag:$0x2] =	sbarrier.arrive $0xFFFF  }
0x1ac: {  	p0 =	sne.s32 s0, $0x0;
	s0 =	rddreg [dreg:$0x5]  }
0x1ad: {  	s0 =	sadd.s32 @!p0 $0x100000, s0  }
0x1ae: {  	[sflag:s0] =	ssyncadd.tile.s32 @!p0 $0x1;
	_ =	shalt  }
.Lfunc_end2:
_tile_overlayer_lowered:
.L_overlay_start_2:
0x1af: {  	(tag) =	ssettag $0x2  }
0x1b0: {  	s0 =	rddreg [dreg:$0x0];
	s2 =	stileid.u32  }
0x1b1: {  	s1 =	rddreg [dreg:$0x1];
	p0 =	sne.s32 s2, $0x0  }
0x1b2: {  	s3 =	rddreg [dreg:$0x2];
	[bflag:$0x3] =	sbarrier.arrive $0xFFFF;
	s2 =	simm.s32 @!p0 $0x1C0A  }
0x1b3: {  	[timem:s3], [sflag:s2] =	dma.local @!p0 [hbm:s0], s1  }
0x1b4: {  	s0 =	simm.s32 @!p0 $0xA  }
0x1b5: {  	_ =	swait.ge @!p0 [sflag:s0], s1  }
0x1b6: {  	s1 =	ssub.s32 @!p0 $0x0, s1;
	[sflag:s0] =	ssyncset.done @!p0 $0x0  }
0x1b7: {  	[sflag:s0] =	ssyncadd.s32 @!p0 s1  }
0x1b8: {  	[bflag:$0x3] =	sbarrier.arrive $0xFFFF  }
0x1b9: {  	_ =	shalt  }

// kernel: kernel.9.cloned.1.call-start
scs
__scs_entry_jumppad:
0x0: {  	(pc) =	sbr.rel $0x88, $3  }
0x1: {  	(tag) =	ssettag $0x0;
	lr =	simm.s32 $0x1  }
0x2: {  	[smem:$0x3F97] =	sst lr;
	_ =	strace $0xD0000000  }
0x3: {  	_ = 	snop  }
0x4: {  	_ = 	snop  }
0x5: {  	_ = 	snop  }
0x6: {  	_ = 	snop  }
0x7: {  	_ = 	snop  }
__scs_overlays_trampoline_lowered:
0x8: {  	[smem:$0x3FA6] =	sst s0  }
0x9: {  	[smem:$0x3FA7] =	sst s1  }
0xa: {  	[smem:$0x3FA8] =	sst s2  }
0xb: {  	[smem:$0x3FA9] =	sst s3  }
0xc: {  	[smem:$0x3FAA] =	sst s4  }
0xd: {  	[smem:$0x3FAB] =	sst s5  }
0xe: {  	[smem:$0x3FAC] =	sst s6  }
0xf: {  	[smem:$0x3FAD] =	sst s7  }
0x10: {  	[smem:$0x3FAE] =	sst s8  }
0x11: {  	[smem:$0x3FAF] =	sst s9;
	s0 =	simm.s32 @!p0 $0x0  }
0x12: {  	s1 =	sld [smem:$0x3F95];
	s0 =	simm.s32 @p0 $0x1  }
0x13: {  	[smem:$0x3FB0] =	sst s0;
	s0 =	simm.s32 @!p1 $0x0  }
0x14: {  	s2 =	sld [smem:$0x3F94];
	s0 =	simm.s32 @p1 $0x1  }
0x15: {  	[smem:$0x3FB1] =	sst s0;
	s0 =	simm.s32 @!p2 $0x0  }
0x16: {  	s3 =	sld [smem:$0x3FDB];
	s0 =	simm.s32 @p2 $0x1  }
0x17: {  	s4 =	simm.s32 $0x1BF5;
	[smem:$0x3FB3] =	sst s0  }
0x18: {  	s0 =	sld [smem:$0x3F96];
	_ =	swait.ge [sflag:s4], $0x0  }
0x19: {  	s7 =	sld [smem:$0x3F97]  }
0x1a: {  	s8 =	sadd.s32 $0xFFFFE003, lr  }
0x1b: {  	s9 =	sadd.s32 $0xFFFFFEF7, lr;
	s5 =	simm.s32 $0xFFFFFFFF;
	p2 =	slt.u32 s8, $0xFFFFF086  }
0x1c: {  	p1 =	slt.u32 s9, $0xF7A;
	s5 =	simm.s32 @!p2 $0x0  }
0x1d: {  	s5 =	simm.s32 @p1 $0x1;
	p0 =	seq.s32 s7, s2  }
0x1e: {  	s7 =	smul.u32 @!p0 $0xF7A, s2;
	p2 =	seq.s32 @!p0 s5, $0x0  }
0x1f: {  	s9 =	smul.u32 $0xF7A, s1;
	s8 =	simm.s32 @!p0 $0x1BF5;
	p2 =	por !p2, p0  }
0x20: {  	[sflag:s8] =	ssyncset.s32 @!p0 $0xFFFFF086;
	s6 =	sadd.s32 @!p0 s3, s7;
	s7 =	simm.s32 @!p0 $0x108  }
0x21: {  	s3 =	sadd.s32 s3, s9;
	s6 =	sadd.s32 @!p0 $0x88, s6;
	s7 =	simm.s32 @p2 $0x1082  }
0x22: {  	[simem:s7], [sflag:s8] =	dma.local @!p0 [hbm:s6], $0xF7A  }
0x23: {  	s9 =	sor.u32 $0xD0000000, s2;
	s6 =	simm.s32 $0x108;
	_ =	swait.ge @!p0 [sflag:s8], $0x0  }
0x24: {  	s3 =	sadd.s32 $0x88, s3;
	s6 =	simm.s32 @!p1 $0x1082;
	[sflag:s4] =	ssyncset.s32 $0xFFFFF086  }
0x25: {  	[simem:s6], [sflag:s4] =	dma.local [hbm:s3], $0xF7A  }
0x26: {  	[smem:$0x3F97] =	sst s1;
	(tag) =	ssettag s2;
	_ =	strace s9  }
0x27: {  	s1 =	sld [smem:$0x3FA7]  }
0x28: {  	s2 =	sld [smem:$0x3FA8]  }
0x29: {  	s4 =	sld [smem:$0x3FAA]  }
0x2a: {  	p0 =	seq.s32 s5, $0x0;
	s5 =	sld [smem:$0x3FAB]  }
0x2b: {  	s6 =	sld [smem:$0x3FAC]  }
0x2c: {  	s7 =	sld [smem:$0x3FAD]  }
0x2d: {  	s3 =	simm.s32 $0x108;
	s8 =	sld [smem:$0x3FAE]  }
0x2e: {  	s3 =	simm.s32 @!p0 $0x1082;
	s9 =	sld [smem:$0x3FAF]  }
0x2f: {  	lr =	sadd.s32 s0, s3;
	s0 =	sld [smem:$0x3FA6]  }
0x30: {  	s3 =	sld [smem:$0x3FA9]  }
0x31: {  	[smem:$0x3FB2] =	sst s10  }
0x32: {  	s10 =	sld [smem:$0x3FB0];
	_ =	sdelay $0x3  }
0x33: {  	p0 =	seq.s32 s10, $0x1;
	s10 =	sld [smem:$0x3FB2];
	_ =	sdelay $0x3  }
0x34: {  	[smem:$0x3FB2] =	sst s10  }
0x35: {  	s10 =	sld [smem:$0x3FB1];
	_ =	sdelay $0x3  }
0x36: {  	p1 =	seq.s32 s10, $0x1;
	s10 =	sld [smem:$0x3FB2];
	_ =	sdelay $0x3  }
0x37: {  	[smem:$0x3FB2] =	sst s10  }
0x38: {  	s10 =	sld [smem:$0x3FB3]  }
0x39: {  	_ = 	snop;
	(pc) =	sbr.ind lr, $3  }
0x3a: {  	_ = 	snop  }
0x3b: {  	_ = 	snop  }
0x3c: {  	p2 =	seq.s32 s10, $0x1;
	s10 =	sld [smem:$0x3FB2]  }
0x3d: {  	_ =	shalt  }
0x3e: {  	_ =	shalt  }
0x3f: {  	_ =	shalt  }
0x40: {  	_ =	shalt  }
0x41: {  	_ =	shalt  }
0x42: {  	_ =	shalt  }
0x43: {  	_ =	shalt  }
0x44: {  	_ =	shalt  }
0x45: {  	_ =	shalt  }
0x46: {  	_ =	shalt  }
0x47: {  	_ =	shalt  }
0x48: {  	_ =	shalt  }
0x49: {  	_ =	shalt  }
0x4a: {  	_ =	shalt  }
0x4b: {  	_ =	shalt  }
0x4c: {  	_ =	shalt  }
0x4d: {  	_ =	shalt  }
0x4e: {  	_ =	shalt  }
0x4f: {  	_ =	shalt  }
0x50: {  	_ =	shalt  }
0x51: {  	_ =	shalt  }
0x52: {  	_ =	shalt  }
0x53: {  	_ =	shalt  }
0x54: {  	_ =	shalt  }
0x55: {  	_ =	shalt  }
0x56: {  	_ =	shalt  }
0x57: {  	_ =	shalt  }
0x58: {  	_ =	shalt  }
0x59: {  	_ =	shalt  }
0x5a: {  	_ =	shalt  }
0x5b: {  	_ =	shalt  }
0x5c: {  	_ =	shalt  }
0x5d: {  	_ =	shalt  }
0x5e: {  	_ =	shalt  }
0x5f: {  	_ =	shalt  }
0x60: {  	_ =	shalt  }
0x61: {  	_ =	shalt  }
0x62: {  	_ =	shalt  }
0x63: {  	_ =	shalt  }
0x64: {  	_ =	shalt  }
0x65: {  	_ =	shalt  }
0x66: {  	_ =	shalt  }
0x67: {  	_ =	shalt  }
0x68: {  	_ =	shalt  }
0x69: {  	_ =	shalt  }
0x6a: {  	_ =	shalt  }
0x6b: {  	_ =	shalt  }
0x6c: {  	_ =	shalt  }
0x6d: {  	_ =	shalt  }
0x6e: {  	_ =	shalt  }
0x6f: {  	_ =	shalt  }
0x70: {  	_ =	shalt  }
0x71: {  	_ =	shalt  }
0x72: {  	_ =	shalt  }
0x73: {  	_ =	shalt  }
0x74: {  	_ =	shalt  }
0x75: {  	_ =	shalt  }
0x76: {  	_ =	shalt  }
0x77: {  	_ =	shalt  }
0x78: {  	_ =	shalt  }
0x79: {  	_ =	shalt  }
0x7a: {  	_ =	shalt  }
0x7b: {  	_ =	shalt  }
0x7c: {  	_ =	shalt  }
0x7d: {  	_ =	shalt  }
0x7e: {  	_ =	shalt  }
0x7f: {  	_ =	shalt  }
0x80: {  	_ =	shalt  }
0x81: {  	_ =	shalt  }
0x82: {  	_ =	shalt  }
0x83: {  	_ =	shalt  }
0x84: {  	_ =	shalt  }
0x85: {  	_ =	shalt  }
0x86: {  	_ =	shalt  }
0x87: {  	_ =	shalt  }
.Lfunc_end0:
.L_simem_size_0:
called_computation.1_lowered:
.L_overlay_start_0:
0x88: {  	s2 =	sld [smem:$0x3FD9]  }
0x89: {  	s3 =	sld [smem:$0x3FFE];
	_ =	sdelay $0x1  }
0x8a: {  	s1 =	srdreg.scid  }
0x8b: {  	s0 =	sand.u32 $0x1, s1  }
0x8c: {  	s17 =	sshll.u32 s0, $0xA;
	s2 =	sadd.s32 s3, s2  }
0x8d: {  	s2 =	sadd.s32 s2, s17  }
0x8e: {  	[smem:$0x3FBE] =	sst s2  }
0x8f: {  	_ = 	snop  }
0x90: {  	s2 =	sld [smem:$0x3FD0];
	(tm) =	ssettm $0x1  }
0x91: {  	s18 =	sld [smem:$0x3FFB];
	_ =	sdelay $0x3  }
0x92: {  	_ =	strace s18  }
0x93: {  	s3 =	sld [smem:$0x3FFC];
	_ =	sdelay $0x3  }
0x94: {  	_ =	strace s3  }
0x95: {  	s3 =	sld [smem:$0x3FFD];
	_ =	sdelay $0x3  }
0x96: {  	_ =	strace s3  }
0x97: {  	_ =	strace $0x8FFFFFFF  }
0x98: {  	s19 =	sld [smem:$0x3FDB];
	_ =	sdelay $0x1  }
0x99: {  	s4 =	simm.s32 $_scs_section_size  }
0x9a: {  	s5 =	simm.s32 $_size__tile_overlayer_lowered;
	s6 =	simm.s32 $_tile_overlayer_lowered  }
0x9b: {  	s22 =	simm.s32 $0x1BFF;
	s21 =	sshll.u32 s6, $0x1;
	s3 =	sadd.s32 s4, s19  }
0x9c: {  	s7 =	simm.s32 $0x0;
	s20 =	sshll.u32 s5, $0x1;
	s5 =	sadd.s32 s21, s3  }
0x9d: {  	[timem:s7], [sflag:s22] =	dma.local [hbm:s5], s20  }
0x9e: {  	_ =	swait.ge [sflag:s22], s20  }
0x9f: {  	s4 =	ssub.s32 $0x0, s20;
	[sflag:s22] =	ssyncset.done $0x0  }
0xa0: {  	[sflag:s22] =	ssyncadd.s32 s4;
	_ =	sdelay $0x1  }
0xa1: {  	s23 =	simm.s32 $0x1B8B  }
0xa2: {  	_ =	swait.ge [sflag:s23], $0x1  }
0xa3: {  	[sflag:s23] =	ssyncset.done $0x0  }
0xa4: {  	s25 =	simm.s32 $0x1B8E;
	s24 =	sld [smem:$0x3FFE];
	[sflag:s23] =	ssyncadd.s32 $0xFFFFFFFF  }
0xa5: {  	s26 =	simm.s32 $execute0_lowered;
	[smem:$0x3FD2] =	sst s25  }
0xa6: {  	s5 =	sshll.u32 s26, $0x1;
	_ =	strace $0x80000049;
	[dreg:$0x1] =	wrdreg $0xFFFFFFFF  }
0xa7: {  	s28 =	simm.s32 $_size_execute0_lowered;
	s3 =	sadd.s32 s3, s5;
	[dreg:$0x0] =	wrdreg $0x0  }
0xa8: {  	s5 =	sshll.u32 s28, $0x1;
	[dreg:$0x2] =	wrdreg s3  }
0xa9: {  	[dreg:$0x3] =	wrdreg s5  }
0xaa: {  	[dreg:$0x4] =	wrdreg $0xC0  }
0xab: {  	_ =	task [dreg:s7], $0x5FFFF  }
0xac: {  	[dreg:$0x1] =	wrdreg $0xFFFFFFFF  }
0xad: {  	[dreg:$0x0] =	wrdreg $0x60  }
0xae: {  	[dreg:$0x2] =	wrdreg s2  }
0xaf: {  	[dreg:$0x3] =	wrdreg s24  }
0xb0: {  	[dreg:$0x4] =	wrdreg $0x8000  }
0xb1: {  	[dreg:$0x5] =	wrdreg $0x9  }
0xb2: {  	_ =	task.clear_ibuf [dreg:s7], $0x6FFFF;
	_ =	strace $0x90000049  }
0xb3: {  	s29 =	simm.s32 $0x9;
	_ =	strace $0x8000004B  }
0xb4: {  	_ =	swait.ge [sflag:s29], $0x1  }
0xb5: {  	[sflag:s29] =	ssyncadd.s32 $0xFFFFFFFF  }
0xb6: {  	_ =	strace $0x9000004B  }
0xb7: {  	_ =	sfence  }
0xb8: {  	s30 =	sld [smem:$0x0];
	_ =	sdelay $0x2  }
0xb9: {  	s31 =	sshll.u32 s1, $0xD;
	s1 =	sshrl.u32 s1, $0x2  }
0xba: {  	s3 =	sand.u32 $0x4000, s31;
	s1 =	sadd.s32 s1, s30  }
0xbb: {  	s0 =	sor.u32 s3, s0;
	s1 =	sshll.u32 s1, $0x11  }
0xbc: {  	s0 =	sor.u32 s1, s0  }
0xbd: {  	s0 =	sadd.s32 $0x8F2B, s0  }
0xbe: {  	[sflag:s0] =	ssyncadd.remote.s32 $0x1  }
0xbf: {  	_ =	sfence.sel $0xFFFF  }
0xc0: {  	[dreg:$0x0] =	wrdreg $0xFFFFFFFF;
	(pc) =	sbr.abs _section_cstart, $3  }
0xc1: {  	[dreg:$0x1] =	wrdreg $0xFFFFFFFF  }
0xc2: {  	_ =	task.clear_ibuf [dreg:s7], $0x2FFFF;
	_ =	strace $0x9FFFFFFF  }
0xc3: {  	(tm) =	ssettm $0x7FFFFFFF  }
tec
execute0_lowered:
.L_overlay_start_1:
0x0: {  	(tag) =	ssettag $0x1  }
0x1: {  	s1 =	rddreg [dreg:$0x0]  }
0x2: {  	s0 =	rddreg [dreg:$0x1]  }
0x3: {  	s2 =	rddreg [dreg:$0x2];
	s14 =	stileid.u32  }
0x4: {  	s3 =	srdreg.scid;
	s4 =	simm.s32 $0x0;
	s6 =	smul.u32 $0x13C00, s14  }
0x5: {  	s3 =	sand.u32 $0x1, s3;
	[smem:$0x7FF] =	sst s4;
	s7 =	smul.u32 $0x1E, s14  }
0x6: {  	s9 =	sadd.s32 $0xC200, s0;
	s10 =	sadd.s32 $0x2400, s0;
	s8 =	smul.u32 $0x8A, s14  }
0x7: {  	s29 =	sadd.s32 $0x16000, s0;
	s5 =	smul.u32 $0x13C000, s3;
	_ =	strace $0x8000004A  }
0x8: {  	p0 =	seq.s32 s3, $0x0;
	[dreg:$0x9] =	wrdreg s29;
	s3 =	ssub.s32 $0x2, s3  }
0x9: {  	s7 =	sadd.s32 $0x8A0, s7;
	s15 =	sshrl.u32 s3, $0x1;
	s5 =	sadd.s32 s6, s5  }
0xa: {  	s7 =	smov.u32 @p0 s8;
	s6 =	simm.s32 $0x8A;
	s3 =	ssub.s32 s3, s15  }
0xb: {  	s5 =	sshrl.u32 s5, $0x3;
	s31 =	smul.u32 $0x78, s7;
	s6 =	simm.s32 @!p0 $0x1E  }
0xc: {  	s11 =	smul.u32 $0xF, s7;
	s0 =	sadd.s32 s5, s0;
	s23 =	sadd.s32 $0xFFFFFFFD, s6  }
0xd: {  	s24 =	sadd.s32 $0xFFFFFFFF, s6;
	s25 =	sadd.s32 $0xFFFFFFFC, s6;
	[dreg:$0x4] =	wrdreg s23  }
0xe: {  	s26 =	sadd.s32 $0xFFFFFFFE, s6;
	s29 =	sadd.s32 $0xFFFFFFFB, s6;
	[dreg:$0x5] =	wrdreg s24  }
0xf: {  	s12 =	sadd.s32 $0x78, s31;
	s7 =	sadd.s32 s9, s11;
	[dreg:$0x6] =	wrdreg s25  }
0x10: {  	s17 =	sshrl.u32 s31, $0x3;
	s13 =	sadd.s32 $0x168, s31;
	[dreg:$0x7] =	wrdreg s26  }
0x11: {  	s5 =	sadd.s32 $0x258, s31;
	[dreg:$0x8] =	wrdreg s29;
	s0 =	sadd.s32 $0x18800, s0  }
0x12: {  	s31 =	smax.u32 s3, $0x1;
	s16 =	sshrl.u32 s12, $0x3;
	[dreg:$0x16] =	wrdreg s0  }
0x13: {  	s8 =	sadd.s32 s10, s11;
	[dreg:$0x17] =	wrdreg s31;
	s12 =	sadd.s32 s9, s16  }
0x14: {  	s18 =	sadd.s32 $0x1E, s17;
	s11 =	sadd.s32 s10, s16;
	[dreg:$0xa] =	wrdreg s12  }
0x15: {  	s13 =	sshrl.u32 s13, $0x3;
	s15 =	sadd.s32 s9, s18;
	[dreg:$0xb] =	wrdreg s11  }
0x16: {  	s19 =	sadd.s32 s9, s13;
	[dreg:$0xc] =	wrdreg s15  }
0x17: {  	s20 =	sadd.s32 s10, s13;
	[dreg:$0xe] =	wrdreg s19  }
0x18: {  	s21 =	sadd.s32 $0x3C, s17;
	s11 =	sadd.s32 s10, s18;
	[dreg:$0xf] =	wrdreg s20  }
0x19: {  	s5 =	sshrl.u32 s5, $0x3;
	s12 =	sadd.s32 s9, s21;
	[dreg:$0xd] =	wrdreg s11  }
0x1a: {  	s22 =	smul.u32 $0x4F000, s14;
	s9 =	sadd.s32 s9, s5;
	[dreg:$0x10] =	wrdreg s12  }
0x1b: {  	s5 =	sadd.s32 s10, s5;
	[dreg:$0x12] =	wrdreg s9  }
0x1c: {  	s11 =	sadd.s32 s10, s21;
	[dreg:$0x13] =	wrdreg s5;
	s9 =	sshrl.u32 s22, $0x2  }
0x1d: {  	s28 =	sshll.u32 s14, $0x6;
	[dreg:$0x11] =	wrdreg s11;
	s9 =	sadd.s32 s9, s2  }
0x1e: {  	[dreg:$0x14] =	wrdreg s9;
	s9 =	sor.u32 $0x1C0A, s28  }
0x1f: {  	s30 =	simm.s32 $0x0;
	s11 =	simm.s32 $0xA;
	[dreg:$0x15] =	wrdreg s9  }
.LBB2_1:
0x20: {  	[tilespmem:s4], [sflag:$0x4] =	stream.linear.gather [hbm4b:s7+s4], $0x78, $0x38;
	[tilespmem:$0x1F800] =	vst v63  }
0x21: {  	s18 =	rddreg [dreg:$0xa]  }
0x22: {  	s19 =	rddreg [dreg:$0xb]  }
0x23: {  	s0 =	simm.s32 $0x400;
	s20 =	rddreg [dreg:$0xc]  }
0x24: {  	[tilespmem:s0], [sflag:$0x4] =	stream.linear.gather [hbm4b:s8+s4], $0x78, $0x38;
	[tilespmem:$0x1F800] =	vst v63  }
0x25: {  	s3 =	simm.s32 $0x80;
	s21 =	rddreg [dreg:$0xd]  }
0x26: {  	[tilespmem:s3], [sflag:$0x5] =	stream.linear.gather [hbm4b:s18+s4], $0x78, $0x38;
	[tilespmem:$0x1F800] =	vst v63  }
0x27: {  	s5 =	simm.s32 $0x480;
	s22 =	rddreg [dreg:$0xe]  }
0x28: {  	[tilespmem:s5], [sflag:$0x5] =	stream.linear.gather [hbm4b:s19+s4], $0x78, $0x38;
	[tilespmem:$0x1F800] =	vst v63  }
0x29: {  	s24 =	rddreg [dreg:$0xf];
	s5 =	simm.s32 $0x100  }
0x2a: {  	[tilespmem:s5], [sflag:$0x6] =	stream.linear.gather [hbm4b:s20+s4], $0x78, $0x38;
	[tilespmem:$0x1F800] =	vst v63  }
0x2b: {  	s10 =	simm.s32 $0x500;
	s26 =	rddreg [dreg:$0x10]  }
0x2c: {  	[tilespmem:s10], [sflag:$0x6] =	stream.linear.gather [hbm4b:s21+s4], $0x78, $0x38;
	[tilespmem:$0x1F800] =	vst v63  }
0x2d: {  	s23 =	simm.s32 $0x180;
	s29 =	rddreg [dreg:$0x11]  }
0x2e: {  	[tilespmem:s23], [sflag:$0x7] =	stream.linear.gather [hbm4b:s22+s4], $0x78, $0x38;
	[tilespmem:$0x1F800] =	vst v63  }
0x2f: {  	s25 =	simm.s32 $0x580;
	s12 =	rddreg [dreg:$0x12]  }
0x30: {  	[tilespmem:s25], [sflag:$0x7] =	stream.linear.gather [hbm4b:s24+s4], $0x78, $0x38;
	[tilespmem:$0x1F800] =	vst v63  }
0x31: {  	s28 =	simm.s32 $0x200;
	s16 =	rddreg [dreg:$0x14]  }
0x32: {  	[tilespmem:s28], [sflag:$0x8] =	stream.linear.gather [hbm4b:s26+s4], $0x78, $0x38;
	[tilespmem:$0x1F800] =	vst v63  }
0x33: {  	s31 =	simm.s32 $0x600;
	s14 =	rddreg [dreg:$0x13];
	s17 =	sshrl.u32 s16, $0x3  }
0x34: {  	[tilespmem:s31], [sflag:$0x8] =	stream.linear.gather [hbm4b:s29+s4], $0x78, $0x38;
	[tilespmem:$0x1F800] =	vst v63  }
0x35: {  	s13 =	simm.s32 $0x280;
	[dreg:$0x18] =	wrdreg s17  }
0x36: {  	[tilespmem:s13], [sflag:$0x9] =	stream.linear.gather [hbm4b:s12+s4], $0x78, $0x38;
	[tilespmem:$0x1F800] =	vst v63  }
0x37: {  	s15 =	simm.s32 $0x680;
	s18 =	rddreg [dreg:$0x9]  }
0x38: {  	[tilespmem:s15], [sflag:$0x9] =	stream.linear.gather [hbm4b:s14+s4], $0x78, $0x38;
	[tilespmem:$0x1F800] =	vst v63  }
0x39: {  	[spmem:s17], [sflag:s9] =	dma.local [hbm:s18], $0x2780  }
0x3a: {  	_ =	swait.ge [sflag:s11], $0x2780  }
0x3b: {  	[sflag:s11] =	ssyncset.done $0x0  }
0x3c: {  	[sflag:s11] =	ssyncadd.s32 $0xFFFFD880  }
0x3d: {  	s19 =	simm.s32 $0x4;
	[bflag:$0x0] =	sbarrier.arrive $0xFFFF  }
0x3e: {  	_ =	swait.ge [sflag:s19], $0x78  }
0x3f: {  	[sflag:s19] =	ssyncset.done $0x0  }
0x40: {  	[sflag:s19] =	ssyncadd.s32 $0xFFFFFF88  }
0x41: {  	_ =	swait.ge [sflag:s19], $0x78  }
0x42: {  	s20 =	simm.s32 $0x78;
	[sflag:s19] =	ssyncset.done $0x0  }
0x43: {  	s21 =	simm.s32 $0x14400;
	s22 =	simm.s32 $0x5;
	[sflag:s19] =	ssyncadd.s32 $0xFFFFFF88  }
0x44: {  	[tilespmem:s21], [sflag:$0x1] =	stream.indirect.gather [hbm4b:s1+s20], $0x80, s4, s20, $0xb8;
	[tilespmem:$0x1F800] =	vst v63  }
0x45: {  	_ =	swait.ge [sflag:s22], $0x78  }
0x46: {  	[sflag:s22] =	ssyncset.done $0x0  }
0x47: {  	[sflag:s22] =	ssyncadd.s32 $0xFFFFFF88  }
0x48: {  	_ =	swait.ge [sflag:s22], $0x78  }
0x49: {  	[sflag:s22] =	ssyncset.done $0x0  }
0x4a: {  	s23 =	simm.s32 $0x18000;
	s24 =	simm.s32 $0x6;
	[sflag:s22] =	ssyncadd.s32 $0xFFFFFF88  }
0x4b: {  	[tilespmem:s23], [sflag:$0x2] =	stream.indirect.gather [hbm4b:s1+s20], $0x80, s3, s20, $0xb8;
	[tilespmem:$0x1F800] =	vst v63  }
0x4c: {  	_ =	swait.ge [sflag:s24], $0x78  }
0x4d: {  	[sflag:s24] =	ssyncset.done $0x0  }
0x4e: {  	[sflag:s24] =	ssyncadd.s32 $0xFFFFFF88  }
0x4f: {  	_ =	swait.ge [sflag:s24], $0x78  }
0x50: {  	[sflag:s24] =	ssyncset.done $0x0  }
0x51: {  	p1 =	sle.u32 s6, $0x0;
	s25 =	simm.s32 $0x1BC00;
	[sflag:s24] =	ssyncadd.s32 $0xFFFFFF88  }
0x52: {  	[tilespmem:s25], [sflag:$0x3] =	stream.indirect.gather [hbm4b:s1+s20], $0x80, s5, s20, $0xb8;
	[tilespmem:$0x1F800] =	vst v63  }
0x53: {  	s5 =	simm.s32 @!p1 $0x1  }
0x54: {  	p0 =	sle.u32 s6, $0x6;
	_ =	swait.ge @!p1 [sflag:s5], $0x3C00  }
0x55: {  	s10 =	simm.s32 @!p1 $0x400;
	s9 =	simm.s32 @!p1 $0x78;
	[sflag:s5] =	ssyncset.done @!p1 $0x0  }
0x56: {  	s11 =	simm.s32 @!p1 $0xA;
	[sflag:s5] =	ssyncadd.s32 @!p1 $0xFFFFC400;
	s5 =	simm.s32 @!p1 $0x14400  }
0x57: {  	[spmem:s2] =	stream.indirect.scatter.add.f32 @!p1 [tilespmem:s5], [sflag:$0xA], $0x80, s10, s9, $0xb8;
	[tilespmem:$0x1F800] =	vst v63  }
0x58: {  	p2 =	por p0, p0;
	s5 =	sadd.s32 @!p0 $0x0, s7;
	_ =	swait.ge @!p1 [sflag:s11], $0x3C00  }
0x59: {  	s9 =	sadd.s32 @!p0 $0x0, s8;
	s12 =	sadd.s32 @!p0 $0x5A, s5;
	[sflag:s11] =	ssyncset.done @!p1 $0x0  }
0x5a: {  	s5 =	simm.s32 @!p2 $0x0;
	s26 =	rddreg [dreg:$0x4];
	[sflag:s11] =	ssyncadd.s32 @!p1 $0xFFFFC400  }
0x5b: {  	[tilespmem:s5], [sflag:$0x4] =	stream.linear.gather @!p2 [hbm4b:s12+s5], $0x78, $0x38;
	[tilespmem:$0x1F800] =	vst v63  }
0x5c: {  	s9 =	sadd.s32 @!p0 $0x5A, s9;
	s11 =	simm.s32 @!p2 $0x400;
	p3 =	sle.u32 s26, $0x0  }
0x5d: {  	[tilespmem:s11], [sflag:$0x4] =	stream.linear.gather @!p2 [hbm4b:s9+s5], $0x78, $0x38;
	[tilespmem:$0x1F800] =	vst v63  }
0x5e: {  	s9 =	simm.s32 @!p3 $0x7  }
0x5f: {  	_ =	swait.ge @!p3 [sflag:s9], $0x78  }
0x60: {  	[sflag:s9] =	ssyncset.done @!p3 $0x0  }
0x61: {  	[sflag:s9] =	ssyncadd.s32 @!p3 $0xFFFFFF88  }
0x62: {  	s10 =	simm.s32 @!p3 $0x14400;
	_ =	swait.ge @!p3 [sflag:s9], $0x78  }
0x63: {  	s12 =	simm.s32 @!p3 $0x78;
	[sflag:s9] =	ssyncset.done @!p3 $0x0;
	s13 =	rddreg [dreg:$0x5]  }
0x64: {  	s11 =	simm.s32 @!p3 $0x180;
	[sflag:s9] =	ssyncadd.s32 @!p3 $0xFFFFFF88;
	p1 =	sle.u32 s13, $0x0  }
0x65: {  	[tilespmem:s10], [sflag:$0x1] =	stream.indirect.gather @!p3 [hbm4b:s1+s12], $0x80, s11, s12, $0xb8;
	[tilespmem:$0x1F800] =	vst v63  }
0x66: {  	s9 =	simm.s32 @!p1 $0x2  }
0x67: {  	_ =	swait.ge @!p1 [sflag:s9], $0x3C00  }
0x68: {  	p0 =	sle.u32 s6, $0x7;
	s13 =	simm.s32 @!p1 $0x480;
	[sflag:s9] =	ssyncset.done @!p1 $0x0  }
0x69: {  	s14 =	simm.s32 @!p1 $0x18000;
	[sflag:s9] =	ssyncadd.s32 @!p1 $0xFFFFC400;
	s9 =	simm.s32 @!p1 $0x78  }
0x6a: {  	[spmem:s2] =	stream.indirect.scatter.add.f32 @!p1 [tilespmem:s14], [sflag:$0xA], $0x80, s13, s9, $0xb8;
	[tilespmem:$0x1F800] =	vst v63  }
0x6b: {  	s11 =	simm.s32 @!p1 $0xA;
	s9 =	sadd.s32 @!p0 $0x0, s7  }
0x6c: {  	s15 =	simm.s32 @!p0 $0x0;
	_ =	swait.ge @!p1 [sflag:s11], $0x3C00;
	s13 =	sadd.s32 @!p0 $0x69, s9  }
0x6d: {  	s9 =	simm.s32 @!p0 $0x80;
	[sflag:s11] =	ssyncset.done @!p1 $0x0;
	s28 =	rddreg [dreg:$0x6]  }
0x6e: {  	[sflag:s11] =	ssyncadd.s32 @!p1 $0xFFFFC400;
	s11 =	sadd.s32 @!p0 $0x0, s8;
	p4 =	sle.u32 s28, $0x0  }
0x6f: {  	[tilespmem:s9], [sflag:$0x5] =	stream.linear.gather @!p0 [hbm4b:s13+s15], $0x78, $0x38;
	[tilespmem:$0x1F800] =	vst v63  }
0x70: {  	s11 =	sadd.s32 @!p0 $0x69, s11;
	s13 =	simm.s32 @!p0 $0x480;
	s14 =	simm.s32 @!p4 $0x8  }
0x71: {  	[tilespmem:s13], [sflag:$0x5] =	stream.linear.gather @!p0 [hbm4b:s11+s15], $0x78, $0x38;
	[tilespmem:$0x1F800] =	vst v63  }
0x72: {  	_ =	swait.ge @!p4 [sflag:s14], $0x78  }
0x73: {  	[sflag:s14] =	ssyncset.done @!p4 $0x0  }
0x74: {  	[sflag:s14] =	ssyncadd.s32 @!p4 $0xFFFFFF88  }
0x75: {  	s13 =	simm.s32 @!p4 $0x18000;
	_ =	swait.ge @!p4 [sflag:s14], $0x78  }
0x76: {  	s15 =	simm.s32 @!p4 $0x200;
	[sflag:s14] =	ssyncset.done @!p4 $0x0;
	s29 =	rddreg [dreg:$0x7]  }
0x77: {  	[sflag:s14] =	ssyncadd.s32 @!p4 $0xFFFFFF88;
	s14 =	simm.s32 @!p4 $0x78;
	p1 =	sle.u32 s29, $0x0  }
0x78: {  	[tilespmem:s13], [sflag:$0x2] =	stream.indirect.gather @!p4 [hbm4b:s1+s14], $0x80, s15, s14, $0xb8;
	[tilespmem:$0x1F800] =	vst v63  }
0x79: {  	p5 =	sle.u32 s6, $0x8;
	s11 =	simm.s32 @!p1 $0x3  }
0x7a: {  	s18 =	sadd.s32 @!p5 $0x0, s8;
	_ =	swait.ge @!p1 [sflag:s11], $0x3C00  }
0x7b: {  	s15 =	simm.s32 @!p1 $0x1BC00;
	s16 =	simm.s32 @!p1 $0xA;
	[sflag:s11] =	ssyncset.done @!p1 $0x0  }
0x7c: {  	s17 =	simm.s32 @!p1 $0x500;
	[sflag:s11] =	ssyncadd.s32 @!p1 $0xFFFFC400;
	s11 =	simm.s32 @!p1 $0x78  }
0x7d: {  	[spmem:s2] =	stream.indirect.scatter.add.f32 @!p1 [tilespmem:s15], [sflag:$0xA], $0x80, s17, s11, $0xb8;
	[tilespmem:$0x1F800] =	vst v63  }
0x7e: {  	s15 =	sadd.s32 @!p5 $0x0, s7;
	s11 =	simm.s32 @!p5 $0x100;
	_ =	swait.ge @!p1 [sflag:s16], $0x3C00  }
0x7f: {  	s15 =	sadd.s32 @!p5 $0x78, s15;
	[sflag:s16] =	ssyncset.done @!p1 $0x0;
	s31 =	rddreg [dreg:$0x8]  }
0x80: {  	[sflag:s16] =	ssyncadd.s32 @!p1 $0xFFFFC400;
	s16 =	simm.s32 @!p5 $0x0;
	p1 =	sle.u32 s31, $0x0  }
0x81: {  	[tilespmem:s11], [sflag:$0x6] =	stream.linear.gather @!p5 [hbm4b:s15+s16], $0x78, $0x38;
	[tilespmem:$0x1F800] =	vst v63  }
0x82: {  	s18 =	sadd.s32 @!p5 $0x78, s18;
	s15 =	simm.s32 @!p5 $0x500;
	s17 =	simm.s32 @!p1 $0x9  }
0x83: {  	[tilespmem:s15], [sflag:$0x6] =	stream.linear.gather @!p5 [hbm4b:s18+s16], $0x78, $0x38;
	[tilespmem:$0x1F800] =	vst v63  }
0x84: {  	_ =	swait.ge @!p1 [sflag:s17], $0x78  }
0x85: {  	[sflag:s17] =	ssyncset.done @!p1 $0x0  }
0x86: {  	[sflag:s17] =	ssyncadd.s32 @!p1 $0xFFFFFF88  }
0x87: {  	_ =	swait.ge @!p1 [sflag:s17], $0x78  }
0x88: {  	s19 =	simm.s32 @!p1 $0x280;
	s18 =	simm.s32 @!p3 $0x1;
	[sflag:s17] =	ssyncset.done @!p1 $0x0  }
0x89: {  	s15 =	simm.s32 @!p1 $0x1BC00;
	s16 =	simm.s32 @!p1 $0x78;
	[sflag:s17] =	ssyncadd.s32 @!p1 $0xFFFFFF88  }
0x8a: {  	[tilespmem:s15], [sflag:$0x3] =	stream.indirect.gather @!p1 [hbm4b:s1+s16], $0x80, s19, s16, $0xb8;
	[tilespmem:$0x1F800] =	vst v63  }
0x8b: {  	_ =	swait.ge @!p3 [sflag:s18], $0x3C00  }
0x8c: {  	p6 =	sle.u32 s6, $0x9;
	[sflag:s18] =	ssyncset.done @!p3 $0x0  }
0x8d: {  	s17 =	simm.s32 @!p3 $0x580;
	s19 =	simm.s32 @!p3 $0xA;
	[sflag:s18] =	ssyncadd.s32 @!p3 $0xFFFFC400  }
0x8e: {  	[spmem:s2] =	stream.indirect.scatter.add.f32 @!p3 [tilespmem:s10], [sflag:$0xA], $0x80, s17, s12, $0xb8;
	[tilespmem:$0x1F800] =	vst v63  }
0x8f: {  	s18 =	sadd.s32 @!p6 $0x0, s8;
	_ =	swait.ge @!p3 [sflag:s19], $0x3C00  }
0x90: {  	s10 =	sadd.s32 @!p6 $0x0, s7;
	s12 =	simm.s32 @!p6 $0x180;
	[sflag:s19] =	ssyncset.done @!p3 $0x0  }
0x91: {  	s17 =	simm.s32 @!p6 $0x0;
	s10 =	sadd.s32 @!p6 $0x87, s10;
	[sflag:s19] =	ssyncadd.s32 @!p3 $0xFFFFC400  }
0x92: {  	[tilespmem:s12], [sflag:$0x7] =	stream.linear.gather @!p6 [hbm4b:s10+s17], $0x78, $0x38;
	[tilespmem:$0x1F800] =	vst v63  }
0x93: {  	s10 =	sadd.s32 @!p6 $0x87, s18;
	s12 =	simm.s32 @!p6 $0x580  }
0x94: {  	[tilespmem:s12], [sflag:$0x7] =	stream.linear.gather @!p6 [hbm4b:s10+s17], $0x78, $0x38;
	[tilespmem:$0x1F800] =	vst v63  }
0x95: {  	s10 =	simm.s32 @!p2 $0x4  }
0x96: {  	_ =	swait.ge @!p2 [sflag:s10], $0x78  }
0x97: {  	[sflag:s10] =	ssyncset.done @!p2 $0x0  }
0x98: {  	[sflag:s10] =	ssyncadd.s32 @!p2 $0xFFFFFF88  }
0x99: {  	_ =	swait.ge @!p2 [sflag:s10], $0x78  }
0x9a: {  	s18 =	simm.s32 @!p2 $0x78;
	[sflag:s10] =	ssyncset.done @!p2 $0x0  }
0x9b: {  	s12 =	simm.s32 @!p2 $0x14400;
	s17 =	simm.s32 @!p4 $0x2;
	[sflag:s10] =	ssyncadd.s32 @!p2 $0xFFFFFF88  }
0x9c: {  	[tilespmem:s12], [sflag:$0x1] =	stream.indirect.gather @!p2 [hbm4b:s1+s18], $0x80, s5, s18, $0xb8;
	[tilespmem:$0x1F800] =	vst v63  }
0x9d: {  	_ =	swait.ge @!p4 [sflag:s17], $0x3C00  }
0x9e: {  	[sflag:s17] =	ssyncset.done @!p4 $0x0  }
0x9f: {  	s10 =	simm.s32 @!p4 $0xA;
	s5 =	simm.s32 @!p4 $0x600;
	[sflag:s17] =	ssyncadd.s32 @!p4 $0xFFFFC400  }
0xa0: {  	[spmem:s2] =	stream.indirect.scatter.add.f32 @!p4 [tilespmem:s13], [sflag:$0xA], $0x80, s5, s14, $0xb8;
	[tilespmem:$0x1F800] =	vst v63  }
0xa1: {  	_ =	swait.ge @!p4 [sflag:s10], $0x3C00  }
0xa2: {  	p2 =	sle.u32 s6, $0xA;
	[sflag:s10] =	ssyncset.done @!p4 $0x0  }
0xa3: {  	s12 =	simm.s32 @!p2 $0x200;
	[sflag:s10] =	ssyncadd.s32 @!p4 $0xFFFFC400;
	s10 =	sadd.s32 @!p2 $0x0, s7  }
0xa4: {  	s5 =	sadd.s32 @!p2 $0x0, s8;
	s13 =	simm.s32 @!p2 $0x0;
	s10 =	sadd.s32 @!p2 $0x96, s10  }
0xa5: {  	[tilespmem:s12], [sflag:$0x8] =	stream.linear.gather @!p2 [hbm4b:s10+s13], $0x78, $0x38;
	[tilespmem:$0x1F800] =	vst v63  }
0xa6: {  	s5 =	sadd.s32 @!p2 $0x96, s5;
	s10 =	simm.s32 @!p2 $0x600  }
0xa7: {  	[tilespmem:s10], [sflag:$0x8] =	stream.linear.gather @!p2 [hbm4b:s5+s13], $0x78, $0x38;
	[tilespmem:$0x1F800] =	vst v63  }
0xa8: {  	s5 =	simm.s32 @!p0 $0x5  }
0xa9: {  	_ =	swait.ge @!p0 [sflag:s5], $0x78  }
0xaa: {  	[sflag:s5] =	ssyncset.done @!p0 $0x0  }
0xab: {  	s23 =	simm.s32 $0x5A;
	s20 =	simm.s32 @!p5 $0x1BC00;
	[sflag:s5] =	ssyncadd.s32 @!p0 $0xFFFFFF88  }
0xac: {  	s19 =	simm.s32 @!p5 $0x6;
	s18 =	simm.s32 @!p5 $0x78;
	_ =	swait.ge @!p0 [sflag:s5], $0x78  }
0xad: {  	s12 =	simm.s32 @!p0 $0x18000;
	s10 =	simm.s32 @!p0 $0x78;
	[sflag:s5] =	ssyncset.done @!p0 $0x0  }
0xae: {  	s13 =	simm.s32 @!p1 $0x3;
	[sflag:s5] =	ssyncadd.s32 @!p0 $0xFFFFFF88;
	s5 =	simm.s32 $0x6  }
0xaf: {  	[tilespmem:s12], [sflag:$0x2] =	stream.indirect.gather @!p0 [hbm4b:s1+s10], $0x80, s9, s10, $0xb8;
	[tilespmem:$0x1F800] =	vst v63  }
0xb0: {  	p0 =	sle.u32 s6, $0xB;
	s9 =	simm.s32 @!p1 $0x680;
	_ =	swait.ge @!p1 [sflag:s13], $0x3C00  }
0xb1: {  	s12 =	simm.s32 @!p1 $0xA;
	s10 =	sadd.s32 @!p0 $0x0, s7;
	[sflag:s13] =	ssyncset.done @!p1 $0x0  }
0xb2: {  	s14 =	sadd.s32 @!p0 $0xA5, s10;
	s10 =	simm.s32 $0xC;
	[sflag:s13] =	ssyncadd.s32 @!p1 $0xFFFFC400  }
0xb3: {  	[spmem:s2] =	stream.indirect.scatter.add.f32 @!p1 [tilespmem:s15], [sflag:$0xA], $0x80, s9, s16, $0xb8;
	[tilespmem:$0x1F800] =	vst v63  }
0xb4: {  	s13 =	sadd.s32 @!p0 $0x0, s8;
	s9 =	simm.s32 $0xB4;
	_ =	swait.ge @!p1 [sflag:s12], $0x3C00  }
0xb5: {  	s13 =	sadd.s32 @!p0 $0xA5, s13;
	s15 =	simm.s32 @!p0 $0x280;
	[sflag:s12] =	ssyncset.done @!p1 $0x0  }
0xb6: {  	[sflag:s12] =	ssyncadd.s32 @!p1 $0xFFFFC400;
	p1 =	sle.u32 s6, $0xC;
	s12 =	simm.s32 @!p0 $0x0  }
0xb7: {  	[tilespmem:s15], [sflag:$0x9] =	stream.linear.gather @!p0 [hbm4b:s14+s12], $0x78, $0x38;
	[tilespmem:$0x1F800] =	vst v63  }
0xb8: {  	s14 =	sadd.s32 @!p1 $0x5A, s7;
	s16 =	sadd.s32 @!p1 $0x5A, s8;
	s15 =	simm.s32 @!p0 $0x680  }
0xb9: {  	[tilespmem:s15], [sflag:$0x9] =	stream.linear.gather @!p0 [hbm4b:s13+s12], $0x78, $0x38;
	[tilespmem:$0x1F800] =	vst v63  }
0xba: {  	p4 =	por p1, p1;
	s15 =	sadd.s32 @!p1 $0x5A, s14;
	p0 =	sle.u32 s6, $0x6  }
0xbb: {  	s13 =	sadd.s32 @!p1 $0x5A, s16;
	s14 =	simm.s32 @!p0 $0x1;
	_ =	swait.ge @!p5 [sflag:s19], $0x78  }
0xbc: {  	s16 =	simm.s32 @!p0 $0x78;
	s17 =	simm.s32 @!p0 $0x400;
	[sflag:s19] =	ssyncset.done @!p5 $0x0  }
.LBB2_2:
0xbd: {  	s12 =	smov.u32 s9;
	s9 =	sadd.s32 $0x5A, s9  }
0xbe: {  	p1 =	sne.s32 s9, $0x816  }
0xbf: {  	s0 =	simm.s32 @!p1 $0x0  }
0xc0: {  	s0 =	simm.s32 @p1 $0x1  }
0xc1: {  	[sflag:s19] =	ssyncadd.s32 @!p5 $0xFFFFFF88;
	[smem:$0x7FD] =	sst s0  }
0xc2: {  	_ =	swait.ge @!p5 [sflag:s19], $0x78  }
0xc3: {  	[sflag:s19] =	ssyncset.done @!p5 $0x0  }
0xc4: {  	[sflag:s19] =	ssyncadd.s32 @!p5 $0xFFFFFF88  }
0xc5: {  	[tilespmem:s20], [sflag:$0x3] =	stream.indirect.gather @!p5 [hbm4b:s1+s18], $0x80, s11, s18, $0xb8;
	[tilespmem:$0x1F800] =	vst v63  }
0xc6: {  	_ =	swait.ge @!p0 [sflag:s14], $0x3C00  }
0xc7: {  	[sflag:s14] =	ssyncset.done @!p0 $0x0  }
0xc8: {  	s11 =	simm.s32 @!p0 $0x14400;
	[sflag:s14] =	ssyncadd.s32 @!p0 $0xFFFFC400;
	s14 =	simm.s32 @!p0 $0xA  }
0xc9: {  	[spmem:s2] =	stream.indirect.scatter.add.f32 @!p0 [tilespmem:s11], [sflag:$0xA], $0x80, s17, s16, $0xb8;
	[tilespmem:$0x1F800] =	vst v63  }
0xca: {  	_ =	swait.ge @!p0 [sflag:s14], $0x3C00  }
0xcb: {  	[sflag:s14] =	ssyncset.done @!p0 $0x0;
	s21 =	rddreg [dreg:$0x4]  }
0xcc: {  	s16 =	simm.s32 @!p4 $0x0;
	[sflag:s14] =	ssyncadd.s32 @!p0 $0xFFFFC400;
	p6 =	sge.u32 s5, s21  }
0xcd: {  	[tilespmem:s16], [sflag:$0x4] =	stream.linear.gather @!p4 [hbm4b:s15+s16], $0x78, $0x38;
	[tilespmem:$0x1F800] =	vst v63  }
0xce: {  	s24 =	smov.u32 s10;
	s14 =	simm.s32 @!p4 $0x400;
	s11 =	simm.s32 @!p6 $0x7  }
0xcf: {  	[tilespmem:s14], [sflag:$0x4] =	stream.linear.gather @!p4 [hbm4b:s13+s16], $0x78, $0x38;
	[tilespmem:$0x1F800] =	vst v63  }
0xd0: {  	s22 =	sadd.s32 $0x7, s5;
	s28 =	sadd.s32 $0xB, s5;
	_ =	swait.ge @!p6 [sflag:s11], $0x78  }
0xd1: {  	p3 =	sge.u32 s22, s6;
	s22 =	sadd.s32 $0xA, s5;
	[sflag:s11] =	ssyncset.done @!p6 $0x0  }
0xd2: {  	s31 =	sadd.s32 $0x8, s5;
	p2 =	sge.u32 s22, s6;
	[sflag:s11] =	ssyncadd.s32 @!p6 $0xFFFFFF88  }
0xd3: {  	p1 =	sge.u32 s28, s6;
	s19 =	simm.s32 @!p6 $0x14400;
	_ =	swait.ge @!p6 [sflag:s11], $0x78  }
0xd4: {  	s26 =	simm.s32 @!p6 $0x78;
	[sflag:s11] =	ssyncset.done @!p6 $0x0;
	s25 =	rddreg [dreg:$0x5]  }
0xd5: {  	s13 =	simm.s32 @!p6 $0x180;
	[sflag:s11] =	ssyncadd.s32 @!p6 $0xFFFFFF88;
	p0 =	sge.u32 s5, s25  }
0xd6: {  	[tilespmem:s19], [sflag:$0x1] =	stream.indirect.gather @!p6 [hbm4b:s1+s26], $0x80, s13, s26, $0xb8;
	[tilespmem:$0x1F800] =	vst v63  }
0xd7: {  	s0 =	simm.s32 @!p2 $0x0;
	s14 =	sadd.s32 @!p3 s23, s7;
	s15 =	simm.s32 @!p0 $0x2  }
0xd8: {  	s0 =	simm.s32 @p2 $0x1;
	s17 =	sadd.s32 @!p3 $0x69, s14;
	_ =	swait.ge @!p0 [sflag:s15], $0x3C00  }
0xd9: {  	s18 =	simm.s32 @!p0 $0xA;
	s20 =	simm.s32 @!p0 $0x480;
	[sflag:s15] =	ssyncset.done @!p0 $0x0  }
0xda: {  	s21 =	simm.s32 @!p0 $0x18000;
	[sflag:s15] =	ssyncadd.s32 @!p0 $0xFFFFC400;
	s15 =	simm.s32 @!p0 $0x78  }
0xdb: {  	[spmem:s2] =	stream.indirect.scatter.add.f32 @!p0 [tilespmem:s21], [sflag:$0xA], $0x80, s20, s15, $0xb8;
	[tilespmem:$0x1F800] =	vst v63  }
0xdc: {  	s14 =	simm.s32 @!p3 $0x80;
	s11 =	sadd.s32 @!p3 s23, s8;
	_ =	swait.ge @!p0 [sflag:s18], $0x3C00  }
0xdd: {  	s13 =	simm.s32 @!p3 $0x0;
	s11 =	sadd.s32 @!p3 $0x69, s11;
	[smem:$0x7FA] =	sst s0  }
0xde: {  	[sflag:s18] =	ssyncset.done @!p0 $0x0;
	s29 =	rddreg [dreg:$0x6];
	s0 =	simm.s32 @!p1 $0x0  }
0xdf: {  	[sflag:s18] =	ssyncadd.s32 @!p0 $0xFFFFC400;
	p0 =	sge.u32 s5, s29;
	s0 =	simm.s32 @p1 $0x1  }
0xe0: {  	[tilespmem:s14], [sflag:$0x5] =	stream.linear.gather @!p3 [hbm4b:s17+s13], $0x78, $0x38;
	[tilespmem:$0x1F800] =	vst v63  }
0xe1: {  	s17 =	simm.s32 @!p3 $0x480;
	[smem:$0x7FC] =	sst s0;
	s15 =	simm.s32 @!p0 $0x8  }
0xe2: {  	[tilespmem:s17], [sflag:$0x5] =	stream.linear.gather @!p3 [hbm4b:s11+s13], $0x78, $0x38;
	[tilespmem:$0x1F800] =	vst v63  }
0xe3: {  	s10 =	sadd.s32 $0x6, s10;
	p5 =	sge.u32 s31, s6;
	_ =	swait.ge @!p0 [sflag:s15], $0x78  }
0xe4: {  	s20 =	sadd.s32 @!p1 s23, s8;
	s18 =	sadd.s32 @!p1 s23, s7;
	[sflag:s15] =	ssyncset.done @!p0 $0x0  }
0xe5: {  	s22 =	simm.s32 @!p0 $0x18000;
	s29 =	simm.s32 @!p0 $0x78;
	[sflag:s15] =	ssyncadd.s32 @!p0 $0xFFFFFF88  }
0xe6: {  	s11 =	sadd.s32 @!p2 s23, s8;
	s17 =	sadd.s32 @!p1 $0xA5, s18;
	_ =	swait.ge @!p0 [sflag:s15], $0x78  }
0xe7: {  	s21 =	sadd.s32 @!p2 $0x96, s11;
	[sflag:s15] =	ssyncset.done @!p0 $0x0;
	s0 =	rddreg [dreg:$0x7]  }
0xe8: {  	s11 =	simm.s32 @!p0 $0x200;
	[sflag:s15] =	ssyncadd.s32 @!p0 $0xFFFFFF88;
	p2 =	sge.u32 s5, s0  }
0xe9: {  	[tilespmem:s22], [sflag:$0x2] =	stream.indirect.gather @!p0 [hbm4b:s1+s29], $0x80, s11, s29, $0xb8;
	[tilespmem:$0x1F800] =	vst v63  }
0xea: {  	s18 =	sadd.s32 @!p1 $0xA5, s20;
	s13 =	sadd.s32 @!p5 s23, s7;
	s15 =	simm.s32 @!p2 $0x3  }
0xeb: {  	s20 =	sadd.s32 @!p5 s23, s8;
	p1 =	sge.u32 s10, s6;
	_ =	swait.ge @!p2 [sflag:s15], $0x3C00  }
0xec: {  	s25 =	simm.s32 @!p2 $0x1BC00;
	s28 =	simm.s32 @!p2 $0xA;
	[sflag:s15] =	ssyncset.done @!p2 $0x0  }
0xed: {  	s31 =	simm.s32 @!p2 $0x500;
	[sflag:s15] =	ssyncadd.s32 @!p2 $0xFFFFC400;
	s15 =	simm.s32 @!p2 $0x78  }
0xee: {  	[spmem:s2] =	stream.indirect.scatter.add.f32 @!p2 [tilespmem:s25], [sflag:$0xA], $0x80, s31, s15, $0xb8;
	[tilespmem:$0x1F800] =	vst v63  }
0xef: {  	s13 =	sadd.s32 @!p5 $0x78, s13;
	s20 =	sadd.s32 @!p5 $0x78, s20;
	_ =	swait.ge @!p2 [sflag:s28], $0x3C00  }
0xf0: {  	s0 =	simm.s32 @!p1 $0x0;
	s11 =	simm.s32 @!p5 $0x100;
	[sflag:s28] =	ssyncset.done @!p2 $0x0  }
0xf1: {  	s3 =	rddreg [dreg:$0x8];
	[sflag:s28] =	ssyncadd.s32 @!p2 $0xFFFFC400;
	s28 =	simm.s32 @!p5 $0x0  }
0xf2: {  	[tilespmem:s11], [sflag:$0x6] =	stream.linear.gather @!p5 [hbm4b:s13+s28], $0x78, $0x38;
	[tilespmem:$0x1F800] =	vst v63  }
0xf3: {  	s0 =	simm.s32 @p1 $0x1;
	s15 =	simm.s32 @!p5 $0x500;
	p2 =	sge.u32 s5, s3  }
0xf4: {  	[tilespmem:s15], [sflag:$0x6] =	stream.linear.gather @!p5 [hbm4b:s20+s28], $0x78, $0x38;
	[tilespmem:$0x1F800] =	vst v63  }
0xf5: {  	[smem:$0x7FB] =	sst s0;
	s28 =	simm.s32 @!p2 $0x9  }
0xf6: {  	_ =	swait.ge @!p2 [sflag:s28], $0x78  }
0xf7: {  	[sflag:s28] =	ssyncset.done @!p2 $0x0  }
0xf8: {  	s31 =	sadd.s32 @!p1 s12, s8;
	s13 =	sadd.s32 @!p1 s12, s7;
	[sflag:s28] =	ssyncadd.s32 @!p2 $0xFFFFFF88  }
0xf9: {  	s25 =	simm.s32 @!p2 $0x78;
	s3 =	simm.s32 @!p2 $0x280;
	_ =	swait.ge @!p2 [sflag:s28], $0x78  }
0xfa: {  	s15 =	sadd.s32 @!p1 $0x5A, s13;
	s13 =	sadd.s32 @!p1 $0x5A, s31;
	[sflag:s28] =	ssyncset.done @!p2 $0x0  }
0xfb: {  	s31 =	simm.s32 @!p6 $0x1;
	s20 =	simm.s32 @!p2 $0x1BC00;
	[sflag:s28] =	ssyncadd.s32 @!p2 $0xFFFFFF88  }
0xfc: {  	[tilespmem:s20], [sflag:$0x3] =	stream.indirect.gather @!p2 [hbm4b:s1+s25], $0x80, s3, s25, $0xb8;
	[tilespmem:$0x1F800] =	vst v63  }
0xfd: {  	_ =	swait.ge @!p6 [sflag:s31], $0x3C00  }
0xfe: {  	s0 =	simm.s32 @!p6 $0xA;
	s5 =	sadd.s32 $0x9, s5;
	[sflag:s31] =	ssyncset.done @!p6 $0x0  }
0xff: {  	p1 =	sge.u32 s5, s6;
	s28 =	simm.s32 @!p6 $0x580;
	[sflag:s31] =	ssyncadd.s32 @!p6 $0xFFFFC400  }
0x100: {  	[spmem:s2] =	stream.indirect.scatter.add.f32 @!p6 [tilespmem:s19], [sflag:$0xA], $0x80, s28, s26, $0xb8;
	[tilespmem:$0x1F800] =	vst v63  }
0x101: {  	s5 =	smov.u32 s24;
	s3 =	sadd.s32 @!p1 s23, s7;
	_ =	swait.ge @!p6 [sflag:s0], $0x3C00  }
0x102: {  	s24 =	simm.s32 @!p1 $0x180;
	s3 =	sadd.s32 @!p1 $0x87, s3;
	[sflag:s0] =	ssyncset.done @!p6 $0x0  }
0x103: {  	s31 =	simm.s32 @!p1 $0x0;
	s19 =	sadd.s32 @!p1 s23, s8;
	[sflag:s0] =	ssyncadd.s32 @!p6 $0xFFFFC400  }
0x104: {  	[tilespmem:s24], [sflag:$0x7] =	stream.linear.gather @!p1 [hbm4b:s3+s31], $0x78, $0x38;
	[tilespmem:$0x1F800] =	vst v63  }
0x105: {  	s26 =	simm.s32 @!p4 $0x4;
	s19 =	sadd.s32 @!p1 $0x87, s19;
	s0 =	simm.s32 @!p1 $0x580  }
0x106: {  	[tilespmem:s0], [sflag:$0x7] =	stream.linear.gather @!p1 [hbm4b:s19+s31], $0x78, $0x38;
	[tilespmem:$0x1F800] =	vst v63  }
0x107: {  	_ =	swait.ge @!p4 [sflag:s26], $0x78  }
0x108: {  	s24 =	sld [smem:$0x7FA]  }
0x109: {  	[sflag:s26] =	ssyncset.done @!p4 $0x0  }
0x10a: {  	[sflag:s26] =	ssyncadd.s32 @!p4 $0xFFFFFF88  }
0x10b: {  	s28 =	simm.s32 @!p4 $0x78;
	_ =	swait.ge @!p4 [sflag:s26], $0x78;
	p6 =	seq.s32 s24, $0x1  }
0x10c: {  	s24 =	simm.s32 @!p4 $0x14400;
	[sflag:s26] =	ssyncset.done @!p4 $0x0;
	s0 =	sadd.s32 @!p6 s23, s7  }
0x10d: {  	s23 =	smov.u32 s12;
	s12 =	simm.s32 @!p0 $0x2;
	[sflag:s26] =	ssyncadd.s32 @!p4 $0xFFFFFF88  }
0x10e: {  	[tilespmem:s24], [sflag:$0x1] =	stream.indirect.gather @!p4 [hbm4b:s1+s28], $0x80, s16, s28, $0xb8;
	[tilespmem:$0x1F800] =	vst v63  }
0x10f: {  	_ =	swait.ge @!p0 [sflag:s12], $0x3C00  }
0x110: {  	s28 =	sld [smem:$0x7FB];
	[sflag:s12] =	ssyncset.done @!p0 $0x0  }
0x111: {  	s26 =	simm.s32 @!p0 $0x600;
	s16 =	simm.s32 @!p0 $0xA;
	[sflag:s12] =	ssyncadd.s32 @!p0 $0xFFFFC400  }
0x112: {  	[spmem:s2] =	stream.indirect.scatter.add.f32 @!p0 [tilespmem:s22], [sflag:$0xA], $0x80, s26, s29, $0xb8;
	[tilespmem:$0x1F800] =	vst v63  }
0x113: {  	p1 =	seq.s32 s28, $0x1;
	s28 =	sld [smem:$0x7FC];
	_ =	swait.ge @!p0 [sflag:s16], $0x3C00  }
0x114: {  	s3 =	simm.s32 @!p6 $0x200;
	[sflag:s16] =	ssyncset.done @!p0 $0x0  }
0x115: {  	s19 =	simm.s32 @!p6 $0x0;
	s0 =	sadd.s32 @!p6 $0x96, s0;
	[sflag:s16] =	ssyncadd.s32 @!p0 $0xFFFFC400  }
0x116: {  	[tilespmem:s3], [sflag:$0x8] =	stream.linear.gather @!p6 [hbm4b:s0+s19], $0x78, $0x38;
	[tilespmem:$0x1F800] =	vst v63  }
0x117: {  	s31 =	simm.s32 @!p3 $0x5;
	s22 =	simm.s32 @!p6 $0x600  }
0x118: {  	[tilespmem:s22], [sflag:$0x8] =	stream.linear.gather @!p6 [hbm4b:s21+s19], $0x78, $0x38;
	[tilespmem:$0x1F800] =	vst v63  }
0x119: {  	_ =	swait.ge @!p3 [sflag:s31], $0x78  }
0x11a: {  	[sflag:s31] =	ssyncset.done @!p3 $0x0  }
0x11b: {  	[sflag:s31] =	ssyncadd.s32 @!p3 $0xFFFFFF88  }
0x11c: {  	_ =	swait.ge @!p3 [sflag:s31], $0x78  }
0x11d: {  	s16 =	simm.s32 @!p2 $0x3;
	[sflag:s31] =	ssyncset.done @!p3 $0x0  }
0x11e: {  	s0 =	simm.s32 @!p3 $0x78;
	s3 =	simm.s32 @!p3 $0x18000;
	[sflag:s31] =	ssyncadd.s32 @!p3 $0xFFFFFF88  }
0x11f: {  	[tilespmem:s3], [sflag:$0x2] =	stream.indirect.gather @!p3 [hbm4b:s1+s0], $0x80, s14, s0, $0xb8;
	[tilespmem:$0x1F800] =	vst v63  }
0x120: {  	_ =	swait.ge @!p2 [sflag:s16], $0x3C00  }
0x121: {  	[sflag:s16] =	ssyncset.done @!p2 $0x0  }
0x122: {  	s19 =	simm.s32 @!p2 $0x680;
	s0 =	simm.s32 @!p2 $0xA;
	[sflag:s16] =	ssyncadd.s32 @!p2 $0xFFFFC400  }
0x123: {  	[spmem:s2] =	stream.indirect.scatter.add.f32 @!p2 [tilespmem:s20], [sflag:$0xA], $0x80, s19, s25, $0xb8;
	[tilespmem:$0x1F800] =	vst v63  }
0x124: {  	_ =	swait.ge @!p2 [sflag:s0], $0x3C00  }
0x125: {  	p4 =	por p1, p1;
	p1 =	seq.s32 s28, $0x1;
	[sflag:s0] =	ssyncset.done @!p2 $0x0  }
0x126: {  	s12 =	simm.s32 @!p1 $0x0;
	s24 =	simm.s32 @!p1 $0x280;
	[sflag:s0] =	ssyncadd.s32 @!p2 $0xFFFFC400  }
0x127: {  	[tilespmem:s24], [sflag:$0x9] =	stream.linear.gather @!p1 [hbm4b:s17+s12], $0x78, $0x38;
	[tilespmem:$0x1F800] =	vst v63  }
0x128: {  	s3 =	simm.s32 @!p1 $0x680;
	s19 =	simm.s32 @!p5 $0x6  }
0x129: {  	[tilespmem:s3], [sflag:$0x9] =	stream.linear.gather @!p1 [hbm4b:s18+s12], $0x78, $0x38;
	[tilespmem:$0x1F800] =	vst v63  }
0x12a: {  	_ =	swait.ge @!p5 [sflag:s19], $0x78  }
0x12b: {  	s31 =	sld [smem:$0x7FD];
	_ =	sdelay $0x2  }
0x12c: {  	p1 =	seq.s32 s31, $0x1  }
.Ltmp0:
0x12d: {  	_ = 	snop;
	(pc) =	sbr.rel @p1 .LBB2_2-.Ltmp0, $4  }
0x12e: {  	_ = 	snop  }
0x12f: {  	p0 =	sge.u32 s5, s6  }
0x130: {  	s14 =	simm.s32 @!p0 $0x1;
	s16 =	simm.s32 @!p0 $0x78;
	s20 =	simm.s32 @!p5 $0x1BC00  }
0x131: {  	s17 =	simm.s32 @!p0 $0x400;
	s18 =	simm.s32 @!p5 $0x78;
	[sflag:s19] =	ssyncset.done @!p5 $0x0  }
0x132: {  	[sflag:s19] =	ssyncadd.s32 @!p5 $0xFFFFFF88  }
0x133: {  	_ =	swait.ge @!p5 [sflag:s19], $0x78  }
0x134: {  	[sflag:s19] =	ssyncset.done @!p5 $0x0  }
0x135: {  	[sflag:s19] =	ssyncadd.s32 @!p5 $0xFFFFFF88  }
0x136: {  	[tilespmem:s20], [sflag:$0x3] =	stream.indirect.gather @!p5 [hbm4b:s1+s18], $0x80, s11, s18, $0xb8;
	[tilespmem:$0x1F800] =	vst v63  }
0x137: {  	_ =	swait.ge @!p0 [sflag:s14], $0x3C00  }
0x138: {  	[sflag:s14] =	ssyncset.done @!p0 $0x0  }
0x139: {  	s0 =	simm.s32 @!p0 $0x14400;
	s3 =	simm.s32 @!p0 $0xA;
	[sflag:s14] =	ssyncadd.s32 @!p0 $0xFFFFC400  }
0x13a: {  	[spmem:s2] =	stream.indirect.scatter.add.f32 @!p0 [tilespmem:s0], [sflag:$0xA], $0x80, s17, s16, $0xb8;
	[tilespmem:$0x1F800] =	vst v63  }
0x13b: {  	_ =	swait.ge @!p0 [sflag:s3], $0x3C00  }
0x13c: {  	[sflag:s3] =	ssyncset.done @!p0 $0x0;
	s17 =	rddreg [dreg:$0x4]  }
0x13d: {  	s9 =	simm.s32 @!p4 $0x0;
	[sflag:s3] =	ssyncadd.s32 @!p0 $0xFFFFC400;
	p2 =	sge.u32 s5, s17  }
0x13e: {  	[tilespmem:s9], [sflag:$0x4] =	stream.linear.gather @!p4 [hbm4b:s15+s9], $0x78, $0x38;
	[tilespmem:$0x1F800] =	vst v63  }
0x13f: {  	s3 =	simm.s32 @!p4 $0x400;
	s0 =	simm.s32 @!p2 $0x7  }
0x140: {  	[tilespmem:s3], [sflag:$0x4] =	stream.linear.gather @!p4 [hbm4b:s13+s9], $0x78, $0x38;
	[tilespmem:$0x1F800] =	vst v63  }
0x141: {  	_ =	swait.ge @!p2 [sflag:s0], $0x78  }
0x142: {  	[sflag:s0] =	ssyncset.done @!p2 $0x0  }
0x143: {  	[sflag:s0] =	ssyncadd.s32 @!p2 $0xFFFFFF88  }
0x144: {  	s18 =	sadd.s32 $0x7, s5;
	s12 =	simm.s32 @!p2 $0x14400;
	_ =	swait.ge @!p2 [sflag:s0], $0x78  }
0x145: {  	s3 =	simm.s32 @!p2 $0x180;
	[sflag:s0] =	ssyncset.done @!p2 $0x0;
	s10 =	rddreg [dreg:$0x5]  }
0x146: {  	s13 =	simm.s32 @!p2 $0x78;
	[sflag:s0] =	ssyncadd.s32 @!p2 $0xFFFFFF88;
	p1 =	sge.u32 s5, s10  }
0x147: {  	[tilespmem:s12], [sflag:$0x1] =	stream.indirect.gather @!p2 [hbm4b:s1+s13], $0x80, s3, s13, $0xb8;
	[tilespmem:$0x1F800] =	vst v63  }
0x148: {  	p0 =	sge.u32 s18, s6;
	s3 =	simm.s32 @!p1 $0x2  }
0x149: {  	s14 =	simm.s32 @!p0 $0x0;
	_ =	swait.ge @!p1 [sflag:s3], $0x3C00  }
0x14a: {  	s0 =	simm.s32 @!p1 $0xA;
	s10 =	simm.s32 @!p1 $0x480;
	[sflag:s3] =	ssyncset.done @!p1 $0x0  }
0x14b: {  	s11 =	simm.s32 @!p1 $0x18000;
	[sflag:s3] =	ssyncadd.s32 @!p1 $0xFFFFC400;
	s3 =	simm.s32 @!p1 $0x78  }
0x14c: {  	[spmem:s2] =	stream.indirect.scatter.add.f32 @!p1 [tilespmem:s11], [sflag:$0xA], $0x80, s10, s3, $0xb8;
	[tilespmem:$0x1F800] =	vst v63  }
0x14d: {  	s3 =	sadd.s32 @!p0 s23, s7;
	s10 =	simm.s32 @!p0 $0x80;
	_ =	swait.ge @!p1 [sflag:s0], $0x3C00  }
0x14e: {  	s3 =	sadd.s32 @!p0 $0x69, s3;
	[sflag:s0] =	ssyncset.done @!p1 $0x0;
	s19 =	rddreg [dreg:$0x6]  }
0x14f: {  	[sflag:s0] =	ssyncadd.s32 @!p1 $0xFFFFC400;
	s0 =	sadd.s32 @!p0 s23, s8;
	p3 =	sge.u32 s5, s19  }
0x150: {  	[tilespmem:s10], [sflag:$0x5] =	stream.linear.gather @!p0 [hbm4b:s3+s14], $0x78, $0x38;
	[tilespmem:$0x1F800] =	vst v63  }
0x151: {  	s0 =	sadd.s32 @!p0 $0x69, s0;
	s3 =	simm.s32 @!p0 $0x480;
	s11 =	simm.s32 @!p3 $0x8  }
0x152: {  	[tilespmem:s3], [sflag:$0x5] =	stream.linear.gather @!p0 [hbm4b:s0+s14], $0x78, $0x38;
	[tilespmem:$0x1F800] =	vst v63  }
0x153: {  	_ =	swait.ge @!p3 [sflag:s11], $0x78  }
0x154: {  	[sflag:s11] =	ssyncset.done @!p3 $0x0  }
0x155: {  	[sflag:s11] =	ssyncadd.s32 @!p3 $0xFFFFFF88  }
0x156: {  	s15 =	simm.s32 @!p3 $0x78;
	_ =	swait.ge @!p3 [sflag:s11], $0x78  }
0x157: {  	s14 =	simm.s32 @!p3 $0x18000;
	[sflag:s11] =	ssyncset.done @!p3 $0x0;
	s20 =	rddreg [dreg:$0x7]  }
0x158: {  	s3 =	simm.s32 @!p3 $0x200;
	[sflag:s11] =	ssyncadd.s32 @!p3 $0xFFFFFF88;
	p5 =	sge.u32 s5, s20  }
0x159: {  	[tilespmem:s14], [sflag:$0x2] =	stream.indirect.gather @!p3 [hbm4b:s1+s15], $0x80, s3, s15, $0xb8;
	[tilespmem:$0x1F800] =	vst v63  }
0x15a: {  	s3 =	simm.s32 @!p5 $0x3  }
0x15b: {  	s21 =	sadd.s32 $0x8, s5;
	_ =	swait.ge @!p5 [sflag:s3], $0x3C00  }
0x15c: {  	s0 =	simm.s32 @!p5 $0x1BC00;
	s16 =	simm.s32 @!p5 $0xA;
	[sflag:s3] =	ssyncset.done @!p5 $0x0  }
0x15d: {  	s11 =	simm.s32 @!p5 $0x500;
	[sflag:s3] =	ssyncadd.s32 @!p5 $0xFFFFC400;
	s3 =	simm.s32 @!p5 $0x78  }
0x15e: {  	[spmem:s2] =	stream.indirect.scatter.add.f32 @!p5 [tilespmem:s0], [sflag:$0xA], $0x80, s11, s3, $0xb8;
	[tilespmem:$0x1F800] =	vst v63  }
0x15f: {  	p1 =	sge.u32 s21, s6;
	_ =	swait.ge @!p5 [sflag:s16], $0x3C00  }
0x160: {  	s0 =	sadd.s32 @!p1 s23, s7;
	s11 =	simm.s32 @!p1 $0x100;
	[sflag:s16] =	ssyncset.done @!p5 $0x0  }
0x161: {  	s0 =	sadd.s32 @!p1 $0x78, s0;
	[sflag:s16] =	ssyncadd.s32 @!p5 $0xFFFFC400;
	s16 =	simm.s32 @!p1 $0x0  }
0x162: {  	[tilespmem:s11], [sflag:$0x6] =	stream.linear.gather @!p1 [hbm4b:s0+s16], $0x78, $0x38;
	[tilespmem:$0x1F800] =	vst v63  }
0x163: {  	s22 =	rddreg [dreg:$0x8];
	s0 =	sadd.s32 @!p1 s23, s8  }
0x164: {  	s3 =	simm.s32 @!p1 $0x500;
	p6 =	sge.u32 s5, s22;
	s0 =	sadd.s32 @!p1 $0x78, s0  }
0x165: {  	[tilespmem:s3], [sflag:$0x6] =	stream.linear.gather @!p1 [hbm4b:s0+s16], $0x78, $0x38;
	[tilespmem:$0x1F800] =	vst v63  }
0x166: {  	s0 =	simm.s32 @!p6 $0x9  }
0x167: {  	_ =	swait.ge @!p6 [sflag:s0], $0x78  }
0x168: {  	[sflag:s0] =	ssyncset.done @!p6 $0x0  }
0x169: {  	[sflag:s0] =	ssyncadd.s32 @!p6 $0xFFFFFF88  }
0x16a: {  	_ =	swait.ge @!p6 [sflag:s0], $0x78  }
0x16b: {  	s17 =	simm.s32 @!p6 $0x78;
	[sflag:s0] =	ssyncset.done @!p6 $0x0  }
0x16c: {  	s16 =	simm.s32 @!p6 $0x1BC00;
	[sflag:s0] =	ssyncadd.s32 @!p6 $0xFFFFFF88;
	s0 =	simm.s32 @!p6 $0x280  }
0x16d: {  	[tilespmem:s16], [sflag:$0x3] =	stream.indirect.gather @!p6 [hbm4b:s1+s17], $0x80, s0, s17, $0xb8;
	[tilespmem:$0x1F800] =	vst v63  }
0x16e: {  	s0 =	simm.s32 @!p2 $0x1  }
0x16f: {  	_ =	swait.ge @!p2 [sflag:s0], $0x3C00  }
0x170: {  	[sflag:s0] =	ssyncset.done @!p2 $0x0  }
0x171: {  	[sflag:s0] =	ssyncadd.s32 @!p2 $0xFFFFC400;
	s0 =	simm.s32 @!p2 $0x580  }
0x172: {  	[spmem:s2] =	stream.indirect.scatter.add.f32 @!p2 [tilespmem:s12], [sflag:$0xA], $0x80, s0, s13, $0xb8;
	[tilespmem:$0x1F800] =	vst v63  }
0x173: {  	s0 =	simm.s32 @!p2 $0xA  }
0x174: {  	s24 =	sadd.s32 $0x9, s5;
	_ =	swait.ge @!p2 [sflag:s0], $0x3C00  }
0x175: {  	p5 =	sge.u32 s24, s6;
	[sflag:s0] =	ssyncset.done @!p2 $0x0  }
0x176: {  	[sflag:s0] =	ssyncadd.s32 @!p2 $0xFFFFC400;
	s0 =	sadd.s32 @!p5 s23, s7  }
0x177: {  	s3 =	simm.s32 @!p5 $0x180;
	s12 =	simm.s32 @!p5 $0x0;
	s0 =	sadd.s32 @!p5 $0x87, s0  }
0x178: {  	[tilespmem:s3], [sflag:$0x7] =	stream.linear.gather @!p5 [hbm4b:s0+s12], $0x78, $0x38;
	[tilespmem:$0x1F800] =	vst v63  }
0x179: {  	s0 =	sadd.s32 @!p5 s23, s8  }
0x17a: {  	s3 =	simm.s32 @!p5 $0x580;
	s0 =	sadd.s32 @!p5 $0x87, s0  }
0x17b: {  	[tilespmem:s3], [sflag:$0x7] =	stream.linear.gather @!p5 [hbm4b:s0+s12], $0x78, $0x38;
	[tilespmem:$0x1F800] =	vst v63  }
0x17c: {  	s0 =	simm.s32 @!p4 $0x4  }
0x17d: {  	_ =	swait.ge @!p4 [sflag:s0], $0x78  }
0x17e: {  	[sflag:s0] =	ssyncset.done @!p4 $0x0  }
0x17f: {  	[sflag:s0] =	ssyncadd.s32 @!p4 $0xFFFFFF88  }
0x180: {  	_ =	swait.ge @!p4 [sflag:s0], $0x78  }
0x181: {  	[sflag:s0] =	ssyncset.done @!p4 $0x0  }
0x182: {  	s3 =	simm.s32 @!p4 $0x14400;
	[sflag:s0] =	ssyncadd.s32 @!p4 $0xFFFFFF88;
	s0 =	simm.s32 @!p4 $0x78  }
0x183: {  	[tilespmem:s3], [sflag:$0x1] =	stream.indirect.gather @!p4 [hbm4b:s1+s0], $0x80, s9, s0, $0xb8;
	[tilespmem:$0x1F800] =	vst v63  }
0x184: {  	s0 =	simm.s32 @!p3 $0x2  }
0x185: {  	_ =	swait.ge @!p3 [sflag:s0], $0x3C00  }
0x186: {  	[sflag:s0] =	ssyncset.done @!p3 $0x0  }
0x187: {  	[sflag:s0] =	ssyncadd.s32 @!p3 $0xFFFFC400;
	s0 =	simm.s32 @!p3 $0x600  }
0x188: {  	[spmem:s2] =	stream.indirect.scatter.add.f32 @!p3 [tilespmem:s14], [sflag:$0xA], $0x80, s0, s15, $0xb8;
	[tilespmem:$0x1F800] =	vst v63  }
0x189: {  	s0 =	simm.s32 @!p3 $0xA  }
0x18a: {  	s25 =	sadd.s32 $0xA, s5;
	_ =	swait.ge @!p3 [sflag:s0], $0x3C00  }
0x18b: {  	p2 =	sge.u32 s25, s6;
	[sflag:s0] =	ssyncset.done @!p3 $0x0  }
0x18c: {  	[sflag:s0] =	ssyncadd.s32 @!p3 $0xFFFFC400;
	s0 =	sadd.s32 @!p2 s23, s7  }
0x18d: {  	s3 =	simm.s32 @!p2 $0x200;
	s9 =	simm.s32 @!p2 $0x0;
	s0 =	sadd.s32 @!p2 $0x96, s0  }
0x18e: {  	[tilespmem:s3], [sflag:$0x8] =	stream.linear.gather @!p2 [hbm4b:s0+s9], $0x78, $0x38;
	[tilespmem:$0x1F800] =	vst v63  }
0x18f: {  	s0 =	sadd.s32 @!p2 s23, s8  }
0x190: {  	s3 =	simm.s32 @!p2 $0x600;
	s0 =	sadd.s32 @!p2 $0x96, s0  }
0x191: {  	[tilespmem:s3], [sflag:$0x8] =	stream.linear.gather @!p2 [hbm4b:s0+s9], $0x78, $0x38;
	[tilespmem:$0x1F800] =	vst v63  }
0x192: {  	s0 =	simm.s32 @!p0 $0x5  }
0x193: {  	_ =	swait.ge @!p0 [sflag:s0], $0x78  }
0x194: {  	[sflag:s0] =	ssyncset.done @!p0 $0x0  }
0x195: {  	[sflag:s0] =	ssyncadd.s32 @!p0 $0xFFFFFF88  }
0x196: {  	_ =	swait.ge @!p0 [sflag:s0], $0x78  }
0x197: {  	[sflag:s0] =	ssyncset.done @!p0 $0x0  }
0x198: {  	s3 =	simm.s32 @!p0 $0x78;
	[sflag:s0] =	ssyncadd.s32 @!p0 $0xFFFFFF88;
	s0 =	simm.s32 @!p0 $0x18000  }
0x199: {  	[tilespmem:s0], [sflag:$0x2] =	stream.indirect.gather @!p0 [hbm4b:s1+s3], $0x80, s10, s3, $0xb8;
	[tilespmem:$0x1F800] =	vst v63  }
0x19a: {  	s0 =	simm.s32 @!p6 $0x3  }
0x19b: {  	_ =	swait.ge @!p6 [sflag:s0], $0x3C00  }
0x19c: {  	[sflag:s0] =	ssyncset.done @!p6 $0x0  }
0x19d: {  	[sflag:s0] =	ssyncadd.s32 @!p6 $0xFFFFC400;
	s0 =	simm.s32 @!p6 $0x680  }
0x19e: {  	[spmem:s2] =	stream.indirect.scatter.add.f32 @!p6 [tilespmem:s16], [sflag:$0xA], $0x80, s0, s17, $0xb8;
	[tilespmem:$0x1F800] =	vst v63  }
0x19f: {  	s0 =	simm.s32 @!p6 $0xA  }
0x1a0: {  	s26 =	sadd.s32 $0xB, s5;
	_ =	swait.ge @!p6 [sflag:s0], $0x3C00  }
0x1a1: {  	p0 =	sge.u32 s26, s6;
	[sflag:s0] =	ssyncset.done @!p6 $0x0  }
0x1a2: {  	[sflag:s0] =	ssyncadd.s32 @!p6 $0xFFFFC400;
	s0 =	sadd.s32 @!p0 s23, s7  }
0x1a3: {  	s3 =	simm.s32 @!p0 $0x0;
	s5 =	simm.s32 @!p0 $0x280;
	s0 =	sadd.s32 @!p0 $0xA5, s0  }
0x1a4: {  	[tilespmem:s5], [sflag:$0x9] =	stream.linear.gather @!p0 [hbm4b:s0+s3], $0x78, $0x38;
	[tilespmem:$0x1F800] =	vst v63  }
0x1a5: {  	s0 =	sadd.s32 @!p0 s23, s8  }
0x1a6: {  	s5 =	simm.s32 @!p0 $0x680;
	s0 =	sadd.s32 @!p0 $0xA5, s0  }
0x1a7: {  	[tilespmem:s5], [sflag:$0x9] =	stream.linear.gather @!p0 [hbm4b:s0+s3], $0x78, $0x38;
	[tilespmem:$0x1F800] =	vst v63  }
0x1a8: {  	s0 =	simm.s32 @!p1 $0x6  }
0x1a9: {  	_ =	swait.ge @!p1 [sflag:s0], $0x78  }
0x1aa: {  	[sflag:s0] =	ssyncset.done @!p1 $0x0  }
0x1ab: {  	[sflag:s0] =	ssyncadd.s32 @!p1 $0xFFFFFF88  }
0x1ac: {  	_ =	swait.ge @!p1 [sflag:s0], $0x78  }
0x1ad: {  	[sflag:s0] =	ssyncset.done @!p1 $0x0  }
0x1ae: {  	s3 =	simm.s32 @!p1 $0x78;
	[sflag:s0] =	ssyncadd.s32 @!p1 $0xFFFFFF88;
	s0 =	simm.s32 @!p1 $0x1BC00  }
0x1af: {  	[tilespmem:s0], [sflag:$0x3] =	stream.indirect.gather @!p1 [hbm4b:s1+s3], $0x80, s11, s3, $0xb8;
	[tilespmem:$0x1F800] =	vst v63  }
0x1b0: {  	[bflag:$0x0] =	sbarrier.arrive $0xFFFF  }
0x1b1: {  	s9 =	rddreg [dreg:$0x15]  }
0x1b2: {  	s28 =	rddreg [dreg:$0x16]  }
0x1b3: {  	s11 =	simm.s32 $0xA;
	s29 =	rddreg [dreg:$0x18]  }
0x1b4: {  	[hbm:s28], [sflag:s9] =	dma.local [spmem:s29], $0x2780  }
0x1b5: {  	_ =	swait.ge [sflag:s11], $0x2780  }
0x1b6: {  	s30 =	sadd.s32 $0x1, s30;
	s31 =	rddreg [dreg:$0x17]  }
0x1b7: {  	p0 =	sne.s32 s30, s31  }
.Ltmp1:
0x1b8: {  	_ = 	snop;
	(pc) =	sbr.rel @p0 .LBB2_1-.Ltmp1, $3  }
0x1b9: {  	_ =	sdelay $0x1  }
0x1ba: {  	[sflag:s11] =	ssyncset.done $0x0  }
0x1bb: {  	[sflag:s11] =	ssyncadd.s32 $0xFFFFD880  }
0x1bc: {  	_ =	sfence.sel $0x180000  }
0x1bd: {  	[bflag:$0x0] =	sbarrier.arrive $0xFFFF  }
0x1be: {  	_ =	strace $0x9000004A  }
0x1bf: {  	s0 =	stileid.u32;
	[bflag:$0x2] =	sbarrier.arrive $0xFFFF  }
0x1c0: {  	p0 =	sne.s32 s0, $0x0;
	s0 =	rddreg [dreg:$0x3]  }
0x1c1: {  	s0 =	sadd.s32 @!p0 $0x100000, s0  }
0x1c2: {  	[sflag:s0] =	ssyncadd.tile.s32 @!p0 $0x1;
	_ =	shalt  }
.Lfunc_end2:
_tile_overlayer_lowered:
.L_overlay_start_2:
0x1c3: {  	(tag) =	ssettag $0x2  }
0x1c4: {  	s0 =	rddreg [dreg:$0x0];
	s2 =	stileid.u32  }
0x1c5: {  	s1 =	rddreg [dreg:$0x1];
	p0 =	sne.s32 s2, $0x0  }
0x1c6: {  	s3 =	rddreg [dreg:$0x2];
	[bflag:$0x3] =	sbarrier.arrive $0xFFFF;
	s2 =	simm.s32 @!p0 $0x1C0A  }
0x1c7: {  	[timem:s3], [sflag:s2] =	dma.local @!p0 [hbm:s0], s1  }
0x1c8: {  	s0 =	simm.s32 @!p0 $0xA  }
0x1c9: {  	_ =	swait.ge @!p0 [sflag:s0], s1  }
0x1ca: {  	s1 =	ssub.s32 @!p0 $0x0, s1;
	[sflag:s0] =	ssyncset.done @!p0 $0x0  }
0x1cb: {  	[sflag:s0] =	ssyncadd.s32 @!p0 s1  }
0x1cc: {  	[bflag:$0x3] =	sbarrier.arrive $0xFFFF  }
0x1cd: {  	_ =	shalt  }

</sc_bundles>
